<compile_context>
chip_gen: v7x
topology: tpu7x:2x2x1
jax: 0.10.2.dev20260603
libtpu: 0.0.44.dev20260713+nightly
codegen_flags: <defaults>
</compile_context>

<pallas_src>
import functools

import jax
import jax.numpy as jnp
from jax import lax
from jax.experimental import pallas as pl
from jax.experimental.pallas import tpu as pltpu
from jax.experimental.pallas import tpu_sc as plsc

NPIX = 196608
H, W, NN = 721, 1440, 4
M = H * W
B = 16
NW = 32
NT = 8112
MP = NT * 128
TPI = 4
CW = TPI * 128
NCHUNK = NT // TPI
ITERS = -(-NCHUNK // NW)
TAIL = M - (NCHUNK - 1) * CW


def _sc_body(xt_hbm, idx_hbm, w_hbm, out_hbm, idx_v, w_v, g_v, out_v,
             sem_g, sem_idx, sem_w, sem_out):
    wid = lax.axis_index("s") * 2 + lax.axis_index("c")
    lane = lax.iota(jnp.int32, 16)

    def fire_idx(ib, c):
        pltpu.async_copy(idx_hbm.at[pl.ds(c * TPI, TPI)], idx_v.at[ib], sem_idx)

    def drain_idx(ib):
        pltpu.make_async_copy(idx_hbm.at[pl.ds(0, TPI)], idx_v.at[ib], sem_idx).wait()

    def fire_w(buf, c):
        pltpu.async_copy(w_hbm.at[pl.ds(c * TPI, TPI)], w_v.at[buf], sem_w)

    def drain_w(buf):
        pltpu.make_async_copy(w_hbm.at[pl.ds(0, TPI)], w_v.at[buf], sem_w).wait()

    def fire_gathers(ib, buf):
        for t in range(TPI):
            for n in range(NN):
                pltpu.async_copy(
                    xt_hbm.at[idx_v.at[ib, t, n]], g_v.at[buf, t, n], sem_g
                )

    def drain_gathers(buf):
        for t in range(TPI):
            for n in range(NN):
                pltpu.make_async_copy(
                    xt_hbm.at[pl.ds(0, 128)], g_v.at[buf, t, n], sem_g
                ).wait()

    def compute(buf):
        @plsc.parallel_loop(0, TPI * 8, unroll=2)
        def grp_body(g):
            t = g >> 3
            jbase = (g & 7) * 16
            wv0 = w_v[buf, t, 0, pl.ds(jbase, 16)]
            wv1 = w_v[buf, t, 1, pl.ds(jbase, 16)]
            wv2 = w_v[buf, t, 2, pl.ds(jbase, 16)]
            wv3 = w_v[buf, t, 3, pl.ds(jbase, 16)]
            colbase = (t << 7) + jbase
            for q in range(4):
                accs = []
                for jj in range(q * 4, q * 4 + 4):
                    j = jbase + jj
                    a0 = g_v[buf, t, 0, j, :] * jnp.broadcast_to(wv0[jj], (16,))
                    a1 = g_v[buf, t, 1, j, :] * jnp.broadcast_to(wv1[jj], (16,))
                    a0 += g_v[buf, t, 2, j, :] * jnp.broadcast_to(wv2[jj], (16,))
                    a1 += g_v[buf, t, 3, j, :] * jnp.broadcast_to(wv3[jj], (16,))
                    accs.append(a0 + a1)
                for i, jj in enumerate(range(q * 4, q * 4 + 4)):
                    plsc.store_scatter(
                        out_v.at[buf],
                        [lane, jnp.full((16,), colbase + jj, jnp.int32)],
                        accs[i],
                    )

    pltpu.sync_copy(idx_hbm.at[pl.ds(wid * TPI, TPI)], idx_v.at[0])
    fire_gathers(0, 0)
    fire_idx(1, wid + NW)
    fire_w(0, wid)

    def chunk_body(it, carry):
        cur = lax.rem(it, 2)
        i_nx = lax.rem(it + 1, 3)
        i_nn = lax.rem(it + 2, 3)
        c = it * NW + wid
        cn = c + NW
        cnn = c + 2 * NW
        cp = c - 2 * NW

        @pl.when(cn < NCHUNK)
        def _stage_next_w():
            fire_w(1 - cur, cn)

        @pl.when(cn < NCHUNK)
        def _next_gathers():
            drain_idx(i_nx)
            fire_gathers(i_nx, 1 - cur)

        @pl.when(cnn < NCHUNK)
        def _prefetch_idx():
            fire_idx(i_nn, cnn)

        @pl.when((it >= 2) & (cp < NCHUNK - 1))
        def _drain_out_full():
            pltpu.make_async_copy(
                out_hbm.at[:, pl.ds(0, CW)], out_v.at[cur], sem_out
            ).wait()

        @pl.when((it >= 2) & (cp == NCHUNK - 1))
        def _drain_out_tail():
            pltpu.make_async_copy(
                out_hbm.at[:, pl.ds(0, TAIL)],
                out_v.at[cur, :, pl.ds(0, TAIL)],
                sem_out,
            ).wait()

        @pl.when(c < NCHUNK)
        def _work():
            drain_w(cur)
            drain_gathers(cur)
            compute(cur)

            @pl.when(c < NCHUNK - 1)
            def _out_full():
                pltpu.async_copy(
                    out_v.at[cur], out_hbm.at[:, pl.ds(c * CW, CW)], sem_out
                )

            @pl.when(c == NCHUNK - 1)
            def _out_tail():
                pltpu.async_copy(
                    out_v.at[cur, :, pl.ds(0, TAIL)],
                    out_hbm.at[:, pl.ds(c * CW, TAIL)],
                    sem_out,
                )

        return carry

    lax.fori_loop(0, ITERS + 2, chunk_body, 0)


@jax.jit
def _run(xt, idx_t, w_t):
    mesh = plsc.VectorSubcoreMesh(core_axis_name="c", subcore_axis_name="s")
    return pl.kernel(
        _sc_body,
        out_type=jax.ShapeDtypeStruct((B, M), jnp.float32),
        mesh=mesh,
        compiler_params=pltpu.CompilerParams(
            use_tc_tiling_on_sc=False, needs_layout_passes=False
        ),
        scratch_types=[
            pltpu.VMEM((3, TPI, NN, 128), jnp.int32),
            pltpu.VMEM((2, TPI, NN, 128), jnp.float32),
            pltpu.VMEM((2, TPI, NN, 128, B), jnp.float32),
            pltpu.VMEM((2, B, CW), jnp.float32),
            pltpu.SemaphoreType.DMA,
            pltpu.SemaphoreType.DMA,
            pltpu.SemaphoreType.DMA,
            pltpu.SemaphoreType.DMA,
        ],
    )(xt, idx_t, w_t)


def kernel(x, index, weight):
    batch = x.shape[:-1]
    fone = weight[0, 0] * 0.0 + 1.0
    xt = x.reshape(-1, NPIX).T * fone
    idx_p = jnp.concatenate([index, jnp.zeros((MP - M, NN), jnp.int32)], axis=0)
    w_p = jnp.concatenate([weight, jnp.zeros((MP - M, NN), jnp.float32)], axis=0)
    idx_t = idx_p.reshape(NT, 128, NN).transpose(0, 2, 1)
    w_t = w_p.reshape(NT, 128, NN).transpose(0, 2, 1) * fone
    out = _run(xt, idx_t, w_t)
    out_wh = lax.optimization_barrier(out.reshape(B, H, W).transpose(0, 2, 1))
    return out_wh.transpose(0, 2, 1).reshape(batch + (H, W))

# --- scband reference (transcript-rebuilt; emitter-appended) ---
"""Pipeline reference for scband-apply-weights-19499151524510 (READ-ONLY COPY).

The authoritative reference and input builder live on the scoring server;
editing this copy changes nothing except your own understanding.
"""

import jax, jax.numpy as jnp
import numpy as np

NPIX = 196608      # 12 * 128**2, HEALPix nside=128 input grid
H, W, N_NBR = 721, 1440, 4  # 0.25-degree lat-lon output grid, 4-point interpolation
M = H * W


def setup_inputs(seed: int = 0) -> dict:
    key = jax.random.key(seed)
    k1, k2, k3 = jax.random.split(key, 3)
    # forward input: [batch..., npix]
    x = jax.random.normal(k1, (4, 4, NPIX), dtype=jnp.float32)
    # buffers built in __init__ from pix/weight of shape [n, *out_shape],
    # stored flattened+transposed as [M, n]
    index = jax.random.randint(k2, (M, N_NBR), 0, NPIX, dtype=jnp.int32)
    weight = jax.random.uniform(k3, (M, N_NBR), dtype=jnp.float32)
    weight = weight / jnp.sum(weight, axis=1, keepdims=True)  # interpolation weights
    return {"x": x, "index": index, "weight": weight}


def reference(x, index, weight):
    # torch: x.view(-1, npix).T -> embedding_bag(index, x_T, per_sample_weights=weight, mode='sum').T
    batch = x.shape[:-1]
    npix = x.shape[-1]
    xt = x.reshape(-1, npix).T                       # [npix, B]
    gathered = jnp.take(xt, index, axis=0)           # [M, n, B] gather (SparseCore-friendly)
    out = jnp.sum(gathered * weight[:, :, None], axis=1)  # weighted sum over n -> [M, B]
    return out.T.reshape(batch + (H, W))

if __name__ == "__main__":
    import jax
    _d = setup_inputs()
    print(jax.jit(kernel)(*tuple(_d.values())))

</pallas_src>

<mosaic_0001>
#map = affine_map<(d0, d1) -> (0, 0)>
#map1 = affine_map<(d0, d1) -> (0, 0, 0)>
module attributes {stable_mosaic.version = 14 : i64} {
  func.func @_sc_body(%arg0: i32, %arg1: i32, %arg2: memref<196608x16xf32, #tpu.memory_space<hbm>>, %arg3: memref<8112x4x128xi32, #tpu.memory_space<hbm>>, %arg4: memref<8112x4x128xf32, #tpu.memory_space<hbm>>, %arg5: memref<16x1038240xf32, #tpu.memory_space<hbm>>, %arg6: memref<3x4x4x128xi32, #tpu.memory_space<vmem>>, %arg7: memref<2x4x4x128xf32, #tpu.memory_space<vmem>>, %arg8: memref<2x4x4x128x16xf32, #tpu.memory_space<vmem>>, %arg9: memref<2x16x512xf32, #tpu.memory_space<vmem>>, %arg10: memref<!tpu.dma_semaphore, #tpu.memory_space<semaphore_mem>>, %arg11: memref<!tpu.dma_semaphore, #tpu.memory_space<semaphore_mem>>, %arg12: memref<!tpu.dma_semaphore, #tpu.memory_space<semaphore_mem>>, %arg13: memref<!tpu.dma_semaphore, #tpu.memory_space<semaphore_mem>>) attributes {dimension_semantics = [#tpu.dimension_semantics<core_parallel>, #tpu.dimension_semantics<subcore_parallel>], iteration_bounds = array<i64: 2, 16>, scalar_prefetch = 0 : i64, scratch_operands = 8 : i64, tpu.core_type = #tpu.core_type<sc_vector_subcore>, window_params = [{transform_indices = #map}, {transform_indices = #map1}, {transform_indices = #map1}, {transform_indices = #map}]} {
    %mul3A = arith.constant 2 : i32
    %mul3A_0 = arith.muli %arg1, %mul3A : i32
    %add3A = arith.addi %mul3A_0, %arg0 : i32
    %iota3A = tpu.iota {dimensions = array<i32: 0>} : vector<16xi32>
    %mul3A_1 = arith.constant 4 : i32
    %mul3A_2 = arith.muli %add3A, %mul3A_1 : i32
    %run_scoped3A = arith.constant 0 : i32
    "tpu.region"() ({
      %run_scoped3A_303 = tpu.sem_alloc : memref<!tpu.dma_semaphore, #tpu.memory_space<semaphore_mem>>
      %dma_start3A_304 = arith.constant 0 : i32
      %dma_start3A_305 = arith.constant 0 : i32
      %dma_start3A_306 = arith.constant 0 : i32
      %dma_start3A_307 = tpu.memref_slice %arg6[%run_scoped3A, %dma_start3A_304, %dma_start3A_305, %dma_start3A_306] : memref<3x4x4x128xi32, #tpu.memory_space<vmem>> -> memref<1x4x4x128xi32, #tpu.memory_space<vmem>>
      %dma_start3A_308 = tpu.memref_squeeze %dma_start3A_307 : memref<1x4x4x128xi32, #tpu.memory_space<vmem>> -> memref<4x4x128xi32, #tpu.memory_space<vmem>>
      %dma_start3A_309 = arith.constant 0 : i32
      %dma_start3A_310 = arith.constant 0 : i32
      %dma_start3A_311 = tpu.memref_slice %arg3[%mul3A_2, %dma_start3A_309, %dma_start3A_310] : memref<8112x4x128xi32, #tpu.memory_space<hbm>> -> memref<4x4x128xi32, #tpu.memory_space<hbm>>
      %dma_start3A_312 = arith.constant 0 : i32
      %dma_start3A_313 = arith.constant 0 : i32
      %dma_start3A_314 = arith.constant 0 : i32
      %dma_start3A_315 = tpu.memref_slice %arg6[%run_scoped3A, %dma_start3A_312, %dma_start3A_313, %dma_start3A_314] : memref<3x4x4x128xi32, #tpu.memory_space<vmem>> -> memref<1x4x4x128xi32, #tpu.memory_space<vmem>>
      %dma_start3A_316 = tpu.memref_squeeze %dma_start3A_315 : memref<1x4x4x128xi32, #tpu.memory_space<vmem>> -> memref<4x4x128xi32, #tpu.memory_space<vmem>>
      %dma_start3A_317 = arith.constant 0 : i32
      %dma_start3A_318 = arith.constant 0 : i32
      %dma_start3A_319 = tpu.memref_slice %arg3[%mul3A_2, %dma_start3A_317, %dma_start3A_318] : memref<8112x4x128xi32, #tpu.memory_space<hbm>> -> memref<4x4x128xi32, #tpu.memory_space<hbm>>
      tpu.enqueue_dma source(%dma_start3A_319 : memref<4x4x128xi32, #tpu.memory_space<hbm>>) target(%dma_start3A_316 : memref<4x4x128xi32, #tpu.memory_space<vmem>>) target_semaphore(%run_scoped3A_303 : memref<!tpu.dma_semaphore, #tpu.memory_space<semaphore_mem>>)
      %dma_wait3A = arith.constant 0 : i32
      %dma_wait3A_320 = arith.constant 0 : i32
      %dma_wait3A_321 = arith.constant 0 : i32
      %dma_wait3A_322 = tpu.memref_slice %arg6[%run_scoped3A, %dma_wait3A, %dma_wait3A_320, %dma_wait3A_321] : memref<3x4x4x128xi32, #tpu.memory_space<vmem>> -> memref<1x4x4x128xi32, #tpu.memory_space<vmem>>
      %dma_wait3A_323 = tpu.memref_squeeze %dma_wait3A_322 : memref<1x4x4x128xi32, #tpu.memory_space<vmem>> -> memref<4x4x128xi32, #tpu.memory_space<vmem>>
      %dma_wait3A_324 = arith.constant 0 : i32
      %dma_wait3A_325 = arith.constant 0 : i32
      %dma_wait3A_326 = tpu.memref_slice %arg3[%mul3A_2, %dma_wait3A_324, %dma_wait3A_325] : memref<8112x4x128xi32, #tpu.memory_space<hbm>> -> memref<4x4x128xi32, #tpu.memory_space<hbm>>
      %dma_wait3A_327 = arith.constant 0 : i32
      %dma_wait3A_328 = arith.constant 0 : i32
      %dma_wait3A_329 = arith.constant 0 : i32
      %dma_wait3A_330 = tpu.memref_slice %arg6[%run_scoped3A, %dma_wait3A_327, %dma_wait3A_328, %dma_wait3A_329] : memref<3x4x4x128xi32, #tpu.memory_space<vmem>> -> memref<1x4x4x128xi32, #tpu.memory_space<vmem>>
      %dma_wait3A_331 = tpu.memref_squeeze %dma_wait3A_330 : memref<1x4x4x128xi32, #tpu.memory_space<vmem>> -> memref<4x4x128xi32, #tpu.memory_space<vmem>>
      %dma_wait3A_332 = arith.constant 0 : i32
      %dma_wait3A_333 = arith.constant 0 : i32
      %dma_wait3A_334 = tpu.memref_slice %arg3[%mul3A_2, %dma_wait3A_332, %dma_wait3A_333] : memref<8112x4x128xi32, #tpu.memory_space<hbm>> -> memref<4x4x128xi32, #tpu.memory_space<hbm>>
      tpu.wait_dma2 semaphore(%run_scoped3A_303 : memref<!tpu.dma_semaphore, #tpu.memory_space<semaphore_mem>>) src(%dma_wait3A_334 : memref<4x4x128xi32, #tpu.memory_space<hbm>>) dst(%dma_wait3A_331 : memref<4x4x128xi32, #tpu.memory_space<vmem>>)
      tpu.yield
    }) : () -> ()
    %dma_start3A = arith.constant 0 : i32
    %dma_start3A_3 = arith.constant 0 : i32
    %dma_start3A_4 = arith.constant 0 : i32
    %dma_start3A_5 = arith.constant 0 : i32
    %dma_start3A_6 = arith.constant 0 : i32
    %dma_start3A_7 = arith.constant 0 : i32
    %dma_start3A_8 = arith.constant 0 : i32
    %dma_start3A_9 = arith.constant 0 : i32
    %dma_start3A_10 = tpu.memref_slice %arg8[%dma_start3A_5, %dma_start3A_6, %dma_start3A_7, %dma_start3A_8, %dma_start3A_9] : memref<2x4x4x128x16xf32, #tpu.memory_space<vmem>> -> memref<1x1x1x128x16xf32, #tpu.memory_space<vmem>>
    %dma_start3A_11 = tpu.memref_squeeze %dma_start3A_10 : memref<1x1x1x128x16xf32, #tpu.memory_space<vmem>> -> memref<128x16xf32, #tpu.memory_space<vmem>>
    %dma_start3A_12 = arith.constant 0 : i32
    %dma_start3A_13 = tpu.memref_slice %arg6[%dma_start3A, %dma_start3A_3, %dma_start3A_4, %dma_start3A_12] : memref<3x4x4x128xi32, #tpu.memory_space<vmem>> -> memref<1x1x1x128xi32, #tpu.memory_space<vmem>>
    %dma_start3A_14 = tpu.memref_squeeze %dma_start3A_13 : memref<1x1x1x128xi32, #tpu.memory_space<vmem>> -> memref<128xi32, #tpu.memory_space<vmem>>
    %dma_start3A_15 = arith.constant 0 : i32
    %dma_start3A_16 = arith.constant 0 : i32
    %dma_start3A_17 = tpu.memref_slice %arg2[%dma_start3A_15, %dma_start3A_16] : memref<196608x16xf32, #tpu.memory_space<hbm>> -> memref<196608x16xf32, #tpu.memory_space<hbm>>
    tpu.enqueue_indirect_dma source(%dma_start3A_17 : memref<196608x16xf32, #tpu.memory_space<hbm>>) target(%dma_start3A_11 : memref<128x16xf32, #tpu.memory_space<vmem>>) offsets(%dma_start3A_14 : memref<128xi32, #tpu.memory_space<vmem>>) semaphore(%arg10 : memref<!tpu.dma_semaphore, #tpu.memory_space<semaphore_mem>>)
    %dma_start3A_18 = arith.constant 0 : i32
    %dma_start3A_19 = arith.constant 0 : i32
    %dma_start3A_20 = arith.constant 1 : i32
    %dma_start3A_21 = arith.constant 0 : i32
    %dma_start3A_22 = arith.constant 0 : i32
    %dma_start3A_23 = arith.constant 1 : i32
    %dma_start3A_24 = arith.constant 0 : i32
    %dma_start3A_25 = arith.constant 0 : i32
    %dma_start3A_26 = tpu.memref_slice %arg8[%dma_start3A_21, %dma_start3A_22, %dma_start3A_23, %dma_start3A_24, %dma_start3A_25] : memref<2x4x4x128x16xf32, #tpu.memory_space<vmem>> -> memref<1x1x1x128x16xf32, #tpu.memory_space<vmem>>
    %dma_start3A_27 = tpu.memref_squeeze %dma_start3A_26 : memref<1x1x1x128x16xf32, #tpu.memory_space<vmem>> -> memref<128x16xf32, #tpu.memory_space<vmem>>
    %dma_start3A_28 = arith.constant 0 : i32
    %dma_start3A_29 = tpu.memref_slice %arg6[%dma_start3A_18, %dma_start3A_19, %dma_start3A_20, %dma_start3A_28] : memref<3x4x4x128xi32, #tpu.memory_space<vmem>> -> memref<1x1x1x128xi32, #tpu.memory_space<vmem>>
    %dma_start3A_30 = tpu.memref_squeeze %dma_start3A_29 : memref<1x1x1x128xi32, #tpu.memory_space<vmem>> -> memref<128xi32, #tpu.memory_space<vmem>>
    %dma_start3A_31 = arith.constant 0 : i32
    %dma_start3A_32 = arith.constant 0 : i32
    %dma_start3A_33 = tpu.memref_slice %arg2[%dma_start3A_31, %dma_start3A_32] : memref<196608x16xf32, #tpu.memory_space<hbm>> -> memref<196608x16xf32, #tpu.memory_space<hbm>>
    tpu.enqueue_indirect_dma source(%dma_start3A_33 : memref<196608x16xf32, #tpu.memory_space<hbm>>) target(%dma_start3A_27 : memref<128x16xf32, #tpu.memory_space<vmem>>) offsets(%dma_start3A_30 : memref<128xi32, #tpu.memory_space<vmem>>) semaphore(%arg10 : memref<!tpu.dma_semaphore, #tpu.memory_space<semaphore_mem>>)
    %dma_start3A_34 = arith.constant 0 : i32
    %dma_start3A_35 = arith.constant 0 : i32
    %dma_start3A_36 = arith.constant 2 : i32
    %dma_start3A_37 = arith.constant 0 : i32
    %dma_start3A_38 = arith.constant 0 : i32
    %dma_start3A_39 = arith.constant 2 : i32
    %dma_start3A_40 = arith.constant 0 : i32
    %dma_start3A_41 = arith.constant 0 : i32
    %dma_start3A_42 = tpu.memref_slice %arg8[%dma_start3A_37, %dma_start3A_38, %dma_start3A_39, %dma_start3A_40, %dma_start3A_41] : memref<2x4x4x128x16xf32, #tpu.memory_space<vmem>> -> memref<1x1x1x128x16xf32, #tpu.memory_space<vmem>>
    %dma_start3A_43 = tpu.memref_squeeze %dma_start3A_42 : memref<1x1x1x128x16xf32, #tpu.memory_space<vmem>> -> memref<128x16xf32, #tpu.memory_space<vmem>>
    %dma_start3A_44 = arith.constant 0 : i32
    %dma_start3A_45 = tpu.memref_slice %arg6[%dma_start3A_34, %dma_start3A_35, %dma_start3A_36, %dma_start3A_44] : memref<3x4x4x128xi32, #tpu.memory_space<vmem>> -> memref<1x1x1x128xi32, #tpu.memory_space<vmem>>
    %dma_start3A_46 = tpu.memref_squeeze %dma_start3A_45 : memref<1x1x1x128xi32, #tpu.memory_space<vmem>> -> memref<128xi32, #tpu.memory_space<vmem>>
    %dma_start3A_47 = arith.constant 0 : i32
    %dma_start3A_48 = arith.constant 0 : i32
    %dma_start3A_49 = tpu.memref_slice %arg2[%dma_start3A_47, %dma_start3A_48] : memref<196608x16xf32, #tpu.memory_space<hbm>> -> memref<196608x16xf32, #tpu.memory_space<hbm>>
    tpu.enqueue_indirect_dma source(%dma_start3A_49 : memref<196608x16xf32, #tpu.memory_space<hbm>>) target(%dma_start3A_43 : memref<128x16xf32, #tpu.memory_space<vmem>>) offsets(%dma_start3A_46 : memref<128xi32, #tpu.memory_space<vmem>>) semaphore(%arg10 : memref<!tpu.dma_semaphore, #tpu.memory_space<semaphore_mem>>)
    %dma_start3A_50 = arith.constant 0 : i32
    %dma_start3A_51 = arith.constant 0 : i32
    %dma_start3A_52 = arith.constant 3 : i32
    %dma_start3A_53 = arith.constant 0 : i32
    %dma_start3A_54 = arith.constant 0 : i32
    %dma_start3A_55 = arith.constant 3 : i32
    %dma_start3A_56 = arith.constant 0 : i32
    %dma_start3A_57 = arith.constant 0 : i32
    %dma_start3A_58 = tpu.memref_slice %arg8[%dma_start3A_53, %dma_start3A_54, %dma_start3A_55, %dma_start3A_56, %dma_start3A_57] : memref<2x4x4x128x16xf32, #tpu.memory_space<vmem>> -> memref<1x1x1x128x16xf32, #tpu.memory_space<vmem>>
    %dma_start3A_59 = tpu.memref_squeeze %dma_start3A_58 : memref<1x1x1x128x16xf32, #tpu.memory_space<vmem>> -> memref<128x16xf32, #tpu.memory_space<vmem>>
    %dma_start3A_60 = arith.constant 0 : i32
    %dma_start3A_61 = tpu.memref_slice %arg6[%dma_start3A_50, %dma_start3A_51, %dma_start3A_52, %dma_start3A_60] : memref<3x4x4x128xi32, #tpu.memory_space<vmem>> -> memref<1x1x1x128xi32, #tpu.memory_space<vmem>>
    %dma_start3A_62 = tpu.memref_squeeze %dma_start3A_61 : memref<1x1x1x128xi32, #tpu.memory_space<vmem>> -> memref<128xi32, #tpu.memory_space<vmem>>
    %dma_start3A_63 = arith.constant 0 : i32
    %dma_start3A_64 = arith.constant 0 : i32
    %dma_start3A_65 = tpu.memref_slice %arg2[%dma_start3A_63, %dma_start3A_64] : memref<196608x16xf32, #tpu.memory_space<hbm>> -> memref<196608x16xf32, #tpu.memory_space<hbm>>
    tpu.enqueue_indirect_dma source(%dma_start3A_65 : memref<196608x16xf32, #tpu.memory_space<hbm>>) target(%dma_start3A_59 : memref<128x16xf32, #tpu.memory_space<vmem>>) offsets(%dma_start3A_62 : memref<128xi32, #tpu.memory_space<vmem>>) semaphore(%arg10 : memref<!tpu.dma_semaphore, #tpu.memory_space<semaphore_mem>>)
    %dma_start3A_66 = arith.constant 0 : i32
    %dma_start3A_67 = arith.constant 1 : i32
    %dma_start3A_68 = arith.constant 0 : i32
    %dma_start3A_69 = arith.constant 0 : i32
    %dma_start3A_70 = arith.constant 1 : i32
    %dma_start3A_71 = arith.constant 0 : i32
    %dma_start3A_72 = arith.constant 0 : i32
    %dma_start3A_73 = arith.constant 0 : i32
    %dma_start3A_74 = tpu.memref_slice %arg8[%dma_start3A_69, %dma_start3A_70, %dma_start3A_71, %dma_start3A_72, %dma_start3A_73] : memref<2x4x4x128x16xf32, #tpu.memory_space<vmem>> -> memref<1x1x1x128x16xf32, #tpu.memory_space<vmem>>
    %dma_start3A_75 = tpu.memref_squeeze %dma_start3A_74 : memref<1x1x1x128x16xf32, #tpu.memory_space<vmem>> -> memref<128x16xf32, #tpu.memory_space<vmem>>
    %dma_start3A_76 = arith.constant 0 : i32
    %dma_start3A_77 = tpu.memref_slice %arg6[%dma_start3A_66, %dma_start3A_67, %dma_start3A_68, %dma_start3A_76] : memref<3x4x4x128xi32, #tpu.memory_space<vmem>> -> memref<1x1x1x128xi32, #tpu.memory_space<vmem>>
    %dma_start3A_78 = tpu.memref_squeeze %dma_start3A_77 : memref<1x1x1x128xi32, #tpu.memory_space<vmem>> -> memref<128xi32, #tpu.memory_space<vmem>>
    %dma_start3A_79 = arith.constant 0 : i32
    %dma_start3A_80 = arith.constant 0 : i32
    %dma_start3A_81 = tpu.memref_slice %arg2[%dma_start3A_79, %dma_start3A_80] : memref<196608x16xf32, #tpu.memory_space<hbm>> -> memref<196608x16xf32, #tpu.memory_space<hbm>>
    tpu.enqueue_indirect_dma source(%dma_start3A_81 : memref<196608x16xf32, #tpu.memory_space<hbm>>) target(%dma_start3A_75 : memref<128x16xf32, #tpu.memory_space<vmem>>) offsets(%dma_start3A_78 : memref<128xi32, #tpu.memory_space<vmem>>) semaphore(%arg10 : memref<!tpu.dma_semaphore, #tpu.memory_space<semaphore_mem>>)
    %dma_start3A_82 = arith.constant 0 : i32
    %dma_start3A_83 = arith.constant 1 : i32
    %dma_start3A_84 = arith.constant 1 : i32
    %dma_start3A_85 = arith.constant 0 : i32
    %dma_start3A_86 = arith.constant 1 : i32
    %dma_start3A_87 = arith.constant 1 : i32
    %dma_start3A_88 = arith.constant 0 : i32
    %dma_start3A_89 = arith.constant 0 : i32
    %dma_start3A_90 = tpu.memref_slice %arg8[%dma_start3A_85, %dma_start3A_86, %dma_start3A_87, %dma_start3A_88, %dma_start3A_89] : memref<2x4x4x128x16xf32, #tpu.memory_space<vmem>> -> memref<1x1x1x128x16xf32, #tpu.memory_space<vmem>>
    %dma_start3A_91 = tpu.memref_squeeze %dma_start3A_90 : memref<1x1x1x128x16xf32, #tpu.memory_space<vmem>> -> memref<128x16xf32, #tpu.memory_space<vmem>>
    %dma_start3A_92 = arith.constant 0 : i32
    %dma_start3A_93 = tpu.memref_slice %arg6[%dma_start3A_82, %dma_start3A_83, %dma_start3A_84, %dma_start3A_92] : memref<3x4x4x128xi32, #tpu.memory_space<vmem>> -> memref<1x1x1x128xi32, #tpu.memory_space<vmem>>
    %dma_start3A_94 = tpu.memref_squeeze %dma_start3A_93 : memref<1x1x1x128xi32, #tpu.memory_space<vmem>> -> memref<128xi32, #tpu.memory_space<vmem>>
    %dma_start3A_95 = arith.constant 0 : i32
    %dma_start3A_96 = arith.constant 0 : i32
    %dma_start3A_97 = tpu.memref_slice %arg2[%dma_start3A_95, %dma_start3A_96] : memref<196608x16xf32, #tpu.memory_space<hbm>> -> memref<196608x16xf32, #tpu.memory_space<hbm>>
    tpu.enqueue_indirect_dma source(%dma_start3A_97 : memref<196608x16xf32, #tpu.memory_space<hbm>>) target(%dma_start3A_91 : memref<128x16xf32, #tpu.memory_space<vmem>>) offsets(%dma_start3A_94 : memref<128xi32, #tpu.memory_space<vmem>>) semaphore(%arg10 : memref<!tpu.dma_semaphore, #tpu.memory_space<semaphore_mem>>)
    %dma_start3A_98 = arith.constant 0 : i32
    %dma_start3A_99 = arith.constant 1 : i32
    %dma_start3A_100 = arith.constant 2 : i32
    %dma_start3A_101 = arith.constant 0 : i32
    %dma_start3A_102 = arith.constant 1 : i32
    %dma_start3A_103 = arith.constant 2 : i32
    %dma_start3A_104 = arith.constant 0 : i32
    %dma_start3A_105 = arith.constant 0 : i32
    %dma_start3A_106 = tpu.memref_slice %arg8[%dma_start3A_101, %dma_start3A_102, %dma_start3A_103, %dma_start3A_104, %dma_start3A_105] : memref<2x4x4x128x16xf32, #tpu.memory_space<vmem>> -> memref<1x1x1x128x16xf32, #tpu.memory_space<vmem>>
    %dma_start3A_107 = tpu.memref_squeeze %dma_start3A_106 : memref<1x1x1x128x16xf32, #tpu.memory_space<vmem>> -> memref<128x16xf32, #tpu.memory_space<vmem>>
    %dma_start3A_108 = arith.constant 0 : i32
    %dma_start3A_109 = tpu.memref_slice %arg6[%dma_start3A_98, %dma_start3A_99, %dma_start3A_100, %dma_start3A_108] : memref<3x4x4x128xi32, #tpu.memory_space<vmem>> -> memref<1x1x1x128xi32, #tpu.memory_space<vmem>>
    %dma_start3A_110 = tpu.memref_squeeze %dma_start3A_109 : memref<1x1x1x128xi32, #tpu.memory_space<vmem>> -> memref<128xi32, #tpu.memory_space<vmem>>
    %dma_start3A_111 = arith.constant 0 : i32
    %dma_start3A_112 = arith.constant 0 : i32
    %dma_start3A_113 = tpu.memref_slice %arg2[%dma_start3A_111, %dma_start3A_112] : memref<196608x16xf32, #tpu.memory_space<hbm>> -> memref<196608x16xf32, #tpu.memory_space<hbm>>
    tpu.enqueue_indirect_dma source(%dma_start3A_113 : memref<196608x16xf32, #tpu.memory_space<hbm>>) target(%dma_start3A_107 : memref<128x16xf32, #tpu.memory_space<vmem>>) offsets(%dma_start3A_110 : memref<128xi32, #tpu.memory_space<vmem>>) semaphore(%arg10 : memref<!tpu.dma_semaphore, #tpu.memory_space<semaphore_mem>>)
    %dma_start3A_114 = arith.constant 0 : i32
    %dma_start3A_115 = arith.constant 1 : i32
    %dma_start3A_116 = arith.constant 3 : i32
    %dma_start3A_117 = arith.constant 0 : i32
    %dma_start3A_118 = arith.constant 1 : i32
    %dma_start3A_119 = arith.constant 3 : i32
    %dma_start3A_120 = arith.constant 0 : i32
    %dma_start3A_121 = arith.constant 0 : i32
    %dma_start3A_122 = tpu.memref_slice %arg8[%dma_start3A_117, %dma_start3A_118, %dma_start3A_119, %dma_start3A_120, %dma_start3A_121] : memref<2x4x4x128x16xf32, #tpu.memory_space<vmem>> -> memref<1x1x1x128x16xf32, #tpu.memory_space<vmem>>
    %dma_start3A_123 = tpu.memref_squeeze %dma_start3A_122 : memref<1x1x1x128x16xf32, #tpu.memory_space<vmem>> -> memref<128x16xf32, #tpu.memory_space<vmem>>
    %dma_start3A_124 = arith.constant 0 : i32
    %dma_start3A_125 = tpu.memref_slice %arg6[%dma_start3A_114, %dma_start3A_115, %dma_start3A_116, %dma_start3A_124] : memref<3x4x4x128xi32, #tpu.memory_space<vmem>> -> memref<1x1x1x128xi32, #tpu.memory_space<vmem>>
    %dma_start3A_126 = tpu.memref_squeeze %dma_start3A_125 : memref<1x1x1x128xi32, #tpu.memory_space<vmem>> -> memref<128xi32, #tpu.memory_space<vmem>>
    %dma_start3A_127 = arith.constant 0 : i32
    %dma_start3A_128 = arith.constant 0 : i32
    %dma_start3A_129 = tpu.memref_slice %arg2[%dma_start3A_127, %dma_start3A_128] : memref<196608x16xf32, #tpu.memory_space<hbm>> -> memref<196608x16xf32, #tpu.memory_space<hbm>>
    tpu.enqueue_indirect_dma source(%dma_start3A_129 : memref<196608x16xf32, #tpu.memory_space<hbm>>) target(%dma_start3A_123 : memref<128x16xf32, #tpu.memory_space<vmem>>) offsets(%dma_start3A_126 : memref<128xi32, #tpu.memory_space<vmem>>) semaphore(%arg10 : memref<!tpu.dma_semaphore, #tpu.memory_space<semaphore_mem>>)
    %dma_start3A_130 = arith.constant 0 : i32
    %dma_start3A_131 = arith.constant 2 : i32
    %dma_start3A_132 = arith.constant 0 : i32
    %dma_start3A_133 = arith.constant 0 : i32
    %dma_start3A_134 = arith.constant 2 : i32
    %dma_start3A_135 = arith.constant 0 : i32
    %dma_start3A_136 = arith.constant 0 : i32
    %dma_start3A_137 = arith.constant 0 : i32
    %dma_start3A_138 = tpu.memref_slice %arg8[%dma_start3A_133, %dma_start3A_134, %dma_start3A_135, %dma_start3A_136, %dma_start3A_137] : memref<2x4x4x128x16xf32, #tpu.memory_space<vmem>> -> memref<1x1x1x128x16xf32, #tpu.memory_space<vmem>>
    %dma_start3A_139 = tpu.memref_squeeze %dma_start3A_138 : memref<1x1x1x128x16xf32, #tpu.memory_space<vmem>> -> memref<128x16xf32, #tpu.memory_space<vmem>>
    %dma_start3A_140 = arith.constant 0 : i32
    %dma_start3A_141 = tpu.memref_slice %arg6[%dma_start3A_130, %dma_start3A_131, %dma_start3A_132, %dma_start3A_140] : memref<3x4x4x128xi32, #tpu.memory_space<vmem>> -> memref<1x1x1x128xi32, #tpu.memory_space<vmem>>
    %dma_start3A_142 = tpu.memref_squeeze %dma_start3A_141 : memref<1x1x1x128xi32, #tpu.memory_space<vmem>> -> memref<128xi32, #tpu.memory_space<vmem>>
    %dma_start3A_143 = arith.constant 0 : i32
    %dma_start3A_144 = arith.constant 0 : i32
    %dma_start3A_145 = tpu.memref_slice %arg2[%dma_start3A_143, %dma_start3A_144] : memref<196608x16xf32, #tpu.memory_space<hbm>> -> memref<196608x16xf32, #tpu.memory_space<hbm>>
    tpu.enqueue_indirect_dma source(%dma_start3A_145 : memref<196608x16xf32, #tpu.memory_space<hbm>>) target(%dma_start3A_139 : memref<128x16xf32, #tpu.memory_space<vmem>>) offsets(%dma_start3A_142 : memref<128xi32, #tpu.memory_space<vmem>>) semaphore(%arg10 : memref<!tpu.dma_semaphore, #tpu.memory_space<semaphore_mem>>)
    %dma_start3A_146 = arith.constant 0 : i32
    %dma_start3A_147 = arith.constant 2 : i32
    %dma_start3A_148 = arith.constant 1 : i32
    %dma_start3A_149 = arith.constant 0 : i32
    %dma_start3A_150 = arith.constant 2 : i32
    %dma_start3A_151 = arith.constant 1 : i32
    %dma_start3A_152 = arith.constant 0 : i32
    %dma_start3A_153 = arith.constant 0 : i32
    %dma_start3A_154 = tpu.memref_slice %arg8[%dma_start3A_149, %dma_start3A_150, %dma_start3A_151, %dma_start3A_152, %dma_start3A_153] : memref<2x4x4x128x16xf32, #tpu.memory_space<vmem>> -> memref<1x1x1x128x16xf32, #tpu.memory_space<vmem>>
    %dma_start3A_155 = tpu.memref_squeeze %dma_start3A_154 : memref<1x1x1x128x16xf32, #tpu.memory_space<vmem>> -> memref<128x16xf32, #tpu.memory_space<vmem>>
    %dma_start3A_156 = arith.constant 0 : i32
    %dma_start3A_157 = tpu.memref_slice %arg6[%dma_start3A_146, %dma_start3A_147, %dma_start3A_148, %dma_start3A_156] : memref<3x4x4x128xi32, #tpu.memory_space<vmem>> -> memref<1x1x1x128xi32, #tpu.memory_space<vmem>>
    %dma_start3A_158 = tpu.memref_squeeze %dma_start3A_157 : memref<1x1x1x128xi32, #tpu.memory_space<vmem>> -> memref<128xi32, #tpu.memory_space<vmem>>
    %dma_start3A_159 = arith.constant 0 : i32
    %dma_start3A_160 = arith.constant 0 : i32
    %dma_start3A_161 = tpu.memref_slice %arg2[%dma_start3A_159, %dma_start3A_160] : memref<196608x16xf32, #tpu.memory_space<hbm>> -> memref<196608x16xf32, #tpu.memory_space<hbm>>
    tpu.enqueue_indirect_dma source(%dma_start3A_161 : memref<196608x16xf32, #tpu.memory_space<hbm>>) target(%dma_start3A_155 : memref<128x16xf32, #tpu.memory_space<vmem>>) offsets(%dma_start3A_158 : memref<128xi32, #tpu.memory_space<vmem>>) semaphore(%arg10 : memref<!tpu.dma_semaphore, #tpu.memory_space<semaphore_mem>>)
    %dma_start3A_162 = arith.constant 0 : i32
    %dma_start3A_163 = arith.constant 2 : i32
    %dma_start3A_164 = arith.constant 2 : i32
    %dma_start3A_165 = arith.constant 0 : i32
    %dma_start3A_166 = arith.constant 2 : i32
    %dma_start3A_167 = arith.constant 2 : i32
    %dma_start3A_168 = arith.constant 0 : i32
    %dma_start3A_169 = arith.constant 0 : i32
    %dma_start3A_170 = tpu.memref_slice %arg8[%dma_start3A_165, %dma_start3A_166, %dma_start3A_167, %dma_start3A_168, %dma_start3A_169] : memref<2x4x4x128x16xf32, #tpu.memory_space<vmem>> -> memref<1x1x1x128x16xf32, #tpu.memory_space<vmem>>
    %dma_start3A_171 = tpu.memref_squeeze %dma_start3A_170 : memref<1x1x1x128x16xf32, #tpu.memory_space<vmem>> -> memref<128x16xf32, #tpu.memory_space<vmem>>
    %dma_start3A_172 = arith.constant 0 : i32
    %dma_start3A_173 = tpu.memref_slice %arg6[%dma_start3A_162, %dma_start3A_163, %dma_start3A_164, %dma_start3A_172] : memref<3x4x4x128xi32, #tpu.memory_space<vmem>> -> memref<1x1x1x128xi32, #tpu.memory_space<vmem>>
    %dma_start3A_174 = tpu.memref_squeeze %dma_start3A_173 : memref<1x1x1x128xi32, #tpu.memory_space<vmem>> -> memref<128xi32, #tpu.memory_space<vmem>>
    %dma_start3A_175 = arith.constant 0 : i32
    %dma_start3A_176 = arith.constant 0 : i32
    %dma_start3A_177 = tpu.memref_slice %arg2[%dma_start3A_175, %dma_start3A_176] : memref<196608x16xf32, #tpu.memory_space<hbm>> -> memref<196608x16xf32, #tpu.memory_space<hbm>>
    tpu.enqueue_indirect_dma source(%dma_start3A_177 : memref<196608x16xf32, #tpu.memory_space<hbm>>) target(%dma_start3A_171 : memref<128x16xf32, #tpu.memory_space<vmem>>) offsets(%dma_start3A_174 : memref<128xi32, #tpu.memory_space<vmem>>) semaphore(%arg10 : memref<!tpu.dma_semaphore, #tpu.memory_space<semaphore_mem>>)
    %dma_start3A_178 = arith.constant 0 : i32
    %dma_start3A_179 = arith.constant 2 : i32
    %dma_start3A_180 = arith.constant 3 : i32
    %dma_start3A_181 = arith.constant 0 : i32
    %dma_start3A_182 = arith.constant 2 : i32
    %dma_start3A_183 = arith.constant 3 : i32
    %dma_start3A_184 = arith.constant 0 : i32
    %dma_start3A_185 = arith.constant 0 : i32
    %dma_start3A_186 = tpu.memref_slice %arg8[%dma_start3A_181, %dma_start3A_182, %dma_start3A_183, %dma_start3A_184, %dma_start3A_185] : memref<2x4x4x128x16xf32, #tpu.memory_space<vmem>> -> memref<1x1x1x128x16xf32, #tpu.memory_space<vmem>>
    %dma_start3A_187 = tpu.memref_squeeze %dma_start3A_186 : memref<1x1x1x128x16xf32, #tpu.memory_space<vmem>> -> memref<128x16xf32, #tpu.memory_space<vmem>>
    %dma_start3A_188 = arith.constant 0 : i32
    %dma_start3A_189 = tpu.memref_slice %arg6[%dma_start3A_178, %dma_start3A_179, %dma_start3A_180, %dma_start3A_188] : memref<3x4x4x128xi32, #tpu.memory_space<vmem>> -> memref<1x1x1x128xi32, #tpu.memory_space<vmem>>
    %dma_start3A_190 = tpu.memref_squeeze %dma_start3A_189 : memref<1x1x1x128xi32, #tpu.memory_space<vmem>> -> memref<128xi32, #tpu.memory_space<vmem>>
    %dma_start3A_191 = arith.constant 0 : i32
    %dma_start3A_192 = arith.constant 0 : i32
    %dma_start3A_193 = tpu.memref_slice %arg2[%dma_start3A_191, %dma_start3A_192] : memref<196608x16xf32, #tpu.memory_space<hbm>> -> memref<196608x16xf32, #tpu.memory_space<hbm>>
    tpu.enqueue_indirect_dma source(%dma_start3A_193 : memref<196608x16xf32, #tpu.memory_space<hbm>>) target(%dma_start3A_187 : memref<128x16xf32, #tpu.memory_space<vmem>>) offsets(%dma_start3A_190 : memref<128xi32, #tpu.memory_space<vmem>>) semaphore(%arg10 : memref<!tpu.dma_semaphore, #tpu.memory_space<semaphore_mem>>)
    %dma_start3A_194 = arith.constant 0 : i32
    %dma_start3A_195 = arith.constant 3 : i32
    %dma_start3A_196 = arith.constant 0 : i32
    %dma_start3A_197 = arith.constant 0 : i32
    %dma_start3A_198 = arith.constant 3 : i32
    %dma_start3A_199 = arith.constant 0 : i32
    %dma_start3A_200 = arith.constant 0 : i32
    %dma_start3A_201 = arith.constant 0 : i32
    %dma_start3A_202 = tpu.memref_slice %arg8[%dma_start3A_197, %dma_start3A_198, %dma_start3A_199, %dma_start3A_200, %dma_start3A_201] : memref<2x4x4x128x16xf32, #tpu.memory_space<vmem>> -> memref<1x1x1x128x16xf32, #tpu.memory_space<vmem>>
    %dma_start3A_203 = tpu.memref_squeeze %dma_start3A_202 : memref<1x1x1x128x16xf32, #tpu.memory_space<vmem>> -> memref<128x16xf32, #tpu.memory_space<vmem>>
    %dma_start3A_204 = arith.constant 0 : i32
    %dma_start3A_205 = tpu.memref_slice %arg6[%dma_start3A_194, %dma_start3A_195, %dma_start3A_196, %dma_start3A_204] : memref<3x4x4x128xi32, #tpu.memory_space<vmem>> -> memref<1x1x1x128xi32, #tpu.memory_space<vmem>>
    %dma_start3A_206 = tpu.memref_squeeze %dma_start3A_205 : memref<1x1x1x128xi32, #tpu.memory_space<vmem>> -> memref<128xi32, #tpu.memory_space<vmem>>
    %dma_start3A_207 = arith.constant 0 : i32
    %dma_start3A_208 = arith.constant 0 : i32
    %dma_start3A_209 = tpu.memref_slice %arg2[%dma_start3A_207, %dma_start3A_208] : memref<196608x16xf32, #tpu.memory_space<hbm>> -> memref<196608x16xf32, #tpu.memory_space<hbm>>
    tpu.enqueue_indirect_dma source(%dma_start3A_209 : memref<196608x16xf32, #tpu.memory_space<hbm>>) target(%dma_start3A_203 : memref<128x16xf32, #tpu.memory_space<vmem>>) offsets(%dma_start3A_206 : memref<128xi32, #tpu.memory_space<vmem>>) semaphore(%arg10 : memref<!tpu.dma_semaphore, #tpu.memory_space<semaphore_mem>>)
    %dma_start3A_210 = arith.constant 0 : i32
    %dma_start3A_211 = arith.constant 3 : i32
    %dma_start3A_212 = arith.constant 1 : i32
    %dma_start3A_213 = arith.constant 0 : i32
    %dma_start3A_214 = arith.constant 3 : i32
    %dma_start3A_215 = arith.constant 1 : i32
    %dma_start3A_216 = arith.constant 0 : i32
    %dma_start3A_217 = arith.constant 0 : i32
    %dma_start3A_218 = tpu.memref_slice %arg8[%dma_start3A_213, %dma_start3A_214, %dma_start3A_215, %dma_start3A_216, %dma_start3A_217] : memref<2x4x4x128x16xf32, #tpu.memory_space<vmem>> -> memref<1x1x1x128x16xf32, #tpu.memory_space<vmem>>
    %dma_start3A_219 = tpu.memref_squeeze %dma_start3A_218 : memref<1x1x1x128x16xf32, #tpu.memory_space<vmem>> -> memref<128x16xf32, #tpu.memory_space<vmem>>
    %dma_start3A_220 = arith.constant 0 : i32
    %dma_start3A_221 = tpu.memref_slice %arg6[%dma_start3A_210, %dma_start3A_211, %dma_start3A_212, %dma_start3A_220] : memref<3x4x4x128xi32, #tpu.memory_space<vmem>> -> memref<1x1x1x128xi32, #tpu.memory_space<vmem>>
    %dma_start3A_222 = tpu.memref_squeeze %dma_start3A_221 : memref<1x1x1x128xi32, #tpu.memory_space<vmem>> -> memref<128xi32, #tpu.memory_space<vmem>>
    %dma_start3A_223 = arith.constant 0 : i32
    %dma_start3A_224 = arith.constant 0 : i32
    %dma_start3A_225 = tpu.memref_slice %arg2[%dma_start3A_223, %dma_start3A_224] : memref<196608x16xf32, #tpu.memory_space<hbm>> -> memref<196608x16xf32, #tpu.memory_space<hbm>>
    tpu.enqueue_indirect_dma source(%dma_start3A_225 : memref<196608x16xf32, #tpu.memory_space<hbm>>) target(%dma_start3A_219 : memref<128x16xf32, #tpu.memory_space<vmem>>) offsets(%dma_start3A_222 : memref<128xi32, #tpu.memory_space<vmem>>) semaphore(%arg10 : memref<!tpu.dma_semaphore, #tpu.memory_space<semaphore_mem>>)
    %dma_start3A_226 = arith.constant 0 : i32
    %dma_start3A_227 = arith.constant 3 : i32
    %dma_start3A_228 = arith.constant 2 : i32
    %dma_start3A_229 = arith.constant 0 : i32
    %dma_start3A_230 = arith.constant 3 : i32
    %dma_start3A_231 = arith.constant 2 : i32
    %dma_start3A_232 = arith.constant 0 : i32
    %dma_start3A_233 = arith.constant 0 : i32
    %dma_start3A_234 = tpu.memref_slice %arg8[%dma_start3A_229, %dma_start3A_230, %dma_start3A_231, %dma_start3A_232, %dma_start3A_233] : memref<2x4x4x128x16xf32, #tpu.memory_space<vmem>> -> memref<1x1x1x128x16xf32, #tpu.memory_space<vmem>>
    %dma_start3A_235 = tpu.memref_squeeze %dma_start3A_234 : memref<1x1x1x128x16xf32, #tpu.memory_space<vmem>> -> memref<128x16xf32, #tpu.memory_space<vmem>>
    %dma_start3A_236 = arith.constant 0 : i32
    %dma_start3A_237 = tpu.memref_slice %arg6[%dma_start3A_226, %dma_start3A_227, %dma_start3A_228, %dma_start3A_236] : memref<3x4x4x128xi32, #tpu.memory_space<vmem>> -> memref<1x1x1x128xi32, #tpu.memory_space<vmem>>
    %dma_start3A_238 = tpu.memref_squeeze %dma_start3A_237 : memref<1x1x1x128xi32, #tpu.memory_space<vmem>> -> memref<128xi32, #tpu.memory_space<vmem>>
    %dma_start3A_239 = arith.constant 0 : i32
    %dma_start3A_240 = arith.constant 0 : i32
    %dma_start3A_241 = tpu.memref_slice %arg2[%dma_start3A_239, %dma_start3A_240] : memref<196608x16xf32, #tpu.memory_space<hbm>> -> memref<196608x16xf32, #tpu.memory_space<hbm>>
    tpu.enqueue_indirect_dma source(%dma_start3A_241 : memref<196608x16xf32, #tpu.memory_space<hbm>>) target(%dma_start3A_235 : memref<128x16xf32, #tpu.memory_space<vmem>>) offsets(%dma_start3A_238 : memref<128xi32, #tpu.memory_space<vmem>>) semaphore(%arg10 : memref<!tpu.dma_semaphore, #tpu.memory_space<semaphore_mem>>)
    %dma_start3A_242 = arith.constant 0 : i32
    %dma_start3A_243 = arith.constant 3 : i32
    %dma_start3A_244 = arith.constant 3 : i32
    %dma_start3A_245 = arith.constant 0 : i32
    %dma_start3A_246 = arith.constant 3 : i32
    %dma_start3A_247 = arith.constant 3 : i32
    %dma_start3A_248 = arith.constant 0 : i32
    %dma_start3A_249 = arith.constant 0 : i32
    %dma_start3A_250 = tpu.memref_slice %arg8[%dma_start3A_245, %dma_start3A_246, %dma_start3A_247, %dma_start3A_248, %dma_start3A_249] : memref<2x4x4x128x16xf32, #tpu.memory_space<vmem>> -> memref<1x1x1x128x16xf32, #tpu.memory_space<vmem>>
    %dma_start3A_251 = tpu.memref_squeeze %dma_start3A_250 : memref<1x1x1x128x16xf32, #tpu.memory_space<vmem>> -> memref<128x16xf32, #tpu.memory_space<vmem>>
    %dma_start3A_252 = arith.constant 0 : i32
    %dma_start3A_253 = tpu.memref_slice %arg6[%dma_start3A_242, %dma_start3A_243, %dma_start3A_244, %dma_start3A_252] : memref<3x4x4x128xi32, #tpu.memory_space<vmem>> -> memref<1x1x1x128xi32, #tpu.memory_space<vmem>>
    %dma_start3A_254 = tpu.memref_squeeze %dma_start3A_253 : memref<1x1x1x128xi32, #tpu.memory_space<vmem>> -> memref<128xi32, #tpu.memory_space<vmem>>
    %dma_start3A_255 = arith.constant 0 : i32
    %dma_start3A_256 = arith.constant 0 : i32
    %dma_start3A_257 = tpu.memref_slice %arg2[%dma_start3A_255, %dma_start3A_256] : memref<196608x16xf32, #tpu.memory_space<hbm>> -> memref<196608x16xf32, #tpu.memory_space<hbm>>
    tpu.enqueue_indirect_dma source(%dma_start3A_257 : memref<196608x16xf32, #tpu.memory_space<hbm>>) target(%dma_start3A_251 : memref<128x16xf32, #tpu.memory_space<vmem>>) offsets(%dma_start3A_254 : memref<128xi32, #tpu.memory_space<vmem>>) semaphore(%arg10 : memref<!tpu.dma_semaphore, #tpu.memory_space<semaphore_mem>>)
    %add3A_258 = arith.constant 32 : i32
    %add3A_259 = arith.addi %add3A, %add3A_258 : i32
    %mul3A_260 = arith.constant 4 : i32
    %mul3A_261 = arith.muli %add3A_259, %mul3A_260 : i32
    %dma_start3A_262 = arith.constant 1 : i32
    %dma_start3A_263 = arith.constant 0 : i32
    %dma_start3A_264 = arith.constant 0 : i32
    %dma_start3A_265 = arith.constant 0 : i32
    %dma_start3A_266 = tpu.memref_slice %arg6[%dma_start3A_262, %dma_start3A_263, %dma_start3A_264, %dma_start3A_265] : memref<3x4x4x128xi32, #tpu.memory_space<vmem>> -> memref<1x4x4x128xi32, #tpu.memory_space<vmem>>
    %dma_start3A_267 = tpu.memref_squeeze %dma_start3A_266 : memref<1x4x4x128xi32, #tpu.memory_space<vmem>> -> memref<4x4x128xi32, #tpu.memory_space<vmem>>
    %dma_start3A_268 = arith.constant 0 : i32
    %dma_start3A_269 = arith.constant 0 : i32
    %dma_start3A_270 = tpu.memref_slice %arg3[%mul3A_261, %dma_start3A_268, %dma_start3A_269] : memref<8112x4x128xi32, #tpu.memory_space<hbm>> -> memref<4x4x128xi32, #tpu.memory_space<hbm>>
    %dma_start3A_271 = arith.constant 0 : i32
    %dma_start3A_272 = arith.constant 0 : i32
    %dma_start3A_273 = arith.constant 0 : i32
    %dma_start3A_274 = tpu.memref_slice %arg6[%dma_start3A_262, %dma_start3A_271, %dma_start3A_272, %dma_start3A_273] : memref<3x4x4x128xi32, #tpu.memory_space<vmem>> -> memref<1x4x4x128xi32, #tpu.memory_space<vmem>>
    %dma_start3A_275 = tpu.memref_squeeze %dma_start3A_274 : memref<1x4x4x128xi32, #tpu.memory_space<vmem>> -> memref<4x4x128xi32, #tpu.memory_space<vmem>>
    %dma_start3A_276 = arith.constant 0 : i32
    %dma_start3A_277 = arith.constant 0 : i32
    %dma_start3A_278 = tpu.memref_slice %arg3[%mul3A_261, %dma_start3A_276, %dma_start3A_277] : memref<8112x4x128xi32, #tpu.memory_space<hbm>> -> memref<4x4x128xi32, #tpu.memory_space<hbm>>
    tpu.enqueue_dma source(%dma_start3A_278 : memref<4x4x128xi32, #tpu.memory_space<hbm>>) target(%dma_start3A_275 : memref<4x4x128xi32, #tpu.memory_space<vmem>>) target_semaphore(%arg11 : memref<!tpu.dma_semaphore, #tpu.memory_space<semaphore_mem>>)
    %mul3A_279 = arith.constant 4 : i32
    %mul3A_280 = arith.muli %add3A, %mul3A_279 : i32
    %dma_start3A_281 = arith.constant 0 : i32
    %dma_start3A_282 = arith.constant 0 : i32
    %dma_start3A_283 = arith.constant 0 : i32
    %dma_start3A_284 = arith.constant 0 : i32
    %dma_start3A_285 = tpu.memref_slice %arg7[%dma_start3A_281, %dma_start3A_282, %dma_start3A_283, %dma_start3A_284] : memref<2x4x4x128xf32, #tpu.memory_space<vmem>> -> memref<1x4x4x128xf32, #tpu.memory_space<vmem>>
    %dma_start3A_286 = tpu.memref_squeeze %dma_start3A_285 : memref<1x4x4x128xf32, #tpu.memory_space<vmem>> -> memref<4x4x128xf32, #tpu.memory_space<vmem>>
    %dma_start3A_287 = arith.constant 0 : i32
    %dma_start3A_288 = arith.constant 0 : i32
    %dma_start3A_289 = tpu.memref_slice %arg4[%mul3A_280, %dma_start3A_287, %dma_start3A_288] : memref<8112x4x128xf32, #tpu.memory_space<hbm>> -> memref<4x4x128xf32, #tpu.memory_space<hbm>>
    %dma_start3A_290 = arith.constant 0 : i32
    %dma_start3A_291 = arith.constant 0 : i32
    %dma_start3A_292 = arith.constant 0 : i32
    %dma_start3A_293 = tpu.memref_slice %arg7[%dma_start3A_281, %dma_start3A_290, %dma_start3A_291, %dma_start3A_292] : memref<2x4x4x128xf32, #tpu.memory_space<vmem>> -> memref<1x4x4x128xf32, #tpu.memory_space<vmem>>
    %dma_start3A_294 = tpu.memref_squeeze %dma_start3A_293 : memref<1x4x4x128xf32, #tpu.memory_space<vmem>> -> memref<4x4x128xf32, #tpu.memory_space<vmem>>
    %dma_start3A_295 = arith.constant 0 : i32
    %dma_start3A_296 = arith.constant 0 : i32
    %dma_start3A_297 = tpu.memref_slice %arg4[%mul3A_280, %dma_start3A_295, %dma_start3A_296] : memref<8112x4x128xf32, #tpu.memory_space<hbm>> -> memref<4x4x128xf32, #tpu.memory_space<hbm>>
    tpu.enqueue_dma source(%dma_start3A_297 : memref<4x4x128xf32, #tpu.memory_space<hbm>>) target(%dma_start3A_294 : memref<4x4x128xf32, #tpu.memory_space<vmem>>) target_semaphore(%arg12 : memref<!tpu.dma_semaphore, #tpu.memory_space<semaphore_mem>>)
    %scan3A = arith.constant 0 : i32
    %scan3A_298 = arith.constant 0 : i32
    %scan3A_299 = arith.constant 66 : i32
    %scan3A_300 = arith.addi %scan3A_298, %scan3A_299 : i32
    %scan3A_301 = arith.constant 1 : i32
    scf.for %scan3A_303 = %scan3A_298 to %scan3A_300 step %scan3A_301  : i32 {
      %rem3A = arith.constant 2 : i32
      %rem3A_304 = arith.remsi %scan3A_303, %rem3A : i32
      %add3A_305 = arith.constant 1 : i32
      %add3A_306 = arith.addi %scan3A_303, %add3A_305 : i32
      %rem3A_307 = arith.constant 3 : i32
      %rem3A_308 = arith.remsi %add3A_306, %rem3A_307 : i32
      %add3A_309 = arith.constant 2 : i32
      %add3A_310 = arith.addi %scan3A_303, %add3A_309 : i32
      %rem3A_311 = arith.constant 3 : i32
      %rem3A_312 = arith.remsi %add3A_310, %rem3A_311 : i32
      %mul3A_313 = arith.constant 32 : i32
      %mul3A_314 = arith.muli %scan3A_303, %mul3A_313 : i32
      %add3A_315 = arith.addi %mul3A_314, %add3A : i32
      %add3A_316 = arith.constant 32 : i32
      %add3A_317 = arith.addi %add3A_315, %add3A_316 : i32
      %add3A_318 = arith.constant 64 : i32
      %add3A_319 = arith.addi %add3A_315, %add3A_318 : i32
      %sub3A = arith.constant 64 : i32
      %sub3A_320 = arith.subi %add3A_315, %sub3A : i32
      %lt3A = arith.constant 2028 : i32
      %lt3A_321 = arith.cmpi slt, %add3A_317, %lt3A : i32
      %convert_element_type3A = arith.extui %lt3A_321 : i1 to i32
      %cond3A = arith.constant 0 : i32
      %cond3A_322 = arith.cmpi ne, %convert_element_type3A, %cond3A : i32
      scf.if %cond3A_322 {
        %sub3A_351 = arith.constant 1 : i32
        %sub3A_352 = arith.subi %sub3A_351, %rem3A_304 : i32
        %mul3A_353 = arith.constant 4 : i32
        %mul3A_354 = arith.muli %add3A_317, %mul3A_353 : i32
        %dma_start3A_355 = arith.constant 0 : i32
        %dma_start3A_356 = arith.constant 0 : i32
        %dma_start3A_357 = arith.constant 0 : i32
        %dma_start3A_358 = tpu.memref_slice %arg7[%sub3A_352, %dma_start3A_355, %dma_start3A_356, %dma_start3A_357] : memref<2x4x4x128xf32, #tpu.memory_space<vmem>> -> memref<1x4x4x128xf32, #tpu.memory_space<vmem>>
        %dma_start3A_359 = tpu.memref_squeeze %dma_start3A_358 : memref<1x4x4x128xf32, #tpu.memory_space<vmem>> -> memref<4x4x128xf32, #tpu.memory_space<vmem>>
        %dma_start3A_360 = arith.constant 0 : i32
        %dma_start3A_361 = arith.constant 0 : i32
        %dma_start3A_362 = tpu.memref_slice %arg4[%mul3A_354, %dma_start3A_360, %dma_start3A_361] : memref<8112x4x128xf32, #tpu.memory_space<hbm>> -> memref<4x4x128xf32, #tpu.memory_space<hbm>>
        %dma_start3A_363 = arith.constant 0 : i32
        %dma_start3A_364 = arith.constant 0 : i32
        %dma_start3A_365 = arith.constant 0 : i32
        %dma_start3A_366 = tpu.memref_slice %arg7[%sub3A_352, %dma_start3A_363, %dma_start3A_364, %dma_start3A_365] : memref<2x4x4x128xf32, #tpu.memory_space<vmem>> -> memref<1x4x4x128xf32, #tpu.memory_space<vmem>>
        %dma_start3A_367 = tpu.memref_squeeze %dma_start3A_366 : memref<1x4x4x128xf32, #tpu.memory_space<vmem>> -> memref<4x4x128xf32, #tpu.memory_space<vmem>>
        %dma_start3A_368 = arith.constant 0 : i32
        %dma_start3A_369 = arith.constant 0 : i32
        %dma_start3A_370 = tpu.memref_slice %arg4[%mul3A_354, %dma_start3A_368, %dma_start3A_369] : memref<8112x4x128xf32, #tpu.memory_space<hbm>> -> memref<4x4x128xf32, #tpu.memory_space<hbm>>
        tpu.enqueue_dma source(%dma_start3A_370 : memref<4x4x128xf32, #tpu.memory_space<hbm>>) target(%dma_start3A_367 : memref<4x4x128xf32, #tpu.memory_space<vmem>>) target_semaphore(%arg12 : memref<!tpu.dma_semaphore, #tpu.memory_space<semaphore_mem>>)
      } else {
      }
      %lt3A_323 = arith.constant 2028 : i32
      %lt3A_324 = arith.cmpi slt, %add3A_317, %lt3A_323 : i32
      %convert_element_type3A_325 = arith.extui %lt3A_324 : i1 to i32
      %cond3A_326 = arith.constant 0 : i32
      %cond3A_327 = arith.cmpi ne, %convert_element_type3A_325, %cond3A_326 : i32
      scf.if %cond3A_327 {
        %dma_wait3A = arith.constant 0 : i32
        %dma_wait3A_351 = arith.constant 0 : i32
        %dma_wait3A_352 = arith.constant 0 : i32
        %dma_wait3A_353 = tpu.memref_slice %arg6[%rem3A_308, %dma_wait3A, %dma_wait3A_351, %dma_wait3A_352] : memref<3x4x4x128xi32, #tpu.memory_space<vmem>> -> memref<1x4x4x128xi32, #tpu.memory_space<vmem>>
        %dma_wait3A_354 = tpu.memref_squeeze %dma_wait3A_353 : memref<1x4x4x128xi32, #tpu.memory_space<vmem>> -> memref<4x4x128xi32, #tpu.memory_space<vmem>>
        %dma_wait3A_355 = arith.constant 0 : i32
        %dma_wait3A_356 = arith.constant 0 : i32
        %dma_wait3A_357 = arith.constant 0 : i32
        %dma_wait3A_358 = tpu.memref_slice %arg3[%dma_wait3A_355, %dma_wait3A_356, %dma_wait3A_357] : memref<8112x4x128xi32, #tpu.memory_space<hbm>> -> memref<4x4x128xi32, #tpu.memory_space<hbm>>
        %dma_wait3A_359 = arith.constant 0 : i32
        %dma_wait3A_360 = arith.constant 0 : i32
        %dma_wait3A_361 = arith.constant 0 : i32
        %dma_wait3A_362 = tpu.memref_slice %arg6[%rem3A_308, %dma_wait3A_359, %dma_wait3A_360, %dma_wait3A_361] : memref<3x4x4x128xi32, #tpu.memory_space<vmem>> -> memref<1x4x4x128xi32, #tpu.memory_space<vmem>>
        %dma_wait3A_363 = tpu.memref_squeeze %dma_wait3A_362 : memref<1x4x4x128xi32, #tpu.memory_space<vmem>> -> memref<4x4x128xi32, #tpu.memory_space<vmem>>
        %dma_wait3A_364 = arith.constant 0 : i32
        %dma_wait3A_365 = arith.constant 0 : i32
        %dma_wait3A_366 = arith.constant 0 : i32
        %dma_wait3A_367 = tpu.memref_slice %arg3[%dma_wait3A_364, %dma_wait3A_365, %dma_wait3A_366] : memref<8112x4x128xi32, #tpu.memory_space<hbm>> -> memref<4x4x128xi32, #tpu.memory_space<hbm>>
        tpu.wait_dma2 semaphore(%arg11 : memref<!tpu.dma_semaphore, #tpu.memory_space<semaphore_mem>>) src(%dma_wait3A_367 : memref<4x4x128xi32, #tpu.memory_space<hbm>>) dst(%dma_wait3A_363 : memref<4x4x128xi32, #tpu.memory_space<vmem>>)
        %sub3A_368 = arith.constant 1 : i32
        %sub3A_369 = arith.subi %sub3A_368, %rem3A_304 : i32
        %dma_start3A_370 = arith.constant 0 : i32
        %dma_start3A_371 = arith.constant 0 : i32
        %dma_start3A_372 = arith.constant 0 : i32
        %dma_start3A_373 = arith.constant 0 : i32
        %dma_start3A_374 = arith.constant 0 : i32
        %dma_start3A_375 = arith.constant 0 : i32
        %dma_start3A_376 = tpu.memref_slice %arg8[%sub3A_369, %dma_start3A_372, %dma_start3A_373, %dma_start3A_374, %dma_start3A_375] : memref<2x4x4x128x16xf32, #tpu.memory_space<vmem>> -> memref<1x1x1x128x16xf32, #tpu.memory_space<vmem>>
        %dma_start3A_377 = tpu.memref_squeeze %dma_start3A_376 : memref<1x1x1x128x16xf32, #tpu.memory_space<vmem>> -> memref<128x16xf32, #tpu.memory_space<vmem>>
        %dma_start3A_378 = arith.constant 0 : i32
        %dma_start3A_379 = tpu.memref_slice %arg6[%rem3A_308, %dma_start3A_370, %dma_start3A_371, %dma_start3A_378] : memref<3x4x4x128xi32, #tpu.memory_space<vmem>> -> memref<1x1x1x128xi32, #tpu.memory_space<vmem>>
        %dma_start3A_380 = tpu.memref_squeeze %dma_start3A_379 : memref<1x1x1x128xi32, #tpu.memory_space<vmem>> -> memref<128xi32, #tpu.memory_space<vmem>>
        %dma_start3A_381 = arith.constant 0 : i32
        %dma_start3A_382 = arith.constant 0 : i32
        %dma_start3A_383 = tpu.memref_slice %arg2[%dma_start3A_381, %dma_start3A_382] : memref<196608x16xf32, #tpu.memory_space<hbm>> -> memref<196608x16xf32, #tpu.memory_space<hbm>>
        tpu.enqueue_indirect_dma source(%dma_start3A_383 : memref<196608x16xf32, #tpu.memory_space<hbm>>) target(%dma_start3A_377 : memref<128x16xf32, #tpu.memory_space<vmem>>) offsets(%dma_start3A_380 : memref<128xi32, #tpu.memory_space<vmem>>) semaphore(%arg10 : memref<!tpu.dma_semaphore, #tpu.memory_space<semaphore_mem>>)
        %dma_start3A_384 = arith.constant 0 : i32
        %dma_start3A_385 = arith.constant 1 : i32
        %dma_start3A_386 = arith.constant 0 : i32
        %dma_start3A_387 = arith.constant 1 : i32
        %dma_start3A_388 = arith.constant 0 : i32
        %dma_start3A_389 = arith.constant 0 : i32
        %dma_start3A_390 = tpu.memref_slice %arg8[%sub3A_369, %dma_start3A_386, %dma_start3A_387, %dma_start3A_388, %dma_start3A_389] : memref<2x4x4x128x16xf32, #tpu.memory_space<vmem>> -> memref<1x1x1x128x16xf32, #tpu.memory_space<vmem>>
        %dma_start3A_391 = tpu.memref_squeeze %dma_start3A_390 : memref<1x1x1x128x16xf32, #tpu.memory_space<vmem>> -> memref<128x16xf32, #tpu.memory_space<vmem>>
        %dma_start3A_392 = arith.constant 0 : i32
        %dma_start3A_393 = tpu.memref_slice %arg6[%rem3A_308, %dma_start3A_384, %dma_start3A_385, %dma_start3A_392] : memref<3x4x4x128xi32, #tpu.memory_space<vmem>> -> memref<1x1x1x128xi32, #tpu.memory_space<vmem>>
        %dma_start3A_394 = tpu.memref_squeeze %dma_start3A_393 : memref<1x1x1x128xi32, #tpu.memory_space<vmem>> -> memref<128xi32, #tpu.memory_space<vmem>>
        %dma_start3A_395 = arith.constant 0 : i32
        %dma_start3A_396 = arith.constant 0 : i32
        %dma_start3A_397 = tpu.memref_slice %arg2[%dma_start3A_395, %dma_start3A_396] : memref<196608x16xf32, #tpu.memory_space<hbm>> -> memref<196608x16xf32, #tpu.memory_space<hbm>>
        tpu.enqueue_indirect_dma source(%dma_start3A_397 : memref<196608x16xf32, #tpu.memory_space<hbm>>) target(%dma_start3A_391 : memref<128x16xf32, #tpu.memory_space<vmem>>) offsets(%dma_start3A_394 : memref<128xi32, #tpu.memory_space<vmem>>) semaphore(%arg10 : memref<!tpu.dma_semaphore, #tpu.memory_space<semaphore_mem>>)
        %dma_start3A_398 = arith.constant 0 : i32
        %dma_start3A_399 = arith.constant 2 : i32
        %dma_start3A_400 = arith.constant 0 : i32
        %dma_start3A_401 = arith.constant 2 : i32
        %dma_start3A_402 = arith.constant 0 : i32
        %dma_start3A_403 = arith.constant 0 : i32
        %dma_start3A_404 = tpu.memref_slice %arg8[%sub3A_369, %dma_start3A_400, %dma_start3A_401, %dma_start3A_402, %dma_start3A_403] : memref<2x4x4x128x16xf32, #tpu.memory_space<vmem>> -> memref<1x1x1x128x16xf32, #tpu.memory_space<vmem>>
        %dma_start3A_405 = tpu.memref_squeeze %dma_start3A_404 : memref<1x1x1x128x16xf32, #tpu.memory_space<vmem>> -> memref<128x16xf32, #tpu.memory_space<vmem>>
        %dma_start3A_406 = arith.constant 0 : i32
        %dma_start3A_407 = tpu.memref_slice %arg6[%rem3A_308, %dma_start3A_398, %dma_start3A_399, %dma_start3A_406] : memref<3x4x4x128xi32, #tpu.memory_space<vmem>> -> memref<1x1x1x128xi32, #tpu.memory_space<vmem>>
        %dma_start3A_408 = tpu.memref_squeeze %dma_start3A_407 : memref<1x1x1x128xi32, #tpu.memory_space<vmem>> -> memref<128xi32, #tpu.memory_space<vmem>>
        %dma_start3A_409 = arith.constant 0 : i32
        %dma_start3A_410 = arith.constant 0 : i32
        %dma_start3A_411 = tpu.memref_slice %arg2[%dma_start3A_409, %dma_start3A_410] : memref<196608x16xf32, #tpu.memory_space<hbm>> -> memref<196608x16xf32, #tpu.memory_space<hbm>>
        tpu.enqueue_indirect_dma source(%dma_start3A_411 : memref<196608x16xf32, #tpu.memory_space<hbm>>) target(%dma_start3A_405 : memref<128x16xf32, #tpu.memory_space<vmem>>) offsets(%dma_start3A_408 : memref<128xi32, #tpu.memory_space<vmem>>) semaphore(%arg10 : memref<!tpu.dma_semaphore, #tpu.memory_space<semaphore_mem>>)
        %dma_start3A_412 = arith.constant 0 : i32
        %dma_start3A_413 = arith.constant 3 : i32
        %dma_start3A_414 = arith.constant 0 : i32
        %dma_start3A_415 = arith.constant 3 : i32
        %dma_start3A_416 = arith.constant 0 : i32
        %dma_start3A_417 = arith.constant 0 : i32
        %dma_start3A_418 = tpu.memref_slice %arg8[%sub3A_369, %dma_start3A_414, %dma_start3A_415, %dma_start3A_416, %dma_start3A_417] : memref<2x4x4x128x16xf32, #tpu.memory_space<vmem>> -> memref<1x1x1x128x16xf32, #tpu.memory_space<vmem>>
        %dma_start3A_419 = tpu.memref_squeeze %dma_start3A_418 : memref<1x1x1x128x16xf32, #tpu.memory_space<vmem>> -> memref<128x16xf32, #tpu.memory_space<vmem>>
        %dma_start3A_420 = arith.constant 0 : i32
        %dma_start3A_421 = tpu.memref_slice %arg6[%rem3A_308, %dma_start3A_412, %dma_start3A_413, %dma_start3A_420] : memref<3x4x4x128xi32, #tpu.memory_space<vmem>> -> memref<1x1x1x128xi32, #tpu.memory_space<vmem>>
        %dma_start3A_422 = tpu.memref_squeeze %dma_start3A_421 : memref<1x1x1x128xi32, #tpu.memory_space<vmem>> -> memref<128xi32, #tpu.memory_space<vmem>>
        %dma_start3A_423 = arith.constant 0 : i32
        %dma_start3A_424 = arith.constant 0 : i32
        %dma_start3A_425 = tpu.memref_slice %arg2[%dma_start3A_423, %dma_start3A_424] : memref<196608x16xf32, #tpu.memory_space<hbm>> -> memref<196608x16xf32, #tpu.memory_space<hbm>>
        tpu.enqueue_indirect_dma source(%dma_start3A_425 : memref<196608x16xf32, #tpu.memory_space<hbm>>) target(%dma_start3A_419 : memref<128x16xf32, #tpu.memory_space<vmem>>) offsets(%dma_start3A_422 : memref<128xi32, #tpu.memory_space<vmem>>) semaphore(%arg10 : memref<!tpu.dma_semaphore, #tpu.memory_space<semaphore_mem>>)
        %dma_start3A_426 = arith.constant 1 : i32
        %dma_start3A_427 = arith.constant 0 : i32
        %dma_start3A_428 = arith.constant 1 : i32
        %dma_start3A_429 = arith.constant 0 : i32
        %dma_start3A_430 = arith.constant 0 : i32
        %dma_start3A_431 = arith.constant 0 : i32
        %dma_start3A_432 = tpu.memref_slice %arg8[%sub3A_369, %dma_start3A_428, %dma_start3A_429, %dma_start3A_430, %dma_start3A_431] : memref<2x4x4x128x16xf32, #tpu.memory_space<vmem>> -> memref<1x1x1x128x16xf32, #tpu.memory_space<vmem>>
        %dma_start3A_433 = tpu.memref_squeeze %dma_start3A_432 : memref<1x1x1x128x16xf32, #tpu.memory_space<vmem>> -> memref<128x16xf32, #tpu.memory_space<vmem>>
        %dma_start3A_434 = arith.constant 0 : i32
        %dma_start3A_435 = tpu.memref_slice %arg6[%rem3A_308, %dma_start3A_426, %dma_start3A_427, %dma_start3A_434] : memref<3x4x4x128xi32, #tpu.memory_space<vmem>> -> memref<1x1x1x128xi32, #tpu.memory_space<vmem>>
        %dma_start3A_436 = tpu.memref_squeeze %dma_start3A_435 : memref<1x1x1x128xi32, #tpu.memory_space<vmem>> -> memref<128xi32, #tpu.memory_space<vmem>>
        %dma_start3A_437 = arith.constant 0 : i32
        %dma_start3A_438 = arith.constant 0 : i32
        %dma_start3A_439 = tpu.memref_slice %arg2[%dma_start3A_437, %dma_start3A_438] : memref<196608x16xf32, #tpu.memory_space<hbm>> -> memref<196608x16xf32, #tpu.memory_space<hbm>>
        tpu.enqueue_indirect_dma source(%dma_start3A_439 : memref<196608x16xf32, #tpu.memory_space<hbm>>) target(%dma_start3A_433 : memref<128x16xf32, #tpu.memory_space<vmem>>) offsets(%dma_start3A_436 : memref<128xi32, #tpu.memory_space<vmem>>) semaphore(%arg10 : memref<!tpu.dma_semaphore, #tpu.memory_space<semaphore_mem>>)
        %dma_start3A_440 = arith.constant 1 : i32
        %dma_start3A_441 = arith.constant 1 : i32
        %dma_start3A_442 = arith.constant 1 : i32
        %dma_start3A_443 = arith.constant 1 : i32
        %dma_start3A_444 = arith.constant 0 : i32
        %dma_start3A_445 = arith.constant 0 : i32
        %dma_start3A_446 = tpu.memref_slice %arg8[%sub3A_369, %dma_start3A_442, %dma_start3A_443, %dma_start3A_444, %dma_start3A_445] : memref<2x4x4x128x16xf32, #tpu.memory_space<vmem>> -> memref<1x1x1x128x16xf32, #tpu.memory_space<vmem>>
        %dma_start3A_447 = tpu.memref_squeeze %dma_start3A_446 : memref<1x1x1x128x16xf32, #tpu.memory_space<vmem>> -> memref<128x16xf32, #tpu.memory_space<vmem>>
        %dma_start3A_448 = arith.constant 0 : i32
        %dma_start3A_449 = tpu.memref_slice %arg6[%rem3A_308, %dma_start3A_440, %dma_start3A_441, %dma_start3A_448] : memref<3x4x4x128xi32, #tpu.memory_space<vmem>> -> memref<1x1x1x128xi32, #tpu.memory_space<vmem>>
        %dma_start3A_450 = tpu.memref_squeeze %dma_start3A_449 : memref<1x1x1x128xi32, #tpu.memory_space<vmem>> -> memref<128xi32, #tpu.memory_space<vmem>>
        %dma_start3A_451 = arith.constant 0 : i32
        %dma_start3A_452 = arith.constant 0 : i32
        %dma_start3A_453 = tpu.memref_slice %arg2[%dma_start3A_451, %dma_start3A_452] : memref<196608x16xf32, #tpu.memory_space<hbm>> -> memref<196608x16xf32, #tpu.memory_space<hbm>>
        tpu.enqueue_indirect_dma source(%dma_start3A_453 : memref<196608x16xf32, #tpu.memory_space<hbm>>) target(%dma_start3A_447 : memref<128x16xf32, #tpu.memory_space<vmem>>) offsets(%dma_start3A_450 : memref<128xi32, #tpu.memory_space<vmem>>) semaphore(%arg10 : memref<!tpu.dma_semaphore, #tpu.memory_space<semaphore_mem>>)
        %dma_start3A_454 = arith.constant 1 : i32
        %dma_start3A_455 = arith.constant 2 : i32
        %dma_start3A_456 = arith.constant 1 : i32
        %dma_start3A_457 = arith.constant 2 : i32
        %dma_start3A_458 = arith.constant 0 : i32
        %dma_start3A_459 = arith.constant 0 : i32
        %dma_start3A_460 = tpu.memref_slice %arg8[%sub3A_369, %dma_start3A_456, %dma_start3A_457, %dma_start3A_458, %dma_start3A_459] : memref<2x4x4x128x16xf32, #tpu.memory_space<vmem>> -> memref<1x1x1x128x16xf32, #tpu.memory_space<vmem>>
        %dma_start3A_461 = tpu.memref_squeeze %dma_start3A_460 : memref<1x1x1x128x16xf32, #tpu.memory_space<vmem>> -> memref<128x16xf32, #tpu.memory_space<vmem>>
        %dma_start3A_462 = arith.constant 0 : i32
        %dma_start3A_463 = tpu.memref_slice %arg6[%rem3A_308, %dma_start3A_454, %dma_start3A_455, %dma_start3A_462] : memref<3x4x4x128xi32, #tpu.memory_space<vmem>> -> memref<1x1x1x128xi32, #tpu.memory_space<vmem>>
        %dma_start3A_464 = tpu.memref_squeeze %dma_start3A_463 : memref<1x1x1x128xi32, #tpu.memory_space<vmem>> -> memref<128xi32, #tpu.memory_space<vmem>>
        %dma_start3A_465 = arith.constant 0 : i32
        %dma_start3A_466 = arith.constant 0 : i32
        %dma_start3A_467 = tpu.memref_slice %arg2[%dma_start3A_465, %dma_start3A_466] : memref<196608x16xf32, #tpu.memory_space<hbm>> -> memref<196608x16xf32, #tpu.memory_space<hbm>>
        tpu.enqueue_indirect_dma source(%dma_start3A_467 : memref<196608x16xf32, #tpu.memory_space<hbm>>) target(%dma_start3A_461 : memref<128x16xf32, #tpu.memory_space<vmem>>) offsets(%dma_start3A_464 : memref<128xi32, #tpu.memory_space<vmem>>) semaphore(%arg10 : memref<!tpu.dma_semaphore, #tpu.memory_space<semaphore_mem>>)
        %dma_start3A_468 = arith.constant 1 : i32
        %dma_start3A_469 = arith.constant 3 : i32
        %dma_start3A_470 = arith.constant 1 : i32
        %dma_start3A_471 = arith.constant 3 : i32
        %dma_start3A_472 = arith.constant 0 : i32
        %dma_start3A_473 = arith.constant 0 : i32
        %dma_start3A_474 = tpu.memref_slice %arg8[%sub3A_369, %dma_start3A_470, %dma_start3A_471, %dma_start3A_472, %dma_start3A_473] : memref<2x4x4x128x16xf32, #tpu.memory_space<vmem>> -> memref<1x1x1x128x16xf32, #tpu.memory_space<vmem>>
        %dma_start3A_475 = tpu.memref_squeeze %dma_start3A_474 : memref<1x1x1x128x16xf32, #tpu.memory_space<vmem>> -> memref<128x16xf32, #tpu.memory_space<vmem>>
        %dma_start3A_476 = arith.constant 0 : i32
        %dma_start3A_477 = tpu.memref_slice %arg6[%rem3A_308, %dma_start3A_468, %dma_start3A_469, %dma_start3A_476] : memref<3x4x4x128xi32, #tpu.memory_space<vmem>> -> memref<1x1x1x128xi32, #tpu.memory_space<vmem>>
        %dma_start3A_478 = tpu.memref_squeeze %dma_start3A_477 : memref<1x1x1x128xi32, #tpu.memory_space<vmem>> -> memref<128xi32, #tpu.memory_space<vmem>>
        %dma_start3A_479 = arith.constant 0 : i32
        %dma_start3A_480 = arith.constant 0 : i32
        %dma_start3A_481 = tpu.memref_slice %arg2[%dma_start3A_479, %dma_start3A_480] : memref<196608x16xf32, #tpu.memory_space<hbm>> -> memref<196608x16xf32, #tpu.memory_space<hbm>>
        tpu.enqueue_indirect_dma source(%dma_start3A_481 : memref<196608x16xf32, #tpu.memory_space<hbm>>) target(%dma_start3A_475 : memref<128x16xf32, #tpu.memory_space<vmem>>) offsets(%dma_start3A_478 : memref<128xi32, #tpu.memory_space<vmem>>) semaphore(%arg10 : memref<!tpu.dma_semaphore, #tpu.memory_space<semaphore_mem>>)
        %dma_start3A_482 = arith.constant 2 : i32
        %dma_start3A_483 = arith.constant 0 : i32
        %dma_start3A_484 = arith.constant 2 : i32
        %dma_start3A_485 = arith.constant 0 : i32
        %dma_start3A_486 = arith.constant 0 : i32
        %dma_start3A_487 = arith.constant 0 : i32
        %dma_start3A_488 = tpu.memref_slice %arg8[%sub3A_369, %dma_start3A_484, %dma_start3A_485, %dma_start3A_486, %dma_start3A_487] : memref<2x4x4x128x16xf32, #tpu.memory_space<vmem>> -> memref<1x1x1x128x16xf32, #tpu.memory_space<vmem>>
        %dma_start3A_489 = tpu.memref_squeeze %dma_start3A_488 : memref<1x1x1x128x16xf32, #tpu.memory_space<vmem>> -> memref<128x16xf32, #tpu.memory_space<vmem>>
        %dma_start3A_490 = arith.constant 0 : i32
        %dma_start3A_491 = tpu.memref_slice %arg6[%rem3A_308, %dma_start3A_482, %dma_start3A_483, %dma_start3A_490] : memref<3x4x4x128xi32, #tpu.memory_space<vmem>> -> memref<1x1x1x128xi32, #tpu.memory_space<vmem>>
        %dma_start3A_492 = tpu.memref_squeeze %dma_start3A_491 : memref<1x1x1x128xi32, #tpu.memory_space<vmem>> -> memref<128xi32, #tpu.memory_space<vmem>>
        %dma_start3A_493 = arith.constant 0 : i32
        %dma_start3A_494 = arith.constant 0 : i32
        %dma_start3A_495 = tpu.memref_slice %arg2[%dma_start3A_493, %dma_start3A_494] : memref<196608x16xf32, #tpu.memory_space<hbm>> -> memref<196608x16xf32, #tpu.memory_space<hbm>>
        tpu.enqueue_indirect_dma source(%dma_start3A_495 : memref<196608x16xf32, #tpu.memory_space<hbm>>) target(%dma_start3A_489 : memref<128x16xf32, #tpu.memory_space<vmem>>) offsets(%dma_start3A_492 : memref<128xi32, #tpu.memory_space<vmem>>) semaphore(%arg10 : memref<!tpu.dma_semaphore, #tpu.memory_space<semaphore_mem>>)
        %dma_start3A_496 = arith.constant 2 : i32
        %dma_start3A_497 = arith.constant 1 : i32
        %dma_start3A_498 = arith.constant 2 : i32
        %dma_start3A_499 = arith.constant 1 : i32
        %dma_start3A_500 = arith.constant 0 : i32
        %dma_start3A_501 = arith.constant 0 : i32
        %dma_start3A_502 = tpu.memref_slice %arg8[%sub3A_369, %dma_start3A_498, %dma_start3A_499, %dma_start3A_500, %dma_start3A_501] : memref<2x4x4x128x16xf32, #tpu.memory_space<vmem>> -> memref<1x1x1x128x16xf32, #tpu.memory_space<vmem>>
        %dma_start3A_503 = tpu.memref_squeeze %dma_start3A_502 : memref<1x1x1x128x16xf32, #tpu.memory_space<vmem>> -> memref<128x16xf32, #tpu.memory_space<vmem>>
        %dma_start3A_504 = arith.constant 0 : i32
        %dma_start3A_505 = tpu.memref_slice %arg6[%rem3A_308, %dma_start3A_496, %dma_start3A_497, %dma_start3A_504] : memref<3x4x4x128xi32, #tpu.memory_space<vmem>> -> memref<1x1x1x128xi32, #tpu.memory_space<vmem>>
        %dma_start3A_506 = tpu.memref_squeeze %dma_start3A_505 : memref<1x1x1x128xi32, #tpu.memory_space<vmem>> -> memref<128xi32, #tpu.memory_space<vmem>>
        %dma_start3A_507 = arith.constant 0 : i32
        %dma_start3A_508 = arith.constant 0 : i32
        %dma_start3A_509 = tpu.memref_slice %arg2[%dma_start3A_507, %dma_start3A_508] : memref<196608x16xf32, #tpu.memory_space<hbm>> -> memref<196608x16xf32, #tpu.memory_space<hbm>>
        tpu.enqueue_indirect_dma source(%dma_start3A_509 : memref<196608x16xf32, #tpu.memory_space<hbm>>) target(%dma_start3A_503 : memref<128x16xf32, #tpu.memory_space<vmem>>) offsets(%dma_start3A_506 : memref<128xi32, #tpu.memory_space<vmem>>) semaphore(%arg10 : memref<!tpu.dma_semaphore, #tpu.memory_space<semaphore_mem>>)
        %dma_start3A_510 = arith.constant 2 : i32
        %dma_start3A_511 = arith.constant 2 : i32
        %dma_start3A_512 = arith.constant 2 : i32
        %dma_start3A_513 = arith.constant 2 : i32
        %dma_start3A_514 = arith.constant 0 : i32
        %dma_start3A_515 = arith.constant 0 : i32
        %dma_start3A_516 = tpu.memref_slice %arg8[%sub3A_369, %dma_start3A_512, %dma_start3A_513, %dma_start3A_514, %dma_start3A_515] : memref<2x4x4x128x16xf32, #tpu.memory_space<vmem>> -> memref<1x1x1x128x16xf32, #tpu.memory_space<vmem>>
        %dma_start3A_517 = tpu.memref_squeeze %dma_start3A_516 : memref<1x1x1x128x16xf32, #tpu.memory_space<vmem>> -> memref<128x16xf32, #tpu.memory_space<vmem>>
        %dma_start3A_518 = arith.constant 0 : i32
        %dma_start3A_519 = tpu.memref_slice %arg6[%rem3A_308, %dma_start3A_510, %dma_start3A_511, %dma_start3A_518] : memref<3x4x4x128xi32, #tpu.memory_space<vmem>> -> memref<1x1x1x128xi32, #tpu.memory_space<vmem>>
        %dma_start3A_520 = tpu.memref_squeeze %dma_start3A_519 : memref<1x1x1x128xi32, #tpu.memory_space<vmem>> -> memref<128xi32, #tpu.memory_space<vmem>>
        %dma_start3A_521 = arith.constant 0 : i32
        %dma_start3A_522 = arith.constant 0 : i32
        %dma_start3A_523 = tpu.memref_slice %arg2[%dma_start3A_521, %dma_start3A_522] : memref<196608x16xf32, #tpu.memory_space<hbm>> -> memref<196608x16xf32, #tpu.memory_space<hbm>>
        tpu.enqueue_indirect_dma source(%dma_start3A_523 : memref<196608x16xf32, #tpu.memory_space<hbm>>) target(%dma_start3A_517 : memref<128x16xf32, #tpu.memory_space<vmem>>) offsets(%dma_start3A_520 : memref<128xi32, #tpu.memory_space<vmem>>) semaphore(%arg10 : memref<!tpu.dma_semaphore, #tpu.memory_space<semaphore_mem>>)
        %dma_start3A_524 = arith.constant 2 : i32
        %dma_start3A_525 = arith.constant 3 : i32
        %dma_start3A_526 = arith.constant 2 : i32
        %dma_start3A_527 = arith.constant 3 : i32
        %dma_start3A_528 = arith.constant 0 : i32
        %dma_start3A_529 = arith.constant 0 : i32
        %dma_start3A_530 = tpu.memref_slice %arg8[%sub3A_369, %dma_start3A_526, %dma_start3A_527, %dma_start3A_528, %dma_start3A_529] : memref<2x4x4x128x16xf32, #tpu.memory_space<vmem>> -> memref<1x1x1x128x16xf32, #tpu.memory_space<vmem>>
        %dma_start3A_531 = tpu.memref_squeeze %dma_start3A_530 : memref<1x1x1x128x16xf32, #tpu.memory_space<vmem>> -> memref<128x16xf32, #tpu.memory_space<vmem>>
        %dma_start3A_532 = arith.constant 0 : i32
        %dma_start3A_533 = tpu.memref_slice %arg6[%rem3A_308, %dma_start3A_524, %dma_start3A_525, %dma_start3A_532] : memref<3x4x4x128xi32, #tpu.memory_space<vmem>> -> memref<1x1x1x128xi32, #tpu.memory_space<vmem>>
        %dma_start3A_534 = tpu.memref_squeeze %dma_start3A_533 : memref<1x1x1x128xi32, #tpu.memory_space<vmem>> -> memref<128xi32, #tpu.memory_space<vmem>>
        %dma_start3A_535 = arith.constant 0 : i32
        %dma_start3A_536 = arith.constant 0 : i32
        %dma_start3A_537 = tpu.memref_slice %arg2[%dma_start3A_535, %dma_start3A_536] : memref<196608x16xf32, #tpu.memory_space<hbm>> -> memref<196608x16xf32, #tpu.memory_space<hbm>>
        tpu.enqueue_indirect_dma source(%dma_start3A_537 : memref<196608x16xf32, #tpu.memory_space<hbm>>) target(%dma_start3A_531 : memref<128x16xf32, #tpu.memory_space<vmem>>) offsets(%dma_start3A_534 : memref<128xi32, #tpu.memory_space<vmem>>) semaphore(%arg10 : memref<!tpu.dma_semaphore, #tpu.memory_space<semaphore_mem>>)
        %dma_start3A_538 = arith.constant 3 : i32
        %dma_start3A_539 = arith.constant 0 : i32
        %dma_start3A_540 = arith.constant 3 : i32
        %dma_start3A_541 = arith.constant 0 : i32
        %dma_start3A_542 = arith.constant 0 : i32
        %dma_start3A_543 = arith.constant 0 : i32
        %dma_start3A_544 = tpu.memref_slice %arg8[%sub3A_369, %dma_start3A_540, %dma_start3A_541, %dma_start3A_542, %dma_start3A_543] : memref<2x4x4x128x16xf32, #tpu.memory_space<vmem>> -> memref<1x1x1x128x16xf32, #tpu.memory_space<vmem>>
        %dma_start3A_545 = tpu.memref_squeeze %dma_start3A_544 : memref<1x1x1x128x16xf32, #tpu.memory_space<vmem>> -> memref<128x16xf32, #tpu.memory_space<vmem>>
        %dma_start3A_546 = arith.constant 0 : i32
        %dma_start3A_547 = tpu.memref_slice %arg6[%rem3A_308, %dma_start3A_538, %dma_start3A_539, %dma_start3A_546] : memref<3x4x4x128xi32, #tpu.memory_space<vmem>> -> memref<1x1x1x128xi32, #tpu.memory_space<vmem>>
        %dma_start3A_548 = tpu.memref_squeeze %dma_start3A_547 : memref<1x1x1x128xi32, #tpu.memory_space<vmem>> -> memref<128xi32, #tpu.memory_space<vmem>>
        %dma_start3A_549 = arith.constant 0 : i32
        %dma_start3A_550 = arith.constant 0 : i32
        %dma_start3A_551 = tpu.memref_slice %arg2[%dma_start3A_549, %dma_start3A_550] : memref<196608x16xf32, #tpu.memory_space<hbm>> -> memref<196608x16xf32, #tpu.memory_space<hbm>>
        tpu.enqueue_indirect_dma source(%dma_start3A_551 : memref<196608x16xf32, #tpu.memory_space<hbm>>) target(%dma_start3A_545 : memref<128x16xf32, #tpu.memory_space<vmem>>) offsets(%dma_start3A_548 : memref<128xi32, #tpu.memory_space<vmem>>) semaphore(%arg10 : memref<!tpu.dma_semaphore, #tpu.memory_space<semaphore_mem>>)
        %dma_start3A_552 = arith.constant 3 : i32
        %dma_start3A_553 = arith.constant 1 : i32
        %dma_start3A_554 = arith.constant 3 : i32
        %dma_start3A_555 = arith.constant 1 : i32
        %dma_start3A_556 = arith.constant 0 : i32
        %dma_start3A_557 = arith.constant 0 : i32
        %dma_start3A_558 = tpu.memref_slice %arg8[%sub3A_369, %dma_start3A_554, %dma_start3A_555, %dma_start3A_556, %dma_start3A_557] : memref<2x4x4x128x16xf32, #tpu.memory_space<vmem>> -> memref<1x1x1x128x16xf32, #tpu.memory_space<vmem>>
        %dma_start3A_559 = tpu.memref_squeeze %dma_start3A_558 : memref<1x1x1x128x16xf32, #tpu.memory_space<vmem>> -> memref<128x16xf32, #tpu.memory_space<vmem>>
        %dma_start3A_560 = arith.constant 0 : i32
        %dma_start3A_561 = tpu.memref_slice %arg6[%rem3A_308, %dma_start3A_552, %dma_start3A_553, %dma_start3A_560] : memref<3x4x4x128xi32, #tpu.memory_space<vmem>> -> memref<1x1x1x128xi32, #tpu.memory_space<vmem>>
        %dma_start3A_562 = tpu.memref_squeeze %dma_start3A_561 : memref<1x1x1x128xi32, #tpu.memory_space<vmem>> -> memref<128xi32, #tpu.memory_space<vmem>>
        %dma_start3A_563 = arith.constant 0 : i32
        %dma_start3A_564 = arith.constant 0 : i32
        %dma_start3A_565 = tpu.memref_slice %arg2[%dma_start3A_563, %dma_start3A_564] : memref<196608x16xf32, #tpu.memory_space<hbm>> -> memref<196608x16xf32, #tpu.memory_space<hbm>>
        tpu.enqueue_indirect_dma source(%dma_start3A_565 : memref<196608x16xf32, #tpu.memory_space<hbm>>) target(%dma_start3A_559 : memref<128x16xf32, #tpu.memory_space<vmem>>) offsets(%dma_start3A_562 : memref<128xi32, #tpu.memory_space<vmem>>) semaphore(%arg10 : memref<!tpu.dma_semaphore, #tpu.memory_space<semaphore_mem>>)
        %dma_start3A_566 = arith.constant 3 : i32
        %dma_start3A_567 = arith.constant 2 : i32
        %dma_start3A_568 = arith.constant 3 : i32
        %dma_start3A_569 = arith.constant 2 : i32
        %dma_start3A_570 = arith.constant 0 : i32
        %dma_start3A_571 = arith.constant 0 : i32
        %dma_start3A_572 = tpu.memref_slice %arg8[%sub3A_369, %dma_start3A_568, %dma_start3A_569, %dma_start3A_570, %dma_start3A_571] : memref<2x4x4x128x16xf32, #tpu.memory_space<vmem>> -> memref<1x1x1x128x16xf32, #tpu.memory_space<vmem>>
        %dma_start3A_573 = tpu.memref_squeeze %dma_start3A_572 : memref<1x1x1x128x16xf32, #tpu.memory_space<vmem>> -> memref<128x16xf32, #tpu.memory_space<vmem>>
        %dma_start3A_574 = arith.constant 0 : i32
        %dma_start3A_575 = tpu.memref_slice %arg6[%rem3A_308, %dma_start3A_566, %dma_start3A_567, %dma_start3A_574] : memref<3x4x4x128xi32, #tpu.memory_space<vmem>> -> memref<1x1x1x128xi32, #tpu.memory_space<vmem>>
        %dma_start3A_576 = tpu.memref_squeeze %dma_start3A_575 : memref<1x1x1x128xi32, #tpu.memory_space<vmem>> -> memref<128xi32, #tpu.memory_space<vmem>>
        %dma_start3A_577 = arith.constant 0 : i32
        %dma_start3A_578 = arith.constant 0 : i32
        %dma_start3A_579 = tpu.memref_slice %arg2[%dma_start3A_577, %dma_start3A_578] : memref<196608x16xf32, #tpu.memory_space<hbm>> -> memref<196608x16xf32, #tpu.memory_space<hbm>>
        tpu.enqueue_indirect_dma source(%dma_start3A_579 : memref<196608x16xf32, #tpu.memory_space<hbm>>) target(%dma_start3A_573 : memref<128x16xf32, #tpu.memory_space<vmem>>) offsets(%dma_start3A_576 : memref<128xi32, #tpu.memory_space<vmem>>) semaphore(%arg10 : memref<!tpu.dma_semaphore, #tpu.memory_space<semaphore_mem>>)
        %dma_start3A_580 = arith.constant 3 : i32
        %dma_start3A_581 = arith.constant 3 : i32
        %dma_start3A_582 = arith.constant 3 : i32
        %dma_start3A_583 = arith.constant 3 : i32
        %dma_start3A_584 = arith.constant 0 : i32
        %dma_start3A_585 = arith.constant 0 : i32
        %dma_start3A_586 = tpu.memref_slice %arg8[%sub3A_369, %dma_start3A_582, %dma_start3A_583, %dma_start3A_584, %dma_start3A_585] : memref<2x4x4x128x16xf32, #tpu.memory_space<vmem>> -> memref<1x1x1x128x16xf32, #tpu.memory_space<vmem>>
        %dma_start3A_587 = tpu.memref_squeeze %dma_start3A_586 : memref<1x1x1x128x16xf32, #tpu.memory_space<vmem>> -> memref<128x16xf32, #tpu.memory_space<vmem>>
        %dma_start3A_588 = arith.constant 0 : i32
        %dma_start3A_589 = tpu.memref_slice %arg6[%rem3A_308, %dma_start3A_580, %dma_start3A_581, %dma_start3A_588] : memref<3x4x4x128xi32, #tpu.memory_space<vmem>> -> memref<1x1x1x128xi32, #tpu.memory_space<vmem>>
        %dma_start3A_590 = tpu.memref_squeeze %dma_start3A_589 : memref<1x1x1x128xi32, #tpu.memory_space<vmem>> -> memref<128xi32, #tpu.memory_space<vmem>>
        %dma_start3A_591 = arith.constant 0 : i32
        %dma_start3A_592 = arith.constant 0 : i32
        %dma_start3A_593 = tpu.memref_slice %arg2[%dma_start3A_591, %dma_start3A_592] : memref<196608x16xf32, #tpu.memory_space<hbm>> -> memref<196608x16xf32, #tpu.memory_space<hbm>>
        tpu.enqueue_indirect_dma source(%dma_start3A_593 : memref<196608x16xf32, #tpu.memory_space<hbm>>) target(%dma_start3A_587 : memref<128x16xf32, #tpu.memory_space<vmem>>) offsets(%dma_start3A_590 : memref<128xi32, #tpu.memory_space<vmem>>) semaphore(%arg10 : memref<!tpu.dma_semaphore, #tpu.memory_space<semaphore_mem>>)
      } else {
      }
      %lt3A_328 = arith.constant 2028 : i32
      %lt3A_329 = arith.cmpi slt, %add3A_319, %lt3A_328 : i32
      %convert_element_type3A_330 = arith.extui %lt3A_329 : i1 to i32
      %cond3A_331 = arith.constant 0 : i32
      %cond3A_332 = arith.cmpi ne, %convert_element_type3A_330, %cond3A_331 : i32
      scf.if %cond3A_332 {
        %mul3A_351 = arith.constant 4 : i32
        %mul3A_352 = arith.muli %add3A_319, %mul3A_351 : i32
        %dma_start3A_353 = arith.constant 0 : i32
        %dma_start3A_354 = arith.constant 0 : i32
        %dma_start3A_355 = arith.constant 0 : i32
        %dma_start3A_356 = tpu.memref_slice %arg6[%rem3A_312, %dma_start3A_353, %dma_start3A_354, %dma_start3A_355] : memref<3x4x4x128xi32, #tpu.memory_space<vmem>> -> memref<1x4x4x128xi32, #tpu.memory_space<vmem>>
        %dma_start3A_357 = tpu.memref_squeeze %dma_start3A_356 : memref<1x4x4x128xi32, #tpu.memory_space<vmem>> -> memref<4x4x128xi32, #tpu.memory_space<vmem>>
        %dma_start3A_358 = arith.constant 0 : i32
        %dma_start3A_359 = arith.constant 0 : i32
        %dma_start3A_360 = tpu.memref_slice %arg3[%mul3A_352, %dma_start3A_358, %dma_start3A_359] : memref<8112x4x128xi32, #tpu.memory_space<hbm>> -> memref<4x4x128xi32, #tpu.memory_space<hbm>>
        %dma_start3A_361 = arith.constant 0 : i32
        %dma_start3A_362 = arith.constant 0 : i32
        %dma_start3A_363 = arith.constant 0 : i32
        %dma_start3A_364 = tpu.memref_slice %arg6[%rem3A_312, %dma_start3A_361, %dma_start3A_362, %dma_start3A_363] : memref<3x4x4x128xi32, #tpu.memory_space<vmem>> -> memref<1x4x4x128xi32, #tpu.memory_space<vmem>>
        %dma_start3A_365 = tpu.memref_squeeze %dma_start3A_364 : memref<1x4x4x128xi32, #tpu.memory_space<vmem>> -> memref<4x4x128xi32, #tpu.memory_space<vmem>>
        %dma_start3A_366 = arith.constant 0 : i32
        %dma_start3A_367 = arith.constant 0 : i32
        %dma_start3A_368 = tpu.memref_slice %arg3[%mul3A_352, %dma_start3A_366, %dma_start3A_367] : memref<8112x4x128xi32, #tpu.memory_space<hbm>> -> memref<4x4x128xi32, #tpu.memory_space<hbm>>
        tpu.enqueue_dma source(%dma_start3A_368 : memref<4x4x128xi32, #tpu.memory_space<hbm>>) target(%dma_start3A_365 : memref<4x4x128xi32, #tpu.memory_space<vmem>>) target_semaphore(%arg11 : memref<!tpu.dma_semaphore, #tpu.memory_space<semaphore_mem>>)
      } else {
      }
      %ge3A = arith.constant 2 : i32
      %ge3A_333 = arith.cmpi sge, %scan3A_303, %ge3A : i32
      %lt3A_334 = arith.constant 2027 : i32
      %lt3A_335 = arith.cmpi slt, %sub3A_320, %lt3A_334 : i32
      %and3A = arith.andi %ge3A_333, %lt3A_335 : i1
      %convert_element_type3A_336 = arith.extui %and3A : i1 to i32
      %cond3A_337 = arith.constant 0 : i32
      %cond3A_338 = arith.cmpi ne, %convert_element_type3A_336, %cond3A_337 : i32
      scf.if %cond3A_338 {
        %dma_wait3A = arith.constant 0 : i32
        %dma_wait3A_351 = arith.constant 0 : i32
        %dma_wait3A_352 = tpu.memref_slice %arg9[%rem3A_304, %dma_wait3A, %dma_wait3A_351] : memref<2x16x512xf32, #tpu.memory_space<vmem>> -> memref<1x16x512xf32, #tpu.memory_space<vmem>>
        %dma_wait3A_353 = tpu.memref_squeeze %dma_wait3A_352 : memref<1x16x512xf32, #tpu.memory_space<vmem>> -> memref<16x512xf32, #tpu.memory_space<vmem>>
        %dma_wait3A_354 = arith.constant 0 : i32
        %dma_wait3A_355 = arith.constant 0 : i32
        %dma_wait3A_356 = tpu.memref_slice %arg5[%dma_wait3A_354, %dma_wait3A_355] : memref<16x1038240xf32, #tpu.memory_space<hbm>> -> memref<16x512xf32, #tpu.memory_space<hbm>>
        %dma_wait3A_357 = arith.constant 0 : i32
        %dma_wait3A_358 = arith.constant 0 : i32
        %dma_wait3A_359 = tpu.memref_slice %arg9[%rem3A_304, %dma_wait3A_357, %dma_wait3A_358] : memref<2x16x512xf32, #tpu.memory_space<vmem>> -> memref<1x16x512xf32, #tpu.memory_space<vmem>>
        %dma_wait3A_360 = tpu.memref_squeeze %dma_wait3A_359 : memref<1x16x512xf32, #tpu.memory_space<vmem>> -> memref<16x512xf32, #tpu.memory_space<vmem>>
        %dma_wait3A_361 = arith.constant 0 : i32
        %dma_wait3A_362 = arith.constant 0 : i32
        %dma_wait3A_363 = tpu.memref_slice %arg5[%dma_wait3A_361, %dma_wait3A_362] : memref<16x1038240xf32, #tpu.memory_space<hbm>> -> memref<16x512xf32, #tpu.memory_space<hbm>>
        tpu.wait_dma2 semaphore(%arg13 : memref<!tpu.dma_semaphore, #tpu.memory_space<semaphore_mem>>) src(%dma_wait3A_363 : memref<16x512xf32, #tpu.memory_space<hbm>>) dst(%dma_wait3A_360 : memref<16x512xf32, #tpu.memory_space<vmem>>)
      } else {
      }
      %ge3A_339 = arith.constant 2 : i32
      %ge3A_340 = arith.cmpi sge, %scan3A_303, %ge3A_339 : i32
      %eq3A = arith.constant 2027 : i32
      %eq3A_341 = arith.cmpi eq, %sub3A_320, %eq3A : i32
      %and3A_342 = arith.andi %ge3A_340, %eq3A_341 : i1
      %convert_element_type3A_343 = arith.extui %and3A_342 : i1 to i32
      %cond3A_344 = arith.constant 0 : i32
      %cond3A_345 = arith.cmpi ne, %convert_element_type3A_343, %cond3A_344 : i32
      scf.if %cond3A_345 {
        %dma_wait3A = arith.constant 0 : i32
        %dma_wait3A_351 = arith.constant 0 : i32
        %dma_wait3A_352 = tpu.memref_slice %arg9[%rem3A_304, %dma_wait3A, %dma_wait3A_351] : memref<2x16x512xf32, #tpu.memory_space<vmem>> -> memref<1x16x416xf32, #tpu.memory_space<vmem>>
        %dma_wait3A_353 = tpu.memref_squeeze %dma_wait3A_352 : memref<1x16x416xf32, #tpu.memory_space<vmem>> -> memref<16x416xf32, #tpu.memory_space<vmem>>
        %dma_wait3A_354 = arith.constant 0 : i32
        %dma_wait3A_355 = arith.constant 0 : i32
        %dma_wait3A_356 = tpu.memref_slice %arg5[%dma_wait3A_354, %dma_wait3A_355] : memref<16x1038240xf32, #tpu.memory_space<hbm>> -> memref<16x416xf32, #tpu.memory_space<hbm>>
        %dma_wait3A_357 = arith.constant 0 : i32
        %dma_wait3A_358 = arith.constant 0 : i32
        %dma_wait3A_359 = tpu.memref_slice %arg9[%rem3A_304, %dma_wait3A_357, %dma_wait3A_358] : memref<2x16x512xf32, #tpu.memory_space<vmem>> -> memref<1x16x416xf32, #tpu.memory_space<vmem>>
        %dma_wait3A_360 = tpu.memref_squeeze %dma_wait3A_359 : memref<1x16x416xf32, #tpu.memory_space<vmem>> -> memref<16x416xf32, #tpu.memory_space<vmem>>
        %dma_wait3A_361 = arith.constant 0 : i32
        %dma_wait3A_362 = arith.constant 0 : i32
        %dma_wait3A_363 = tpu.memref_slice %arg5[%dma_wait3A_361, %dma_wait3A_362] : memref<16x1038240xf32, #tpu.memory_space<hbm>> -> memref<16x416xf32, #tpu.memory_space<hbm>>
        tpu.wait_dma2 semaphore(%arg13 : memref<!tpu.dma_semaphore, #tpu.memory_space<semaphore_mem>>) src(%dma_wait3A_363 : memref<16x416xf32, #tpu.memory_space<hbm>>) dst(%dma_wait3A_360 : memref<16x416xf32, #tpu.memory_space<vmem>>)
      } else {
      }
      %lt3A_346 = arith.constant 2028 : i32
      %lt3A_347 = arith.cmpi slt, %add3A_315, %lt3A_346 : i32
      %convert_element_type3A_348 = arith.extui %lt3A_347 : i1 to i32
      %cond3A_349 = arith.constant 0 : i32
      %cond3A_350 = arith.cmpi ne, %convert_element_type3A_348, %cond3A_349 : i32
      scf.if %cond3A_350 {
        %dma_wait3A = arith.constant 0 : i32
        %dma_wait3A_351 = arith.constant 0 : i32
        %dma_wait3A_352 = arith.constant 0 : i32
        %dma_wait3A_353 = tpu.memref_slice %arg7[%rem3A_304, %dma_wait3A, %dma_wait3A_351, %dma_wait3A_352] : memref<2x4x4x128xf32, #tpu.memory_space<vmem>> -> memref<1x4x4x128xf32, #tpu.memory_space<vmem>>
        %dma_wait3A_354 = tpu.memref_squeeze %dma_wait3A_353 : memref<1x4x4x128xf32, #tpu.memory_space<vmem>> -> memref<4x4x128xf32, #tpu.memory_space<vmem>>
        %dma_wait3A_355 = arith.constant 0 : i32
        %dma_wait3A_356 = arith.constant 0 : i32
        %dma_wait3A_357 = arith.constant 0 : i32
        %dma_wait3A_358 = tpu.memref_slice %arg4[%dma_wait3A_355, %dma_wait3A_356, %dma_wait3A_357] : memref<8112x4x128xf32, #tpu.memory_space<hbm>> -> memref<4x4x128xf32, #tpu.memory_space<hbm>>
        %dma_wait3A_359 = arith.constant 0 : i32
        %dma_wait3A_360 = arith.constant 0 : i32
        %dma_wait3A_361 = arith.constant 0 : i32
        %dma_wait3A_362 = tpu.memref_slice %arg7[%rem3A_304, %dma_wait3A_359, %dma_wait3A_360, %dma_wait3A_361] : memref<2x4x4x128xf32, #tpu.memory_space<vmem>> -> memref<1x4x4x128xf32, #tpu.memory_space<vmem>>
        %dma_wait3A_363 = tpu.memref_squeeze %dma_wait3A_362 : memref<1x4x4x128xf32, #tpu.memory_space<vmem>> -> memref<4x4x128xf32, #tpu.memory_space<vmem>>
        %dma_wait3A_364 = arith.constant 0 : i32
        %dma_wait3A_365 = arith.constant 0 : i32
        %dma_wait3A_366 = arith.constant 0 : i32
        %dma_wait3A_367 = tpu.memref_slice %arg4[%dma_wait3A_364, %dma_wait3A_365, %dma_wait3A_366] : memref<8112x4x128xf32, #tpu.memory_space<hbm>> -> memref<4x4x128xf32, #tpu.memory_space<hbm>>
        tpu.wait_dma2 semaphore(%arg12 : memref<!tpu.dma_semaphore, #tpu.memory_space<semaphore_mem>>) src(%dma_wait3A_367 : memref<4x4x128xf32, #tpu.memory_space<hbm>>) dst(%dma_wait3A_363 : memref<4x4x128xf32, #tpu.memory_space<vmem>>)
        %dma_wait3A_368 = arith.constant 0 : i32
        %dma_wait3A_369 = arith.constant 0 : i32
        %dma_wait3A_370 = arith.constant 0 : i32
        %dma_wait3A_371 = arith.constant 0 : i32
        %dma_wait3A_372 = tpu.memref_slice %arg8[%rem3A_304, %dma_wait3A_368, %dma_wait3A_369, %dma_wait3A_370, %dma_wait3A_371] : memref<2x4x4x128x16xf32, #tpu.memory_space<vmem>> -> memref<1x1x1x128x16xf32, #tpu.memory_space<vmem>>
        %dma_wait3A_373 = tpu.memref_squeeze %dma_wait3A_372 : memref<1x1x1x128x16xf32, #tpu.memory_space<vmem>> -> memref<128x16xf32, #tpu.memory_space<vmem>>
        %dma_wait3A_374 = arith.constant 0 : i32
        %dma_wait3A_375 = arith.constant 0 : i32
        %dma_wait3A_376 = tpu.memref_slice %arg2[%dma_wait3A_374, %dma_wait3A_375] : memref<196608x16xf32, #tpu.memory_space<hbm>> -> memref<128x16xf32, #tpu.memory_space<hbm>>
        %dma_wait3A_377 = arith.constant 0 : i32
        %dma_wait3A_378 = arith.constant 0 : i32
        %dma_wait3A_379 = tpu.memref_slice %arg8[%rem3A_304, %dma_wait3A_368, %dma_wait3A_369, %dma_wait3A_377, %dma_wait3A_378] : memref<2x4x4x128x16xf32, #tpu.memory_space<vmem>> -> memref<1x1x1x128x16xf32, #tpu.memory_space<vmem>>
        %dma_wait3A_380 = tpu.memref_squeeze %dma_wait3A_379 : memref<1x1x1x128x16xf32, #tpu.memory_space<vmem>> -> memref<128x16xf32, #tpu.memory_space<vmem>>
        %dma_wait3A_381 = arith.constant 0 : i32
        %dma_wait3A_382 = arith.constant 0 : i32
        %dma_wait3A_383 = tpu.memref_slice %arg2[%dma_wait3A_381, %dma_wait3A_382] : memref<196608x16xf32, #tpu.memory_space<hbm>> -> memref<128x16xf32, #tpu.memory_space<hbm>>
        tpu.wait_dma2 semaphore(%arg10 : memref<!tpu.dma_semaphore, #tpu.memory_space<semaphore_mem>>) src(%dma_wait3A_383 : memref<128x16xf32, #tpu.memory_space<hbm>>) dst(%dma_wait3A_380 : memref<128x16xf32, #tpu.memory_space<vmem>>)
        %dma_wait3A_384 = arith.constant 0 : i32
        %dma_wait3A_385 = arith.constant 1 : i32
        %dma_wait3A_386 = arith.constant 0 : i32
        %dma_wait3A_387 = arith.constant 0 : i32
        %dma_wait3A_388 = tpu.memref_slice %arg8[%rem3A_304, %dma_wait3A_384, %dma_wait3A_385, %dma_wait3A_386, %dma_wait3A_387] : memref<2x4x4x128x16xf32, #tpu.memory_space<vmem>> -> memref<1x1x1x128x16xf32, #tpu.memory_space<vmem>>
        %dma_wait3A_389 = tpu.memref_squeeze %dma_wait3A_388 : memref<1x1x1x128x16xf32, #tpu.memory_space<vmem>> -> memref<128x16xf32, #tpu.memory_space<vmem>>
        %dma_wait3A_390 = arith.constant 0 : i32
        %dma_wait3A_391 = arith.constant 0 : i32
        %dma_wait3A_392 = tpu.memref_slice %arg2[%dma_wait3A_390, %dma_wait3A_391] : memref<196608x16xf32, #tpu.memory_space<hbm>> -> memref<128x16xf32, #tpu.memory_space<hbm>>
        %dma_wait3A_393 = arith.constant 0 : i32
        %dma_wait3A_394 = arith.constant 0 : i32
        %dma_wait3A_395 = tpu.memref_slice %arg8[%rem3A_304, %dma_wait3A_384, %dma_wait3A_385, %dma_wait3A_393, %dma_wait3A_394] : memref<2x4x4x128x16xf32, #tpu.memory_space<vmem>> -> memref<1x1x1x128x16xf32, #tpu.memory_space<vmem>>
        %dma_wait3A_396 = tpu.memref_squeeze %dma_wait3A_395 : memref<1x1x1x128x16xf32, #tpu.memory_space<vmem>> -> memref<128x16xf32, #tpu.memory_space<vmem>>
        %dma_wait3A_397 = arith.constant 0 : i32
        %dma_wait3A_398 = arith.constant 0 : i32
        %dma_wait3A_399 = tpu.memref_slice %arg2[%dma_wait3A_397, %dma_wait3A_398] : memref<196608x16xf32, #tpu.memory_space<hbm>> -> memref<128x16xf32, #tpu.memory_space<hbm>>
        tpu.wait_dma2 semaphore(%arg10 : memref<!tpu.dma_semaphore, #tpu.memory_space<semaphore_mem>>) src(%dma_wait3A_399 : memref<128x16xf32, #tpu.memory_space<hbm>>) dst(%dma_wait3A_396 : memref<128x16xf32, #tpu.memory_space<vmem>>)
        %dma_wait3A_400 = arith.constant 0 : i32
        %dma_wait3A_401 = arith.constant 2 : i32
        %dma_wait3A_402 = arith.constant 0 : i32
        %dma_wait3A_403 = arith.constant 0 : i32
        %dma_wait3A_404 = tpu.memref_slice %arg8[%rem3A_304, %dma_wait3A_400, %dma_wait3A_401, %dma_wait3A_402, %dma_wait3A_403] : memref<2x4x4x128x16xf32, #tpu.memory_space<vmem>> -> memref<1x1x1x128x16xf32, #tpu.memory_space<vmem>>
        %dma_wait3A_405 = tpu.memref_squeeze %dma_wait3A_404 : memref<1x1x1x128x16xf32, #tpu.memory_space<vmem>> -> memref<128x16xf32, #tpu.memory_space<vmem>>
        %dma_wait3A_406 = arith.constant 0 : i32
        %dma_wait3A_407 = arith.constant 0 : i32
        %dma_wait3A_408 = tpu.memref_slice %arg2[%dma_wait3A_406, %dma_wait3A_407] : memref<196608x16xf32, #tpu.memory_space<hbm>> -> memref<128x16xf32, #tpu.memory_space<hbm>>
        %dma_wait3A_409 = arith.constant 0 : i32
        %dma_wait3A_410 = arith.constant 0 : i32
        %dma_wait3A_411 = tpu.memref_slice %arg8[%rem3A_304, %dma_wait3A_400, %dma_wait3A_401, %dma_wait3A_409, %dma_wait3A_410] : memref<2x4x4x128x16xf32, #tpu.memory_space<vmem>> -> memref<1x1x1x128x16xf32, #tpu.memory_space<vmem>>
        %dma_wait3A_412 = tpu.memref_squeeze %dma_wait3A_411 : memref<1x1x1x128x16xf32, #tpu.memory_space<vmem>> -> memref<128x16xf32, #tpu.memory_space<vmem>>
        %dma_wait3A_413 = arith.constant 0 : i32
        %dma_wait3A_414 = arith.constant 0 : i32
        %dma_wait3A_415 = tpu.memref_slice %arg2[%dma_wait3A_413, %dma_wait3A_414] : memref<196608x16xf32, #tpu.memory_space<hbm>> -> memref<128x16xf32, #tpu.memory_space<hbm>>
        tpu.wait_dma2 semaphore(%arg10 : memref<!tpu.dma_semaphore, #tpu.memory_space<semaphore_mem>>) src(%dma_wait3A_415 : memref<128x16xf32, #tpu.memory_space<hbm>>) dst(%dma_wait3A_412 : memref<128x16xf32, #tpu.memory_space<vmem>>)
        %dma_wait3A_416 = arith.constant 0 : i32
        %dma_wait3A_417 = arith.constant 3 : i32
        %dma_wait3A_418 = arith.constant 0 : i32
        %dma_wait3A_419 = arith.constant 0 : i32
        %dma_wait3A_420 = tpu.memref_slice %arg8[%rem3A_304, %dma_wait3A_416, %dma_wait3A_417, %dma_wait3A_418, %dma_wait3A_419] : memref<2x4x4x128x16xf32, #tpu.memory_space<vmem>> -> memref<1x1x1x128x16xf32, #tpu.memory_space<vmem>>
        %dma_wait3A_421 = tpu.memref_squeeze %dma_wait3A_420 : memref<1x1x1x128x16xf32, #tpu.memory_space<vmem>> -> memref<128x16xf32, #tpu.memory_space<vmem>>
        %dma_wait3A_422 = arith.constant 0 : i32
        %dma_wait3A_423 = arith.constant 0 : i32
        %dma_wait3A_424 = tpu.memref_slice %arg2[%dma_wait3A_422, %dma_wait3A_423] : memref<196608x16xf32, #tpu.memory_space<hbm>> -> memref<128x16xf32, #tpu.memory_space<hbm>>
        %dma_wait3A_425 = arith.constant 0 : i32
        %dma_wait3A_426 = arith.constant 0 : i32
        %dma_wait3A_427 = tpu.memref_slice %arg8[%rem3A_304, %dma_wait3A_416, %dma_wait3A_417, %dma_wait3A_425, %dma_wait3A_426] : memref<2x4x4x128x16xf32, #tpu.memory_space<vmem>> -> memref<1x1x1x128x16xf32, #tpu.memory_space<vmem>>
        %dma_wait3A_428 = tpu.memref_squeeze %dma_wait3A_427 : memref<1x1x1x128x16xf32, #tpu.memory_space<vmem>> -> memref<128x16xf32, #tpu.memory_space<vmem>>
        %dma_wait3A_429 = arith.constant 0 : i32
        %dma_wait3A_430 = arith.constant 0 : i32
        %dma_wait3A_431 = tpu.memref_slice %arg2[%dma_wait3A_429, %dma_wait3A_430] : memref<196608x16xf32, #tpu.memory_space<hbm>> -> memref<128x16xf32, #tpu.memory_space<hbm>>
        tpu.wait_dma2 semaphore(%arg10 : memref<!tpu.dma_semaphore, #tpu.memory_space<semaphore_mem>>) src(%dma_wait3A_431 : memref<128x16xf32, #tpu.memory_space<hbm>>) dst(%dma_wait3A_428 : memref<128x16xf32, #tpu.memory_space<vmem>>)
        %dma_wait3A_432 = arith.constant 1 : i32
        %dma_wait3A_433 = arith.constant 0 : i32
        %dma_wait3A_434 = arith.constant 0 : i32
        %dma_wait3A_435 = arith.constant 0 : i32
        %dma_wait3A_436 = tpu.memref_slice %arg8[%rem3A_304, %dma_wait3A_432, %dma_wait3A_433, %dma_wait3A_434, %dma_wait3A_435] : memref<2x4x4x128x16xf32, #tpu.memory_space<vmem>> -> memref<1x1x1x128x16xf32, #tpu.memory_space<vmem>>
        %dma_wait3A_437 = tpu.memref_squeeze %dma_wait3A_436 : memref<1x1x1x128x16xf32, #tpu.memory_space<vmem>> -> memref<128x16xf32, #tpu.memory_space<vmem>>
        %dma_wait3A_438 = arith.constant 0 : i32
        %dma_wait3A_439 = arith.constant 0 : i32
        %dma_wait3A_440 = tpu.memref_slice %arg2[%dma_wait3A_438, %dma_wait3A_439] : memref<196608x16xf32, #tpu.memory_space<hbm>> -> memref<128x16xf32, #tpu.memory_space<hbm>>
        %dma_wait3A_441 = arith.constant 0 : i32
        %dma_wait3A_442 = arith.constant 0 : i32
        %dma_wait3A_443 = tpu.memref_slice %arg8[%rem3A_304, %dma_wait3A_432, %dma_wait3A_433, %dma_wait3A_441, %dma_wait3A_442] : memref<2x4x4x128x16xf32, #tpu.memory_space<vmem>> -> memref<1x1x1x128x16xf32, #tpu.memory_space<vmem>>
        %dma_wait3A_444 = tpu.memref_squeeze %dma_wait3A_443 : memref<1x1x1x128x16xf32, #tpu.memory_space<vmem>> -> memref<128x16xf32, #tpu.memory_space<vmem>>
        %dma_wait3A_445 = arith.constant 0 : i32
        %dma_wait3A_446 = arith.constant 0 : i32
        %dma_wait3A_447 = tpu.memref_slice %arg2[%dma_wait3A_445, %dma_wait3A_446] : memref<196608x16xf32, #tpu.memory_space<hbm>> -> memref<128x16xf32, #tpu.memory_space<hbm>>
        tpu.wait_dma2 semaphore(%arg10 : memref<!tpu.dma_semaphore, #tpu.memory_space<semaphore_mem>>) src(%dma_wait3A_447 : memref<128x16xf32, #tpu.memory_space<hbm>>) dst(%dma_wait3A_444 : memref<128x16xf32, #tpu.memory_space<vmem>>)
        %dma_wait3A_448 = arith.constant 1 : i32
        %dma_wait3A_449 = arith.constant 1 : i32
        %dma_wait3A_450 = arith.constant 0 : i32
        %dma_wait3A_451 = arith.constant 0 : i32
        %dma_wait3A_452 = tpu.memref_slice %arg8[%rem3A_304, %dma_wait3A_448, %dma_wait3A_449, %dma_wait3A_450, %dma_wait3A_451] : memref<2x4x4x128x16xf32, #tpu.memory_space<vmem>> -> memref<1x1x1x128x16xf32, #tpu.memory_space<vmem>>
        %dma_wait3A_453 = tpu.memref_squeeze %dma_wait3A_452 : memref<1x1x1x128x16xf32, #tpu.memory_space<vmem>> -> memref<128x16xf32, #tpu.memory_space<vmem>>
        %dma_wait3A_454 = arith.constant 0 : i32
        %dma_wait3A_455 = arith.constant 0 : i32
        %dma_wait3A_456 = tpu.memref_slice %arg2[%dma_wait3A_454, %dma_wait3A_455] : memref<196608x16xf32, #tpu.memory_space<hbm>> -> memref<128x16xf32, #tpu.memory_space<hbm>>
        %dma_wait3A_457 = arith.constant 0 : i32
        %dma_wait3A_458 = arith.constant 0 : i32
        %dma_wait3A_459 = tpu.memref_slice %arg8[%rem3A_304, %dma_wait3A_448, %dma_wait3A_449, %dma_wait3A_457, %dma_wait3A_458] : memref<2x4x4x128x16xf32, #tpu.memory_space<vmem>> -> memref<1x1x1x128x16xf32, #tpu.memory_space<vmem>>
        %dma_wait3A_460 = tpu.memref_squeeze %dma_wait3A_459 : memref<1x1x1x128x16xf32, #tpu.memory_space<vmem>> -> memref<128x16xf32, #tpu.memory_space<vmem>>
        %dma_wait3A_461 = arith.constant 0 : i32
        %dma_wait3A_462 = arith.constant 0 : i32
        %dma_wait3A_463 = tpu.memref_slice %arg2[%dma_wait3A_461, %dma_wait3A_462] : memref<196608x16xf32, #tpu.memory_space<hbm>> -> memref<128x16xf32, #tpu.memory_space<hbm>>
        tpu.wait_dma2 semaphore(%arg10 : memref<!tpu.dma_semaphore, #tpu.memory_space<semaphore_mem>>) src(%dma_wait3A_463 : memref<128x16xf32, #tpu.memory_space<hbm>>) dst(%dma_wait3A_460 : memref<128x16xf32, #tpu.memory_space<vmem>>)
        %dma_wait3A_464 = arith.constant 1 : i32
        %dma_wait3A_465 = arith.constant 2 : i32
        %dma_wait3A_466 = arith.constant 0 : i32
        %dma_wait3A_467 = arith.constant 0 : i32
        %dma_wait3A_468 = tpu.memref_slice %arg8[%rem3A_304, %dma_wait3A_464, %dma_wait3A_465, %dma_wait3A_466, %dma_wait3A_467] : memref<2x4x4x128x16xf32, #tpu.memory_space<vmem>> -> memref<1x1x1x128x16xf32, #tpu.memory_space<vmem>>
        %dma_wait3A_469 = tpu.memref_squeeze %dma_wait3A_468 : memref<1x1x1x128x16xf32, #tpu.memory_space<vmem>> -> memref<128x16xf32, #tpu.memory_space<vmem>>
        %dma_wait3A_470 = arith.constant 0 : i32
        %dma_wait3A_471 = arith.constant 0 : i32
        %dma_wait3A_472 = tpu.memref_slice %arg2[%dma_wait3A_470, %dma_wait3A_471] : memref<196608x16xf32, #tpu.memory_space<hbm>> -> memref<128x16xf32, #tpu.memory_space<hbm>>
        %dma_wait3A_473 = arith.constant 0 : i32
        %dma_wait3A_474 = arith.constant 0 : i32
        %dma_wait3A_475 = tpu.memref_slice %arg8[%rem3A_304, %dma_wait3A_464, %dma_wait3A_465, %dma_wait3A_473, %dma_wait3A_474] : memref<2x4x4x128x16xf32, #tpu.memory_space<vmem>> -> memref<1x1x1x128x16xf32, #tpu.memory_space<vmem>>
        %dma_wait3A_476 = tpu.memref_squeeze %dma_wait3A_475 : memref<1x1x1x128x16xf32, #tpu.memory_space<vmem>> -> memref<128x16xf32, #tpu.memory_space<vmem>>
        %dma_wait3A_477 = arith.constant 0 : i32
        %dma_wait3A_478 = arith.constant 0 : i32
        %dma_wait3A_479 = tpu.memref_slice %arg2[%dma_wait3A_477, %dma_wait3A_478] : memref<196608x16xf32, #tpu.memory_space<hbm>> -> memref<128x16xf32, #tpu.memory_space<hbm>>
        tpu.wait_dma2 semaphore(%arg10 : memref<!tpu.dma_semaphore, #tpu.memory_space<semaphore_mem>>) src(%dma_wait3A_479 : memref<128x16xf32, #tpu.memory_space<hbm>>) dst(%dma_wait3A_476 : memref<128x16xf32, #tpu.memory_space<vmem>>)
        %dma_wait3A_480 = arith.constant 1 : i32
        %dma_wait3A_481 = arith.constant 3 : i32
        %dma_wait3A_482 = arith.constant 0 : i32
        %dma_wait3A_483 = arith.constant 0 : i32
        %dma_wait3A_484 = tpu.memref_slice %arg8[%rem3A_304, %dma_wait3A_480, %dma_wait3A_481, %dma_wait3A_482, %dma_wait3A_483] : memref<2x4x4x128x16xf32, #tpu.memory_space<vmem>> -> memref<1x1x1x128x16xf32, #tpu.memory_space<vmem>>
        %dma_wait3A_485 = tpu.memref_squeeze %dma_wait3A_484 : memref<1x1x1x128x16xf32, #tpu.memory_space<vmem>> -> memref<128x16xf32, #tpu.memory_space<vmem>>
        %dma_wait3A_486 = arith.constant 0 : i32
        %dma_wait3A_487 = arith.constant 0 : i32
        %dma_wait3A_488 = tpu.memref_slice %arg2[%dma_wait3A_486, %dma_wait3A_487] : memref<196608x16xf32, #tpu.memory_space<hbm>> -> memref<128x16xf32, #tpu.memory_space<hbm>>
        %dma_wait3A_489 = arith.constant 0 : i32
        %dma_wait3A_490 = arith.constant 0 : i32
        %dma_wait3A_491 = tpu.memref_slice %arg8[%rem3A_304, %dma_wait3A_480, %dma_wait3A_481, %dma_wait3A_489, %dma_wait3A_490] : memref<2x4x4x128x16xf32, #tpu.memory_space<vmem>> -> memref<1x1x1x128x16xf32, #tpu.memory_space<vmem>>
        %dma_wait3A_492 = tpu.memref_squeeze %dma_wait3A_491 : memref<1x1x1x128x16xf32, #tpu.memory_space<vmem>> -> memref<128x16xf32, #tpu.memory_space<vmem>>
        %dma_wait3A_493 = arith.constant 0 : i32
        %dma_wait3A_494 = arith.constant 0 : i32
        %dma_wait3A_495 = tpu.memref_slice %arg2[%dma_wait3A_493, %dma_wait3A_494] : memref<196608x16xf32, #tpu.memory_space<hbm>> -> memref<128x16xf32, #tpu.memory_space<hbm>>
        tpu.wait_dma2 semaphore(%arg10 : memref<!tpu.dma_semaphore, #tpu.memory_space<semaphore_mem>>) src(%dma_wait3A_495 : memref<128x16xf32, #tpu.memory_space<hbm>>) dst(%dma_wait3A_492 : memref<128x16xf32, #tpu.memory_space<vmem>>)
        %dma_wait3A_496 = arith.constant 2 : i32
        %dma_wait3A_497 = arith.constant 0 : i32
        %dma_wait3A_498 = arith.constant 0 : i32
        %dma_wait3A_499 = arith.constant 0 : i32
        %dma_wait3A_500 = tpu.memref_slice %arg8[%rem3A_304, %dma_wait3A_496, %dma_wait3A_497, %dma_wait3A_498, %dma_wait3A_499] : memref<2x4x4x128x16xf32, #tpu.memory_space<vmem>> -> memref<1x1x1x128x16xf32, #tpu.memory_space<vmem>>
        %dma_wait3A_501 = tpu.memref_squeeze %dma_wait3A_500 : memref<1x1x1x128x16xf32, #tpu.memory_space<vmem>> -> memref<128x16xf32, #tpu.memory_space<vmem>>
        %dma_wait3A_502 = arith.constant 0 : i32
        %dma_wait3A_503 = arith.constant 0 : i32
        %dma_wait3A_504 = tpu.memref_slice %arg2[%dma_wait3A_502, %dma_wait3A_503] : memref<196608x16xf32, #tpu.memory_space<hbm>> -> memref<128x16xf32, #tpu.memory_space<hbm>>
        %dma_wait3A_505 = arith.constant 0 : i32
        %dma_wait3A_506 = arith.constant 0 : i32
        %dma_wait3A_507 = tpu.memref_slice %arg8[%rem3A_304, %dma_wait3A_496, %dma_wait3A_497, %dma_wait3A_505, %dma_wait3A_506] : memref<2x4x4x128x16xf32, #tpu.memory_space<vmem>> -> memref<1x1x1x128x16xf32, #tpu.memory_space<vmem>>
        %dma_wait3A_508 = tpu.memref_squeeze %dma_wait3A_507 : memref<1x1x1x128x16xf32, #tpu.memory_space<vmem>> -> memref<128x16xf32, #tpu.memory_space<vmem>>
        %dma_wait3A_509 = arith.constant 0 : i32
        %dma_wait3A_510 = arith.constant 0 : i32
        %dma_wait3A_511 = tpu.memref_slice %arg2[%dma_wait3A_509, %dma_wait3A_510] : memref<196608x16xf32, #tpu.memory_space<hbm>> -> memref<128x16xf32, #tpu.memory_space<hbm>>
        tpu.wait_dma2 semaphore(%arg10 : memref<!tpu.dma_semaphore, #tpu.memory_space<semaphore_mem>>) src(%dma_wait3A_511 : memref<128x16xf32, #tpu.memory_space<hbm>>) dst(%dma_wait3A_508 : memref<128x16xf32, #tpu.memory_space<vmem>>)
        %dma_wait3A_512 = arith.constant 2 : i32
        %dma_wait3A_513 = arith.constant 1 : i32
        %dma_wait3A_514 = arith.constant 0 : i32
        %dma_wait3A_515 = arith.constant 0 : i32
        %dma_wait3A_516 = tpu.memref_slice %arg8[%rem3A_304, %dma_wait3A_512, %dma_wait3A_513, %dma_wait3A_514, %dma_wait3A_515] : memref<2x4x4x128x16xf32, #tpu.memory_space<vmem>> -> memref<1x1x1x128x16xf32, #tpu.memory_space<vmem>>
        %dma_wait3A_517 = tpu.memref_squeeze %dma_wait3A_516 : memref<1x1x1x128x16xf32, #tpu.memory_space<vmem>> -> memref<128x16xf32, #tpu.memory_space<vmem>>
        %dma_wait3A_518 = arith.constant 0 : i32
        %dma_wait3A_519 = arith.constant 0 : i32
        %dma_wait3A_520 = tpu.memref_slice %arg2[%dma_wait3A_518, %dma_wait3A_519] : memref<196608x16xf32, #tpu.memory_space<hbm>> -> memref<128x16xf32, #tpu.memory_space<hbm>>
        %dma_wait3A_521 = arith.constant 0 : i32
        %dma_wait3A_522 = arith.constant 0 : i32
        %dma_wait3A_523 = tpu.memref_slice %arg8[%rem3A_304, %dma_wait3A_512, %dma_wait3A_513, %dma_wait3A_521, %dma_wait3A_522] : memref<2x4x4x128x16xf32, #tpu.memory_space<vmem>> -> memref<1x1x1x128x16xf32, #tpu.memory_space<vmem>>
        %dma_wait3A_524 = tpu.memref_squeeze %dma_wait3A_523 : memref<1x1x1x128x16xf32, #tpu.memory_space<vmem>> -> memref<128x16xf32, #tpu.memory_space<vmem>>
        %dma_wait3A_525 = arith.constant 0 : i32
        %dma_wait3A_526 = arith.constant 0 : i32
        %dma_wait3A_527 = tpu.memref_slice %arg2[%dma_wait3A_525, %dma_wait3A_526] : memref<196608x16xf32, #tpu.memory_space<hbm>> -> memref<128x16xf32, #tpu.memory_space<hbm>>
        tpu.wait_dma2 semaphore(%arg10 : memref<!tpu.dma_semaphore, #tpu.memory_space<semaphore_mem>>) src(%dma_wait3A_527 : memref<128x16xf32, #tpu.memory_space<hbm>>) dst(%dma_wait3A_524 : memref<128x16xf32, #tpu.memory_space<vmem>>)
        %dma_wait3A_528 = arith.constant 2 : i32
        %dma_wait3A_529 = arith.constant 2 : i32
        %dma_wait3A_530 = arith.constant 0 : i32
        %dma_wait3A_531 = arith.constant 0 : i32
        %dma_wait3A_532 = tpu.memref_slice %arg8[%rem3A_304, %dma_wait3A_528, %dma_wait3A_529, %dma_wait3A_530, %dma_wait3A_531] : memref<2x4x4x128x16xf32, #tpu.memory_space<vmem>> -> memref<1x1x1x128x16xf32, #tpu.memory_space<vmem>>
        %dma_wait3A_533 = tpu.memref_squeeze %dma_wait3A_532 : memref<1x1x1x128x16xf32, #tpu.memory_space<vmem>> -> memref<128x16xf32, #tpu.memory_space<vmem>>
        %dma_wait3A_534 = arith.constant 0 : i32
        %dma_wait3A_535 = arith.constant 0 : i32
        %dma_wait3A_536 = tpu.memref_slice %arg2[%dma_wait3A_534, %dma_wait3A_535] : memref<196608x16xf32, #tpu.memory_space<hbm>> -> memref<128x16xf32, #tpu.memory_space<hbm>>
        %dma_wait3A_537 = arith.constant 0 : i32
        %dma_wait3A_538 = arith.constant 0 : i32
        %dma_wait3A_539 = tpu.memref_slice %arg8[%rem3A_304, %dma_wait3A_528, %dma_wait3A_529, %dma_wait3A_537, %dma_wait3A_538] : memref<2x4x4x128x16xf32, #tpu.memory_space<vmem>> -> memref<1x1x1x128x16xf32, #tpu.memory_space<vmem>>
        %dma_wait3A_540 = tpu.memref_squeeze %dma_wait3A_539 : memref<1x1x1x128x16xf32, #tpu.memory_space<vmem>> -> memref<128x16xf32, #tpu.memory_space<vmem>>
        %dma_wait3A_541 = arith.constant 0 : i32
        %dma_wait3A_542 = arith.constant 0 : i32
        %dma_wait3A_543 = tpu.memref_slice %arg2[%dma_wait3A_541, %dma_wait3A_542] : memref<196608x16xf32, #tpu.memory_space<hbm>> -> memref<128x16xf32, #tpu.memory_space<hbm>>
        tpu.wait_dma2 semaphore(%arg10 : memref<!tpu.dma_semaphore, #tpu.memory_space<semaphore_mem>>) src(%dma_wait3A_543 : memref<128x16xf32, #tpu.memory_space<hbm>>) dst(%dma_wait3A_540 : memref<128x16xf32, #tpu.memory_space<vmem>>)
        %dma_wait3A_544 = arith.constant 2 : i32
        %dma_wait3A_545 = arith.constant 3 : i32
        %dma_wait3A_546 = arith.constant 0 : i32
        %dma_wait3A_547 = arith.constant 0 : i32
        %dma_wait3A_548 = tpu.memref_slice %arg8[%rem3A_304, %dma_wait3A_544, %dma_wait3A_545, %dma_wait3A_546, %dma_wait3A_547] : memref<2x4x4x128x16xf32, #tpu.memory_space<vmem>> -> memref<1x1x1x128x16xf32, #tpu.memory_space<vmem>>
        %dma_wait3A_549 = tpu.memref_squeeze %dma_wait3A_548 : memref<1x1x1x128x16xf32, #tpu.memory_space<vmem>> -> memref<128x16xf32, #tpu.memory_space<vmem>>
        %dma_wait3A_550 = arith.constant 0 : i32
        %dma_wait3A_551 = arith.constant 0 : i32
        %dma_wait3A_552 = tpu.memref_slice %arg2[%dma_wait3A_550, %dma_wait3A_551] : memref<196608x16xf32, #tpu.memory_space<hbm>> -> memref<128x16xf32, #tpu.memory_space<hbm>>
        %dma_wait3A_553 = arith.constant 0 : i32
        %dma_wait3A_554 = arith.constant 0 : i32
        %dma_wait3A_555 = tpu.memref_slice %arg8[%rem3A_304, %dma_wait3A_544, %dma_wait3A_545, %dma_wait3A_553, %dma_wait3A_554] : memref<2x4x4x128x16xf32, #tpu.memory_space<vmem>> -> memref<1x1x1x128x16xf32, #tpu.memory_space<vmem>>
        %dma_wait3A_556 = tpu.memref_squeeze %dma_wait3A_555 : memref<1x1x1x128x16xf32, #tpu.memory_space<vmem>> -> memref<128x16xf32, #tpu.memory_space<vmem>>
        %dma_wait3A_557 = arith.constant 0 : i32
        %dma_wait3A_558 = arith.constant 0 : i32
        %dma_wait3A_559 = tpu.memref_slice %arg2[%dma_wait3A_557, %dma_wait3A_558] : memref<196608x16xf32, #tpu.memory_space<hbm>> -> memref<128x16xf32, #tpu.memory_space<hbm>>
        tpu.wait_dma2 semaphore(%arg10 : memref<!tpu.dma_semaphore, #tpu.memory_space<semaphore_mem>>) src(%dma_wait3A_559 : memref<128x16xf32, #tpu.memory_space<hbm>>) dst(%dma_wait3A_556 : memref<128x16xf32, #tpu.memory_space<vmem>>)
        %dma_wait3A_560 = arith.constant 3 : i32
        %dma_wait3A_561 = arith.constant 0 : i32
        %dma_wait3A_562 = arith.constant 0 : i32
        %dma_wait3A_563 = arith.constant 0 : i32
        %dma_wait3A_564 = tpu.memref_slice %arg8[%rem3A_304, %dma_wait3A_560, %dma_wait3A_561, %dma_wait3A_562, %dma_wait3A_563] : memref<2x4x4x128x16xf32, #tpu.memory_space<vmem>> -> memref<1x1x1x128x16xf32, #tpu.memory_space<vmem>>
        %dma_wait3A_565 = tpu.memref_squeeze %dma_wait3A_564 : memref<1x1x1x128x16xf32, #tpu.memory_space<vmem>> -> memref<128x16xf32, #tpu.memory_space<vmem>>
        %dma_wait3A_566 = arith.constant 0 : i32
        %dma_wait3A_567 = arith.constant 0 : i32
        %dma_wait3A_568 = tpu.memref_slice %arg2[%dma_wait3A_566, %dma_wait3A_567] : memref<196608x16xf32, #tpu.memory_space<hbm>> -> memref<128x16xf32, #tpu.memory_space<hbm>>
        %dma_wait3A_569 = arith.constant 0 : i32
        %dma_wait3A_570 = arith.constant 0 : i32
        %dma_wait3A_571 = tpu.memref_slice %arg8[%rem3A_304, %dma_wait3A_560, %dma_wait3A_561, %dma_wait3A_569, %dma_wait3A_570] : memref<2x4x4x128x16xf32, #tpu.memory_space<vmem>> -> memref<1x1x1x128x16xf32, #tpu.memory_space<vmem>>
        %dma_wait3A_572 = tpu.memref_squeeze %dma_wait3A_571 : memref<1x1x1x128x16xf32, #tpu.memory_space<vmem>> -> memref<128x16xf32, #tpu.memory_space<vmem>>
        %dma_wait3A_573 = arith.constant 0 : i32
        %dma_wait3A_574 = arith.constant 0 : i32
        %dma_wait3A_575 = tpu.memref_slice %arg2[%dma_wait3A_573, %dma_wait3A_574] : memref<196608x16xf32, #tpu.memory_space<hbm>> -> memref<128x16xf32, #tpu.memory_space<hbm>>
        tpu.wait_dma2 semaphore(%arg10 : memref<!tpu.dma_semaphore, #tpu.memory_space<semaphore_mem>>) src(%dma_wait3A_575 : memref<128x16xf32, #tpu.memory_space<hbm>>) dst(%dma_wait3A_572 : memref<128x16xf32, #tpu.memory_space<vmem>>)
        %dma_wait3A_576 = arith.constant 3 : i32
        %dma_wait3A_577 = arith.constant 1 : i32
        %dma_wait3A_578 = arith.constant 0 : i32
        %dma_wait3A_579 = arith.constant 0 : i32
        %dma_wait3A_580 = tpu.memref_slice %arg8[%rem3A_304, %dma_wait3A_576, %dma_wait3A_577, %dma_wait3A_578, %dma_wait3A_579] : memref<2x4x4x128x16xf32, #tpu.memory_space<vmem>> -> memref<1x1x1x128x16xf32, #tpu.memory_space<vmem>>
        %dma_wait3A_581 = tpu.memref_squeeze %dma_wait3A_580 : memref<1x1x1x128x16xf32, #tpu.memory_space<vmem>> -> memref<128x16xf32, #tpu.memory_space<vmem>>
        %dma_wait3A_582 = arith.constant 0 : i32
        %dma_wait3A_583 = arith.constant 0 : i32
        %dma_wait3A_584 = tpu.memref_slice %arg2[%dma_wait3A_582, %dma_wait3A_583] : memref<196608x16xf32, #tpu.memory_space<hbm>> -> memref<128x16xf32, #tpu.memory_space<hbm>>
        %dma_wait3A_585 = arith.constant 0 : i32
        %dma_wait3A_586 = arith.constant 0 : i32
        %dma_wait3A_587 = tpu.memref_slice %arg8[%rem3A_304, %dma_wait3A_576, %dma_wait3A_577, %dma_wait3A_585, %dma_wait3A_586] : memref<2x4x4x128x16xf32, #tpu.memory_space<vmem>> -> memref<1x1x1x128x16xf32, #tpu.memory_space<vmem>>
        %dma_wait3A_588 = tpu.memref_squeeze %dma_wait3A_587 : memref<1x1x1x128x16xf32, #tpu.memory_space<vmem>> -> memref<128x16xf32, #tpu.memory_space<vmem>>
        %dma_wait3A_589 = arith.constant 0 : i32
        %dma_wait3A_590 = arith.constant 0 : i32
        %dma_wait3A_591 = tpu.memref_slice %arg2[%dma_wait3A_589, %dma_wait3A_590] : memref<196608x16xf32, #tpu.memory_space<hbm>> -> memref<128x16xf32, #tpu.memory_space<hbm>>
        tpu.wait_dma2 semaphore(%arg10 : memref<!tpu.dma_semaphore, #tpu.memory_space<semaphore_mem>>) src(%dma_wait3A_591 : memref<128x16xf32, #tpu.memory_space<hbm>>) dst(%dma_wait3A_588 : memref<128x16xf32, #tpu.memory_space<vmem>>)
        %dma_wait3A_592 = arith.constant 3 : i32
        %dma_wait3A_593 = arith.constant 2 : i32
        %dma_wait3A_594 = arith.constant 0 : i32
        %dma_wait3A_595 = arith.constant 0 : i32
        %dma_wait3A_596 = tpu.memref_slice %arg8[%rem3A_304, %dma_wait3A_592, %dma_wait3A_593, %dma_wait3A_594, %dma_wait3A_595] : memref<2x4x4x128x16xf32, #tpu.memory_space<vmem>> -> memref<1x1x1x128x16xf32, #tpu.memory_space<vmem>>
        %dma_wait3A_597 = tpu.memref_squeeze %dma_wait3A_596 : memref<1x1x1x128x16xf32, #tpu.memory_space<vmem>> -> memref<128x16xf32, #tpu.memory_space<vmem>>
        %dma_wait3A_598 = arith.constant 0 : i32
        %dma_wait3A_599 = arith.constant 0 : i32
        %dma_wait3A_600 = tpu.memref_slice %arg2[%dma_wait3A_598, %dma_wait3A_599] : memref<196608x16xf32, #tpu.memory_space<hbm>> -> memref<128x16xf32, #tpu.memory_space<hbm>>
        %dma_wait3A_601 = arith.constant 0 : i32
        %dma_wait3A_602 = arith.constant 0 : i32
        %dma_wait3A_603 = tpu.memref_slice %arg8[%rem3A_304, %dma_wait3A_592, %dma_wait3A_593, %dma_wait3A_601, %dma_wait3A_602] : memref<2x4x4x128x16xf32, #tpu.memory_space<vmem>> -> memref<1x1x1x128x16xf32, #tpu.memory_space<vmem>>
        %dma_wait3A_604 = tpu.memref_squeeze %dma_wait3A_603 : memref<1x1x1x128x16xf32, #tpu.memory_space<vmem>> -> memref<128x16xf32, #tpu.memory_space<vmem>>
        %dma_wait3A_605 = arith.constant 0 : i32
        %dma_wait3A_606 = arith.constant 0 : i32
        %dma_wait3A_607 = tpu.memref_slice %arg2[%dma_wait3A_605, %dma_wait3A_606] : memref<196608x16xf32, #tpu.memory_space<hbm>> -> memref<128x16xf32, #tpu.memory_space<hbm>>
        tpu.wait_dma2 semaphore(%arg10 : memref<!tpu.dma_semaphore, #tpu.memory_space<semaphore_mem>>) src(%dma_wait3A_607 : memref<128x16xf32, #tpu.memory_space<hbm>>) dst(%dma_wait3A_604 : memref<128x16xf32, #tpu.memory_space<vmem>>)
        %dma_wait3A_608 = arith.constant 3 : i32
        %dma_wait3A_609 = arith.constant 3 : i32
        %dma_wait3A_610 = arith.constant 0 : i32
        %dma_wait3A_611 = arith.constant 0 : i32
        %dma_wait3A_612 = tpu.memref_slice %arg8[%rem3A_304, %dma_wait3A_608, %dma_wait3A_609, %dma_wait3A_610, %dma_wait3A_611] : memref<2x4x4x128x16xf32, #tpu.memory_space<vmem>> -> memref<1x1x1x128x16xf32, #tpu.memory_space<vmem>>
        %dma_wait3A_613 = tpu.memref_squeeze %dma_wait3A_612 : memref<1x1x1x128x16xf32, #tpu.memory_space<vmem>> -> memref<128x16xf32, #tpu.memory_space<vmem>>
        %dma_wait3A_614 = arith.constant 0 : i32
        %dma_wait3A_615 = arith.constant 0 : i32
        %dma_wait3A_616 = tpu.memref_slice %arg2[%dma_wait3A_614, %dma_wait3A_615] : memref<196608x16xf32, #tpu.memory_space<hbm>> -> memref<128x16xf32, #tpu.memory_space<hbm>>
        %dma_wait3A_617 = arith.constant 0 : i32
        %dma_wait3A_618 = arith.constant 0 : i32
        %dma_wait3A_619 = tpu.memref_slice %arg8[%rem3A_304, %dma_wait3A_608, %dma_wait3A_609, %dma_wait3A_617, %dma_wait3A_618] : memref<2x4x4x128x16xf32, #tpu.memory_space<vmem>> -> memref<1x1x1x128x16xf32, #tpu.memory_space<vmem>>
        %dma_wait3A_620 = tpu.memref_squeeze %dma_wait3A_619 : memref<1x1x1x128x16xf32, #tpu.memory_space<vmem>> -> memref<128x16xf32, #tpu.memory_space<vmem>>
        %dma_wait3A_621 = arith.constant 0 : i32
        %dma_wait3A_622 = arith.constant 0 : i32
        %dma_wait3A_623 = tpu.memref_slice %arg2[%dma_wait3A_621, %dma_wait3A_622] : memref<196608x16xf32, #tpu.memory_space<hbm>> -> memref<128x16xf32, #tpu.memory_space<hbm>>
        tpu.wait_dma2 semaphore(%arg10 : memref<!tpu.dma_semaphore, #tpu.memory_space<semaphore_mem>>) src(%dma_wait3A_623 : memref<128x16xf32, #tpu.memory_space<hbm>>) dst(%dma_wait3A_620 : memref<128x16xf32, #tpu.memory_space<vmem>>)
        %parallel_loop3A = arith.constant 0 : i32
        %parallel_loop3A_624 = arith.constant 32 : i32
        %parallel_loop3A_625 = arith.constant 1 : i32
        scf.for %parallel_loop3A_636 = %parallel_loop3A to %parallel_loop3A_624 step %parallel_loop3A_625  : i32 {
          %parallel_loop3A_637 = arith.constant 3 : i32
          %parallel_loop3A_638 = arith.shrsi %parallel_loop3A_636, %parallel_loop3A_637 : i32
          %parallel_loop3A_639 = arith.constant 7 : i32
          %parallel_loop3A_640 = arith.andi %parallel_loop3A_636, %parallel_loop3A_639 : i32
          %parallel_loop3A_641 = arith.constant 16 : i32
          %parallel_loop3A_642 = arith.muli %parallel_loop3A_640, %parallel_loop3A_641 : i32
          %parallel_loop3A_643 = arith.constant 0 : i32
          %parallel_loop3A_644 = arith.index_cast %rem3A_304 : i32 to index
          %parallel_loop3A_645 = arith.index_cast %parallel_loop3A_638 : i32 to index
          %parallel_loop3A_646 = arith.index_cast %parallel_loop3A_643 : i32 to index
          %parallel_loop3A_647 = arith.index_cast %parallel_loop3A_642 : i32 to index
          %parallel_loop3A_648 = tpu.vector_load %arg7[%parallel_loop3A_644, %parallel_loop3A_645, %parallel_loop3A_646, %parallel_loop3A_647] {strides = array<i32>} : memref<2x4x4x128xf32, #tpu.memory_space<vmem>>, vector<16xf32>,
          %parallel_loop3A_649 = arith.constant 1 : i32
          %parallel_loop3A_650 = arith.index_cast %rem3A_304 : i32 to index
          %parallel_loop3A_651 = arith.index_cast %parallel_loop3A_638 : i32 to index
          %parallel_loop3A_652 = arith.index_cast %parallel_loop3A_649 : i32 to index
          %parallel_loop3A_653 = arith.index_cast %parallel_loop3A_642 : i32 to index
          %parallel_loop3A_654 = tpu.vector_load %arg7[%parallel_loop3A_650, %parallel_loop3A_651, %parallel_loop3A_652, %parallel_loop3A_653] {strides = array<i32>} : memref<2x4x4x128xf32, #tpu.memory_space<vmem>>, vector<16xf32>,
          %parallel_loop3A_655 = arith.constant 2 : i32
          %parallel_loop3A_656 = arith.index_cast %rem3A_304 : i32 to index
          %parallel_loop3A_657 = arith.index_cast %parallel_loop3A_638 : i32 to index
          %parallel_loop3A_658 = arith.index_cast %parallel_loop3A_655 : i32 to index
          %parallel_loop3A_659 = arith.index_cast %parallel_loop3A_642 : i32 to index
          %parallel_loop3A_660 = tpu.vector_load %arg7[%parallel_loop3A_656, %parallel_loop3A_657, %parallel_loop3A_658, %parallel_loop3A_659] {strides = array<i32>} : memref<2x4x4x128xf32, #tpu.memory_space<vmem>>, vector<16xf32>,
          %parallel_loop3A_661 = arith.constant 3 : i32
          %parallel_loop3A_662 = arith.index_cast %rem3A_304 : i32 to index
          %parallel_loop3A_663 = arith.index_cast %parallel_loop3A_638 : i32 to index
          %parallel_loop3A_664 = arith.index_cast %parallel_loop3A_661 : i32 to index
          %parallel_loop3A_665 = arith.index_cast %parallel_loop3A_642 : i32 to index
          %parallel_loop3A_666 = tpu.vector_load %arg7[%parallel_loop3A_662, %parallel_loop3A_663, %parallel_loop3A_664, %parallel_loop3A_665] {strides = array<i32>} : memref<2x4x4x128xf32, #tpu.memory_space<vmem>>, vector<16xf32>,
          %parallel_loop3A_667 = arith.constant 7 : i32
          %parallel_loop3A_668 = arith.shli %parallel_loop3A_638, %parallel_loop3A_667 : i32
          %parallel_loop3A_669 = arith.addi %parallel_loop3A_668, %parallel_loop3A_642 : i32
          %parallel_loop3A_670 = arith.constant 0 : i32
          %parallel_loop3A_671 = arith.addi %parallel_loop3A_642, %parallel_loop3A_670 : i32
          %parallel_loop3A_672 = arith.constant 0 : i32
          %parallel_loop3A_673 = arith.index_cast %rem3A_304 : i32 to index
          %parallel_loop3A_674 = arith.index_cast %parallel_loop3A_638 : i32 to index
          %parallel_loop3A_675 = arith.index_cast %parallel_loop3A_672 : i32 to index
          %parallel_loop3A_676 = arith.index_cast %parallel_loop3A_671 : i32 to index
          %parallel_loop3A_677 = arith.constant 0 : index
          %parallel_loop3A_678 = tpu.vector_load %arg8[%parallel_loop3A_673, %parallel_loop3A_674, %parallel_loop3A_675, %parallel_loop3A_676, %parallel_loop3A_677] {strides = array<i32>} : memref<2x4x4x128x16xf32, #tpu.memory_space<vmem>>, vector<16xf32>,
          %parallel_loop3A_679 = vector.extract_strided_slice %parallel_loop3A_648 {offsets = [0], sizes = [1], strides = [1]} : vector<16xf32> to vector<1xf32>
          %parallel_loop3A_680 = vector.extract %parallel_loop3A_679[0] : f32 from vector<1xf32>
          %parallel_loop3A_681 = vector.broadcast %parallel_loop3A_680 : f32 to vector<16xf32>
          %parallel_loop3A_682 = arith.mulf %parallel_loop3A_678, %parallel_loop3A_681 : vector<16xf32>
          %parallel_loop3A_683 = arith.constant 1 : i32
          %parallel_loop3A_684 = arith.index_cast %rem3A_304 : i32 to index
          %parallel_loop3A_685 = arith.index_cast %parallel_loop3A_638 : i32 to index
          %parallel_loop3A_686 = arith.index_cast %parallel_loop3A_683 : i32 to index
          %parallel_loop3A_687 = arith.index_cast %parallel_loop3A_671 : i32 to index
          %parallel_loop3A_688 = arith.constant 0 : index
          %parallel_loop3A_689 = tpu.vector_load %arg8[%parallel_loop3A_684, %parallel_loop3A_685, %parallel_loop3A_686, %parallel_loop3A_687, %parallel_loop3A_688] {strides = array<i32>} : memref<2x4x4x128x16xf32, #tpu.memory_space<vmem>>, vector<16xf32>,
          %parallel_loop3A_690 = vector.extract_strided_slice %parallel_loop3A_654 {offsets = [0], sizes = [1], strides = [1]} : vector<16xf32> to vector<1xf32>
          %parallel_loop3A_691 = vector.extract %parallel_loop3A_690[0] : f32 from vector<1xf32>
          %parallel_loop3A_692 = vector.broadcast %parallel_loop3A_691 : f32 to vector<16xf32>
          %parallel_loop3A_693 = arith.mulf %parallel_loop3A_689, %parallel_loop3A_692 : vector<16xf32>
          %parallel_loop3A_694 = arith.constant 2 : i32
          %parallel_loop3A_695 = arith.index_cast %rem3A_304 : i32 to index
          %parallel_loop3A_696 = arith.index_cast %parallel_loop3A_638 : i32 to index
          %parallel_loop3A_697 = arith.index_cast %parallel_loop3A_694 : i32 to index
          %parallel_loop3A_698 = arith.index_cast %parallel_loop3A_671 : i32 to index
          %parallel_loop3A_699 = arith.constant 0 : index
          %parallel_loop3A_700 = tpu.vector_load %arg8[%parallel_loop3A_695, %parallel_loop3A_696, %parallel_loop3A_697, %parallel_loop3A_698, %parallel_loop3A_699] {strides = array<i32>} : memref<2x4x4x128x16xf32, #tpu.memory_space<vmem>>, vector<16xf32>,
          %parallel_loop3A_701 = vector.extract_strided_slice %parallel_loop3A_660 {offsets = [0], sizes = [1], strides = [1]} : vector<16xf32> to vector<1xf32>
          %parallel_loop3A_702 = vector.extract %parallel_loop3A_701[0] : f32 from vector<1xf32>
          %parallel_loop3A_703 = vector.broadcast %parallel_loop3A_702 : f32 to vector<16xf32>
          %parallel_loop3A_704 = arith.mulf %parallel_loop3A_700, %parallel_loop3A_703 : vector<16xf32>
          %parallel_loop3A_705 = arith.addf %parallel_loop3A_682, %parallel_loop3A_704 : vector<16xf32>
          %parallel_loop3A_706 = arith.constant 3 : i32
          %parallel_loop3A_707 = arith.index_cast %rem3A_304 : i32 to index
          %parallel_loop3A_708 = arith.index_cast %parallel_loop3A_638 : i32 to index
          %parallel_loop3A_709 = arith.index_cast %parallel_loop3A_706 : i32 to index
          %parallel_loop3A_710 = arith.index_cast %parallel_loop3A_671 : i32 to index
          %parallel_loop3A_711 = arith.constant 0 : index
          %parallel_loop3A_712 = tpu.vector_load %arg8[%parallel_loop3A_707, %parallel_loop3A_708, %parallel_loop3A_709, %parallel_loop3A_710, %parallel_loop3A_711] {strides = array<i32>} : memref<2x4x4x128x16xf32, #tpu.memory_space<vmem>>, vector<16xf32>,
          %parallel_loop3A_713 = vector.extract_strided_slice %parallel_loop3A_666 {offsets = [0], sizes = [1], strides = [1]} : vector<16xf32> to vector<1xf32>
          %parallel_loop3A_714 = vector.extract %parallel_loop3A_713[0] : f32 from vector<1xf32>
          %parallel_loop3A_715 = vector.broadcast %parallel_loop3A_714 : f32 to vector<16xf32>
          %parallel_loop3A_716 = arith.mulf %parallel_loop3A_712, %parallel_loop3A_715 : vector<16xf32>
          %parallel_loop3A_717 = arith.addf %parallel_loop3A_693, %parallel_loop3A_716 : vector<16xf32>
          %parallel_loop3A_718 = arith.addf %parallel_loop3A_705, %parallel_loop3A_717 : vector<16xf32>
          %parallel_loop3A_719 = arith.constant 1 : i32
          %parallel_loop3A_720 = arith.addi %parallel_loop3A_642, %parallel_loop3A_719 : i32
          %parallel_loop3A_721 = arith.constant 0 : i32
          %parallel_loop3A_722 = arith.index_cast %rem3A_304 : i32 to index
          %parallel_loop3A_723 = arith.index_cast %parallel_loop3A_638 : i32 to index
          %parallel_loop3A_724 = arith.index_cast %parallel_loop3A_721 : i32 to index
          %parallel_loop3A_725 = arith.index_cast %parallel_loop3A_720 : i32 to index
          %parallel_loop3A_726 = arith.constant 0 : index
          %parallel_loop3A_727 = tpu.vector_load %arg8[%parallel_loop3A_722, %parallel_loop3A_723, %parallel_loop3A_724, %parallel_loop3A_725, %parallel_loop3A_726] {strides = array<i32>} : memref<2x4x4x128x16xf32, #tpu.memory_space<vmem>>, vector<16xf32>,
          %parallel_loop3A_728 = vector.extract_strided_slice %parallel_loop3A_648 {offsets = [1], sizes = [1], strides = [1]} : vector<16xf32> to vector<1xf32>
          %parallel_loop3A_729 = vector.extract %parallel_loop3A_728[0] : f32 from vector<1xf32>
          %parallel_loop3A_730 = vector.broadcast %parallel_loop3A_729 : f32 to vector<16xf32>
          %parallel_loop3A_731 = arith.mulf %parallel_loop3A_727, %parallel_loop3A_730 : vector<16xf32>
          %parallel_loop3A_732 = arith.constant 1 : i32
          %parallel_loop3A_733 = arith.index_cast %rem3A_304 : i32 to index
          %parallel_loop3A_734 = arith.index_cast %parallel_loop3A_638 : i32 to index
          %parallel_loop3A_735 = arith.index_cast %parallel_loop3A_732 : i32 to index
          %parallel_loop3A_736 = arith.index_cast %parallel_loop3A_720 : i32 to index
          %parallel_loop3A_737 = arith.constant 0 : index
          %parallel_loop3A_738 = tpu.vector_load %arg8[%parallel_loop3A_733, %parallel_loop3A_734, %parallel_loop3A_735, %parallel_loop3A_736, %parallel_loop3A_737] {strides = array<i32>} : memref<2x4x4x128x16xf32, #tpu.memory_space<vmem>>, vector<16xf32>,
          %parallel_loop3A_739 = vector.extract_strided_slice %parallel_loop3A_654 {offsets = [1], sizes = [1], strides = [1]} : vector<16xf32> to vector<1xf32>
          %parallel_loop3A_740 = vector.extract %parallel_loop3A_739[0] : f32 from vector<1xf32>
          %parallel_loop3A_741 = vector.broadcast %parallel_loop3A_740 : f32 to vector<16xf32>
          %parallel_loop3A_742 = arith.mulf %parallel_loop3A_738, %parallel_loop3A_741 : vector<16xf32>
          %parallel_loop3A_743 = arith.constant 2 : i32
          %parallel_loop3A_744 = arith.index_cast %rem3A_304 : i32 to index
          %parallel_loop3A_745 = arith.index_cast %parallel_loop3A_638 : i32 to index
          %parallel_loop3A_746 = arith.index_cast %parallel_loop3A_743 : i32 to index
          %parallel_loop3A_747 = arith.index_cast %parallel_loop3A_720 : i32 to index
          %parallel_loop3A_748 = arith.constant 0 : index
          %parallel_loop3A_749 = tpu.vector_load %arg8[%parallel_loop3A_744, %parallel_loop3A_745, %parallel_loop3A_746, %parallel_loop3A_747, %parallel_loop3A_748] {strides = array<i32>} : memref<2x4x4x128x16xf32, #tpu.memory_space<vmem>>, vector<16xf32>,
          %parallel_loop3A_750 = vector.extract_strided_slice %parallel_loop3A_660 {offsets = [1], sizes = [1], strides = [1]} : vector<16xf32> to vector<1xf32>
          %parallel_loop3A_751 = vector.extract %parallel_loop3A_750[0] : f32 from vector<1xf32>
          %parallel_loop3A_752 = vector.broadcast %parallel_loop3A_751 : f32 to vector<16xf32>
          %parallel_loop3A_753 = arith.mulf %parallel_loop3A_749, %parallel_loop3A_752 : vector<16xf32>
          %parallel_loop3A_754 = arith.addf %parallel_loop3A_731, %parallel_loop3A_753 : vector<16xf32>
          %parallel_loop3A_755 = arith.constant 3 : i32
          %parallel_loop3A_756 = arith.index_cast %rem3A_304 : i32 to index
          %parallel_loop3A_757 = arith.index_cast %parallel_loop3A_638 : i32 to index
          %parallel_loop3A_758 = arith.index_cast %parallel_loop3A_755 : i32 to index
          %parallel_loop3A_759 = arith.index_cast %parallel_loop3A_720 : i32 to index
          %parallel_loop3A_760 = arith.constant 0 : index
          %parallel_loop3A_761 = tpu.vector_load %arg8[%parallel_loop3A_756, %parallel_loop3A_757, %parallel_loop3A_758, %parallel_loop3A_759, %parallel_loop3A_760] {strides = array<i32>} : memref<2x4x4x128x16xf32, #tpu.memory_space<vmem>>, vector<16xf32>,
          %parallel_loop3A_762 = vector.extract_strided_slice %parallel_loop3A_666 {offsets = [1], sizes = [1], strides = [1]} : vector<16xf32> to vector<1xf32>
          %parallel_loop3A_763 = vector.extract %parallel_loop3A_762[0] : f32 from vector<1xf32>
          %parallel_loop3A_764 = vector.broadcast %parallel_loop3A_763 : f32 to vector<16xf32>
          %parallel_loop3A_765 = arith.mulf %parallel_loop3A_761, %parallel_loop3A_764 : vector<16xf32>
          %parallel_loop3A_766 = arith.addf %parallel_loop3A_742, %parallel_loop3A_765 : vector<16xf32>
          %parallel_loop3A_767 = arith.addf %parallel_loop3A_754, %parallel_loop3A_766 : vector<16xf32>
          %parallel_loop3A_768 = arith.constant 2 : i32
          %parallel_loop3A_769 = arith.addi %parallel_loop3A_642, %parallel_loop3A_768 : i32
          %parallel_loop3A_770 = arith.constant 0 : i32
          %parallel_loop3A_771 = arith.index_cast %rem3A_304 : i32 to index
          %parallel_loop3A_772 = arith.index_cast %parallel_loop3A_638 : i32 to index
          %parallel_loop3A_773 = arith.index_cast %parallel_loop3A_770 : i32 to index
          %parallel_loop3A_774 = arith.index_cast %parallel_loop3A_769 : i32 to index
          %parallel_loop3A_775 = arith.constant 0 : index
          %parallel_loop3A_776 = tpu.vector_load %arg8[%parallel_loop3A_771, %parallel_loop3A_772, %parallel_loop3A_773, %parallel_loop3A_774, %parallel_loop3A_775] {strides = array<i32>} : memref<2x4x4x128x16xf32, #tpu.memory_space<vmem>>, vector<16xf32>,
          %parallel_loop3A_777 = vector.extract_strided_slice %parallel_loop3A_648 {offsets = [2], sizes = [1], strides = [1]} : vector<16xf32> to vector<1xf32>
          %parallel_loop3A_778 = vector.extract %parallel_loop3A_777[0] : f32 from vector<1xf32>
          %parallel_loop3A_779 = vector.broadcast %parallel_loop3A_778 : f32 to vector<16xf32>
          %parallel_loop3A_780 = arith.mulf %parallel_loop3A_776, %parallel_loop3A_779 : vector<16xf32>
          %parallel_loop3A_781 = arith.constant 1 : i32
          %parallel_loop3A_782 = arith.index_cast %rem3A_304 : i32 to index
          %parallel_loop3A_783 = arith.index_cast %parallel_loop3A_638 : i32 to index
          %parallel_loop3A_784 = arith.index_cast %parallel_loop3A_781 : i32 to index
          %parallel_loop3A_785 = arith.index_cast %parallel_loop3A_769 : i32 to index
          %parallel_loop3A_786 = arith.constant 0 : index
          %parallel_loop3A_787 = tpu.vector_load %arg8[%parallel_loop3A_782, %parallel_loop3A_783, %parallel_loop3A_784, %parallel_loop3A_785, %parallel_loop3A_786] {strides = array<i32>} : memref<2x4x4x128x16xf32, #tpu.memory_space<vmem>>, vector<16xf32>,
          %parallel_loop3A_788 = vector.extract_strided_slice %parallel_loop3A_654 {offsets = [2], sizes = [1], strides = [1]} : vector<16xf32> to vector<1xf32>
          %parallel_loop3A_789 = vector.extract %parallel_loop3A_788[0] : f32 from vector<1xf32>
          %parallel_loop3A_790 = vector.broadcast %parallel_loop3A_789 : f32 to vector<16xf32>
          %parallel_loop3A_791 = arith.mulf %parallel_loop3A_787, %parallel_loop3A_790 : vector<16xf32>
          %parallel_loop3A_792 = arith.constant 2 : i32
          %parallel_loop3A_793 = arith.index_cast %rem3A_304 : i32 to index
          %parallel_loop3A_794 = arith.index_cast %parallel_loop3A_638 : i32 to index
          %parallel_loop3A_795 = arith.index_cast %parallel_loop3A_792 : i32 to index
          %parallel_loop3A_796 = arith.index_cast %parallel_loop3A_769 : i32 to index
          %parallel_loop3A_797 = arith.constant 0 : index
          %parallel_loop3A_798 = tpu.vector_load %arg8[%parallel_loop3A_793, %parallel_loop3A_794, %parallel_loop3A_795, %parallel_loop3A_796, %parallel_loop3A_797] {strides = array<i32>} : memref<2x4x4x128x16xf32, #tpu.memory_space<vmem>>, vector<16xf32>,
          %parallel_loop3A_799 = vector.extract_strided_slice %parallel_loop3A_660 {offsets = [2], sizes = [1], strides = [1]} : vector<16xf32> to vector<1xf32>
          %parallel_loop3A_800 = vector.extract %parallel_loop3A_799[0] : f32 from vector<1xf32>
          %parallel_loop3A_801 = vector.broadcast %parallel_loop3A_800 : f32 to vector<16xf32>
          %parallel_loop3A_802 = arith.mulf %parallel_loop3A_798, %parallel_loop3A_801 : vector<16xf32>
          %parallel_loop3A_803 = arith.addf %parallel_loop3A_780, %parallel_loop3A_802 : vector<16xf32>
          %parallel_loop3A_804 = arith.constant 3 : i32
          %parallel_loop3A_805 = arith.index_cast %rem3A_304 : i32 to index
          %parallel_loop3A_806 = arith.index_cast %parallel_loop3A_638 : i32 to index
          %parallel_loop3A_807 = arith.index_cast %parallel_loop3A_804 : i32 to index
          %parallel_loop3A_808 = arith.index_cast %parallel_loop3A_769 : i32 to index
          %parallel_loop3A_809 = arith.constant 0 : index
          %parallel_loop3A_810 = tpu.vector_load %arg8[%parallel_loop3A_805, %parallel_loop3A_806, %parallel_loop3A_807, %parallel_loop3A_808, %parallel_loop3A_809] {strides = array<i32>} : memref<2x4x4x128x16xf32, #tpu.memory_space<vmem>>, vector<16xf32>,
          %parallel_loop3A_811 = vector.extract_strided_slice %parallel_loop3A_666 {offsets = [2], sizes = [1], strides = [1]} : vector<16xf32> to vector<1xf32>
          %parallel_loop3A_812 = vector.extract %parallel_loop3A_811[0] : f32 from vector<1xf32>
          %parallel_loop3A_813 = vector.broadcast %parallel_loop3A_812 : f32 to vector<16xf32>
          %parallel_loop3A_814 = arith.mulf %parallel_loop3A_810, %parallel_loop3A_813 : vector<16xf32>
          %parallel_loop3A_815 = arith.addf %parallel_loop3A_791, %parallel_loop3A_814 : vector<16xf32>
          %parallel_loop3A_816 = arith.addf %parallel_loop3A_803, %parallel_loop3A_815 : vector<16xf32>
          %parallel_loop3A_817 = arith.constant 3 : i32
          %parallel_loop3A_818 = arith.addi %parallel_loop3A_642, %parallel_loop3A_817 : i32
          %parallel_loop3A_819 = arith.constant 0 : i32
          %parallel_loop3A_820 = arith.index_cast %rem3A_304 : i32 to index
          %parallel_loop3A_821 = arith.index_cast %parallel_loop3A_638 : i32 to index
          %parallel_loop3A_822 = arith.index_cast %parallel_loop3A_819 : i32 to index
          %parallel_loop3A_823 = arith.index_cast %parallel_loop3A_818 : i32 to index
          %parallel_loop3A_824 = arith.constant 0 : index
          %parallel_loop3A_825 = tpu.vector_load %arg8[%parallel_loop3A_820, %parallel_loop3A_821, %parallel_loop3A_822, %parallel_loop3A_823, %parallel_loop3A_824] {strides = array<i32>} : memref<2x4x4x128x16xf32, #tpu.memory_space<vmem>>, vector<16xf32>,
          %parallel_loop3A_826 = vector.extract_strided_slice %parallel_loop3A_648 {offsets = [3], sizes = [1], strides = [1]} : vector<16xf32> to vector<1xf32>
          %parallel_loop3A_827 = vector.extract %parallel_loop3A_826[0] : f32 from vector<1xf32>
          %parallel_loop3A_828 = vector.broadcast %parallel_loop3A_827 : f32 to vector<16xf32>
          %parallel_loop3A_829 = arith.mulf %parallel_loop3A_825, %parallel_loop3A_828 : vector<16xf32>
          %parallel_loop3A_830 = arith.constant 1 : i32
          %parallel_loop3A_831 = arith.index_cast %rem3A_304 : i32 to index
          %parallel_loop3A_832 = arith.index_cast %parallel_loop3A_638 : i32 to index
          %parallel_loop3A_833 = arith.index_cast %parallel_loop3A_830 : i32 to index
          %parallel_loop3A_834 = arith.index_cast %parallel_loop3A_818 : i32 to index
          %parallel_loop3A_835 = arith.constant 0 : index
          %parallel_loop3A_836 = tpu.vector_load %arg8[%parallel_loop3A_831, %parallel_loop3A_832, %parallel_loop3A_833, %parallel_loop3A_834, %parallel_loop3A_835] {strides = array<i32>} : memref<2x4x4x128x16xf32, #tpu.memory_space<vmem>>, vector<16xf32>,
          %parallel_loop3A_837 = vector.extract_strided_slice %parallel_loop3A_654 {offsets = [3], sizes = [1], strides = [1]} : vector<16xf32> to vector<1xf32>
          %parallel_loop3A_838 = vector.extract %parallel_loop3A_837[0] : f32 from vector<1xf32>
          %parallel_loop3A_839 = vector.broadcast %parallel_loop3A_838 : f32 to vector<16xf32>
          %parallel_loop3A_840 = arith.mulf %parallel_loop3A_836, %parallel_loop3A_839 : vector<16xf32>
          %parallel_loop3A_841 = arith.constant 2 : i32
          %parallel_loop3A_842 = arith.index_cast %rem3A_304 : i32 to index
          %parallel_loop3A_843 = arith.index_cast %parallel_loop3A_638 : i32 to index
          %parallel_loop3A_844 = arith.index_cast %parallel_loop3A_841 : i32 to index
          %parallel_loop3A_845 = arith.index_cast %parallel_loop3A_818 : i32 to index
          %parallel_loop3A_846 = arith.constant 0 : index
          %parallel_loop3A_847 = tpu.vector_load %arg8[%parallel_loop3A_842, %parallel_loop3A_843, %parallel_loop3A_844, %parallel_loop3A_845, %parallel_loop3A_846] {strides = array<i32>} : memref<2x4x4x128x16xf32, #tpu.memory_space<vmem>>, vector<16xf32>,
          %parallel_loop3A_848 = vector.extract_strided_slice %parallel_loop3A_660 {offsets = [3], sizes = [1], strides = [1]} : vector<16xf32> to vector<1xf32>
          %parallel_loop3A_849 = vector.extract %parallel_loop3A_848[0] : f32 from vector<1xf32>
          %parallel_loop3A_850 = vector.broadcast %parallel_loop3A_849 : f32 to vector<16xf32>
          %parallel_loop3A_851 = arith.mulf %parallel_loop3A_847, %parallel_loop3A_850 : vector<16xf32>
          %parallel_loop3A_852 = arith.addf %parallel_loop3A_829, %parallel_loop3A_851 : vector<16xf32>
          %parallel_loop3A_853 = arith.constant 3 : i32
          %parallel_loop3A_854 = arith.index_cast %rem3A_304 : i32 to index
          %parallel_loop3A_855 = arith.index_cast %parallel_loop3A_638 : i32 to index
          %parallel_loop3A_856 = arith.index_cast %parallel_loop3A_853 : i32 to index
          %parallel_loop3A_857 = arith.index_cast %parallel_loop3A_818 : i32 to index
          %parallel_loop3A_858 = arith.constant 0 : index
          %parallel_loop3A_859 = tpu.vector_load %arg8[%parallel_loop3A_854, %parallel_loop3A_855, %parallel_loop3A_856, %parallel_loop3A_857, %parallel_loop3A_858] {strides = array<i32>} : memref<2x4x4x128x16xf32, #tpu.memory_space<vmem>>, vector<16xf32>,
          %parallel_loop3A_860 = vector.extract_strided_slice %parallel_loop3A_666 {offsets = [3], sizes = [1], strides = [1]} : vector<16xf32> to vector<1xf32>
          %parallel_loop3A_861 = vector.extract %parallel_loop3A_860[0] : f32 from vector<1xf32>
          %parallel_loop3A_862 = vector.broadcast %parallel_loop3A_861 : f32 to vector<16xf32>
          %parallel_loop3A_863 = arith.mulf %parallel_loop3A_859, %parallel_loop3A_862 : vector<16xf32>
          %parallel_loop3A_864 = arith.addf %parallel_loop3A_840, %parallel_loop3A_863 : vector<16xf32>
          %parallel_loop3A_865 = arith.addf %parallel_loop3A_852, %parallel_loop3A_864 : vector<16xf32>
          %parallel_loop3A_866 = arith.constant 0 : i32
          %parallel_loop3A_867 = arith.addi %parallel_loop3A_669, %parallel_loop3A_866 : i32
          %parallel_loop3A_868 = vector.broadcast %parallel_loop3A_867 : i32 to vector<16xi32>
          %parallel_loop3A_869 = arith.constant 0 : i32
          %parallel_loop3A_870 = arith.constant 0 : i32
          %parallel_loop3A_871 = tpu.memref_slice %arg9[%rem3A_304, %parallel_loop3A_869, %parallel_loop3A_870] : memref<2x16x512xf32, #tpu.memory_space<vmem>> -> memref<1x16x512xf32, #tpu.memory_space<vmem>>
          %parallel_loop3A_872 = tpu.memref_squeeze %parallel_loop3A_871 : memref<1x16x512xf32, #tpu.memory_space<vmem>> -> memref<16x512xf32, #tpu.memory_space<vmem>>
          tpu.vector_store_idx %parallel_loop3A_872[%iota3A, %parallel_loop3A_868], %parallel_loop3A_718 : memref<16x512xf32, #tpu.memory_space<vmem>>[vector<16xi32>, vector<16xi32>], vector<16xf32>,
          %parallel_loop3A_873 = arith.constant 1 : i32
          %parallel_loop3A_874 = arith.addi %parallel_loop3A_669, %parallel_loop3A_873 : i32
          %parallel_loop3A_875 = vector.broadcast %parallel_loop3A_874 : i32 to vector<16xi32>
          %parallel_loop3A_876 = arith.constant 0 : i32
          %parallel_loop3A_877 = arith.constant 0 : i32
          %parallel_loop3A_878 = tpu.memref_slice %arg9[%rem3A_304, %parallel_loop3A_876, %parallel_loop3A_877] : memref<2x16x512xf32, #tpu.memory_space<vmem>> -> memref<1x16x512xf32, #tpu.memory_space<vmem>>
          %parallel_loop3A_879 = tpu.memref_squeeze %parallel_loop3A_878 : memref<1x16x512xf32, #tpu.memory_space<vmem>> -> memref<16x512xf32, #tpu.memory_space<vmem>>
          tpu.vector_store_idx %parallel_loop3A_879[%iota3A, %parallel_loop3A_875], %parallel_loop3A_767 : memref<16x512xf32, #tpu.memory_space<vmem>>[vector<16xi32>, vector<16xi32>], vector<16xf32>,
          %parallel_loop3A_880 = arith.constant 2 : i32
          %parallel_loop3A_881 = arith.addi %parallel_loop3A_669, %parallel_loop3A_880 : i32
          %parallel_loop3A_882 = vector.broadcast %parallel_loop3A_881 : i32 to vector<16xi32>
          %parallel_loop3A_883 = arith.constant 0 : i32
          %parallel_loop3A_884 = arith.constant 0 : i32
          %parallel_loop3A_885 = tpu.memref_slice %arg9[%rem3A_304, %parallel_loop3A_883, %parallel_loop3A_884] : memref<2x16x512xf32, #tpu.memory_space<vmem>> -> memref<1x16x512xf32, #tpu.memory_space<vmem>>
          %parallel_loop3A_886 = tpu.memref_squeeze %parallel_loop3A_885 : memref<1x16x512xf32, #tpu.memory_space<vmem>> -> memref<16x512xf32, #tpu.memory_space<vmem>>
          tpu.vector_store_idx %parallel_loop3A_886[%iota3A, %parallel_loop3A_882], %parallel_loop3A_816 : memref<16x512xf32, #tpu.memory_space<vmem>>[vector<16xi32>, vector<16xi32>], vector<16xf32>,
          %parallel_loop3A_887 = arith.constant 3 : i32
          %parallel_loop3A_888 = arith.addi %parallel_loop3A_669, %parallel_loop3A_887 : i32
          %parallel_loop3A_889 = vector.broadcast %parallel_loop3A_888 : i32 to vector<16xi32>
          %parallel_loop3A_890 = arith.constant 0 : i32
          %parallel_loop3A_891 = arith.constant 0 : i32
          %parallel_loop3A_892 = tpu.memref_slice %arg9[%rem3A_304, %parallel_loop3A_890, %parallel_loop3A_891] : memref<2x16x512xf32, #tpu.memory_space<vmem>> -> memref<1x16x512xf32, #tpu.memory_space<vmem>>
          %parallel_loop3A_893 = tpu.memref_squeeze %parallel_loop3A_892 : memref<1x16x512xf32, #tpu.memory_space<vmem>> -> memref<16x512xf32, #tpu.memory_space<vmem>>
          tpu.vector_store_idx %parallel_loop3A_893[%iota3A, %parallel_loop3A_889], %parallel_loop3A_865 : memref<16x512xf32, #tpu.memory_space<vmem>>[vector<16xi32>, vector<16xi32>], vector<16xf32>,
          %parallel_loop3A_894 = arith.constant 4 : i32
          %parallel_loop3A_895 = arith.addi %parallel_loop3A_642, %parallel_loop3A_894 : i32
          %parallel_loop3A_896 = arith.constant 0 : i32
          %parallel_loop3A_897 = arith.index_cast %rem3A_304 : i32 to index
          %parallel_loop3A_898 = arith.index_cast %parallel_loop3A_638 : i32 to index
          %parallel_loop3A_899 = arith.index_cast %parallel_loop3A_896 : i32 to index
          %parallel_loop3A_900 = arith.index_cast %parallel_loop3A_895 : i32 to index
          %parallel_loop3A_901 = arith.constant 0 : index
          %parallel_loop3A_902 = tpu.vector_load %arg8[%parallel_loop3A_897, %parallel_loop3A_898, %parallel_loop3A_899, %parallel_loop3A_900, %parallel_loop3A_901] {strides = array<i32>} : memref<2x4x4x128x16xf32, #tpu.memory_space<vmem>>, vector<16xf32>,
          %parallel_loop3A_903 = vector.extract_strided_slice %parallel_loop3A_648 {offsets = [4], sizes = [1], strides = [1]} : vector<16xf32> to vector<1xf32>
          %parallel_loop3A_904 = vector.extract %parallel_loop3A_903[0] : f32 from vector<1xf32>
          %parallel_loop3A_905 = vector.broadcast %parallel_loop3A_904 : f32 to vector<16xf32>
          %parallel_loop3A_906 = arith.mulf %parallel_loop3A_902, %parallel_loop3A_905 : vector<16xf32>
          %parallel_loop3A_907 = arith.constant 1 : i32
          %parallel_loop3A_908 = arith.index_cast %rem3A_304 : i32 to index
          %parallel_loop3A_909 = arith.index_cast %parallel_loop3A_638 : i32 to index
          %parallel_loop3A_910 = arith.index_cast %parallel_loop3A_907 : i32 to index
          %parallel_loop3A_911 = arith.index_cast %parallel_loop3A_895 : i32 to index
          %parallel_loop3A_912 = arith.constant 0 : index
          %parallel_loop3A_913 = tpu.vector_load %arg8[%parallel_loop3A_908, %parallel_loop3A_909, %parallel_loop3A_910, %parallel_loop3A_911, %parallel_loop3A_912] {strides = array<i32>} : memref<2x4x4x128x16xf32, #tpu.memory_space<vmem>>, vector<16xf32>,
          %parallel_loop3A_914 = vector.extract_strided_slice %parallel_loop3A_654 {offsets = [4], sizes = [1], strides = [1]} : vector<16xf32> to vector<1xf32>
          %parallel_loop3A_915 = vector.extract %parallel_loop3A_914[0] : f32 from vector<1xf32>
          %parallel_loop3A_916 = vector.broadcast %parallel_loop3A_915 : f32 to vector<16xf32>
          %parallel_loop3A_917 = arith.mulf %parallel_loop3A_913, %parallel_loop3A_916 : vector<16xf32>
          %parallel_loop3A_918 = arith.constant 2 : i32
          %parallel_loop3A_919 = arith.index_cast %rem3A_304 : i32 to index
          %parallel_loop3A_920 = arith.index_cast %parallel_loop3A_638 : i32 to index
          %parallel_loop3A_921 = arith.index_cast %parallel_loop3A_918 : i32 to index
          %parallel_loop3A_922 = arith.index_cast %parallel_loop3A_895 : i32 to index
          %parallel_loop3A_923 = arith.constant 0 : index
          %parallel_loop3A_924 = tpu.vector_load %arg8[%parallel_loop3A_919, %parallel_loop3A_920, %parallel_loop3A_921, %parallel_loop3A_922, %parallel_loop3A_923] {strides = array<i32>} : memref<2x4x4x128x16xf32, #tpu.memory_space<vmem>>, vector<16xf32>,
          %parallel_loop3A_925 = vector.extract_strided_slice %parallel_loop3A_660 {offsets = [4], sizes = [1], strides = [1]} : vector<16xf32> to vector<1xf32>
          %parallel_loop3A_926 = vector.extract %parallel_loop3A_925[0] : f32 from vector<1xf32>
          %parallel_loop3A_927 = vector.broadcast %parallel_loop3A_926 : f32 to vector<16xf32>
          %parallel_loop3A_928 = arith.mulf %parallel_loop3A_924, %parallel_loop3A_927 : vector<16xf32>
          %parallel_loop3A_929 = arith.addf %parallel_loop3A_906, %parallel_loop3A_928 : vector<16xf32>
          %parallel_loop3A_930 = arith.constant 3 : i32
          %parallel_loop3A_931 = arith.index_cast %rem3A_304 : i32 to index
          %parallel_loop3A_932 = arith.index_cast %parallel_loop3A_638 : i32 to index
          %parallel_loop3A_933 = arith.index_cast %parallel_loop3A_930 : i32 to index
          %parallel_loop3A_934 = arith.index_cast %parallel_loop3A_895 : i32 to index
          %parallel_loop3A_935 = arith.constant 0 : index
          %parallel_loop3A_936 = tpu.vector_load %arg8[%parallel_loop3A_931, %parallel_loop3A_932, %parallel_loop3A_933, %parallel_loop3A_934, %parallel_loop3A_935] {strides = array<i32>} : memref<2x4x4x128x16xf32, #tpu.memory_space<vmem>>, vector<16xf32>,
          %parallel_loop3A_937 = vector.extract_strided_slice %parallel_loop3A_666 {offsets = [4], sizes = [1], strides = [1]} : vector<16xf32> to vector<1xf32>
          %parallel_loop3A_938 = vector.extract %parallel_loop3A_937[0] : f32 from vector<1xf32>
          %parallel_loop3A_939 = vector.broadcast %parallel_loop3A_938 : f32 to vector<16xf32>
          %parallel_loop3A_940 = arith.mulf %parallel_loop3A_936, %parallel_loop3A_939 : vector<16xf32>
          %parallel_loop3A_941 = arith.addf %parallel_loop3A_917, %parallel_loop3A_940 : vector<16xf32>
          %parallel_loop3A_942 = arith.addf %parallel_loop3A_929, %parallel_loop3A_941 : vector<16xf32>
          %parallel_loop3A_943 = arith.constant 5 : i32
          %parallel_loop3A_944 = arith.addi %parallel_loop3A_642, %parallel_loop3A_943 : i32
          %parallel_loop3A_945 = arith.constant 0 : i32
          %parallel_loop3A_946 = arith.index_cast %rem3A_304 : i32 to index
          %parallel_loop3A_947 = arith.index_cast %parallel_loop3A_638 : i32 to index
          %parallel_loop3A_948 = arith.index_cast %parallel_loop3A_945 : i32 to index
          %parallel_loop3A_949 = arith.index_cast %parallel_loop3A_944 : i32 to index
          %parallel_loop3A_950 = arith.constant 0 : index
          %parallel_loop3A_951 = tpu.vector_load %arg8[%parallel_loop3A_946, %parallel_loop3A_947, %parallel_loop3A_948, %parallel_loop3A_949, %parallel_loop3A_950] {strides = array<i32>} : memref<2x4x4x128x16xf32, #tpu.memory_space<vmem>>, vector<16xf32>,
          %parallel_loop3A_952 = vector.extract_strided_slice %parallel_loop3A_648 {offsets = [5], sizes = [1], strides = [1]} : vector<16xf32> to vector<1xf32>
          %parallel_loop3A_953 = vector.extract %parallel_loop3A_952[0] : f32 from vector<1xf32>
          %parallel_loop3A_954 = vector.broadcast %parallel_loop3A_953 : f32 to vector<16xf32>
          %parallel_loop3A_955 = arith.mulf %parallel_loop3A_951, %parallel_loop3A_954 : vector<16xf32>
          %parallel_loop3A_956 = arith.constant 1 : i32
          %parallel_loop3A_957 = arith.index_cast %rem3A_304 : i32 to index
          %parallel_loop3A_958 = arith.index_cast %parallel_loop3A_638 : i32 to index
          %parallel_loop3A_959 = arith.index_cast %parallel_loop3A_956 : i32 to index
          %parallel_loop3A_960 = arith.index_cast %parallel_loop3A_944 : i32 to index
          %parallel_loop3A_961 = arith.constant 0 : index
          %parallel_loop3A_962 = tpu.vector_load %arg8[%parallel_loop3A_957, %parallel_loop3A_958, %parallel_loop3A_959, %parallel_loop3A_960, %parallel_loop3A_961] {strides = array<i32>} : memref<2x4x4x128x16xf32, #tpu.memory_space<vmem>>, vector<16xf32>,
          %parallel_loop3A_963 = vector.extract_strided_slice %parallel_loop3A_654 {offsets = [5], sizes = [1], strides = [1]} : vector<16xf32> to vector<1xf32>
          %parallel_loop3A_964 = vector.extract %parallel_loop3A_963[0] : f32 from vector<1xf32>
          %parallel_loop3A_965 = vector.broadcast %parallel_loop3A_964 : f32 to vector<16xf32>
          %parallel_loop3A_966 = arith.mulf %parallel_loop3A_962, %parallel_loop3A_965 : vector<16xf32>
          %parallel_loop3A_967 = arith.constant 2 : i32
          %parallel_loop3A_968 = arith.index_cast %rem3A_304 : i32 to index
          %parallel_loop3A_969 = arith.index_cast %parallel_loop3A_638 : i32 to index
          %parallel_loop3A_970 = arith.index_cast %parallel_loop3A_967 : i32 to index
          %parallel_loop3A_971 = arith.index_cast %parallel_loop3A_944 : i32 to index
          %parallel_loop3A_972 = arith.constant 0 : index
          %parallel_loop3A_973 = tpu.vector_load %arg8[%parallel_loop3A_968, %parallel_loop3A_969, %parallel_loop3A_970, %parallel_loop3A_971, %parallel_loop3A_972] {strides = array<i32>} : memref<2x4x4x128x16xf32, #tpu.memory_space<vmem>>, vector<16xf32>,
          %parallel_loop3A_974 = vector.extract_strided_slice %parallel_loop3A_660 {offsets = [5], sizes = [1], strides = [1]} : vector<16xf32> to vector<1xf32>
          %parallel_loop3A_975 = vector.extract %parallel_loop3A_974[0] : f32 from vector<1xf32>
          %parallel_loop3A_976 = vector.broadcast %parallel_loop3A_975 : f32 to vector<16xf32>
          %parallel_loop3A_977 = arith.mulf %parallel_loop3A_973, %parallel_loop3A_976 : vector<16xf32>
          %parallel_loop3A_978 = arith.addf %parallel_loop3A_955, %parallel_loop3A_977 : vector<16xf32>
          %parallel_loop3A_979 = arith.constant 3 : i32
          %parallel_loop3A_980 = arith.index_cast %rem3A_304 : i32 to index
          %parallel_loop3A_981 = arith.index_cast %parallel_loop3A_638 : i32 to index
          %parallel_loop3A_982 = arith.index_cast %parallel_loop3A_979 : i32 to index
          %parallel_loop3A_983 = arith.index_cast %parallel_loop3A_944 : i32 to index
          %parallel_loop3A_984 = arith.constant 0 : index
          %parallel_loop3A_985 = tpu.vector_load %arg8[%parallel_loop3A_980, %parallel_loop3A_981, %parallel_loop3A_982, %parallel_loop3A_983, %parallel_loop3A_984] {strides = array<i32>} : memref<2x4x4x128x16xf32, #tpu.memory_space<vmem>>, vector<16xf32>,
          %parallel_loop3A_986 = vector.extract_strided_slice %parallel_loop3A_666 {offsets = [5], sizes = [1], strides = [1]} : vector<16xf32> to vector<1xf32>
          %parallel_loop3A_987 = vector.extract %parallel_loop3A_986[0] : f32 from vector<1xf32>
          %parallel_loop3A_988 = vector.broadcast %parallel_loop3A_987 : f32 to vector<16xf32>
          %parallel_loop3A_989 = arith.mulf %parallel_loop3A_985, %parallel_loop3A_988 : vector<16xf32>
          %parallel_loop3A_990 = arith.addf %parallel_loop3A_966, %parallel_loop3A_989 : vector<16xf32>
          %parallel_loop3A_991 = arith.addf %parallel_loop3A_978, %parallel_loop3A_990 : vector<16xf32>
          %parallel_loop3A_992 = arith.constant 6 : i32
          %parallel_loop3A_993 = arith.addi %parallel_loop3A_642, %parallel_loop3A_992 : i32
          %parallel_loop3A_994 = arith.constant 0 : i32
          %parallel_loop3A_995 = arith.index_cast %rem3A_304 : i32 to index
          %parallel_loop3A_996 = arith.index_cast %parallel_loop3A_638 : i32 to index
          %parallel_loop3A_997 = arith.index_cast %parallel_loop3A_994 : i32 to index
          %parallel_loop3A_998 = arith.index_cast %parallel_loop3A_993 : i32 to index
          %parallel_loop3A_999 = arith.constant 0 : index
          %parallel_loop3A_1000 = tpu.vector_load %arg8[%parallel_loop3A_995, %parallel_loop3A_996, %parallel_loop3A_997, %parallel_loop3A_998, %parallel_loop3A_999] {strides = array<i32>} : memref<2x4x4x128x16xf32, #tpu.memory_space<vmem>>, vector<16xf32>,
          %parallel_loop3A_1001 = vector.extract_strided_slice %parallel_loop3A_648 {offsets = [6], sizes = [1], strides = [1]} : vector<16xf32> to vector<1xf32>
          %parallel_loop3A_1002 = vector.extract %parallel_loop3A_1001[0] : f32 from vector<1xf32>
          %parallel_loop3A_1003 = vector.broadcast %parallel_loop3A_1002 : f32 to vector<16xf32>
          %parallel_loop3A_1004 = arith.mulf %parallel_loop3A_1000, %parallel_loop3A_1003 : vector<16xf32>
          %parallel_loop3A_1005 = arith.constant 1 : i32
          %parallel_loop3A_1006 = arith.index_cast %rem3A_304 : i32 to index
          %parallel_loop3A_1007 = arith.index_cast %parallel_loop3A_638 : i32 to index
          %parallel_loop3A_1008 = arith.index_cast %parallel_loop3A_1005 : i32 to index
          %parallel_loop3A_1009 = arith.index_cast %parallel_loop3A_993 : i32 to index
          %parallel_loop3A_1010 = arith.constant 0 : index
          %parallel_loop3A_1011 = tpu.vector_load %arg8[%parallel_loop3A_1006, %parallel_loop3A_1007, %parallel_loop3A_1008, %parallel_loop3A_1009, %parallel_loop3A_1010] {strides = array<i32>} : memref<2x4x4x128x16xf32, #tpu.memory_space<vmem>>, vector<16xf32>,
          %parallel_loop3A_1012 = vector.extract_strided_slice %parallel_loop3A_654 {offsets = [6], sizes = [1], strides = [1]} : vector<16xf32> to vector<1xf32>
          %parallel_loop3A_1013 = vector.extract %parallel_loop3A_1012[0] : f32 from vector<1xf32>
          %parallel_loop3A_1014 = vector.broadcast %parallel_loop3A_1013 : f32 to vector<16xf32>
          %parallel_loop3A_1015 = arith.mulf %parallel_loop3A_1011, %parallel_loop3A_1014 : vector<16xf32>
          %parallel_loop3A_1016 = arith.constant 2 : i32
          %parallel_loop3A_1017 = arith.index_cast %rem3A_304 : i32 to index
          %parallel_loop3A_1018 = arith.index_cast %parallel_loop3A_638 : i32 to index
          %parallel_loop3A_1019 = arith.index_cast %parallel_loop3A_1016 : i32 to index
          %parallel_loop3A_1020 = arith.index_cast %parallel_loop3A_993 : i32 to index
          %parallel_loop3A_1021 = arith.constant 0 : index
          %parallel_loop3A_1022 = tpu.vector_load %arg8[%parallel_loop3A_1017, %parallel_loop3A_1018, %parallel_loop3A_1019, %parallel_loop3A_1020, %parallel_loop3A_1021] {strides = array<i32>} : memref<2x4x4x128x16xf32, #tpu.memory_space<vmem>>, vector<16xf32>,
          %parallel_loop3A_1023 = vector.extract_strided_slice %parallel_loop3A_660 {offsets = [6], sizes = [1], strides = [1]} : vector<16xf32> to vector<1xf32>
          %parallel_loop3A_1024 = vector.extract %parallel_loop3A_1023[0] : f32 from vector<1xf32>
          %parallel_loop3A_1025 = vector.broadcast %parallel_loop3A_1024 : f32 to vector<16xf32>
          %parallel_loop3A_1026 = arith.mulf %parallel_loop3A_1022, %parallel_loop3A_1025 : vector<16xf32>
          %parallel_loop3A_1027 = arith.addf %parallel_loop3A_1004, %parallel_loop3A_1026 : vector<16xf32>
          %parallel_loop3A_1028 = arith.constant 3 : i32
          %parallel_loop3A_1029 = arith.index_cast %rem3A_304 : i32 to index
          %parallel_loop3A_1030 = arith.index_cast %parallel_loop3A_638 : i32 to index
          %parallel_loop3A_1031 = arith.index_cast %parallel_loop3A_1028 : i32 to index
          %parallel_loop3A_1032 = arith.index_cast %parallel_loop3A_993 : i32 to index
          %parallel_loop3A_1033 = arith.constant 0 : index
          %parallel_loop3A_1034 = tpu.vector_load %arg8[%parallel_loop3A_1029, %parallel_loop3A_1030, %parallel_loop3A_1031, %parallel_loop3A_1032, %parallel_loop3A_1033] {strides = array<i32>} : memref<2x4x4x128x16xf32, #tpu.memory_space<vmem>>, vector<16xf32>,
          %parallel_loop3A_1035 = vector.extract_strided_slice %parallel_loop3A_666 {offsets = [6], sizes = [1], strides = [1]} : vector<16xf32> to vector<1xf32>
          %parallel_loop3A_1036 = vector.extract %parallel_loop3A_1035[0] : f32 from vector<1xf32>
          %parallel_loop3A_1037 = vector.broadcast %parallel_loop3A_1036 : f32 to vector<16xf32>
          %parallel_loop3A_1038 = arith.mulf %parallel_loop3A_1034, %parallel_loop3A_1037 : vector<16xf32>
          %parallel_loop3A_1039 = arith.addf %parallel_loop3A_1015, %parallel_loop3A_1038 : vector<16xf32>
          %parallel_loop3A_1040 = arith.addf %parallel_loop3A_1027, %parallel_loop3A_1039 : vector<16xf32>
          %parallel_loop3A_1041 = arith.constant 7 : i32
          %parallel_loop3A_1042 = arith.addi %parallel_loop3A_642, %parallel_loop3A_1041 : i32
          %parallel_loop3A_1043 = arith.constant 0 : i32
          %parallel_loop3A_1044 = arith.index_cast %rem3A_304 : i32 to index
          %parallel_loop3A_1045 = arith.index_cast %parallel_loop3A_638 : i32 to index
          %parallel_loop3A_1046 = arith.index_cast %parallel_loop3A_1043 : i32 to index
          %parallel_loop3A_1047 = arith.index_cast %parallel_loop3A_1042 : i32 to index
          %parallel_loop3A_1048 = arith.constant 0 : index
          %parallel_loop3A_1049 = tpu.vector_load %arg8[%parallel_loop3A_1044, %parallel_loop3A_1045, %parallel_loop3A_1046, %parallel_loop3A_1047, %parallel_loop3A_1048] {strides = array<i32>} : memref<2x4x4x128x16xf32, #tpu.memory_space<vmem>>, vector<16xf32>,
          %parallel_loop3A_1050 = vector.extract_strided_slice %parallel_loop3A_648 {offsets = [7], sizes = [1], strides = [1]} : vector<16xf32> to vector<1xf32>
          %parallel_loop3A_1051 = vector.extract %parallel_loop3A_1050[0] : f32 from vector<1xf32>
          %parallel_loop3A_1052 = vector.broadcast %parallel_loop3A_1051 : f32 to vector<16xf32>
          %parallel_loop3A_1053 = arith.mulf %parallel_loop3A_1049, %parallel_loop3A_1052 : vector<16xf32>
          %parallel_loop3A_1054 = arith.constant 1 : i32
          %parallel_loop3A_1055 = arith.index_cast %rem3A_304 : i32 to index
          %parallel_loop3A_1056 = arith.index_cast %parallel_loop3A_638 : i32 to index
          %parallel_loop3A_1057 = arith.index_cast %parallel_loop3A_1054 : i32 to index
          %parallel_loop3A_1058 = arith.index_cast %parallel_loop3A_1042 : i32 to index
          %parallel_loop3A_1059 = arith.constant 0 : index
          %parallel_loop3A_1060 = tpu.vector_load %arg8[%parallel_loop3A_1055, %parallel_loop3A_1056, %parallel_loop3A_1057, %parallel_loop3A_1058, %parallel_loop3A_1059] {strides = array<i32>} : memref<2x4x4x128x16xf32, #tpu.memory_space<vmem>>, vector<16xf32>,
          %parallel_loop3A_1061 = vector.extract_strided_slice %parallel_loop3A_654 {offsets = [7], sizes = [1], strides = [1]} : vector<16xf32> to vector<1xf32>
          %parallel_loop3A_1062 = vector.extract %parallel_loop3A_1061[0] : f32 from vector<1xf32>
          %parallel_loop3A_1063 = vector.broadcast %parallel_loop3A_1062 : f32 to vector<16xf32>
          %parallel_loop3A_1064 = arith.mulf %parallel_loop3A_1060, %parallel_loop3A_1063 : vector<16xf32>
          %parallel_loop3A_1065 = arith.constant 2 : i32
          %parallel_loop3A_1066 = arith.index_cast %rem3A_304 : i32 to index
          %parallel_loop3A_1067 = arith.index_cast %parallel_loop3A_638 : i32 to index
          %parallel_loop3A_1068 = arith.index_cast %parallel_loop3A_1065 : i32 to index
          %parallel_loop3A_1069 = arith.index_cast %parallel_loop3A_1042 : i32 to index
          %parallel_loop3A_1070 = arith.constant 0 : index
          %parallel_loop3A_1071 = tpu.vector_load %arg8[%parallel_loop3A_1066, %parallel_loop3A_1067, %parallel_loop3A_1068, %parallel_loop3A_1069, %parallel_loop3A_1070] {strides = array<i32>} : memref<2x4x4x128x16xf32, #tpu.memory_space<vmem>>, vector<16xf32>,
          %parallel_loop3A_1072 = vector.extract_strided_slice %parallel_loop3A_660 {offsets = [7], sizes = [1], strides = [1]} : vector<16xf32> to vector<1xf32>
          %parallel_loop3A_1073 = vector.extract %parallel_loop3A_1072[0] : f32 from vector<1xf32>
          %parallel_loop3A_1074 = vector.broadcast %parallel_loop3A_1073 : f32 to vector<16xf32>
          %parallel_loop3A_1075 = arith.mulf %parallel_loop3A_1071, %parallel_loop3A_1074 : vector<16xf32>
          %parallel_loop3A_1076 = arith.addf %parallel_loop3A_1053, %parallel_loop3A_1075 : vector<16xf32>
          %parallel_loop3A_1077 = arith.constant 3 : i32
          %parallel_loop3A_1078 = arith.index_cast %rem3A_304 : i32 to index
          %parallel_loop3A_1079 = arith.index_cast %parallel_loop3A_638 : i32 to index
          %parallel_loop3A_1080 = arith.index_cast %parallel_loop3A_1077 : i32 to index
          %parallel_loop3A_1081 = arith.index_cast %parallel_loop3A_1042 : i32 to index
          %parallel_loop3A_1082 = arith.constant 0 : index
          %parallel_loop3A_1083 = tpu.vector_load %arg8[%parallel_loop3A_1078, %parallel_loop3A_1079, %parallel_loop3A_1080, %parallel_loop3A_1081, %parallel_loop3A_1082] {strides = array<i32>} : memref<2x4x4x128x16xf32, #tpu.memory_space<vmem>>, vector<16xf32>,
          %parallel_loop3A_1084 = vector.extract_strided_slice %parallel_loop3A_666 {offsets = [7], sizes = [1], strides = [1]} : vector<16xf32> to vector<1xf32>
          %parallel_loop3A_1085 = vector.extract %parallel_loop3A_1084[0] : f32 from vector<1xf32>
          %parallel_loop3A_1086 = vector.broadcast %parallel_loop3A_1085 : f32 to vector<16xf32>
          %parallel_loop3A_1087 = arith.mulf %parallel_loop3A_1083, %parallel_loop3A_1086 : vector<16xf32>
          %parallel_loop3A_1088 = arith.addf %parallel_loop3A_1064, %parallel_loop3A_1087 : vector<16xf32>
          %parallel_loop3A_1089 = arith.addf %parallel_loop3A_1076, %parallel_loop3A_1088 : vector<16xf32>
          %parallel_loop3A_1090 = arith.constant 4 : i32
          %parallel_loop3A_1091 = arith.addi %parallel_loop3A_669, %parallel_loop3A_1090 : i32
          %parallel_loop3A_1092 = vector.broadcast %parallel_loop3A_1091 : i32 to vector<16xi32>
          %parallel_loop3A_1093 = arith.constant 0 : i32
          %parallel_loop3A_1094 = arith.constant 0 : i32
          %parallel_loop3A_1095 = tpu.memref_slice %arg9[%rem3A_304, %parallel_loop3A_1093, %parallel_loop3A_1094] : memref<2x16x512xf32, #tpu.memory_space<vmem>> -> memref<1x16x512xf32, #tpu.memory_space<vmem>>
          %parallel_loop3A_1096 = tpu.memref_squeeze %parallel_loop3A_1095 : memref<1x16x512xf32, #tpu.memory_space<vmem>> -> memref<16x512xf32, #tpu.memory_space<vmem>>
          tpu.vector_store_idx %parallel_loop3A_1096[%iota3A, %parallel_loop3A_1092], %parallel_loop3A_942 : memref<16x512xf32, #tpu.memory_space<vmem>>[vector<16xi32>, vector<16xi32>], vector<16xf32>,
          %parallel_loop3A_1097 = arith.constant 5 : i32
          %parallel_loop3A_1098 = arith.addi %parallel_loop3A_669, %parallel_loop3A_1097 : i32
          %parallel_loop3A_1099 = vector.broadcast %parallel_loop3A_1098 : i32 to vector<16xi32>
          %parallel_loop3A_1100 = arith.constant 0 : i32
          %parallel_loop3A_1101 = arith.constant 0 : i32
          %parallel_loop3A_1102 = tpu.memref_slice %arg9[%rem3A_304, %parallel_loop3A_1100, %parallel_loop3A_1101] : memref<2x16x512xf32, #tpu.memory_space<vmem>> -> memref<1x16x512xf32, #tpu.memory_space<vmem>>
          %parallel_loop3A_1103 = tpu.memref_squeeze %parallel_loop3A_1102 : memref<1x16x512xf32, #tpu.memory_space<vmem>> -> memref<16x512xf32, #tpu.memory_space<vmem>>
          tpu.vector_store_idx %parallel_loop3A_1103[%iota3A, %parallel_loop3A_1099], %parallel_loop3A_991 : memref<16x512xf32, #tpu.memory_space<vmem>>[vector<16xi32>, vector<16xi32>], vector<16xf32>,
          %parallel_loop3A_1104 = arith.constant 6 : i32
          %parallel_loop3A_1105 = arith.addi %parallel_loop3A_669, %parallel_loop3A_1104 : i32
          %parallel_loop3A_1106 = vector.broadcast %parallel_loop3A_1105 : i32 to vector<16xi32>
          %parallel_loop3A_1107 = arith.constant 0 : i32
          %parallel_loop3A_1108 = arith.constant 0 : i32
          %parallel_loop3A_1109 = tpu.memref_slice %arg9[%rem3A_304, %parallel_loop3A_1107, %parallel_loop3A_1108] : memref<2x16x512xf32, #tpu.memory_space<vmem>> -> memref<1x16x512xf32, #tpu.memory_space<vmem>>
          %parallel_loop3A_1110 = tpu.memref_squeeze %parallel_loop3A_1109 : memref<1x16x512xf32, #tpu.memory_space<vmem>> -> memref<16x512xf32, #tpu.memory_space<vmem>>
          tpu.vector_store_idx %parallel_loop3A_1110[%iota3A, %parallel_loop3A_1106], %parallel_loop3A_1040 : memref<16x512xf32, #tpu.memory_space<vmem>>[vector<16xi32>, vector<16xi32>], vector<16xf32>,
          %parallel_loop3A_1111 = arith.constant 7 : i32
          %parallel_loop3A_1112 = arith.addi %parallel_loop3A_669, %parallel_loop3A_1111 : i32
          %parallel_loop3A_1113 = vector.broadcast %parallel_loop3A_1112 : i32 to vector<16xi32>
          %parallel_loop3A_1114 = arith.constant 0 : i32
          %parallel_loop3A_1115 = arith.constant 0 : i32
          %parallel_loop3A_1116 = tpu.memref_slice %arg9[%rem3A_304, %parallel_loop3A_1114, %parallel_loop3A_1115] : memref<2x16x512xf32, #tpu.memory_space<vmem>> -> memref<1x16x512xf32, #tpu.memory_space<vmem>>
          %parallel_loop3A_1117 = tpu.memref_squeeze %parallel_loop3A_1116 : memref<1x16x512xf32, #tpu.memory_space<vmem>> -> memref<16x512xf32, #tpu.memory_space<vmem>>
          tpu.vector_store_idx %parallel_loop3A_1117[%iota3A, %parallel_loop3A_1113], %parallel_loop3A_1089 : memref<16x512xf32, #tpu.memory_space<vmem>>[vector<16xi32>, vector<16xi32>], vector<16xf32>,
          %parallel_loop3A_1118 = arith.constant 8 : i32
          %parallel_loop3A_1119 = arith.addi %parallel_loop3A_642, %parallel_loop3A_1118 : i32
          %parallel_loop3A_1120 = arith.constant 0 : i32
          %parallel_loop3A_1121 = arith.index_cast %rem3A_304 : i32 to index
          %parallel_loop3A_1122 = arith.index_cast %parallel_loop3A_638 : i32 to index
          %parallel_loop3A_1123 = arith.index_cast %parallel_loop3A_1120 : i32 to index
          %parallel_loop3A_1124 = arith.index_cast %parallel_loop3A_1119 : i32 to index
          %parallel_loop3A_1125 = arith.constant 0 : index
          %parallel_loop3A_1126 = tpu.vector_load %arg8[%parallel_loop3A_1121, %parallel_loop3A_1122, %parallel_loop3A_1123, %parallel_loop3A_1124, %parallel_loop3A_1125] {strides = array<i32>} : memref<2x4x4x128x16xf32, #tpu.memory_space<vmem>>, vector<16xf32>,
          %parallel_loop3A_1127 = vector.extract_strided_slice %parallel_loop3A_648 {offsets = [8], sizes = [1], strides = [1]} : vector<16xf32> to vector<1xf32>
          %parallel_loop3A_1128 = vector.extract %parallel_loop3A_1127[0] : f32 from vector<1xf32>
          %parallel_loop3A_1129 = vector.broadcast %parallel_loop3A_1128 : f32 to vector<16xf32>
          %parallel_loop3A_1130 = arith.mulf %parallel_loop3A_1126, %parallel_loop3A_1129 : vector<16xf32>
          %parallel_loop3A_1131 = arith.constant 1 : i32
          %parallel_loop3A_1132 = arith.index_cast %rem3A_304 : i32 to index
          %parallel_loop3A_1133 = arith.index_cast %parallel_loop3A_638 : i32 to index
          %parallel_loop3A_1134 = arith.index_cast %parallel_loop3A_1131 : i32 to index
          %parallel_loop3A_1135 = arith.index_cast %parallel_loop3A_1119 : i32 to index
          %parallel_loop3A_1136 = arith.constant 0 : index
          %parallel_loop3A_1137 = tpu.vector_load %arg8[%parallel_loop3A_1132, %parallel_loop3A_1133, %parallel_loop3A_1134, %parallel_loop3A_1135, %parallel_loop3A_1136] {strides = array<i32>} : memref<2x4x4x128x16xf32, #tpu.memory_space<vmem>>, vector<16xf32>,
          %parallel_loop3A_1138 = vector.extract_strided_slice %parallel_loop3A_654 {offsets = [8], sizes = [1], strides = [1]} : vector<16xf32> to vector<1xf32>
          %parallel_loop3A_1139 = vector.extract %parallel_loop3A_1138[0] : f32 from vector<1xf32>
          %parallel_loop3A_1140 = vector.broadcast %parallel_loop3A_1139 : f32 to vector<16xf32>
          %parallel_loop3A_1141 = arith.mulf %parallel_loop3A_1137, %parallel_loop3A_1140 : vector<16xf32>
          %parallel_loop3A_1142 = arith.constant 2 : i32
          %parallel_loop3A_1143 = arith.index_cast %rem3A_304 : i32 to index
          %parallel_loop3A_1144 = arith.index_cast %parallel_loop3A_638 : i32 to index
          %parallel_loop3A_1145 = arith.index_cast %parallel_loop3A_1142 : i32 to index
          %parallel_loop3A_1146 = arith.index_cast %parallel_loop3A_1119 : i32 to index
          %parallel_loop3A_1147 = arith.constant 0 : index
          %parallel_loop3A_1148 = tpu.vector_load %arg8[%parallel_loop3A_1143, %parallel_loop3A_1144, %parallel_loop3A_1145, %parallel_loop3A_1146, %parallel_loop3A_1147] {strides = array<i32>} : memref<2x4x4x128x16xf32, #tpu.memory_space<vmem>>, vector<16xf32>,
          %parallel_loop3A_1149 = vector.extract_strided_slice %parallel_loop3A_660 {offsets = [8], sizes = [1], strides = [1]} : vector<16xf32> to vector<1xf32>
          %parallel_loop3A_1150 = vector.extract %parallel_loop3A_1149[0] : f32 from vector<1xf32>
          %parallel_loop3A_1151 = vector.broadcast %parallel_loop3A_1150 : f32 to vector<16xf32>
          %parallel_loop3A_1152 = arith.mulf %parallel_loop3A_1148, %parallel_loop3A_1151 : vector<16xf32>
          %parallel_loop3A_1153 = arith.addf %parallel_loop3A_1130, %parallel_loop3A_1152 : vector<16xf32>
          %parallel_loop3A_1154 = arith.constant 3 : i32
          %parallel_loop3A_1155 = arith.index_cast %rem3A_304 : i32 to index
          %parallel_loop3A_1156 = arith.index_cast %parallel_loop3A_638 : i32 to index
          %parallel_loop3A_1157 = arith.index_cast %parallel_loop3A_1154 : i32 to index
          %parallel_loop3A_1158 = arith.index_cast %parallel_loop3A_1119 : i32 to index
          %parallel_loop3A_1159 = arith.constant 0 : index
          %parallel_loop3A_1160 = tpu.vector_load %arg8[%parallel_loop3A_1155, %parallel_loop3A_1156, %parallel_loop3A_1157, %parallel_loop3A_1158, %parallel_loop3A_1159] {strides = array<i32>} : memref<2x4x4x128x16xf32, #tpu.memory_space<vmem>>, vector<16xf32>,
          %parallel_loop3A_1161 = vector.extract_strided_slice %parallel_loop3A_666 {offsets = [8], sizes = [1], strides = [1]} : vector<16xf32> to vector<1xf32>
          %parallel_loop3A_1162 = vector.extract %parallel_loop3A_1161[0] : f32 from vector<1xf32>
          %parallel_loop3A_1163 = vector.broadcast %parallel_loop3A_1162 : f32 to vector<16xf32>
          %parallel_loop3A_1164 = arith.mulf %parallel_loop3A_1160, %parallel_loop3A_1163 : vector<16xf32>
          %parallel_loop3A_1165 = arith.addf %parallel_loop3A_1141, %parallel_loop3A_1164 : vector<16xf32>
          %parallel_loop3A_1166 = arith.addf %parallel_loop3A_1153, %parallel_loop3A_1165 : vector<16xf32>
          %parallel_loop3A_1167 = arith.constant 9 : i32
          %parallel_loop3A_1168 = arith.addi %parallel_loop3A_642, %parallel_loop3A_1167 : i32
          %parallel_loop3A_1169 = arith.constant 0 : i32
          %parallel_loop3A_1170 = arith.index_cast %rem3A_304 : i32 to index
          %parallel_loop3A_1171 = arith.index_cast %parallel_loop3A_638 : i32 to index
          %parallel_loop3A_1172 = arith.index_cast %parallel_loop3A_1169 : i32 to index
          %parallel_loop3A_1173 = arith.index_cast %parallel_loop3A_1168 : i32 to index
          %parallel_loop3A_1174 = arith.constant 0 : index
          %parallel_loop3A_1175 = tpu.vector_load %arg8[%parallel_loop3A_1170, %parallel_loop3A_1171, %parallel_loop3A_1172, %parallel_loop3A_1173, %parallel_loop3A_1174] {strides = array<i32>} : memref<2x4x4x128x16xf32, #tpu.memory_space<vmem>>, vector<16xf32>,
          %parallel_loop3A_1176 = vector.extract_strided_slice %parallel_loop3A_648 {offsets = [9], sizes = [1], strides = [1]} : vector<16xf32> to vector<1xf32>
          %parallel_loop3A_1177 = vector.extract %parallel_loop3A_1176[0] : f32 from vector<1xf32>
          %parallel_loop3A_1178 = vector.broadcast %parallel_loop3A_1177 : f32 to vector<16xf32>
          %parallel_loop3A_1179 = arith.mulf %parallel_loop3A_1175, %parallel_loop3A_1178 : vector<16xf32>
          %parallel_loop3A_1180 = arith.constant 1 : i32
          %parallel_loop3A_1181 = arith.index_cast %rem3A_304 : i32 to index
          %parallel_loop3A_1182 = arith.index_cast %parallel_loop3A_638 : i32 to index
          %parallel_loop3A_1183 = arith.index_cast %parallel_loop3A_1180 : i32 to index
          %parallel_loop3A_1184 = arith.index_cast %parallel_loop3A_1168 : i32 to index
          %parallel_loop3A_1185 = arith.constant 0 : index
          %parallel_loop3A_1186 = tpu.vector_load %arg8[%parallel_loop3A_1181, %parallel_loop3A_1182, %parallel_loop3A_1183, %parallel_loop3A_1184, %parallel_loop3A_1185] {strides = array<i32>} : memref<2x4x4x128x16xf32, #tpu.memory_space<vmem>>, vector<16xf32>,
          %parallel_loop3A_1187 = vector.extract_strided_slice %parallel_loop3A_654 {offsets = [9], sizes = [1], strides = [1]} : vector<16xf32> to vector<1xf32>
          %parallel_loop3A_1188 = vector.extract %parallel_loop3A_1187[0] : f32 from vector<1xf32>
          %parallel_loop3A_1189 = vector.broadcast %parallel_loop3A_1188 : f32 to vector<16xf32>
          %parallel_loop3A_1190 = arith.mulf %parallel_loop3A_1186, %parallel_loop3A_1189 : vector<16xf32>
          %parallel_loop3A_1191 = arith.constant 2 : i32
          %parallel_loop3A_1192 = arith.index_cast %rem3A_304 : i32 to index
          %parallel_loop3A_1193 = arith.index_cast %parallel_loop3A_638 : i32 to index
          %parallel_loop3A_1194 = arith.index_cast %parallel_loop3A_1191 : i32 to index
          %parallel_loop3A_1195 = arith.index_cast %parallel_loop3A_1168 : i32 to index
          %parallel_loop3A_1196 = arith.constant 0 : index
          %parallel_loop3A_1197 = tpu.vector_load %arg8[%parallel_loop3A_1192, %parallel_loop3A_1193, %parallel_loop3A_1194, %parallel_loop3A_1195, %parallel_loop3A_1196] {strides = array<i32>} : memref<2x4x4x128x16xf32, #tpu.memory_space<vmem>>, vector<16xf32>,
          %parallel_loop3A_1198 = vector.extract_strided_slice %parallel_loop3A_660 {offsets = [9], sizes = [1], strides = [1]} : vector<16xf32> to vector<1xf32>
          %parallel_loop3A_1199 = vector.extract %parallel_loop3A_1198[0] : f32 from vector<1xf32>
          %parallel_loop3A_1200 = vector.broadcast %parallel_loop3A_1199 : f32 to vector<16xf32>
          %parallel_loop3A_1201 = arith.mulf %parallel_loop3A_1197, %parallel_loop3A_1200 : vector<16xf32>
          %parallel_loop3A_1202 = arith.addf %parallel_loop3A_1179, %parallel_loop3A_1201 : vector<16xf32>
          %parallel_loop3A_1203 = arith.constant 3 : i32
          %parallel_loop3A_1204 = arith.index_cast %rem3A_304 : i32 to index
          %parallel_loop3A_1205 = arith.index_cast %parallel_loop3A_638 : i32 to index
          %parallel_loop3A_1206 = arith.index_cast %parallel_loop3A_1203 : i32 to index
          %parallel_loop3A_1207 = arith.index_cast %parallel_loop3A_1168 : i32 to index
          %parallel_loop3A_1208 = arith.constant 0 : index
          %parallel_loop3A_1209 = tpu.vector_load %arg8[%parallel_loop3A_1204, %parallel_loop3A_1205, %parallel_loop3A_1206, %parallel_loop3A_1207, %parallel_loop3A_1208] {strides = array<i32>} : memref<2x4x4x128x16xf32, #tpu.memory_space<vmem>>, vector<16xf32>,
          %parallel_loop3A_1210 = vector.extract_strided_slice %parallel_loop3A_666 {offsets = [9], sizes = [1], strides = [1]} : vector<16xf32> to vector<1xf32>
          %parallel_loop3A_1211 = vector.extract %parallel_loop3A_1210[0] : f32 from vector<1xf32>
          %parallel_loop3A_1212 = vector.broadcast %parallel_loop3A_1211 : f32 to vector<16xf32>
          %parallel_loop3A_1213 = arith.mulf %parallel_loop3A_1209, %parallel_loop3A_1212 : vector<16xf32>
          %parallel_loop3A_1214 = arith.addf %parallel_loop3A_1190, %parallel_loop3A_1213 : vector<16xf32>
          %parallel_loop3A_1215 = arith.addf %parallel_loop3A_1202, %parallel_loop3A_1214 : vector<16xf32>
          %parallel_loop3A_1216 = arith.constant 10 : i32
          %parallel_loop3A_1217 = arith.addi %parallel_loop3A_642, %parallel_loop3A_1216 : i32
          %parallel_loop3A_1218 = arith.constant 0 : i32
          %parallel_loop3A_1219 = arith.index_cast %rem3A_304 : i32 to index
          %parallel_loop3A_1220 = arith.index_cast %parallel_loop3A_638 : i32 to index
          %parallel_loop3A_1221 = arith.index_cast %parallel_loop3A_1218 : i32 to index
          %parallel_loop3A_1222 = arith.index_cast %parallel_loop3A_1217 : i32 to index
          %parallel_loop3A_1223 = arith.constant 0 : index
          %parallel_loop3A_1224 = tpu.vector_load %arg8[%parallel_loop3A_1219, %parallel_loop3A_1220, %parallel_loop3A_1221, %parallel_loop3A_1222, %parallel_loop3A_1223] {strides = array<i32>} : memref<2x4x4x128x16xf32, #tpu.memory_space<vmem>>, vector<16xf32>,
          %parallel_loop3A_1225 = vector.extract_strided_slice %parallel_loop3A_648 {offsets = [10], sizes = [1], strides = [1]} : vector<16xf32> to vector<1xf32>
          %parallel_loop3A_1226 = vector.extract %parallel_loop3A_1225[0] : f32 from vector<1xf32>
          %parallel_loop3A_1227 = vector.broadcast %parallel_loop3A_1226 : f32 to vector<16xf32>
          %parallel_loop3A_1228 = arith.mulf %parallel_loop3A_1224, %parallel_loop3A_1227 : vector<16xf32>
          %parallel_loop3A_1229 = arith.constant 1 : i32
          %parallel_loop3A_1230 = arith.index_cast %rem3A_304 : i32 to index
          %parallel_loop3A_1231 = arith.index_cast %parallel_loop3A_638 : i32 to index
          %parallel_loop3A_1232 = arith.index_cast %parallel_loop3A_1229 : i32 to index
          %parallel_loop3A_1233 = arith.index_cast %parallel_loop3A_1217 : i32 to index
          %parallel_loop3A_1234 = arith.constant 0 : index
          %parallel_loop3A_1235 = tpu.vector_load %arg8[%parallel_loop3A_1230, %parallel_loop3A_1231, %parallel_loop3A_1232, %parallel_loop3A_1233, %parallel_loop3A_1234] {strides = array<i32>} : memref<2x4x4x128x16xf32, #tpu.memory_space<vmem>>, vector<16xf32>,
          %parallel_loop3A_1236 = vector.extract_strided_slice %parallel_loop3A_654 {offsets = [10], sizes = [1], strides = [1]} : vector<16xf32> to vector<1xf32>
          %parallel_loop3A_1237 = vector.extract %parallel_loop3A_1236[0] : f32 from vector<1xf32>
          %parallel_loop3A_1238 = vector.broadcast %parallel_loop3A_1237 : f32 to vector<16xf32>
          %parallel_loop3A_1239 = arith.mulf %parallel_loop3A_1235, %parallel_loop3A_1238 : vector<16xf32>
          %parallel_loop3A_1240 = arith.constant 2 : i32
          %parallel_loop3A_1241 = arith.index_cast %rem3A_304 : i32 to index
          %parallel_loop3A_1242 = arith.index_cast %parallel_loop3A_638 : i32 to index
          %parallel_loop3A_1243 = arith.index_cast %parallel_loop3A_1240 : i32 to index
          %parallel_loop3A_1244 = arith.index_cast %parallel_loop3A_1217 : i32 to index
          %parallel_loop3A_1245 = arith.constant 0 : index
          %parallel_loop3A_1246 = tpu.vector_load %arg8[%parallel_loop3A_1241, %parallel_loop3A_1242, %parallel_loop3A_1243, %parallel_loop3A_1244, %parallel_loop3A_1245] {strides = array<i32>} : memref<2x4x4x128x16xf32, #tpu.memory_space<vmem>>, vector<16xf32>,
          %parallel_loop3A_1247 = vector.extract_strided_slice %parallel_loop3A_660 {offsets = [10], sizes = [1], strides = [1]} : vector<16xf32> to vector<1xf32>
          %parallel_loop3A_1248 = vector.extract %parallel_loop3A_1247[0] : f32 from vector<1xf32>
          %parallel_loop3A_1249 = vector.broadcast %parallel_loop3A_1248 : f32 to vector<16xf32>
          %parallel_loop3A_1250 = arith.mulf %parallel_loop3A_1246, %parallel_loop3A_1249 : vector<16xf32>
          %parallel_loop3A_1251 = arith.addf %parallel_loop3A_1228, %parallel_loop3A_1250 : vector<16xf32>
          %parallel_loop3A_1252 = arith.constant 3 : i32
          %parallel_loop3A_1253 = arith.index_cast %rem3A_304 : i32 to index
          %parallel_loop3A_1254 = arith.index_cast %parallel_loop3A_638 : i32 to index
          %parallel_loop3A_1255 = arith.index_cast %parallel_loop3A_1252 : i32 to index
          %parallel_loop3A_1256 = arith.index_cast %parallel_loop3A_1217 : i32 to index
          %parallel_loop3A_1257 = arith.constant 0 : index
          %parallel_loop3A_1258 = tpu.vector_load %arg8[%parallel_loop3A_1253, %parallel_loop3A_1254, %parallel_loop3A_1255, %parallel_loop3A_1256, %parallel_loop3A_1257] {strides = array<i32>} : memref<2x4x4x128x16xf32, #tpu.memory_space<vmem>>, vector<16xf32>,
          %parallel_loop3A_1259 = vector.extract_strided_slice %parallel_loop3A_666 {offsets = [10], sizes = [1], strides = [1]} : vector<16xf32> to vector<1xf32>
          %parallel_loop3A_1260 = vector.extract %parallel_loop3A_1259[0] : f32 from vector<1xf32>
          %parallel_loop3A_1261 = vector.broadcast %parallel_loop3A_1260 : f32 to vector<16xf32>
          %parallel_loop3A_1262 = arith.mulf %parallel_loop3A_1258, %parallel_loop3A_1261 : vector<16xf32>
          %parallel_loop3A_1263 = arith.addf %parallel_loop3A_1239, %parallel_loop3A_1262 : vector<16xf32>
          %parallel_loop3A_1264 = arith.addf %parallel_loop3A_1251, %parallel_loop3A_1263 : vector<16xf32>
          %parallel_loop3A_1265 = arith.constant 11 : i32
          %parallel_loop3A_1266 = arith.addi %parallel_loop3A_642, %parallel_loop3A_1265 : i32
          %parallel_loop3A_1267 = arith.constant 0 : i32
          %parallel_loop3A_1268 = arith.index_cast %rem3A_304 : i32 to index
          %parallel_loop3A_1269 = arith.index_cast %parallel_loop3A_638 : i32 to index
          %parallel_loop3A_1270 = arith.index_cast %parallel_loop3A_1267 : i32 to index
          %parallel_loop3A_1271 = arith.index_cast %parallel_loop3A_1266 : i32 to index
          %parallel_loop3A_1272 = arith.constant 0 : index
          %parallel_loop3A_1273 = tpu.vector_load %arg8[%parallel_loop3A_1268, %parallel_loop3A_1269, %parallel_loop3A_1270, %parallel_loop3A_1271, %parallel_loop3A_1272] {strides = array<i32>} : memref<2x4x4x128x16xf32, #tpu.memory_space<vmem>>, vector<16xf32>,
          %parallel_loop3A_1274 = vector.extract_strided_slice %parallel_loop3A_648 {offsets = [11], sizes = [1], strides = [1]} : vector<16xf32> to vector<1xf32>
          %parallel_loop3A_1275 = vector.extract %parallel_loop3A_1274[0] : f32 from vector<1xf32>
          %parallel_loop3A_1276 = vector.broadcast %parallel_loop3A_1275 : f32 to vector<16xf32>
          %parallel_loop3A_1277 = arith.mulf %parallel_loop3A_1273, %parallel_loop3A_1276 : vector<16xf32>
          %parallel_loop3A_1278 = arith.constant 1 : i32
          %parallel_loop3A_1279 = arith.index_cast %rem3A_304 : i32 to index
          %parallel_loop3A_1280 = arith.index_cast %parallel_loop3A_638 : i32 to index
          %parallel_loop3A_1281 = arith.index_cast %parallel_loop3A_1278 : i32 to index
          %parallel_loop3A_1282 = arith.index_cast %parallel_loop3A_1266 : i32 to index
          %parallel_loop3A_1283 = arith.constant 0 : index
          %parallel_loop3A_1284 = tpu.vector_load %arg8[%parallel_loop3A_1279, %parallel_loop3A_1280, %parallel_loop3A_1281, %parallel_loop3A_1282, %parallel_loop3A_1283] {strides = array<i32>} : memref<2x4x4x128x16xf32, #tpu.memory_space<vmem>>, vector<16xf32>,
          %parallel_loop3A_1285 = vector.extract_strided_slice %parallel_loop3A_654 {offsets = [11], sizes = [1], strides = [1]} : vector<16xf32> to vector<1xf32>
          %parallel_loop3A_1286 = vector.extract %parallel_loop3A_1285[0] : f32 from vector<1xf32>
          %parallel_loop3A_1287 = vector.broadcast %parallel_loop3A_1286 : f32 to vector<16xf32>
          %parallel_loop3A_1288 = arith.mulf %parallel_loop3A_1284, %parallel_loop3A_1287 : vector<16xf32>
          %parallel_loop3A_1289 = arith.constant 2 : i32
          %parallel_loop3A_1290 = arith.index_cast %rem3A_304 : i32 to index
          %parallel_loop3A_1291 = arith.index_cast %parallel_loop3A_638 : i32 to index
          %parallel_loop3A_1292 = arith.index_cast %parallel_loop3A_1289 : i32 to index
          %parallel_loop3A_1293 = arith.index_cast %parallel_loop3A_1266 : i32 to index
          %parallel_loop3A_1294 = arith.constant 0 : index
          %parallel_loop3A_1295 = tpu.vector_load %arg8[%parallel_loop3A_1290, %parallel_loop3A_1291, %parallel_loop3A_1292, %parallel_loop3A_1293, %parallel_loop3A_1294] {strides = array<i32>} : memref<2x4x4x128x16xf32, #tpu.memory_space<vmem>>, vector<16xf32>,
          %parallel_loop3A_1296 = vector.extract_strided_slice %parallel_loop3A_660 {offsets = [11], sizes = [1], strides = [1]} : vector<16xf32> to vector<1xf32>
          %parallel_loop3A_1297 = vector.extract %parallel_loop3A_1296[0] : f32 from vector<1xf32>
          %parallel_loop3A_1298 = vector.broadcast %parallel_loop3A_1297 : f32 to vector<16xf32>
          %parallel_loop3A_1299 = arith.mulf %parallel_loop3A_1295, %parallel_loop3A_1298 : vector<16xf32>
          %parallel_loop3A_1300 = arith.addf %parallel_loop3A_1277, %parallel_loop3A_1299 : vector<16xf32>
          %parallel_loop3A_1301 = arith.constant 3 : i32
          %parallel_loop3A_1302 = arith.index_cast %rem3A_304 : i32 to index
          %parallel_loop3A_1303 = arith.index_cast %parallel_loop3A_638 : i32 to index
          %parallel_loop3A_1304 = arith.index_cast %parallel_loop3A_1301 : i32 to index
          %parallel_loop3A_1305 = arith.index_cast %parallel_loop3A_1266 : i32 to index
          %parallel_loop3A_1306 = arith.constant 0 : index
          %parallel_loop3A_1307 = tpu.vector_load %arg8[%parallel_loop3A_1302, %parallel_loop3A_1303, %parallel_loop3A_1304, %parallel_loop3A_1305, %parallel_loop3A_1306] {strides = array<i32>} : memref<2x4x4x128x16xf32, #tpu.memory_space<vmem>>, vector<16xf32>,
          %parallel_loop3A_1308 = vector.extract_strided_slice %parallel_loop3A_666 {offsets = [11], sizes = [1], strides = [1]} : vector<16xf32> to vector<1xf32>
          %parallel_loop3A_1309 = vector.extract %parallel_loop3A_1308[0] : f32 from vector<1xf32>
          %parallel_loop3A_1310 = vector.broadcast %parallel_loop3A_1309 : f32 to vector<16xf32>
          %parallel_loop3A_1311 = arith.mulf %parallel_loop3A_1307, %parallel_loop3A_1310 : vector<16xf32>
          %parallel_loop3A_1312 = arith.addf %parallel_loop3A_1288, %parallel_loop3A_1311 : vector<16xf32>
          %parallel_loop3A_1313 = arith.addf %parallel_loop3A_1300, %parallel_loop3A_1312 : vector<16xf32>
          %parallel_loop3A_1314 = arith.constant 8 : i32
          %parallel_loop3A_1315 = arith.addi %parallel_loop3A_669, %parallel_loop3A_1314 : i32
          %parallel_loop3A_1316 = vector.broadcast %parallel_loop3A_1315 : i32 to vector<16xi32>
          %parallel_loop3A_1317 = arith.constant 0 : i32
          %parallel_loop3A_1318 = arith.constant 0 : i32
          %parallel_loop3A_1319 = tpu.memref_slice %arg9[%rem3A_304, %parallel_loop3A_1317, %parallel_loop3A_1318] : memref<2x16x512xf32, #tpu.memory_space<vmem>> -> memref<1x16x512xf32, #tpu.memory_space<vmem>>
          %parallel_loop3A_1320 = tpu.memref_squeeze %parallel_loop3A_1319 : memref<1x16x512xf32, #tpu.memory_space<vmem>> -> memref<16x512xf32, #tpu.memory_space<vmem>>
          tpu.vector_store_idx %parallel_loop3A_1320[%iota3A, %parallel_loop3A_1316], %parallel_loop3A_1166 : memref<16x512xf32, #tpu.memory_space<vmem>>[vector<16xi32>, vector<16xi32>], vector<16xf32>,
          %parallel_loop3A_1321 = arith.constant 9 : i32
          %parallel_loop3A_1322 = arith.addi %parallel_loop3A_669, %parallel_loop3A_1321 : i32
          %parallel_loop3A_1323 = vector.broadcast %parallel_loop3A_1322 : i32 to vector<16xi32>
          %parallel_loop3A_1324 = arith.constant 0 : i32
          %parallel_loop3A_1325 = arith.constant 0 : i32
          %parallel_loop3A_1326 = tpu.memref_slice %arg9[%rem3A_304, %parallel_loop3A_1324, %parallel_loop3A_1325] : memref<2x16x512xf32, #tpu.memory_space<vmem>> -> memref<1x16x512xf32, #tpu.memory_space<vmem>>
          %parallel_loop3A_1327 = tpu.memref_squeeze %parallel_loop3A_1326 : memref<1x16x512xf32, #tpu.memory_space<vmem>> -> memref<16x512xf32, #tpu.memory_space<vmem>>
          tpu.vector_store_idx %parallel_loop3A_1327[%iota3A, %parallel_loop3A_1323], %parallel_loop3A_1215 : memref<16x512xf32, #tpu.memory_space<vmem>>[vector<16xi32>, vector<16xi32>], vector<16xf32>,
          %parallel_loop3A_1328 = arith.constant 10 : i32
          %parallel_loop3A_1329 = arith.addi %parallel_loop3A_669, %parallel_loop3A_1328 : i32
          %parallel_loop3A_1330 = vector.broadcast %parallel_loop3A_1329 : i32 to vector<16xi32>
          %parallel_loop3A_1331 = arith.constant 0 : i32
          %parallel_loop3A_1332 = arith.constant 0 : i32
          %parallel_loop3A_1333 = tpu.memref_slice %arg9[%rem3A_304, %parallel_loop3A_1331, %parallel_loop3A_1332] : memref<2x16x512xf32, #tpu.memory_space<vmem>> -> memref<1x16x512xf32, #tpu.memory_space<vmem>>
          %parallel_loop3A_1334 = tpu.memref_squeeze %parallel_loop3A_1333 : memref<1x16x512xf32, #tpu.memory_space<vmem>> -> memref<16x512xf32, #tpu.memory_space<vmem>>
          tpu.vector_store_idx %parallel_loop3A_1334[%iota3A, %parallel_loop3A_1330], %parallel_loop3A_1264 : memref<16x512xf32, #tpu.memory_space<vmem>>[vector<16xi32>, vector<16xi32>], vector<16xf32>,
          %parallel_loop3A_1335 = arith.constant 11 : i32
          %parallel_loop3A_1336 = arith.addi %parallel_loop3A_669, %parallel_loop3A_1335 : i32
          %parallel_loop3A_1337 = vector.broadcast %parallel_loop3A_1336 : i32 to vector<16xi32>
          %parallel_loop3A_1338 = arith.constant 0 : i32
          %parallel_loop3A_1339 = arith.constant 0 : i32
          %parallel_loop3A_1340 = tpu.memref_slice %arg9[%rem3A_304, %parallel_loop3A_1338, %parallel_loop3A_1339] : memref<2x16x512xf32, #tpu.memory_space<vmem>> -> memref<1x16x512xf32, #tpu.memory_space<vmem>>
          %parallel_loop3A_1341 = tpu.memref_squeeze %parallel_loop3A_1340 : memref<1x16x512xf32, #tpu.memory_space<vmem>> -> memref<16x512xf32, #tpu.memory_space<vmem>>
          tpu.vector_store_idx %parallel_loop3A_1341[%iota3A, %parallel_loop3A_1337], %parallel_loop3A_1313 : memref<16x512xf32, #tpu.memory_space<vmem>>[vector<16xi32>, vector<16xi32>], vector<16xf32>,
          %parallel_loop3A_1342 = arith.constant 12 : i32
          %parallel_loop3A_1343 = arith.addi %parallel_loop3A_642, %parallel_loop3A_1342 : i32
          %parallel_loop3A_1344 = arith.constant 0 : i32
          %parallel_loop3A_1345 = arith.index_cast %rem3A_304 : i32 to index
          %parallel_loop3A_1346 = arith.index_cast %parallel_loop3A_638 : i32 to index
          %parallel_loop3A_1347 = arith.index_cast %parallel_loop3A_1344 : i32 to index
          %parallel_loop3A_1348 = arith.index_cast %parallel_loop3A_1343 : i32 to index
          %parallel_loop3A_1349 = arith.constant 0 : index
          %parallel_loop3A_1350 = tpu.vector_load %arg8[%parallel_loop3A_1345, %parallel_loop3A_1346, %parallel_loop3A_1347, %parallel_loop3A_1348, %parallel_loop3A_1349] {strides = array<i32>} : memref<2x4x4x128x16xf32, #tpu.memory_space<vmem>>, vector<16xf32>,
          %parallel_loop3A_1351 = vector.extract_strided_slice %parallel_loop3A_648 {offsets = [12], sizes = [1], strides = [1]} : vector<16xf32> to vector<1xf32>
          %parallel_loop3A_1352 = vector.extract %parallel_loop3A_1351[0] : f32 from vector<1xf32>
          %parallel_loop3A_1353 = vector.broadcast %parallel_loop3A_1352 : f32 to vector<16xf32>
          %parallel_loop3A_1354 = arith.mulf %parallel_loop3A_1350, %parallel_loop3A_1353 : vector<16xf32>
          %parallel_loop3A_1355 = arith.constant 1 : i32
          %parallel_loop3A_1356 = arith.index_cast %rem3A_304 : i32 to index
          %parallel_loop3A_1357 = arith.index_cast %parallel_loop3A_638 : i32 to index
          %parallel_loop3A_1358 = arith.index_cast %parallel_loop3A_1355 : i32 to index
          %parallel_loop3A_1359 = arith.index_cast %parallel_loop3A_1343 : i32 to index
          %parallel_loop3A_1360 = arith.constant 0 : index
          %parallel_loop3A_1361 = tpu.vector_load %arg8[%parallel_loop3A_1356, %parallel_loop3A_1357, %parallel_loop3A_1358, %parallel_loop3A_1359, %parallel_loop3A_1360] {strides = array<i32>} : memref<2x4x4x128x16xf32, #tpu.memory_space<vmem>>, vector<16xf32>,
          %parallel_loop3A_1362 = vector.extract_strided_slice %parallel_loop3A_654 {offsets = [12], sizes = [1], strides = [1]} : vector<16xf32> to vector<1xf32>
          %parallel_loop3A_1363 = vector.extract %parallel_loop3A_1362[0] : f32 from vector<1xf32>
          %parallel_loop3A_1364 = vector.broadcast %parallel_loop3A_1363 : f32 to vector<16xf32>
          %parallel_loop3A_1365 = arith.mulf %parallel_loop3A_1361, %parallel_loop3A_1364 : vector<16xf32>
          %parallel_loop3A_1366 = arith.constant 2 : i32
          %parallel_loop3A_1367 = arith.index_cast %rem3A_304 : i32 to index
          %parallel_loop3A_1368 = arith.index_cast %parallel_loop3A_638 : i32 to index
          %parallel_loop3A_1369 = arith.index_cast %parallel_loop3A_1366 : i32 to index
          %parallel_loop3A_1370 = arith.index_cast %parallel_loop3A_1343 : i32 to index
          %parallel_loop3A_1371 = arith.constant 0 : index
          %parallel_loop3A_1372 = tpu.vector_load %arg8[%parallel_loop3A_1367, %parallel_loop3A_1368, %parallel_loop3A_1369, %parallel_loop3A_1370, %parallel_loop3A_1371] {strides = array<i32>} : memref<2x4x4x128x16xf32, #tpu.memory_space<vmem>>, vector<16xf32>,
          %parallel_loop3A_1373 = vector.extract_strided_slice %parallel_loop3A_660 {offsets = [12], sizes = [1], strides = [1]} : vector<16xf32> to vector<1xf32>
          %parallel_loop3A_1374 = vector.extract %parallel_loop3A_1373[0] : f32 from vector<1xf32>
          %parallel_loop3A_1375 = vector.broadcast %parallel_loop3A_1374 : f32 to vector<16xf32>
          %parallel_loop3A_1376 = arith.mulf %parallel_loop3A_1372, %parallel_loop3A_1375 : vector<16xf32>
          %parallel_loop3A_1377 = arith.addf %parallel_loop3A_1354, %parallel_loop3A_1376 : vector<16xf32>
          %parallel_loop3A_1378 = arith.constant 3 : i32
          %parallel_loop3A_1379 = arith.index_cast %rem3A_304 : i32 to index
          %parallel_loop3A_1380 = arith.index_cast %parallel_loop3A_638 : i32 to index
          %parallel_loop3A_1381 = arith.index_cast %parallel_loop3A_1378 : i32 to index
          %parallel_loop3A_1382 = arith.index_cast %parallel_loop3A_1343 : i32 to index
          %parallel_loop3A_1383 = arith.constant 0 : index
          %parallel_loop3A_1384 = tpu.vector_load %arg8[%parallel_loop3A_1379, %parallel_loop3A_1380, %parallel_loop3A_1381, %parallel_loop3A_1382, %parallel_loop3A_1383] {strides = array<i32>} : memref<2x4x4x128x16xf32, #tpu.memory_space<vmem>>, vector<16xf32>,
          %parallel_loop3A_1385 = vector.extract_strided_slice %parallel_loop3A_666 {offsets = [12], sizes = [1], strides = [1]} : vector<16xf32> to vector<1xf32>
          %parallel_loop3A_1386 = vector.extract %parallel_loop3A_1385[0] : f32 from vector<1xf32>
          %parallel_loop3A_1387 = vector.broadcast %parallel_loop3A_1386 : f32 to vector<16xf32>
          %parallel_loop3A_1388 = arith.mulf %parallel_loop3A_1384, %parallel_loop3A_1387 : vector<16xf32>
          %parallel_loop3A_1389 = arith.addf %parallel_loop3A_1365, %parallel_loop3A_1388 : vector<16xf32>
          %parallel_loop3A_1390 = arith.addf %parallel_loop3A_1377, %parallel_loop3A_1389 : vector<16xf32>
          %parallel_loop3A_1391 = arith.constant 13 : i32
          %parallel_loop3A_1392 = arith.addi %parallel_loop3A_642, %parallel_loop3A_1391 : i32
          %parallel_loop3A_1393 = arith.constant 0 : i32
          %parallel_loop3A_1394 = arith.index_cast %rem3A_304 : i32 to index
          %parallel_loop3A_1395 = arith.index_cast %parallel_loop3A_638 : i32 to index
          %parallel_loop3A_1396 = arith.index_cast %parallel_loop3A_1393 : i32 to index
          %parallel_loop3A_1397 = arith.index_cast %parallel_loop3A_1392 : i32 to index
          %parallel_loop3A_1398 = arith.constant 0 : index
          %parallel_loop3A_1399 = tpu.vector_load %arg8[%parallel_loop3A_1394, %parallel_loop3A_1395, %parallel_loop3A_1396, %parallel_loop3A_1397, %parallel_loop3A_1398] {strides = array<i32>} : memref<2x4x4x128x16xf32, #tpu.memory_space<vmem>>, vector<16xf32>,
          %parallel_loop3A_1400 = vector.extract_strided_slice %parallel_loop3A_648 {offsets = [13], sizes = [1], strides = [1]} : vector<16xf32> to vector<1xf32>
          %parallel_loop3A_1401 = vector.extract %parallel_loop3A_1400[0] : f32 from vector<1xf32>
          %parallel_loop3A_1402 = vector.broadcast %parallel_loop3A_1401 : f32 to vector<16xf32>
          %parallel_loop3A_1403 = arith.mulf %parallel_loop3A_1399, %parallel_loop3A_1402 : vector<16xf32>
          %parallel_loop3A_1404 = arith.constant 1 : i32
          %parallel_loop3A_1405 = arith.index_cast %rem3A_304 : i32 to index
          %parallel_loop3A_1406 = arith.index_cast %parallel_loop3A_638 : i32 to index
          %parallel_loop3A_1407 = arith.index_cast %parallel_loop3A_1404 : i32 to index
          %parallel_loop3A_1408 = arith.index_cast %parallel_loop3A_1392 : i32 to index
          %parallel_loop3A_1409 = arith.constant 0 : index
          %parallel_loop3A_1410 = tpu.vector_load %arg8[%parallel_loop3A_1405, %parallel_loop3A_1406, %parallel_loop3A_1407, %parallel_loop3A_1408, %parallel_loop3A_1409] {strides = array<i32>} : memref<2x4x4x128x16xf32, #tpu.memory_space<vmem>>, vector<16xf32>,
          %parallel_loop3A_1411 = vector.extract_strided_slice %parallel_loop3A_654 {offsets = [13], sizes = [1], strides = [1]} : vector<16xf32> to vector<1xf32>
          %parallel_loop3A_1412 = vector.extract %parallel_loop3A_1411[0] : f32 from vector<1xf32>
          %parallel_loop3A_1413 = vector.broadcast %parallel_loop3A_1412 : f32 to vector<16xf32>
          %parallel_loop3A_1414 = arith.mulf %parallel_loop3A_1410, %parallel_loop3A_1413 : vector<16xf32>
          %parallel_loop3A_1415 = arith.constant 2 : i32
          %parallel_loop3A_1416 = arith.index_cast %rem3A_304 : i32 to index
          %parallel_loop3A_1417 = arith.index_cast %parallel_loop3A_638 : i32 to index
          %parallel_loop3A_1418 = arith.index_cast %parallel_loop3A_1415 : i32 to index
          %parallel_loop3A_1419 = arith.index_cast %parallel_loop3A_1392 : i32 to index
          %parallel_loop3A_1420 = arith.constant 0 : index
          %parallel_loop3A_1421 = tpu.vector_load %arg8[%parallel_loop3A_1416, %parallel_loop3A_1417, %parallel_loop3A_1418, %parallel_loop3A_1419, %parallel_loop3A_1420] {strides = array<i32>} : memref<2x4x4x128x16xf32, #tpu.memory_space<vmem>>, vector<16xf32>,
          %parallel_loop3A_1422 = vector.extract_strided_slice %parallel_loop3A_660 {offsets = [13], sizes = [1], strides = [1]} : vector<16xf32> to vector<1xf32>
          %parallel_loop3A_1423 = vector.extract %parallel_loop3A_1422[0] : f32 from vector<1xf32>
          %parallel_loop3A_1424 = vector.broadcast %parallel_loop3A_1423 : f32 to vector<16xf32>
          %parallel_loop3A_1425 = arith.mulf %parallel_loop3A_1421, %parallel_loop3A_1424 : vector<16xf32>
          %parallel_loop3A_1426 = arith.addf %parallel_loop3A_1403, %parallel_loop3A_1425 : vector<16xf32>
          %parallel_loop3A_1427 = arith.constant 3 : i32
          %parallel_loop3A_1428 = arith.index_cast %rem3A_304 : i32 to index
          %parallel_loop3A_1429 = arith.index_cast %parallel_loop3A_638 : i32 to index
          %parallel_loop3A_1430 = arith.index_cast %parallel_loop3A_1427 : i32 to index
          %parallel_loop3A_1431 = arith.index_cast %parallel_loop3A_1392 : i32 to index
          %parallel_loop3A_1432 = arith.constant 0 : index
          %parallel_loop3A_1433 = tpu.vector_load %arg8[%parallel_loop3A_1428, %parallel_loop3A_1429, %parallel_loop3A_1430, %parallel_loop3A_1431, %parallel_loop3A_1432] {strides = array<i32>} : memref<2x4x4x128x16xf32, #tpu.memory_space<vmem>>, vector<16xf32>,
          %parallel_loop3A_1434 = vector.extract_strided_slice %parallel_loop3A_666 {offsets = [13], sizes = [1], strides = [1]} : vector<16xf32> to vector<1xf32>
          %parallel_loop3A_1435 = vector.extract %parallel_loop3A_1434[0] : f32 from vector<1xf32>
          %parallel_loop3A_1436 = vector.broadcast %parallel_loop3A_1435 : f32 to vector<16xf32>
          %parallel_loop3A_1437 = arith.mulf %parallel_loop3A_1433, %parallel_loop3A_1436 : vector<16xf32>
          %parallel_loop3A_1438 = arith.addf %parallel_loop3A_1414, %parallel_loop3A_1437 : vector<16xf32>
          %parallel_loop3A_1439 = arith.addf %parallel_loop3A_1426, %parallel_loop3A_1438 : vector<16xf32>
          %parallel_loop3A_1440 = arith.constant 14 : i32
          %parallel_loop3A_1441 = arith.addi %parallel_loop3A_642, %parallel_loop3A_1440 : i32
          %parallel_loop3A_1442 = arith.constant 0 : i32
          %parallel_loop3A_1443 = arith.index_cast %rem3A_304 : i32 to index
          %parallel_loop3A_1444 = arith.index_cast %parallel_loop3A_638 : i32 to index
          %parallel_loop3A_1445 = arith.index_cast %parallel_loop3A_1442 : i32 to index
          %parallel_loop3A_1446 = arith.index_cast %parallel_loop3A_1441 : i32 to index
          %parallel_loop3A_1447 = arith.constant 0 : index
          %parallel_loop3A_1448 = tpu.vector_load %arg8[%parallel_loop3A_1443, %parallel_loop3A_1444, %parallel_loop3A_1445, %parallel_loop3A_1446, %parallel_loop3A_1447] {strides = array<i32>} : memref<2x4x4x128x16xf32, #tpu.memory_space<vmem>>, vector<16xf32>,
          %parallel_loop3A_1449 = vector.extract_strided_slice %parallel_loop3A_648 {offsets = [14], sizes = [1], strides = [1]} : vector<16xf32> to vector<1xf32>
          %parallel_loop3A_1450 = vector.extract %parallel_loop3A_1449[0] : f32 from vector<1xf32>
          %parallel_loop3A_1451 = vector.broadcast %parallel_loop3A_1450 : f32 to vector<16xf32>
          %parallel_loop3A_1452 = arith.mulf %parallel_loop3A_1448, %parallel_loop3A_1451 : vector<16xf32>
          %parallel_loop3A_1453 = arith.constant 1 : i32
          %parallel_loop3A_1454 = arith.index_cast %rem3A_304 : i32 to index
          %parallel_loop3A_1455 = arith.index_cast %parallel_loop3A_638 : i32 to index
          %parallel_loop3A_1456 = arith.index_cast %parallel_loop3A_1453 : i32 to index
          %parallel_loop3A_1457 = arith.index_cast %parallel_loop3A_1441 : i32 to index
          %parallel_loop3A_1458 = arith.constant 0 : index
          %parallel_loop3A_1459 = tpu.vector_load %arg8[%parallel_loop3A_1454, %parallel_loop3A_1455, %parallel_loop3A_1456, %parallel_loop3A_1457, %parallel_loop3A_1458] {strides = array<i32>} : memref<2x4x4x128x16xf32, #tpu.memory_space<vmem>>, vector<16xf32>,
          %parallel_loop3A_1460 = vector.extract_strided_slice %parallel_loop3A_654 {offsets = [14], sizes = [1], strides = [1]} : vector<16xf32> to vector<1xf32>
          %parallel_loop3A_1461 = vector.extract %parallel_loop3A_1460[0] : f32 from vector<1xf32>
          %parallel_loop3A_1462 = vector.broadcast %parallel_loop3A_1461 : f32 to vector<16xf32>
          %parallel_loop3A_1463 = arith.mulf %parallel_loop3A_1459, %parallel_loop3A_1462 : vector<16xf32>
          %parallel_loop3A_1464 = arith.constant 2 : i32
          %parallel_loop3A_1465 = arith.index_cast %rem3A_304 : i32 to index
          %parallel_loop3A_1466 = arith.index_cast %parallel_loop3A_638 : i32 to index
          %parallel_loop3A_1467 = arith.index_cast %parallel_loop3A_1464 : i32 to index
          %parallel_loop3A_1468 = arith.index_cast %parallel_loop3A_1441 : i32 to index
          %parallel_loop3A_1469 = arith.constant 0 : index
          %parallel_loop3A_1470 = tpu.vector_load %arg8[%parallel_loop3A_1465, %parallel_loop3A_1466, %parallel_loop3A_1467, %parallel_loop3A_1468, %parallel_loop3A_1469] {strides = array<i32>} : memref<2x4x4x128x16xf32, #tpu.memory_space<vmem>>, vector<16xf32>,
          %parallel_loop3A_1471 = vector.extract_strided_slice %parallel_loop3A_660 {offsets = [14], sizes = [1], strides = [1]} : vector<16xf32> to vector<1xf32>
          %parallel_loop3A_1472 = vector.extract %parallel_loop3A_1471[0] : f32 from vector<1xf32>
          %parallel_loop3A_1473 = vector.broadcast %parallel_loop3A_1472 : f32 to vector<16xf32>
          %parallel_loop3A_1474 = arith.mulf %parallel_loop3A_1470, %parallel_loop3A_1473 : vector<16xf32>
          %parallel_loop3A_1475 = arith.addf %parallel_loop3A_1452, %parallel_loop3A_1474 : vector<16xf32>
          %parallel_loop3A_1476 = arith.constant 3 : i32
          %parallel_loop3A_1477 = arith.index_cast %rem3A_304 : i32 to index
          %parallel_loop3A_1478 = arith.index_cast %parallel_loop3A_638 : i32 to index
          %parallel_loop3A_1479 = arith.index_cast %parallel_loop3A_1476 : i32 to index
          %parallel_loop3A_1480 = arith.index_cast %parallel_loop3A_1441 : i32 to index
          %parallel_loop3A_1481 = arith.constant 0 : index
          %parallel_loop3A_1482 = tpu.vector_load %arg8[%parallel_loop3A_1477, %parallel_loop3A_1478, %parallel_loop3A_1479, %parallel_loop3A_1480, %parallel_loop3A_1481] {strides = array<i32>} : memref<2x4x4x128x16xf32, #tpu.memory_space<vmem>>, vector<16xf32>,
          %parallel_loop3A_1483 = vector.extract_strided_slice %parallel_loop3A_666 {offsets = [14], sizes = [1], strides = [1]} : vector<16xf32> to vector<1xf32>
          %parallel_loop3A_1484 = vector.extract %parallel_loop3A_1483[0] : f32 from vector<1xf32>
          %parallel_loop3A_1485 = vector.broadcast %parallel_loop3A_1484 : f32 to vector<16xf32>
          %parallel_loop3A_1486 = arith.mulf %parallel_loop3A_1482, %parallel_loop3A_1485 : vector<16xf32>
          %parallel_loop3A_1487 = arith.addf %parallel_loop3A_1463, %parallel_loop3A_1486 : vector<16xf32>
          %parallel_loop3A_1488 = arith.addf %parallel_loop3A_1475, %parallel_loop3A_1487 : vector<16xf32>
          %parallel_loop3A_1489 = arith.constant 15 : i32
          %parallel_loop3A_1490 = arith.addi %parallel_loop3A_642, %parallel_loop3A_1489 : i32
          %parallel_loop3A_1491 = arith.constant 0 : i32
          %parallel_loop3A_1492 = arith.index_cast %rem3A_304 : i32 to index
          %parallel_loop3A_1493 = arith.index_cast %parallel_loop3A_638 : i32 to index
          %parallel_loop3A_1494 = arith.index_cast %parallel_loop3A_1491 : i32 to index
          %parallel_loop3A_1495 = arith.index_cast %parallel_loop3A_1490 : i32 to index
          %parallel_loop3A_1496 = arith.constant 0 : index
          %parallel_loop3A_1497 = tpu.vector_load %arg8[%parallel_loop3A_1492, %parallel_loop3A_1493, %parallel_loop3A_1494, %parallel_loop3A_1495, %parallel_loop3A_1496] {strides = array<i32>} : memref<2x4x4x128x16xf32, #tpu.memory_space<vmem>>, vector<16xf32>,
          %parallel_loop3A_1498 = vector.extract_strided_slice %parallel_loop3A_648 {offsets = [15], sizes = [1], strides = [1]} : vector<16xf32> to vector<1xf32>
          %parallel_loop3A_1499 = vector.extract %parallel_loop3A_1498[0] : f32 from vector<1xf32>
          %parallel_loop3A_1500 = vector.broadcast %parallel_loop3A_1499 : f32 to vector<16xf32>
          %parallel_loop3A_1501 = arith.mulf %parallel_loop3A_1497, %parallel_loop3A_1500 : vector<16xf32>
          %parallel_loop3A_1502 = arith.constant 1 : i32
          %parallel_loop3A_1503 = arith.index_cast %rem3A_304 : i32 to index
          %parallel_loop3A_1504 = arith.index_cast %parallel_loop3A_638 : i32 to index
          %parallel_loop3A_1505 = arith.index_cast %parallel_loop3A_1502 : i32 to index
          %parallel_loop3A_1506 = arith.index_cast %parallel_loop3A_1490 : i32 to index
          %parallel_loop3A_1507 = arith.constant 0 : index
          %parallel_loop3A_1508 = tpu.vector_load %arg8[%parallel_loop3A_1503, %parallel_loop3A_1504, %parallel_loop3A_1505, %parallel_loop3A_1506, %parallel_loop3A_1507] {strides = array<i32>} : memref<2x4x4x128x16xf32, #tpu.memory_space<vmem>>, vector<16xf32>,
          %parallel_loop3A_1509 = vector.extract_strided_slice %parallel_loop3A_654 {offsets = [15], sizes = [1], strides = [1]} : vector<16xf32> to vector<1xf32>
          %parallel_loop3A_1510 = vector.extract %parallel_loop3A_1509[0] : f32 from vector<1xf32>
          %parallel_loop3A_1511 = vector.broadcast %parallel_loop3A_1510 : f32 to vector<16xf32>
          %parallel_loop3A_1512 = arith.mulf %parallel_loop3A_1508, %parallel_loop3A_1511 : vector<16xf32>
          %parallel_loop3A_1513 = arith.constant 2 : i32
          %parallel_loop3A_1514 = arith.index_cast %rem3A_304 : i32 to index
          %parallel_loop3A_1515 = arith.index_cast %parallel_loop3A_638 : i32 to index
          %parallel_loop3A_1516 = arith.index_cast %parallel_loop3A_1513 : i32 to index
          %parallel_loop3A_1517 = arith.index_cast %parallel_loop3A_1490 : i32 to index
          %parallel_loop3A_1518 = arith.constant 0 : index
          %parallel_loop3A_1519 = tpu.vector_load %arg8[%parallel_loop3A_1514, %parallel_loop3A_1515, %parallel_loop3A_1516, %parallel_loop3A_1517, %parallel_loop3A_1518] {strides = array<i32>} : memref<2x4x4x128x16xf32, #tpu.memory_space<vmem>>, vector<16xf32>,
          %parallel_loop3A_1520 = vector.extract_strided_slice %parallel_loop3A_660 {offsets = [15], sizes = [1], strides = [1]} : vector<16xf32> to vector<1xf32>
          %parallel_loop3A_1521 = vector.extract %parallel_loop3A_1520[0] : f32 from vector<1xf32>
          %parallel_loop3A_1522 = vector.broadcast %parallel_loop3A_1521 : f32 to vector<16xf32>
          %parallel_loop3A_1523 = arith.mulf %parallel_loop3A_1519, %parallel_loop3A_1522 : vector<16xf32>
          %parallel_loop3A_1524 = arith.addf %parallel_loop3A_1501, %parallel_loop3A_1523 : vector<16xf32>
          %parallel_loop3A_1525 = arith.constant 3 : i32
          %parallel_loop3A_1526 = arith.index_cast %rem3A_304 : i32 to index
          %parallel_loop3A_1527 = arith.index_cast %parallel_loop3A_638 : i32 to index
          %parallel_loop3A_1528 = arith.index_cast %parallel_loop3A_1525 : i32 to index
          %parallel_loop3A_1529 = arith.index_cast %parallel_loop3A_1490 : i32 to index
          %parallel_loop3A_1530 = arith.constant 0 : index
          %parallel_loop3A_1531 = tpu.vector_load %arg8[%parallel_loop3A_1526, %parallel_loop3A_1527, %parallel_loop3A_1528, %parallel_loop3A_1529, %parallel_loop3A_1530] {strides = array<i32>} : memref<2x4x4x128x16xf32, #tpu.memory_space<vmem>>, vector<16xf32>,
          %parallel_loop3A_1532 = vector.extract_strided_slice %parallel_loop3A_666 {offsets = [15], sizes = [1], strides = [1]} : vector<16xf32> to vector<1xf32>
          %parallel_loop3A_1533 = vector.extract %parallel_loop3A_1532[0] : f32 from vector<1xf32>
          %parallel_loop3A_1534 = vector.broadcast %parallel_loop3A_1533 : f32 to vector<16xf32>
          %parallel_loop3A_1535 = arith.mulf %parallel_loop3A_1531, %parallel_loop3A_1534 : vector<16xf32>
          %parallel_loop3A_1536 = arith.addf %parallel_loop3A_1512, %parallel_loop3A_1535 : vector<16xf32>
          %parallel_loop3A_1537 = arith.addf %parallel_loop3A_1524, %parallel_loop3A_1536 : vector<16xf32>
          %parallel_loop3A_1538 = arith.constant 12 : i32
          %parallel_loop3A_1539 = arith.addi %parallel_loop3A_669, %parallel_loop3A_1538 : i32
          %parallel_loop3A_1540 = vector.broadcast %parallel_loop3A_1539 : i32 to vector<16xi32>
          %parallel_loop3A_1541 = arith.constant 0 : i32
          %parallel_loop3A_1542 = arith.constant 0 : i32
          %parallel_loop3A_1543 = tpu.memref_slice %arg9[%rem3A_304, %parallel_loop3A_1541, %parallel_loop3A_1542] : memref<2x16x512xf32, #tpu.memory_space<vmem>> -> memref<1x16x512xf32, #tpu.memory_space<vmem>>
          %parallel_loop3A_1544 = tpu.memref_squeeze %parallel_loop3A_1543 : memref<1x16x512xf32, #tpu.memory_space<vmem>> -> memref<16x512xf32, #tpu.memory_space<vmem>>
          tpu.vector_store_idx %parallel_loop3A_1544[%iota3A, %parallel_loop3A_1540], %parallel_loop3A_1390 : memref<16x512xf32, #tpu.memory_space<vmem>>[vector<16xi32>, vector<16xi32>], vector<16xf32>,
          %parallel_loop3A_1545 = arith.constant 13 : i32
          %parallel_loop3A_1546 = arith.addi %parallel_loop3A_669, %parallel_loop3A_1545 : i32
          %parallel_loop3A_1547 = vector.broadcast %parallel_loop3A_1546 : i32 to vector<16xi32>
          %parallel_loop3A_1548 = arith.constant 0 : i32
          %parallel_loop3A_1549 = arith.constant 0 : i32
          %parallel_loop3A_1550 = tpu.memref_slice %arg9[%rem3A_304, %parallel_loop3A_1548, %parallel_loop3A_1549] : memref<2x16x512xf32, #tpu.memory_space<vmem>> -> memref<1x16x512xf32, #tpu.memory_space<vmem>>
          %parallel_loop3A_1551 = tpu.memref_squeeze %parallel_loop3A_1550 : memref<1x16x512xf32, #tpu.memory_space<vmem>> -> memref<16x512xf32, #tpu.memory_space<vmem>>
          tpu.vector_store_idx %parallel_loop3A_1551[%iota3A, %parallel_loop3A_1547], %parallel_loop3A_1439 : memref<16x512xf32, #tpu.memory_space<vmem>>[vector<16xi32>, vector<16xi32>], vector<16xf32>,
          %parallel_loop3A_1552 = arith.constant 14 : i32
          %parallel_loop3A_1553 = arith.addi %parallel_loop3A_669, %parallel_loop3A_1552 : i32
          %parallel_loop3A_1554 = vector.broadcast %parallel_loop3A_1553 : i32 to vector<16xi32>
          %parallel_loop3A_1555 = arith.constant 0 : i32
          %parallel_loop3A_1556 = arith.constant 0 : i32
          %parallel_loop3A_1557 = tpu.memref_slice %arg9[%rem3A_304, %parallel_loop3A_1555, %parallel_loop3A_1556] : memref<2x16x512xf32, #tpu.memory_space<vmem>> -> memref<1x16x512xf32, #tpu.memory_space<vmem>>
          %parallel_loop3A_1558 = tpu.memref_squeeze %parallel_loop3A_1557 : memref<1x16x512xf32, #tpu.memory_space<vmem>> -> memref<16x512xf32, #tpu.memory_space<vmem>>
          tpu.vector_store_idx %parallel_loop3A_1558[%iota3A, %parallel_loop3A_1554], %parallel_loop3A_1488 : memref<16x512xf32, #tpu.memory_space<vmem>>[vector<16xi32>, vector<16xi32>], vector<16xf32>,
          %parallel_loop3A_1559 = arith.constant 15 : i32
          %parallel_loop3A_1560 = arith.addi %parallel_loop3A_669, %parallel_loop3A_1559 : i32
          %parallel_loop3A_1561 = vector.broadcast %parallel_loop3A_1560 : i32 to vector<16xi32>
          %parallel_loop3A_1562 = arith.constant 0 : i32
          %parallel_loop3A_1563 = arith.constant 0 : i32
          %parallel_loop3A_1564 = tpu.memref_slice %arg9[%rem3A_304, %parallel_loop3A_1562, %parallel_loop3A_1563] : memref<2x16x512xf32, #tpu.memory_space<vmem>> -> memref<1x16x512xf32, #tpu.memory_space<vmem>>
          %parallel_loop3A_1565 = tpu.memref_squeeze %parallel_loop3A_1564 : memref<1x16x512xf32, #tpu.memory_space<vmem>> -> memref<16x512xf32, #tpu.memory_space<vmem>>
          tpu.vector_store_idx %parallel_loop3A_1565[%iota3A, %parallel_loop3A_1561], %parallel_loop3A_1537 : memref<16x512xf32, #tpu.memory_space<vmem>>[vector<16xi32>, vector<16xi32>], vector<16xf32>,
        } {sc.loop_unroll_factor = 2 : i64, sc.parallel_access}
        %lt3A_626 = arith.constant 2027 : i32
        %lt3A_627 = arith.cmpi slt, %add3A_315, %lt3A_626 : i32
        %convert_element_type3A_628 = arith.extui %lt3A_627 : i1 to i32
        %cond3A_629 = arith.constant 0 : i32
        %cond3A_630 = arith.cmpi ne, %convert_element_type3A_628, %cond3A_629 : i32
        scf.if %cond3A_630 {
          %mul3A_636 = arith.constant 512 : i32
          %mul3A_637 = arith.muli %add3A_315, %mul3A_636 : i32
          %dma_start3A_638 = arith.constant 0 : i32
          %dma_start3A_639 = arith.constant 0 : i32
          %dma_start3A_640 = tpu.memref_slice %arg9[%rem3A_304, %dma_start3A_638, %dma_start3A_639] : memref<2x16x512xf32, #tpu.memory_space<vmem>> -> memref<1x16x512xf32, #tpu.memory_space<vmem>>
          %dma_start3A_641 = tpu.memref_squeeze %dma_start3A_640 : memref<1x16x512xf32, #tpu.memory_space<vmem>> -> memref<16x512xf32, #tpu.memory_space<vmem>>
          %dma_start3A_642 = arith.constant 0 : i32
          %dma_start3A_643 = tpu.memref_slice %arg5[%dma_start3A_642, %mul3A_637] : memref<16x1038240xf32, #tpu.memory_space<hbm>> -> memref<16x512xf32, #tpu.memory_space<hbm>>
          %dma_start3A_644 = arith.constant 0 : i32
          %dma_start3A_645 = tpu.memref_slice %arg5[%dma_start3A_644, %mul3A_637] : memref<16x1038240xf32, #tpu.memory_space<hbm>> -> memref<16x512xf32, #tpu.memory_space<hbm>>
          %dma_start3A_646 = arith.constant 0 : i32
          %dma_start3A_647 = arith.constant 0 : i32
          %dma_start3A_648 = tpu.memref_slice %arg9[%rem3A_304, %dma_start3A_646, %dma_start3A_647] : memref<2x16x512xf32, #tpu.memory_space<vmem>> -> memref<1x16x512xf32, #tpu.memory_space<vmem>>
          %dma_start3A_649 = tpu.memref_squeeze %dma_start3A_648 : memref<1x16x512xf32, #tpu.memory_space<vmem>> -> memref<16x512xf32, #tpu.memory_space<vmem>>
          tpu.enqueue_dma source(%dma_start3A_649 : memref<16x512xf32, #tpu.memory_space<vmem>>) target(%dma_start3A_645 : memref<16x512xf32, #tpu.memory_space<hbm>>) target_semaphore(%arg13 : memref<!tpu.dma_semaphore, #tpu.memory_space<semaphore_mem>>)
        } else {
        }
        %eq3A_631 = arith.constant 2027 : i32
        %eq3A_632 = arith.cmpi eq, %add3A_315, %eq3A_631 : i32
        %convert_element_type3A_633 = arith.extui %eq3A_632 : i1 to i32
        %cond3A_634 = arith.constant 0 : i32
        %cond3A_635 = arith.cmpi ne, %convert_element_type3A_633, %cond3A_634 : i32
        scf.if %cond3A_635 {
          %mul3A_636 = arith.constant 512 : i32
          %mul3A_637 = arith.muli %add3A_315, %mul3A_636 : i32
          %dma_start3A_638 = arith.constant 0 : i32
          %dma_start3A_639 = arith.constant 0 : i32
          %dma_start3A_640 = tpu.memref_slice %arg9[%rem3A_304, %dma_start3A_638, %dma_start3A_639] : memref<2x16x512xf32, #tpu.memory_space<vmem>> -> memref<1x16x416xf32, #tpu.memory_space<vmem>>
          %dma_start3A_641 = tpu.memref_squeeze %dma_start3A_640 : memref<1x16x416xf32, #tpu.memory_space<vmem>> -> memref<16x416xf32, #tpu.memory_space<vmem>>
          %dma_start3A_642 = arith.constant 0 : i32
          %dma_start3A_643 = tpu.memref_slice %arg5[%dma_start3A_642, %mul3A_637] : memref<16x1038240xf32, #tpu.memory_space<hbm>> -> memref<16x416xf32, #tpu.memory_space<hbm>>
          %dma_start3A_644 = arith.constant 0 : i32
          %dma_start3A_645 = tpu.memref_slice %arg5[%dma_start3A_644, %mul3A_637] : memref<16x1038240xf32, #tpu.memory_space<hbm>> -> memref<16x416xf32, #tpu.memory_space<hbm>>
          %dma_start3A_646 = arith.constant 0 : i32
          %dma_start3A_647 = arith.constant 0 : i32
          %dma_start3A_648 = tpu.memref_slice %arg9[%rem3A_304, %dma_start3A_646, %dma_start3A_647] : memref<2x16x512xf32, #tpu.memory_space<vmem>> -> memref<1x16x416xf32, #tpu.memory_space<vmem>>
          %dma_start3A_649 = tpu.memref_squeeze %dma_start3A_648 : memref<1x16x416xf32, #tpu.memory_space<vmem>> -> memref<16x416xf32, #tpu.memory_space<vmem>>
          tpu.enqueue_dma source(%dma_start3A_649 : memref<16x416xf32, #tpu.memory_space<vmem>>) target(%dma_start3A_645 : memref<16x416xf32, #tpu.memory_space<hbm>>) target_semaphore(%arg13 : memref<!tpu.dma_semaphore, #tpu.memory_space<semaphore_mem>>)
        } else {
        }
      } else {
      }
    }
    %scan3A_302 = arith.constant 66 : i32
    return
  }
}

</mosaic_0001>

<sc_bundles>
// kernel: _run.3.cloned.1.call-start
scs
__scs_entry_jumppad:
0x0: {  	(pc) =	sbr.rel $0x88, $3  }
0x1: {  	(tag) =	ssettag $0x0;
	lr =	simm.s32 $0x1  }
0x2: {  	[smem:$0x3F9E] =	sst lr;
	_ =	strace $0xD0000000  }
0x3: {  	_ = 	snop  }
0x4: {  	_ = 	snop  }
0x5: {  	_ = 	snop  }
0x6: {  	_ = 	snop  }
0x7: {  	_ = 	snop  }
__scs_overlays_trampoline_lowered:
0x8: {  	[smem:$0x3FAD] =	sst s0  }
0x9: {  	[smem:$0x3FAE] =	sst s1  }
0xa: {  	[smem:$0x3FAF] =	sst s2  }
0xb: {  	[smem:$0x3FB0] =	sst s3  }
0xc: {  	[smem:$0x3FB1] =	sst s4  }
0xd: {  	[smem:$0x3FB2] =	sst s5  }
0xe: {  	[smem:$0x3FB3] =	sst s6  }
0xf: {  	[smem:$0x3FB4] =	sst s7  }
0x10: {  	[smem:$0x3FB5] =	sst s8  }
0x11: {  	[smem:$0x3FB6] =	sst s9;
	s0 =	simm.s32 @!p0 $0x0  }
0x12: {  	s1 =	sld [smem:$0x3F9C];
	s0 =	simm.s32 @p0 $0x1  }
0x13: {  	[smem:$0x3FB7] =	sst s0;
	s0 =	simm.s32 @!p1 $0x0  }
0x14: {  	s2 =	sld [smem:$0x3F9B];
	s0 =	simm.s32 @p1 $0x1  }
0x15: {  	[smem:$0x3FB8] =	sst s0;
	s0 =	simm.s32 @!p2 $0x0  }
0x16: {  	s3 =	sld [smem:$0x3FDB];
	s0 =	simm.s32 @p2 $0x1  }
0x17: {  	s4 =	simm.s32 $0x1BF5;
	[smem:$0x3FBA] =	sst s0  }
0x18: {  	s0 =	sld [smem:$0x3F9D];
	_ =	swait.ge [sflag:s4], $0x0  }
0x19: {  	s7 =	sld [smem:$0x3F9E]  }
0x1a: {  	s8 =	sadd.s32 $0xFFFFE003, lr  }
0x1b: {  	s9 =	sadd.s32 $0xFFFFFEF7, lr;
	s5 =	simm.s32 $0xFFFFFFFF;
	p2 =	slt.u32 s8, $0xFFFFF086  }
0x1c: {  	p1 =	slt.u32 s9, $0xF7A;
	s5 =	simm.s32 @!p2 $0x0  }
0x1d: {  	s5 =	simm.s32 @p1 $0x1;
	p0 =	seq.s32 s7, s2  }
0x1e: {  	s7 =	smul.u32 @!p0 $0xF7A, s2;
	p2 =	seq.s32 @!p0 s5, $0x0  }
0x1f: {  	s9 =	smul.u32 $0xF7A, s1;
	s8 =	simm.s32 @!p0 $0x1BF5;
	p2 =	por !p2, p0  }
0x20: {  	[sflag:s8] =	ssyncset.s32 @!p0 $0xFFFFF086;
	s6 =	sadd.s32 @!p0 s3, s7;
	s7 =	simm.s32 @!p0 $0x108  }
0x21: {  	s3 =	sadd.s32 s3, s9;
	s6 =	sadd.s32 @!p0 $0x88, s6;
	s7 =	simm.s32 @p2 $0x1082  }
0x22: {  	[simem:s7], [sflag:s8] =	dma.local @!p0 [hbm:s6], $0xF7A  }
0x23: {  	s9 =	sor.u32 $0xD0000000, s2;
	s6 =	simm.s32 $0x108;
	_ =	swait.ge @!p0 [sflag:s8], $0x0  }
0x24: {  	s3 =	sadd.s32 $0x88, s3;
	s6 =	simm.s32 @!p1 $0x1082;
	[sflag:s4] =	ssyncset.s32 $0xFFFFF086  }
0x25: {  	[simem:s6], [sflag:s4] =	dma.local [hbm:s3], $0xF7A  }
0x26: {  	[smem:$0x3F9E] =	sst s1;
	(tag) =	ssettag s2;
	_ =	strace s9  }
0x27: {  	s1 =	sld [smem:$0x3FAE]  }
0x28: {  	s2 =	sld [smem:$0x3FAF]  }
0x29: {  	s4 =	sld [smem:$0x3FB1]  }
0x2a: {  	p0 =	seq.s32 s5, $0x0;
	s5 =	sld [smem:$0x3FB2]  }
0x2b: {  	s6 =	sld [smem:$0x3FB3]  }
0x2c: {  	s7 =	sld [smem:$0x3FB4]  }
0x2d: {  	s3 =	simm.s32 $0x108;
	s8 =	sld [smem:$0x3FB5]  }
0x2e: {  	s3 =	simm.s32 @!p0 $0x1082;
	s9 =	sld [smem:$0x3FB6]  }
0x2f: {  	lr =	sadd.s32 s0, s3;
	s0 =	sld [smem:$0x3FAD]  }
0x30: {  	s3 =	sld [smem:$0x3FB0]  }
0x31: {  	[smem:$0x3FB9] =	sst s10  }
0x32: {  	s10 =	sld [smem:$0x3FB7];
	_ =	sdelay $0x3  }
0x33: {  	p0 =	seq.s32 s10, $0x1;
	s10 =	sld [smem:$0x3FB9];
	_ =	sdelay $0x3  }
0x34: {  	[smem:$0x3FB9] =	sst s10  }
0x35: {  	s10 =	sld [smem:$0x3FB8];
	_ =	sdelay $0x3  }
0x36: {  	p1 =	seq.s32 s10, $0x1;
	s10 =	sld [smem:$0x3FB9];
	_ =	sdelay $0x3  }
0x37: {  	[smem:$0x3FB9] =	sst s10  }
0x38: {  	s10 =	sld [smem:$0x3FBA]  }
0x39: {  	_ = 	snop;
	(pc) =	sbr.ind lr, $3  }
0x3a: {  	_ = 	snop  }
0x3b: {  	_ = 	snop  }
0x3c: {  	p2 =	seq.s32 s10, $0x1;
	s10 =	sld [smem:$0x3FB9]  }
0x3d: {  	_ =	shalt  }
0x3e: {  	_ =	shalt  }
0x3f: {  	_ =	shalt  }
0x40: {  	_ =	shalt  }
0x41: {  	_ =	shalt  }
0x42: {  	_ =	shalt  }
0x43: {  	_ =	shalt  }
0x44: {  	_ =	shalt  }
0x45: {  	_ =	shalt  }
0x46: {  	_ =	shalt  }
0x47: {  	_ =	shalt  }
0x48: {  	_ =	shalt  }
0x49: {  	_ =	shalt  }
0x4a: {  	_ =	shalt  }
0x4b: {  	_ =	shalt  }
0x4c: {  	_ =	shalt  }
0x4d: {  	_ =	shalt  }
0x4e: {  	_ =	shalt  }
0x4f: {  	_ =	shalt  }
0x50: {  	_ =	shalt  }
0x51: {  	_ =	shalt  }
0x52: {  	_ =	shalt  }
0x53: {  	_ =	shalt  }
0x54: {  	_ =	shalt  }
0x55: {  	_ =	shalt  }
0x56: {  	_ =	shalt  }
0x57: {  	_ =	shalt  }
0x58: {  	_ =	shalt  }
0x59: {  	_ =	shalt  }
0x5a: {  	_ =	shalt  }
0x5b: {  	_ =	shalt  }
0x5c: {  	_ =	shalt  }
0x5d: {  	_ =	shalt  }
0x5e: {  	_ =	shalt  }
0x5f: {  	_ =	shalt  }
0x60: {  	_ =	shalt  }
0x61: {  	_ =	shalt  }
0x62: {  	_ =	shalt  }
0x63: {  	_ =	shalt  }
0x64: {  	_ =	shalt  }
0x65: {  	_ =	shalt  }
0x66: {  	_ =	shalt  }
0x67: {  	_ =	shalt  }
0x68: {  	_ =	shalt  }
0x69: {  	_ =	shalt  }
0x6a: {  	_ =	shalt  }
0x6b: {  	_ =	shalt  }
0x6c: {  	_ =	shalt  }
0x6d: {  	_ =	shalt  }
0x6e: {  	_ =	shalt  }
0x6f: {  	_ =	shalt  }
0x70: {  	_ =	shalt  }
0x71: {  	_ =	shalt  }
0x72: {  	_ =	shalt  }
0x73: {  	_ =	shalt  }
0x74: {  	_ =	shalt  }
0x75: {  	_ =	shalt  }
0x76: {  	_ =	shalt  }
0x77: {  	_ =	shalt  }
0x78: {  	_ =	shalt  }
0x79: {  	_ =	shalt  }
0x7a: {  	_ =	shalt  }
0x7b: {  	_ =	shalt  }
0x7c: {  	_ =	shalt  }
0x7d: {  	_ =	shalt  }
0x7e: {  	_ =	shalt  }
0x7f: {  	_ =	shalt  }
0x80: {  	_ =	shalt  }
0x81: {  	_ =	shalt  }
0x82: {  	_ =	shalt  }
0x83: {  	_ =	shalt  }
0x84: {  	_ =	shalt  }
0x85: {  	_ =	shalt  }
0x86: {  	_ =	shalt  }
0x87: {  	_ =	shalt  }
.Lfunc_end0:
.L_simem_size_0:
called_computation_lowered:
.L_overlay_start_0:
0x88: {  	s2 =	sld [smem:$0x3FD9]  }
0x89: {  	s3 =	sld [smem:$0x3FFE];
	_ =	sdelay $0x1  }
0x8a: {  	s1 =	srdreg.scid  }
0x8b: {  	s0 =	sand.u32 $0x1, s1  }
0x8c: {  	s17 =	sshll.u32 s0, $0xA;
	s2 =	sadd.s32 s3, s2  }
0x8d: {  	s2 =	sadd.s32 s2, s17  }
0x8e: {  	[smem:$0x3FC5] =	sst s2  }
0x8f: {  	_ = 	snop  }
0x90: {  	s2 =	sld [smem:$0x3FC8]  }
0x91: {  	s18 =	sld [smem:$0x3FC7];
	(tm) =	ssettm $0x1  }
0x92: {  	s4 =	sld [smem:$0x3FFB];
	_ =	sdelay $0x3  }
0x93: {  	_ =	strace s4  }
0x94: {  	s4 =	sld [smem:$0x3FFC];
	_ =	sdelay $0x3  }
0x95: {  	_ =	strace s4  }
0x96: {  	s4 =	sld [smem:$0x3FFD];
	_ =	sdelay $0x3  }
0x97: {  	_ =	strace s4  }
0x98: {  	_ =	strace $0x8FFFFFFF  }
0x99: {  	s19 =	sld [smem:$0x3FDB];
	_ =	sdelay $0x1  }
0x9a: {  	s5 =	simm.s32 $_scs_section_size  }
0x9b: {  	s6 =	simm.s32 $_size__tile_overlayer_lowered;
	s7 =	simm.s32 $_tile_overlayer_lowered  }
0x9c: {  	s22 =	simm.s32 $0x1BFF;
	s21 =	sshll.u32 s7, $0x1;
	s4 =	sadd.s32 s5, s19  }
0x9d: {  	s8 =	simm.s32 $0x0;
	s20 =	sshll.u32 s6, $0x1;
	s6 =	sadd.s32 s21, s4  }
0x9e: {  	[timem:s8], [sflag:s22] =	dma.local [hbm:s6], s20  }
0x9f: {  	_ =	swait.ge [sflag:s22], s20  }
0xa0: {  	s5 =	ssub.s32 $0x0, s20;
	[sflag:s22] =	ssyncset.done $0x0  }
0xa1: {  	[sflag:s22] =	ssyncadd.s32 s5;
	_ =	sdelay $0x1  }
0xa2: {  	s23 =	simm.s32 $0x1B8B  }
0xa3: {  	_ =	swait.ge [sflag:s23], $0x1  }
0xa4: {  	[sflag:s23] =	ssyncset.done $0x0  }
0xa5: {  	s25 =	simm.s32 $0x1B8E;
	s24 =	sld [smem:$0x3FFE];
	[sflag:s23] =	ssyncadd.s32 $0xFFFFFFFF  }
0xa6: {  	s26 =	simm.s32 $execute0_lowered;
	[smem:$0x3FD2] =	sst s25  }
0xa7: {  	s6 =	sshll.u32 s26, $0x1;
	_ =	strace $0x80000046;
	[dreg:$0x1] =	wrdreg $0xFFFFFFFF  }
0xa8: {  	s28 =	simm.s32 $_size_execute0_lowered;
	s4 =	sadd.s32 s4, s6;
	[dreg:$0x0] =	wrdreg $0x0  }
0xa9: {  	s6 =	sshll.u32 s28, $0x1;
	[dreg:$0x2] =	wrdreg s4  }
0xaa: {  	[dreg:$0x3] =	wrdreg s6  }
0xab: {  	[dreg:$0x4] =	wrdreg $0xC0  }
0xac: {  	_ =	task [dreg:s8], $0x5FFFF  }
0xad: {  	[dreg:$0x1] =	wrdreg $0xFFFFFFFF  }
0xae: {  	[dreg:$0x0] =	wrdreg $0x60  }
0xaf: {  	[dreg:$0x2] =	wrdreg s24  }
0xb0: {  	[dreg:$0x3] =	wrdreg s2  }
0xb1: {  	[dreg:$0x4] =	wrdreg s18  }
0xb2: {  	[dreg:$0x5] =	wrdreg $0x9  }
0xb3: {  	_ =	task.clear_ibuf [dreg:s8], $0x6FFFF;
	_ =	strace $0x90000046  }
0xb4: {  	s29 =	simm.s32 $0x9;
	_ =	strace $0x80000048  }
0xb5: {  	_ =	swait.ge [sflag:s29], $0x1  }
0xb6: {  	[sflag:s29] =	ssyncadd.s32 $0xFFFFFFFF  }
0xb7: {  	_ =	strace $0x90000048  }
0xb8: {  	_ =	sfence  }
0xb9: {  	s30 =	sld [smem:$0x0];
	_ =	sdelay $0x2  }
0xba: {  	s31 =	sshll.u32 s1, $0xD;
	s1 =	sshrl.u32 s1, $0x2  }
0xbb: {  	s3 =	sand.u32 $0x4000, s31;
	s1 =	sadd.s32 s1, s30  }
0xbc: {  	s0 =	sor.u32 s3, s0;
	s1 =	sshll.u32 s1, $0x11  }
0xbd: {  	s0 =	sor.u32 s1, s0  }
0xbe: {  	s0 =	sadd.s32 $0x8F2B, s0  }
0xbf: {  	[sflag:s0] =	ssyncadd.remote.s32 $0x1  }
0xc0: {  	_ =	sfence.sel $0xFFFF  }
0xc1: {  	[dreg:$0x0] =	wrdreg $0xFFFFFFFF;
	(pc) =	sbr.abs _section_cstart, $3  }
0xc2: {  	[dreg:$0x1] =	wrdreg $0xFFFFFFFF  }
0xc3: {  	_ =	task.clear_ibuf [dreg:s8], $0x2FFFF;
	_ =	strace $0x9FFFFFFF  }
0xc4: {  	(tm) =	ssettm $0x7FFFFFFF  }
0xc5: {  	_ =	shalt  }
tec
execute0_lowered:
.L_overlay_start_1:
0x0: {  	(tag) =	ssettag $0x1  }
0x1: {  	s0 =	rddreg [dreg:$0x0]  }
0x2: {  	s1 =	rddreg [dreg:$0x1]  }
0x3: {  	s2 =	rddreg [dreg:$0x2];
	s5 =	simm.s32 $0x0;
	s3 =	srdreg.scid  }
0x4: {  	s4 =	stileid.u32;
	[smem:$0x7FF] =	sst s5  }
0x5: {  	v0 =	vlaneseq.u32;
	v63 =	vimm.s32 $0x0;
	vm0 =	vcmask $0x300;
	s3 =	sand.u32 $0x1, s3;
	s4 =	sshll.u32 s4, $0x1;
	s28 =	sadd.s32 $0x300600, s0  }
0x6: {  	s6 =	sadd.s32 $0x600, s0;
	v1 =	vmul.u32 $0x200, v0;
	v4 =	vsel vm0, $0x3, v63;
	_ =	strace $0x80000047;
	[smem:$0x7F4] =	sst s28  }
0x7: {  	s0 =	sadd.s32 $0x200C0, s0;
	s9 =	sor.u32 s3, s4;
	[smem:$0x7F5] =	sst s6;
	[tilespmem:$0x1FF80] =	vst v4  }
0x8: {  	[smem:$0x7FB] =	sst s0;
	s4 =	sshll.u32 s9, $0x8;
	v32 =	vor.u32 $0x1, v1;
	[tilespmem:$0x1FF70] =	vst v1  }
0x9: {  	v33 =	vor.u32 $0x2, v1;
	[smem:$0x7FD] =	sst s9;
	s30 =	sadd.s32 s1, s4;
	[tilespmem:$0x1FF90] =	vst v32  }
0xa: {  	s26 =	ssub.s32 $0x2, s3;
	v34 =	vor.u32 $0x3, v1;
	s4 =	sadd.s32 s2, s4;
	[tilespmem:$0x1FFA0] =	vst v33;
	[smem:$0x7F6] =	sst s30  }
.Ltmp0:
0xb: {  	v55 =	vor.u32 $0x4, v1;
	s2 =	sadd.s32 $0x2000, s2;
	[tilespmem:$0x1FFB0] =	vst v34;
	[smem:$0x7F8] =	sst s4;
	(pc) =	sbr.rel .LBB2_1-.Ltmp0, $4  }
0xc: {  	s29 =	sshrl.u32 s26, $0x1;
	v56 =	vor.u32 $0x5, v1;
	s1 =	sadd.s32 $0x4000, s1;
	[tilespmem:$0x1FFC0] =	vst v55;
	[smem:$0x7F9] =	sst s2  }
0xd: {  	v57 =	vor.u32 $0x6, v1;
	s3 =	ssub.s32 s26, s29;
	[tilespmem:$0x1FFD0] =	vst v56;
	s5 =	sadd.s32 $0x2000, s30;
	[smem:$0x7FA] =	sst s1  }
0xe: {  	v58 =	vor.u32 $0x7, v1;
	[tilespmem:$0x1FFE0] =	vst v57;
	s31 =	smax.u32 s3, $0x1;
	[smem:$0x7F7] =	sst s5  }
0xf: {  	s12 =	simm.s32 $0x4;
	[tilespmem:$0x1FFF0] =	vst v58;
	s1 =	simm.s32 $0x0;
	[smem:$0x7FC] =	sst s31  }
.LBB2_13:
0x10: {  	s1 =	sld [smem:$0x7F3]  }
0x11: {  	s0 =	sld [smem:$0x7FC];
	_ =	sdelay $0x1  }
0x12: {  	s1 =	sadd.s32 $0x1, s1  }
0x13: {  	p0 =	sne.s32 s1, s0  }
.Ltmp1:
0x14: {  	_ = 	snop;
	(pc) =	sbr.rel @!p0 .LBB2_14-.Ltmp1, $1  }
0x15: {  	_ =	sdelay $0x3  }
.LBB2_1:
0x16: {  	s21 =	sld [smem:$0x7F6];
	_ =	sdelay $0x1  }
0x17: {  	[smem:$0x7F3] =	sst s1;
	s0 =	simm.s32 $0x0;
	s22 =	simm.s32 $0x5  }
0x18: {  	[tilespmem:s0], [sflag:$0x5] =	stream.linear.gather [hbm4b:s21+s0], $0x800, $0x38;
	[tilespmem:$0x16800] =	vst v63  }
0x19: {  	_ =	swait.ge [sflag:s22], $0x800  }
0x1a: {  	s1 =	sld [smem:$0x7F4]  }
0x1b: {  	[sflag:s22] =	ssyncset.done $0x0  }
0x1c: {  	s2 =	simm.s32 $0x80;
	s3 =	simm.s32 $0x2800;
	[sflag:s22] =	ssyncadd.s32 $0xFFFFF800  }
0x1d: {  	[tilespmem:s3], [sflag:$0x1] =	stream.indirect.gather [hbm4b:s1+s2], $0x10, s0, s2, $0xb8;
	[tilespmem:$0x16800] =	vst v63  }
0x1e: {  	s23 =	simm.s32 $0x3000  }
0x1f: {  	[tilespmem:s23], [sflag:$0x1] =	stream.indirect.gather [hbm4b:s1+s2], $0x10, s2, s2, $0xb8;
	[tilespmem:$0x16800] =	vst v63  }
0x20: {  	s24 =	simm.s32 $0x100;
	s4 =	simm.s32 $0x3800  }
0x21: {  	[tilespmem:s4], [sflag:$0x1] =	stream.indirect.gather [hbm4b:s1+s2], $0x10, s24, s2, $0xb8;
	[tilespmem:$0x16800] =	vst v63  }
0x22: {  	s25 =	simm.s32 $0x180;
	s26 =	simm.s32 $0x4000  }
0x23: {  	[tilespmem:s26], [sflag:$0x1] =	stream.indirect.gather [hbm4b:s1+s2], $0x10, s25, s2, $0xb8;
	[tilespmem:$0x16800] =	vst v63  }
0x24: {  	s28 =	simm.s32 $0x200;
	s29 =	simm.s32 $0x4800  }
0x25: {  	[tilespmem:s29], [sflag:$0x1] =	stream.indirect.gather [hbm4b:s1+s2], $0x10, s28, s2, $0xb8;
	[tilespmem:$0x16800] =	vst v63  }
0x26: {  	s30 =	simm.s32 $0x280;
	s31 =	simm.s32 $0x5000  }
0x27: {  	[tilespmem:s31], [sflag:$0x1] =	stream.indirect.gather [hbm4b:s1+s2], $0x10, s30, s2, $0xb8;
	[tilespmem:$0x16800] =	vst v63  }
0x28: {  	s5 =	simm.s32 $0x300;
	s6 =	simm.s32 $0x5800  }
0x29: {  	[tilespmem:s6], [sflag:$0x1] =	stream.indirect.gather [hbm4b:s1+s2], $0x10, s5, s2, $0xb8;
	[tilespmem:$0x16800] =	vst v63  }
0x2a: {  	s7 =	simm.s32 $0x380;
	s8 =	simm.s32 $0x6000  }
0x2b: {  	[tilespmem:s8], [sflag:$0x1] =	stream.indirect.gather [hbm4b:s1+s2], $0x10, s7, s2, $0xb8;
	[tilespmem:$0x16800] =	vst v63  }
0x2c: {  	s10 =	simm.s32 $0x400;
	s11 =	simm.s32 $0x6800  }
0x2d: {  	[tilespmem:s11], [sflag:$0x1] =	stream.indirect.gather [hbm4b:s1+s2], $0x10, s10, s2, $0xb8;
	[tilespmem:$0x16800] =	vst v63  }
0x2e: {  	s13 =	simm.s32 $0x480;
	s14 =	simm.s32 $0x7000  }
0x2f: {  	[tilespmem:s14], [sflag:$0x1] =	stream.indirect.gather [hbm4b:s1+s2], $0x10, s13, s2, $0xb8;
	[tilespmem:$0x16800] =	vst v63  }
0x30: {  	s15 =	simm.s32 $0x500;
	s16 =	simm.s32 $0x7800  }
0x31: {  	[tilespmem:s16], [sflag:$0x1] =	stream.indirect.gather [hbm4b:s1+s2], $0x10, s15, s2, $0xb8;
	[tilespmem:$0x16800] =	vst v63  }
0x32: {  	s17 =	simm.s32 $0x580;
	s18 =	simm.s32 $0x8000  }
0x33: {  	[tilespmem:s18], [sflag:$0x1] =	stream.indirect.gather [hbm4b:s1+s2], $0x10, s17, s2, $0xb8;
	[tilespmem:$0x16800] =	vst v63  }
0x34: {  	s19 =	simm.s32 $0x600;
	s20 =	simm.s32 $0x8800  }
0x35: {  	[tilespmem:s20], [sflag:$0x1] =	stream.indirect.gather [hbm4b:s1+s2], $0x10, s19, s2, $0xb8;
	[tilespmem:$0x16800] =	vst v63  }
0x36: {  	s21 =	simm.s32 $0x680;
	s22 =	simm.s32 $0x9000  }
0x37: {  	[tilespmem:s22], [sflag:$0x1] =	stream.indirect.gather [hbm4b:s1+s2], $0x10, s21, s2, $0xb8;
	[tilespmem:$0x16800] =	vst v63  }
0x38: {  	s23 =	simm.s32 $0x700;
	s24 =	simm.s32 $0x9800  }
0x39: {  	[tilespmem:s24], [sflag:$0x1] =	stream.indirect.gather [hbm4b:s1+s2], $0x10, s23, s2, $0xb8;
	[tilespmem:$0x16800] =	vst v63  }
0x3a: {  	s25 =	simm.s32 $0x780;
	s26 =	simm.s32 $0xA000;
	s28 =	sld [smem:$0x7F7]  }
0x3b: {  	[tilespmem:s26], [sflag:$0x1] =	stream.indirect.gather [hbm4b:s1+s2], $0x10, s25, s2, $0xb8;
	[tilespmem:$0x16800] =	vst v63  }
.Ltmp2:
0x3c: {  	_ = 	snop;
	(pc) =	sbr.rel .LBB2_2-.Ltmp2, $4  }
0x3d: {  	s29 =	simm.s32 $0x800;
	s30 =	sld [smem:$0x7F8]  }
0x3e: {  	[tilespmem:s29], [sflag:$0x2] =	stream.linear.gather [hbm4b:s28+s0], $0x800, $0x38;
	[tilespmem:$0x16800] =	vst v63  }
0x3f: {  	s31 =	simm.s32 $0x1800;
	s13 =	simm.s32 $0x0  }
0x40: {  	[tilespmem:s31], [sflag:$0x3] =	stream.linear.gather [hbm4b:s30+s0], $0x800, $0x38;
	[tilespmem:$0x16800] =	vst v63  }
.LBB2_10:
0x41: {  	p1 =	sne.s32 @!p0 s14, $0x82B  }
0x42: {  	p0 =	por p0, p1  }
.Ltmp3:
0x43: {  	_ = 	snop;
	(pc) =	sbr.rel @p0 .LBB2_6-.Ltmp3, $1  }
0x44: {  	_ =	sdelay $0x3  }
0x45: {  	_ =	swait.ge [sflag:s12], $0x1A00  }
0x46: {  	[sflag:s12] =	ssyncset.done $0x0  }
0x47: {  	[sflag:s12] =	ssyncadd.s32 $0xFFFFE600  }
.LBB2_12:
0x48: {  	p0 =	sne.s32 s13, $0x42  }
.Ltmp4:
0x49: {  	_ = 	snop;
	(pc) =	sbr.rel @!p0 .LBB2_13-.Ltmp4, $1  }
0x4a: {  	_ =	sdelay $0x3  }
.LBB2_2:
0x4b: {  	s0 =	sshll.u32 s13, $0x5  }
0x4c: {  	s14 =	sor.u32 s9, s0  }
0x4d: {  	p0 =	sgt.u32 s14, $0x7CB  }
.Ltmp5:
0x4e: {  	_ = 	snop;
	(pc) =	sbr.rel @p0 .LBB2_4-.Ltmp5, $2  }
0x4f: {  	_ =	sdelay $0x2  }
0x50: {  	s1 =	smov.u32 s13;
	s0 =	sand.u32 $0x1, s13;
	s13 =	sadd.s32 $0x1, s13  }
0x51: {  	s2 =	smul.u32 $0xAB, s13  }
0x52: {  	s3 =	sxor.u32 $0x1, s0;
	s6 =	sld [smem:$0x7F9]  }
0x53: {  	s7 =	simm.s32 $0x0;
	s19 =	simm.s32 $0x2;
	s2 =	sshrl.u32 s2, $0x9  }
0x54: {  	s5 =	sshll.u32 s3, $0xB;
	s4 =	sand.u32 $0x7F, s2;
	s2 =	sshll.u32 s14, $0x8  }
0x55: {  	s5 =	sadd.s32 $0x1800, s5;
	s4 =	smul.u32 $0x3, s4;
	s6 =	sadd.s32 s2, s6  }
0x56: {  	[tilespmem:s5], [sflag:$0x3] =	stream.linear.gather [hbm4b:s6+s7], $0x800, $0x38;
	[tilespmem:$0x16800] =	vst v63  }
0x57: {  	_ =	swait.ge [sflag:s19], $0x800  }
0x58: {  	s11 =	simm.s32 $0x80;
	s4 =	ssub.s32 s13, s4;
	s10 =	sld [smem:$0x7F4]  }
0x59: {  	s3 =	sshll.u32 s3, $0xF;
	s4 =	sand.u32 $0xFF, s4;
	[sflag:s19] =	ssyncset.done $0x0  }
0x5a: {  	s20 =	sor.u32 $0x2800, s3;
	[sflag:s19] =	ssyncadd.s32 $0xFFFFF800;
	s4 =	sshll.u32 s4, $0xB  }
0x5b: {  	[tilespmem:s20], [sflag:$0x1] =	stream.indirect.gather [hbm4b:s10+s11], $0x10, s4, s11, $0xb8;
	[tilespmem:$0x16800] =	vst v63  }
0x5c: {  	s21 =	sor.u32 $0x3000, s3;
	s22 =	sor.u32 $0x80, s4  }
0x5d: {  	[tilespmem:s21], [sflag:$0x1] =	stream.indirect.gather [hbm4b:s10+s11], $0x10, s22, s11, $0xb8;
	[tilespmem:$0x16800] =	vst v63  }
0x5e: {  	s23 =	sor.u32 $0x3800, s3;
	s24 =	sor.u32 $0x100, s4  }
0x5f: {  	[tilespmem:s23], [sflag:$0x1] =	stream.indirect.gather [hbm4b:s10+s11], $0x10, s24, s11, $0xb8;
	[tilespmem:$0x16800] =	vst v63  }
0x60: {  	s25 =	sor.u32 $0x4000, s3;
	s26 =	sor.u32 $0x180, s4  }
0x61: {  	[tilespmem:s25], [sflag:$0x1] =	stream.indirect.gather [hbm4b:s10+s11], $0x10, s26, s11, $0xb8;
	[tilespmem:$0x16800] =	vst v63  }
0x62: {  	s28 =	sor.u32 $0x4800, s3;
	s29 =	sor.u32 $0x200, s4  }
0x63: {  	[tilespmem:s28], [sflag:$0x1] =	stream.indirect.gather [hbm4b:s10+s11], $0x10, s29, s11, $0xb8;
	[tilespmem:$0x16800] =	vst v63  }
0x64: {  	s30 =	sor.u32 $0x5000, s3;
	s31 =	sor.u32 $0x280, s4  }
0x65: {  	[tilespmem:s30], [sflag:$0x1] =	stream.indirect.gather [hbm4b:s10+s11], $0x10, s31, s11, $0xb8;
	[tilespmem:$0x16800] =	vst v63  }
0x66: {  	s6 =	sor.u32 $0x5800, s3;
	s7 =	sor.u32 $0x300, s4  }
0x67: {  	[tilespmem:s6], [sflag:$0x1] =	stream.indirect.gather [hbm4b:s10+s11], $0x10, s7, s11, $0xb8;
	[tilespmem:$0x16800] =	vst v63  }
0x68: {  	s8 =	sor.u32 $0x6000, s3;
	s15 =	sor.u32 $0x380, s4  }
0x69: {  	[tilespmem:s8], [sflag:$0x1] =	stream.indirect.gather [hbm4b:s10+s11], $0x10, s15, s11, $0xb8;
	[tilespmem:$0x16800] =	vst v63  }
0x6a: {  	s16 =	sor.u32 $0x6800, s3;
	s17 =	sor.u32 $0x400, s4  }
0x6b: {  	[tilespmem:s16], [sflag:$0x1] =	stream.indirect.gather [hbm4b:s10+s11], $0x10, s17, s11, $0xb8;
	[tilespmem:$0x16800] =	vst v63  }
0x6c: {  	s18 =	sor.u32 $0x7000, s3;
	s19 =	sor.u32 $0x480, s4  }
0x6d: {  	[tilespmem:s18], [sflag:$0x1] =	stream.indirect.gather [hbm4b:s10+s11], $0x10, s19, s11, $0xb8;
	[tilespmem:$0x16800] =	vst v63  }
0x6e: {  	s21 =	sor.u32 $0x7800, s3;
	s22 =	sor.u32 $0x500, s4  }
0x6f: {  	[tilespmem:s21], [sflag:$0x1] =	stream.indirect.gather [hbm4b:s10+s11], $0x10, s22, s11, $0xb8;
	[tilespmem:$0x16800] =	vst v63  }
0x70: {  	s20 =	sadd.s32 $0x2, s1;
	s24 =	sadd.s32 $0x8000, s3;
	s8 =	sor.u32 $0x580, s4  }
0x71: {  	[tilespmem:s24], [sflag:$0x1] =	stream.indirect.gather [hbm4b:s10+s11], $0x10, s8, s11, $0xb8;
	[tilespmem:$0x16800] =	vst v63  }
0x72: {  	s23 =	sand.u32 $0xFF, s20;
	s25 =	sadd.s32 $0x8800, s3;
	s26 =	sor.u32 $0x600, s4  }
0x73: {  	[tilespmem:s25], [sflag:$0x1] =	stream.indirect.gather [hbm4b:s10+s11], $0x10, s26, s11, $0xb8;
	[tilespmem:$0x16800] =	vst v63  }
0x74: {  	s28 =	sadd.s32 $0x9000, s3;
	s29 =	sor.u32 $0x680, s4;
	s6 =	smul.u32 $0xAB, s23  }
0x75: {  	[tilespmem:s28], [sflag:$0x1] =	stream.indirect.gather [hbm4b:s10+s11], $0x10, s29, s11, $0xb8;
	[tilespmem:$0x16800] =	vst v63  }
0x76: {  	s30 =	sadd.s32 $0x9800, s3;
	s31 =	sor.u32 $0x700, s4;
	s6 =	sshrl.u32 s6, $0x9  }
0x77: {  	[tilespmem:s30], [sflag:$0x1] =	stream.indirect.gather [hbm4b:s10+s11], $0x10, s31, s11, $0xb8;
	[tilespmem:$0x16800] =	vst v63  }
0x78: {  	s3 =	sadd.s32 $0xA000, s3;
	s4 =	sor.u32 $0x780, s4;
	s6 =	smul.u32 $0x3, s6  }
0x79: {  	[tilespmem:s3], [sflag:$0x1] =	stream.indirect.gather [hbm4b:s10+s11], $0x10, s4, s11, $0xb8;
	[tilespmem:$0x16800] =	vst v63  }
0x7a: {  	s4 =	sld [smem:$0x7FA]  }
0x7b: {  	s5 =	ssub.s32 s20, s6  }
0x7c: {  	p0 =	sgt.u32 s14, $0x7AB;
	s3 =	sand.u32 $0xFF, s5  }
0x7d: {  	s3 =	sshll.u32 @!p0 s3, $0xB;
	s2 =	sadd.s32 @!p0 s2, s4;
	s4 =	simm.s32 @!p0 $0x0  }
0x7e: {  	[tilespmem:s3], [sflag:$0x2] =	stream.linear.gather @!p0 [hbm4b:s2+s4], $0x800, $0x38;
	[tilespmem:$0x16800] =	vst v63  }
.LBB2_4:
0x7f: {  	p0 =	slt.u32 s1, $0x2  }
0x80: {  	p1 =	sgt.u32 @!p0 s14, $0x82A  }
0x81: {  	p1 =	por p0, p1  }
.Ltmp6:
0x82: {  	_ = 	snop;
	(pc) =	sbr.rel @p1 .LBB2_10-.Ltmp6, $1  }
0x83: {  	_ =	sdelay $0x3  }
0x84: {  	_ =	swait.ge [sflag:s12], $0x2000  }
0x85: {  	[sflag:s12] =	ssyncset.done $0x0  }
0x86: {  	[sflag:s12] =	ssyncadd.s32 $0xFFFFE000  }
.LBB2_6:
0x87: {  	p0 =	sgt.u32 s14, $0x7EB  }
.Ltmp7:
0x88: {  	_ = 	snop;
	(pc) =	sbr.rel @p0 .LBB2_12-.Ltmp7, $1  }
0x89: {  	_ =	sdelay $0x3  }
0x8a: {  	[smem:$0x7F0] =	sst s14  }
0x8b: {  	[smem:$0x7F1] =	sst s13;
	s1 =	simm.s32 $0x3  }
0x8c: {  	_ =	swait.ge [sflag:s1], $0x800  }
0x8d: {  	[sflag:s1] =	ssyncset.done $0x0  }
0x8e: {  	s8 =	simm.s32 $0x1;
	[sflag:s1] =	ssyncadd.s32 $0xFFFFF800  }
0x8f: {  	_ =	swait.ge [sflag:s8], $0x800  }
0x90: {  	[sflag:s8] =	ssyncset.done $0x0  }
0x91: {  	[sflag:s8] =	ssyncadd.s32 $0xFFFFF800  }
0x92: {  	_ =	swait.ge [sflag:s8], $0x800  }
0x93: {  	[sflag:s8] =	ssyncset.done $0x0  }
0x94: {  	[sflag:s8] =	ssyncadd.s32 $0xFFFFF800  }
0x95: {  	_ =	swait.ge [sflag:s8], $0x800  }
0x96: {  	[sflag:s8] =	ssyncset.done $0x0  }
0x97: {  	[sflag:s8] =	ssyncadd.s32 $0xFFFFF800  }
0x98: {  	_ =	swait.ge [sflag:s8], $0x800  }
0x99: {  	[sflag:s8] =	ssyncset.done $0x0  }
0x9a: {  	[sflag:s8] =	ssyncadd.s32 $0xFFFFF800  }
0x9b: {  	_ =	swait.ge [sflag:s8], $0x800  }
0x9c: {  	[sflag:s8] =	ssyncset.done $0x0  }
0x9d: {  	[sflag:s8] =	ssyncadd.s32 $0xFFFFF800  }
0x9e: {  	_ =	swait.ge [sflag:s8], $0x800  }
0x9f: {  	[sflag:s8] =	ssyncset.done $0x0  }
0xa0: {  	[sflag:s8] =	ssyncadd.s32 $0xFFFFF800  }
0xa1: {  	_ =	swait.ge [sflag:s8], $0x800  }
0xa2: {  	[sflag:s8] =	ssyncset.done $0x0  }
0xa3: {  	[sflag:s8] =	ssyncadd.s32 $0xFFFFF800  }
0xa4: {  	_ =	swait.ge [sflag:s8], $0x800  }
0xa5: {  	[sflag:s8] =	ssyncset.done $0x0  }
0xa6: {  	[sflag:s8] =	ssyncadd.s32 $0xFFFFF800  }
0xa7: {  	_ =	swait.ge [sflag:s8], $0x800  }
0xa8: {  	[sflag:s8] =	ssyncset.done $0x0  }
0xa9: {  	[sflag:s8] =	ssyncadd.s32 $0xFFFFF800  }
0xaa: {  	_ =	swait.ge [sflag:s8], $0x800  }
0xab: {  	[sflag:s8] =	ssyncset.done $0x0  }
0xac: {  	[sflag:s8] =	ssyncadd.s32 $0xFFFFF800  }
0xad: {  	_ =	swait.ge [sflag:s8], $0x800  }
0xae: {  	[sflag:s8] =	ssyncset.done $0x0  }
0xaf: {  	[sflag:s8] =	ssyncadd.s32 $0xFFFFF800  }
0xb0: {  	_ =	swait.ge [sflag:s8], $0x800  }
0xb1: {  	[sflag:s8] =	ssyncset.done $0x0  }
0xb2: {  	[sflag:s8] =	ssyncadd.s32 $0xFFFFF800  }
0xb3: {  	_ =	swait.ge [sflag:s8], $0x800  }
0xb4: {  	[sflag:s8] =	ssyncset.done $0x0  }
0xb5: {  	[sflag:s8] =	ssyncadd.s32 $0xFFFFF800  }
0xb6: {  	_ =	swait.ge [sflag:s8], $0x800  }
0xb7: {  	[sflag:s8] =	ssyncset.done $0x0  }
0xb8: {  	s16 =	sshll.u32 s0, $0xB;
	[sflag:s8] =	ssyncadd.s32 $0xFFFFF800  }
0xb9: {  	s3 =	sshll.u32 s0, $0xF;
	s17 =	simm.s32 $0x0;
	_ =	swait.ge [sflag:s8], $0x800  }
0xba: {  	s4 =	simm.s32 $0x0;
	s5 =	simm.s32 $0x0;
	[sflag:s8] =	ssyncset.done $0x0  }
0xbb: {  	s0 =	sor.u32 $0x2800, s3;
	s1 =	sadd.s32 $0x1800, s16;
	[sflag:s8] =	ssyncadd.s32 $0xFFFFF800  }
0xbc: {  	s4 =	sand.u32 $0x3FFFE000, s4;
	_ =	swait.ge [sflag:s8], $0x800;
	[dreg:$0x4] =	wrdreg s1  }
0xbd: {  	s5 =	sand.u32 $0x3FFFFE00, s5;
	[dreg:$0x5] =	wrdreg s0;
	s0 =	sand.u32 $0x60, s17  }
0xbe: {  	[sflag:s8] =	ssyncset.done $0x0;
	s18 =	rddreg [dreg:$0x5];
	s6 =	sor.u32 $0x10, s0  }
0xbf: {  	s2 =	rddreg [dreg:$0x4];
	s21 =	sadd.s32 s4, s18;
	s7 =	sshll.u32 s6, $0x4  }
0xc0: {  	[sflag:s8] =	ssyncadd.s32 $0xFFFFF800;
	s4 =	sadd.s32 s5, s2;
	s1 =	sadd.s32 s7, s21  }
0xc1: {  	s5 =	sadd.s32 s6, s4;
	v1 =	vld [tilespmem:s1+$0x0]  }
0xc2: {  	s19 =	simm.s32 $0x0;
	v12 =	vld [tilespmem:s5+$0x0]  }
0xc3: {  	s22 =	sshll.u32 s0, $0x4;
	s2 =	sand.u32 $0xFFFFFF80, s19;
	v10 =	vld [tilespmem:s5+$0x80]  }
0xc4: {  	s20 =	sor.u32 $0x110, s22;
	v11 =	vld [tilespmem:s5+$0x100];
	s1 =	sor.u32 s2, s6  }
0xc5: {  	s31 =	sor.u32 $0x120, s22;
	s26 =	sadd.s32 s20, s21;
	v9 =	vld [tilespmem:s5+$0x180];
	v0 =	vmov s1  }
0xc6: {  	s9 =	sor.u32 $0x130, s22;
	s11 =	sadd.s32 s31, s21;
	v2 =	vld [tilespmem:s26+$0x0];
	v0 =	vshrl.u32 v0, $0x3  }
0xc7: {  	s23 =	sadd.s32 $0x800, s21;
	s12 =	sadd.s32 s9, s21;
	v3 =	vld [tilespmem:s11+$0x0];
	v0 =	vshll.u32 v0, v4  }
0xc8: {  	s24 =	sadd.s32 $0x1000, s21;
	s10 =	sadd.s32 s7, s23;
	v5 =	vld [tilespmem:s12+$0x0];
	v0 =	vbroadcast v0, $0x0  }
0xc9: {  	v62 =	vmov v4;
	s25 =	sadd.s32 $0x1800, s21;
	s13 =	sadd.s32 s7, s24;
	v6 =	vld [tilespmem:s10+$0x0];
	v4 =	vbroadcast v12, $0x0;
	v7 =	vbroadcast v10, $0x0  }
0xca: {  	s14 =	sadd.s32 s7, s25;
	v13 =	vld [tilespmem:s13+$0x0];
	v8 =	vbroadcast v11, $0x0;
	v14 =	vbroadcast v9, $0x0  }
0xcb: {  	s15 =	sadd.s32 s20, s23;
	v16 =	vld [tilespmem:s14+$0x0];
	v15 =	vbroadcast v12, $0x1;
	v17 =	vbroadcast v10, $0x1  }
0xcc: {  	s16 =	sadd.s32 s20, s24;
	v19 =	vld [tilespmem:s15+$0x0];
	v18 =	vbroadcast v11, $0x1;
	v20 =	vbroadcast v9, $0x1  }
0xcd: {  	s17 =	sadd.s32 s20, s25;
	v22 =	vld [tilespmem:s16+$0x0];
	v21 =	vbroadcast v12, $0x2;
	v23 =	vbroadcast v10, $0x2  }
0xce: {  	s18 =	sadd.s32 s31, s23;
	v25 =	vld [tilespmem:s17+$0x0];
	v24 =	vbroadcast v11, $0x2;
	v26 =	vbroadcast v9, $0x2  }
0xcf: {  	s19 =	sadd.s32 s31, s24;
	v28 =	vld [tilespmem:s18+$0x0];
	v27 =	vbroadcast v12, $0x3;
	v29 =	vbroadcast v10, $0x3  }
0xd0: {  	s20 =	sadd.s32 s31, s25;
	v30 =	vbroadcast v11, $0x3;
	v1 =	vmul.f32 v1, v4;
	v4 =	vld [tilespmem:s19+$0x0]  }
0xd1: {  	v6 =	vmul.f32 v6, v7;
	v7 =	vmul.f32 v13, v8;
	v8 =	vld [tilespmem:s20+$0x0]  }
0xd2: {  	s26 =	sadd.s32 s9, s23;
	v2 =	vmul.f32 v2, v15;
	v15 =	vmul.f32 v19, v17;
	v17 =	vld [tilespmem:$0x1FF70]  }
0xd3: {  	s31 =	sadd.s32 s9, s24;
	v31 =	vbroadcast v9, $0x3;
	v13 =	vmul.f32 v16, v14;
	v14 =	vld [tilespmem:s26+$0x0]  }
0xd4: {  	s6 =	sadd.s32 s9, s25;
	v16 =	vmul.f32 v22, v18;
	v19 =	vld [tilespmem:s31+$0x0];
	v20 =	vmul.f32 v25, v20  }
0xd5: {  	v3 =	vmul.f32 v3, v21;
	v22 =	vld [tilespmem:s6+$0x0];
	v23 =	vmul.f32 v28, v23  }
0xd6: {  	v5 =	vmul.f32 v5, v27;
	v1 =	vadd.f32 v7, v1;
	v6 =	vadd.f32 v13, v6  }
0xd7: {  	v2 =	vadd.f32 v16, v2;
	v13 =	vadd.f32 v20, v15;
	v25 =	vadd.s32 v17, v0  }
0xd8: {  	s4 =	sadd.s32 s0, s4;
	v4 =	vmul.f32 v4, v24;
	v24 =	vadd.s32 v32, v0;
	v8 =	vmul.f32 v8, v26  }
0xd9: {  	v18 =	vld [tilespmem:s4+$0x80];
	v26 =	vadd.s32 v33, v0;
	v7 =	vmul.f32 v14, v29;
	v14 =	vmul.f32 v19, v30  }
0xda: {  	v21 =	vld [tilespmem:s4+$0x100];
	v3 =	vadd.f32 v4, v3;
	v4 =	vadd.f32 v8, v23;
	v8 =	vmul.f32 v22, v31  }
0xdb: {  	s3 =	sshrl.u32 s3, $0x2;
	v20 =	vld [tilespmem:s4+$0x180];
	v6 =	vadd.f32 v6, v1;
	v5 =	vadd.f32 v14, v5;
	v14 =	vadd.s32 v34, v0  }
0xdc: {  	s8 =	sadd.s32 s22, s24;
	s18 =	sadd.s32 $0x12800, s3;
	v2 =	vadd.f32 v13, v2;
	v17 =	vld [tilespmem:s4+$0x0];
	[smem:$0x7F2] =	sst s3;
	v7 =	vadd.f32 v8, v7  }
0xdd: {  	s9 =	sadd.s32 s22, s25;
	v63 =	vbroadcast v11, $0x4;
	v35 =	vbroadcast v9, $0x4;
	s3 =	sor.u32 $0x10, s22;
	v13 =	vld [tilespmem:s8+$0x0];
	v3 =	vadd.f32 v4, v3;
	[tilespmem:v25+s18+$0x0] =	vst.idx.msk $0xffff, v6  }
0xde: {  	v36 =	vbroadcast v12, $0x5;
	v38 =	vbroadcast v10, $0x5;
	s10 =	sadd.s32 s3, s23;
	v16 =	vld [tilespmem:s9+$0x0];
	v4 =	vadd.f32 v7, v5;
	[tilespmem:v24+s18+$0x0] =	vst.idx.msk $0xffff, v2  }
0xdf: {  	s7 =	sadd.s32 s22, s23;
	s11 =	sor.u32 $0x140, s22;
	v40 =	vbroadcast v11, $0x5;
	v42 =	vbroadcast v9, $0x5;
	v22 =	vld [tilespmem:s10+$0x0];
	[tilespmem:v26+s18+$0x0] =	vst.idx.msk $0xffff, v3  }
0xe0: {  	s12 =	sadd.s32 s11, s21;
	v43 =	vbroadcast v12, $0x6;
	v45 =	vbroadcast v10, $0x6;
	v8 =	vld [tilespmem:s7+$0x0];
	[tilespmem:v14+s18+$0x0] =	vst.idx.msk $0xffff, v4  }
0xe1: {  	s13 =	sadd.s32 s11, s23;
	v46 =	vbroadcast v11, $0x6;
	v48 =	vbroadcast v9, $0x6;
	v26 =	vld [tilespmem:s12+$0x0]  }
0xe2: {  	s14 =	sadd.s32 s11, s24;
	v49 =	vbroadcast v12, $0x7;
	v51 =	vbroadcast v10, $0x7;
	v28 =	vld [tilespmem:s13+$0x0]  }
0xe3: {  	s15 =	sadd.s32 s11, s25;
	s16 =	sor.u32 $0x150, s22;
	v52 =	vbroadcast v11, $0x7;
	v53 =	vbroadcast v9, $0x7;
	v29 =	vld [tilespmem:s14+$0x0]  }
0xe4: {  	s17 =	sadd.s32 s16, s21;
	v15 =	vbroadcast v21, $0x0;
	v27 =	vbroadcast v18, $0x2;
	v31 =	vld [tilespmem:s15+$0x0]  }
0xe5: {  	v60 =	vmovc v32;
	v59 =	vmov v34;
	s19 =	sadd.s32 s16, s23;
	v30 =	vbroadcast v12, $0x4;
	v32 =	vbroadcast v10, $0x4;
	v34 =	vld [tilespmem:s17+$0x0]  }
0xe6: {  	s20 =	sadd.s32 s16, s24;
	v19 =	vbroadcast v20, $0x0;
	v23 =	vbroadcast v18, $0x1;
	v37 =	vld [tilespmem:s19+$0x0]  }
0xe7: {  	s26 =	sadd.s32 s16, s25;
	s31 =	sor.u32 $0x160, s22;
	v1 =	vbroadcast v17, $0x0;
	v6 =	vbroadcast v18, $0x0;
	v39 =	vld [tilespmem:s20+$0x0]  }
0xe8: {  	s6 =	sadd.s32 s31, s21;
	v25 =	vbroadcast v20, $0x1;
	v2 =	vbroadcast v17, $0x1;
	v41 =	vld [tilespmem:s26+$0x0]  }
0xe9: {  	s7 =	sadd.s32 s31, s23;
	v24 =	vbroadcast v21, $0x1;
	v7 =	vbroadcast v21, $0x2;
	v44 =	vld [tilespmem:s6+$0x0]  }
0xea: {  	s8 =	sadd.s32 s31, s24;
	v5 =	vbroadcast v17, $0x3;
	v15 =	vmul.f32 v13, v15;
	v47 =	vld [tilespmem:s7+$0x0]  }
0xeb: {  	s9 =	sadd.s32 s31, s25;
	s10 =	sor.u32 $0x170, s22;
	v16 =	vmul.f32 v16, v19;
	v3 =	vbroadcast v17, $0x2;
	v50 =	vld [tilespmem:s8+$0x0]  }
0xec: {  	s11 =	sadd.s32 s10, s21;
	v26 =	vmul.f32 v26, v30;
	v30 =	vld [tilespmem:s9+$0x0];
	v28 =	vmul.f32 v28, v32  }
0xed: {  	s0 =	sor.u32 s0, s2;
	s12 =	sadd.s32 s10, s23;
	v29 =	vmul.f32 v29, v63;
	v32 =	vld [tilespmem:s11+$0x0];
	v31 =	vmul.f32 v31, v35  }
0xee: {  	v54 =	vmov s0;
	s13 =	sadd.s32 s10, s24;
	v34 =	vmul.f32 v34, v36;
	v35 =	vld [tilespmem:s12+$0x0];
	v36 =	vmul.f32 v37, v38  }
0xef: {  	s14 =	sadd.s32 s10, s25;
	v63 =	vshrl.u32 v54, $0x3;
	v37 =	vmul.f32 v39, v40;
	v54 =	vld [tilespmem:s13+$0x0];
	v40 =	vmul.f32 v44, v43  }
0xf0: {  	v61 =	vmovc v33;
	v44 =	vmul.f32 v47, v45;
	v33 =	vshll.u32 v63, v62;
	v63 =	vmul.f32 v41, v42;
	v41 =	vld [tilespmem:s14+$0x0]  }
0xf1: {  	s16 =	sor.u32 $0x20, s22;
	v45 =	vmul.f32 v50, v46;
	v26 =	vadd.f32 v29, v26;
	v28 =	vadd.f32 v31, v28  }
0xf2: {  	s2 =	sor.u32 $0x30, s22;
	s6 =	sadd.s32 s16, s21;
	v46 =	vadd.s32 v56, v0;
	v42 =	vadd.s32 v55, v0;
	v34 =	vadd.f32 v37, v34  }
0xf3: {  	s7 =	sadd.s32 s2, s21;
	v13 =	vld [tilespmem:s6+$0x0];
	v50 =	vadd.f32 v45, v40;
	v26 =	vadd.f32 v28, v26;
	v30 =	vmul.f32 v30, v48  }
0xf4: {  	s15 =	sadd.s32 s3, s24;
	v19 =	vld [tilespmem:s7+$0x0];
	v32 =	vmul.f32 v32, v49;
	v48 =	vadd.s32 v57, v0;
	v54 =	vmul.f32 v54, v52  }
0xf5: {  	s17 =	sadd.s32 s3, s25;
	v43 =	vld [tilespmem:s15+$0x0];
	v29 =	vmul.f32 v35, v51;
	v35 =	vadd.f32 v63, v36;
	v51 =	vmul.f32 v41, v53  }
0xf6: {  	s20 =	sadd.s32 s16, s24;
	v47 =	vld [tilespmem:s17+$0x0];
	v53 =	vadd.s32 v58, v0;
	v30 =	vadd.f32 v30, v44;
	v28 =	vadd.f32 v54, v32  }
0xf7: {  	v22 =	vmul.f32 v22, v23;
	s19 =	sadd.s32 s16, s23;
	v31 =	vld [tilespmem:s20+$0x0];
	v34 =	vadd.f32 v35, v34;
	v29 =	vadd.f32 v51, v29  }
0xf8: {  	v4 =	vbroadcast v20, $0x2;
	v14 =	vbroadcast v18, $0x3;
	s26 =	sadd.s32 s16, s25;
	v49 =	vld [tilespmem:s19+$0x0];
	[tilespmem:v42+s18+$0x0] =	vst.idx.msk $0xffff, v26;
	v30 =	vadd.f32 v30, v50  }
0xf9: {  	s31 =	sadd.s32 s22, s21;
	v8 =	vmul.f32 v8, v6;
	v6 =	vbroadcast v21, $0x3;
	v63 =	vld [tilespmem:s26+$0x0];
	[tilespmem:v46+s18+$0x0] =	vst.idx.msk $0xffff, v34;
	v26 =	vadd.f32 v29, v28  }
0xfa: {  	s3 =	sadd.s32 s3, s21;
	s8 =	sor.u32 $0x180, s22;
	v3 =	vmul.f32 v13, v3;
	v5 =	vmul.f32 v19, v5;
	v52 =	vld [tilespmem:s31+$0x0];
	[tilespmem:v48+s18+$0x0] =	vst.idx.msk $0xffff, v30  }
0xfb: {  	s9 =	sadd.s32 s8, s21;
	v23 =	vmul.f32 v43, v24;
	v24 =	vmul.f32 v47, v25;
	v54 =	vld [tilespmem:s3+$0x0];
	[tilespmem:v53+s18+$0x0] =	vst.idx.msk $0xffff, v26  }
0xfc: {  	s10 =	sadd.s32 s8, s23;
	v0 =	vbroadcast v33, $0x0;
	v33 =	vbroadcast v9, $0x8;
	v26 =	vld [tilespmem:s9+$0x0]  }
0xfd: {  	s11 =	sadd.s32 s8, s24;
	v41 =	vbroadcast v10, $0xA;
	v7 =	vmul.f32 v31, v7;
	v28 =	vld [tilespmem:s10+$0x0]  }
0xfe: {  	s12 =	sadd.s32 s8, s25;
	s13 =	sor.u32 $0x190, s22;
	v31 =	vbroadcast v11, $0x8;
	v51 =	vbroadcast v11, $0xA;
	v19 =	vld [tilespmem:s11+$0x0]  }
0xff: {  	s14 =	sadd.s32 s13, s21;
	v34 =	vbroadcast v12, $0x9;
	v50 =	vbroadcast v12, $0xA;
	v29 =	vld [tilespmem:s12+$0x0]  }
0x100: {  	s15 =	sadd.s32 s13, s23;
	v1 =	vmul.f32 v52, v1;
	v25 =	vmul.f32 v49, v27;
	v32 =	vld [tilespmem:s14+$0x0]  }
0x101: {  	s1 =	sor.u32 $0x8, s1;
	v8 =	vadd.f32 v16, v8;
	s16 =	sadd.s32 s13, s24;
	v4 =	vmul.f32 v63, v4;
	v63 =	vbroadcast v10, $0x9;
	v35 =	vld [tilespmem:s15+$0x0]  }
0x102: {  	s17 =	sadd.s32 s13, s25;
	s19 =	sor.u32 $0x1A0, s22;
	v27 =	vmov s1;
	v49 =	vbroadcast v9, $0x9;
	v52 =	vbroadcast v9, $0xA;
	v37 =	vld [tilespmem:s16+$0x0]  }
0x103: {  	s20 =	sadd.s32 s19, s21;
	v13 =	vshrl.u32 v27, $0x3;
	v27 =	vbroadcast v12, $0x8;
	v1 =	vadd.f32 v15, v1;
	v15 =	vld [tilespmem:s17+$0x0]  }
0x104: {  	s31 =	sadd.s32 s19, s24;
	v22 =	vadd.f32 v24, v22;
	v30 =	vbroadcast v10, $0x8;
	v2 =	vmul.f32 v54, v2;
	v16 =	vld [tilespmem:s20+$0x0]  }
0x105: {  	s26 =	sadd.s32 s19, s23;
	v48 =	vbroadcast v11, $0x9;
	v13 =	vshll.u32 v13, v62;
	v53 =	vbroadcast v12, $0xB;
	v24 =	vld [tilespmem:s31+$0x0]  }
0x106: {  	s4 =	sor.u32 $0x1B0, s22;
	s3 =	sadd.s32 s19, s25;
	v54 =	vbroadcast v10, $0xB;
	v62 =	vbroadcast v11, $0xB;
	v2 =	vadd.f32 v23, v2;
	v23 =	vld [tilespmem:s26+$0x0]  }
0x107: {  	s5 =	sadd.s32 s4, s21;
	v3 =	vadd.f32 v7, v3;
	v13 =	vbroadcast v13, $0x0;
	v7 =	vmul.f32 v26, v27;
	v26 =	vld [tilespmem:s3+$0x0]  }
0x108: {  	s6 =	sadd.s32 s4, s23;
	v25 =	vadd.f32 v4, v25;
	v27 =	vbroadcast v9, $0xB;
	v4 =	vmul.f32 v28, v30;
	v28 =	vld [tilespmem:s5+$0x0]  }
0x109: {  	v1 =	vadd.f32 v8, v1;
	v19 =	vmul.f32 v19, v31;
	v8 =	vmul.f32 v29, v33;
	v30 =	vld [tilespmem:s6+$0x0]  }
0x10a: {  	s7 =	sadd.s32 s4, s24;
	v29 =	vmul.f32 v32, v34;
	v16 =	vmul.f32 v16, v50;
	v50 =	vld [tilespmem:$0x1FF70]  }
0x10b: {  	s8 =	sadd.s32 s4, s25;
	v63 =	vmul.f32 v35, v63;
	v47 =	vmul.f32 v37, v48;
	v48 =	vld [tilespmem:s7+$0x0]  }
0x10c: {  	v15 =	vmul.f32 v15, v49;
	v49 =	vld [tilespmem:s8+$0x0];
	v24 =	vmul.f32 v24, v51;
	v7 =	vadd.f32 v19, v7  }
0x10d: {  	v31 =	vld [tilespmem:$0x1FF70];
	v51 =	vadd.s32 v60, v13;
	v4 =	vadd.f32 v8, v4;
	v29 =	vadd.f32 v47, v29  }
0x10e: {  	s10 =	sadd.s32 s2, s24;
	[tilespmem:$0x1FD40] =	vst v13;
	v23 =	vmul.f32 v23, v41;
	v15 =	vadd.f32 v15, v63;
	v16 =	vadd.f32 v24, v16  }
0x10f: {  	s9 =	sadd.s32 s2, s23;
	v19 =	vld [tilespmem:s10+$0x0];
	v4 =	vadd.f32 v4, v7;
	v36 =	vadd.s32 v50, v13;
	v26 =	vmul.f32 v26, v52  }
0x110: {  	s11 =	sadd.s32 s2, s25;
	v15 =	vadd.f32 v15, v29;
	v28 =	vmul.f32 v28, v53;
	v53 =	vld [tilespmem:s9+$0x0];
	v8 =	vmul.f32 v30, v54  }
0x111: {  	v52 =	vadd.s32 v61, v13;
	v30 =	vmul.f32 v48, v62;
	v54 =	vld [tilespmem:s11+$0x0];
	v24 =	vmul.f32 v49, v27  }
0x112: {  	v31 =	vadd.s32 v31, v0;
	v23 =	vadd.f32 v26, v23;
	v26 =	vadd.s32 v59, v13  }
0x113: {  	v27 =	vadd.s32 v60, v0;
	v7 =	vadd.f32 v30, v28;
	v8 =	vadd.f32 v24, v8  }
0x114: {  	v24 =	vbroadcast v20, $0x3;
	v28 =	vadd.s32 v61, v0;
	v16 =	vadd.f32 v23, v16;
	[tilespmem:v36+s18+$0x0] =	vst.idx.msk $0xffff, v4  }
0x115: {  	v6 =	vmul.f32 v19, v6;
	v7 =	vadd.f32 v8, v7;
	[tilespmem:v51+s18+$0x0] =	vst.idx.msk $0xffff, v15  }
0x116: {  	s12 =	sor.u32 $0x1C0, s22;
	v4 =	vmul.f32 v53, v14;
	v8 =	vmul.f32 v54, v24;
	[tilespmem:v52+s18+$0x0] =	vst.idx.msk $0xffff, v16  }
0x117: {  	s13 =	sadd.s32 s12, s21;
	v2 =	vadd.f32 v22, v2;
	v14 =	vadd.s32 v59, v0;
	[tilespmem:v26+s18+$0x0] =	vst.idx.msk $0xffff, v7  }
0x118: {  	s14 =	sadd.s32 s12, s23;
	v5 =	vadd.f32 v6, v5;
	v6 =	vadd.f32 v8, v4;
	v4 =	vld [tilespmem:s13+$0x0]  }
0x119: {  	v3 =	vadd.f32 v25, v3;
	s15 =	sadd.s32 s12, s24;
	[tilespmem:v31+s18+$0x0] =	vst.idx.msk $0xffff, v1;
	v1 =	vld [tilespmem:s14+$0x0]  }
0x11a: {  	s1 =	sor.u32 $0x1D0, s22;
	s16 =	sadd.s32 s12, s25;
	[tilespmem:v27+s18+$0x0] =	vst.idx.msk $0xffff, v2;
	v5 =	vadd.f32 v6, v5;
	v2 =	vld [tilespmem:s15+$0x0]  }
0x11b: {  	s19 =	sadd.s32 s1, s21;
	s17 =	sor.u32 $0x40, s22;
	[tilespmem:v28+s18+$0x0] =	vst.idx.msk $0xffff, v3;
	v3 =	vld [tilespmem:s16+$0x0]  }
0x11c: {  	v38 =	vbroadcast v9, $0xC;
	s20 =	sadd.s32 s17, s21;
	[tilespmem:v14+s18+$0x0] =	vst.idx.msk $0xffff, v5;
	v5 =	vld [tilespmem:s19+$0x0]  }
0x11d: {  	v40 =	vbroadcast v12, $0xD;
	v43 =	vbroadcast v11, $0xD;
	s26 =	sadd.s32 s17, s23;
	v14 =	vld [tilespmem:s20+$0x0]  }
0x11e: {  	v44 =	vbroadcast v9, $0xD;
	v46 =	vbroadcast v12, $0xE;
	s31 =	sadd.s32 s17, s24;
	v19 =	vld [tilespmem:s26+$0x0]  }
0x11f: {  	v25 =	vbroadcast v20, $0x5;
	v22 =	vbroadcast v18, $0x5;
	s5 =	sor.u32 $0x50, s22;
	s3 =	sadd.s32 s17, s25;
	v24 =	vld [tilespmem:s31+$0x0]  }
0x120: {  	v32 =	vbroadcast v17, $0x7;
	v34 =	vbroadcast v12, $0xC;
	s6 =	sadd.s32 s5, s21;
	v27 =	vld [tilespmem:s3+$0x0]  }
0x121: {  	v35 =	vbroadcast v10, $0xC;
	v37 =	vbroadcast v11, $0xC;
	s7 =	sadd.s32 s5, s23;
	v30 =	vld [tilespmem:s6+$0x0]  }
0x122: {  	s8 =	sadd.s32 s5, s24;
	v41 =	vbroadcast v10, $0xD;
	v29 =	vbroadcast v21, $0x6;
	v33 =	vld [tilespmem:s7+$0x0]  }
0x123: {  	s2 =	sadd.s32 s5, s25;
	s9 =	sor.u32 $0x60, s22;
	v50 =	vbroadcast v11, $0xE;
	v62 =	vbroadcast v20, $0x7;
	v36 =	vld [tilespmem:s8+$0x0]  }
0x124: {  	s10 =	sadd.s32 s9, s21;
	v13 =	vmov v61;
	v61 =	vbroadcast v21, $0x7;
	v23 =	vbroadcast v21, $0x5;
	v39 =	vld [tilespmem:s2+$0x0]  }
0x125: {  	s11 =	sadd.s32 s9, s23;
	v31 =	vbroadcast v20, $0x6;
	v15 =	vbroadcast v20, $0x4;
	v42 =	vld [tilespmem:s10+$0x0]  }
0x126: {  	s12 =	sadd.s32 s9, s24;
	v8 =	vbroadcast v21, $0x4;
	v16 =	vbroadcast v17, $0x5;
	v45 =	vld [tilespmem:s11+$0x0]  }
0x127: {  	v57 =	vadd.s32 v57, v0;
	v28 =	vbroadcast v18, $0x6;
	v6 =	vbroadcast v17, $0x4;
	s13 =	sor.u32 $0x70, s22;
	s3 =	sadd.s32 s9, s25;
	v48 =	vld [tilespmem:s12+$0x0]  }
0x128: {  	v49 =	vadd.s32 v55, v0;
	v7 =	vbroadcast v18, $0x4;
	v26 =	vbroadcast v17, $0x6;
	s14 =	sadd.s32 s13, s21;
	v60 =	vld [tilespmem:s3+$0x0]  }
0x129: {  	v53 =	vadd.s32 v56, v0;
	s15 =	sadd.s32 s13, s23;
	v63 =	vld [tilespmem:s14+$0x0];
	v6 =	vmul.f32 v14, v6;
	v8 =	vmul.f32 v24, v8  }
0x12a: {  	v0 =	vadd.s32 v58, v0;
	s16 =	sadd.s32 s13, s24;
	v14 =	vld [tilespmem:s15+$0x0];
	v7 =	vmul.f32 v19, v7;
	v15 =	vmul.f32 v27, v15  }
0x12b: {  	s2 =	sadd.s32 s13, s25;
	v19 =	vld [tilespmem:s16+$0x0];
	v16 =	vmul.f32 v30, v16;
	v6 =	vadd.f32 v8, v6;
	v8 =	vmul.f32 v36, v23  }
0x12c: {  	s17 =	sadd.s32 s1, s23;
	s20 =	sor.u32 $0x1E0, s22;
	v22 =	vmul.f32 v33, v22;
	v23 =	vld [tilespmem:s2+$0x0];
	v7 =	vadd.f32 v15, v7;
	v15 =	vmul.f32 v39, v25  }
0x12d: {  	v51 =	vbroadcast v18, $0x7;
	s31 =	sadd.s32 s20, s23;
	v24 =	vld [tilespmem:s17+$0x0];
	v27 =	vmul.f32 v60, v31;
	v8 =	vadd.f32 v8, v16  }
0x12e: {  	s19 =	sadd.s32 s1, s24;
	v60 =	vld [tilespmem:s31+$0x0];
	v16 =	vmul.f32 v42, v26;
	v26 =	vmul.f32 v45, v28;
	v15 =	vadd.f32 v15, v22  }
0x12f: {  	s1 =	sadd.s32 s1, s25;
	v25 =	vld [tilespmem:s19+$0x0];
	v22 =	vmul.f32 v48, v29;
	v6 =	vadd.f32 v7, v6;
	v7 =	vmul.f32 v63, v32  }
0x130: {  	s5 =	sor.u32 $0x1F0, s22;
	s26 =	sadd.s32 s20, s21;
	v28 =	vld [tilespmem:s1+$0x0];
	v14 =	vmul.f32 v14, v51;
	v8 =	vadd.f32 v15, v8;
	v15 =	vmul.f32 v19, v61  }
0x131: {  	s6 =	sadd.s32 s5, s21;
	v29 =	vld [tilespmem:s26+$0x0];
	v16 =	vadd.f32 v22, v16;
	v22 =	vadd.f32 v27, v26;
	v19 =	vmul.f32 v23, v62  }
0x132: {  	s3 =	sadd.s32 s20, s24;
	v63 =	vbroadcast v11, $0xF;
	v11 =	vld [tilespmem:s6+$0x0];
	v26 =	vbroadcast v12, $0xF;
	[tilespmem:v49+s18+$0x0] =	vst.idx.msk $0xffff, v6;
	v7 =	vadd.f32 v15, v7  }
0x133: {  	s4 =	sadd.s32 s20, s25;
	v61 =	vld [tilespmem:s3+$0x0];
	v27 =	vmul.f32 v4, v34;
	v6 =	vadd.f32 v22, v16;
	v12 =	vadd.f32 v19, v14  }
0x134: {  	s8 =	sadd.s32 s5, s23;
	v62 =	vld [tilespmem:s4+$0x0];
	[tilespmem:v53+s18+$0x0] =	vst.idx.msk $0xffff, v8;
	v19 =	vmul.f32 v1, v35;
	v1 =	vmul.f32 v5, v40  }
0x135: {  	s10 =	sadd.s32 s5, s24;
	v23 =	vbroadcast v9, $0xE;
	v22 =	vbroadcast v9, $0xF;
	v9 =	vld [tilespmem:s8+$0x0];
	[tilespmem:v57+s18+$0x0] =	vst.idx.msk $0xffff, v6;
	v4 =	vadd.f32 v12, v7  }
0x136: {  	s13 =	sadd.s32 s5, s25;
	v7 =	vld [tilespmem:s10+$0x0];
	[tilespmem:$0x1FD50] =	vst v1  }
0x137: {  	v47 =	vbroadcast v10, $0xE;
	s7 =	sor.u32 $0x80, s22;
	v5 =	vld [tilespmem:s13+$0x0];
	[tilespmem:v0+s18+$0x0] =	vst.idx.msk $0xffff, v4;
	v0 =	vmul.f32 v24, v41  }
0x138: {  	s9 =	sadd.s32 s7, s23;
	s11 =	sadd.s32 s7, s24;
	s12 =	sadd.s32 s7, s25  }
0x139: {  	v10 =	vbroadcast v10, $0xF;
	s14 =	sadd.s32 s7, s21;
	s20 =	simm.s32 $0x80;
	s15 =	simm.s32 $0x20;
	[tilespmem:$0x1FD60] =	vst v0;
	v0 =	vmul.f32 v60, v47  }
0x13a: {  	s16 =	rddreg [dreg:$0x5];
	s19 =	simm.s32 $0x800;
	s1 =	sand.u32 $0x60, s15;
	v12 =	vld [tilespmem:s14+$0x0]  }
0x13b: {  	s17 =	rddreg [dreg:$0x4];
	s7 =	sand.u32 $0x3FFFE000, s19;
	s4 =	sor.u32 $0x10, s1;
	v14 =	vld [tilespmem:s9+$0x0];
	[tilespmem:$0x1FD70] =	vst v0;
	v0 =	vmul.f32 v9, v10  }
0x13c: {  	v31 =	vmul.f32 v3, v38;
	s26 =	sand.u32 $0x3FFFFE00, s20;
	s31 =	sshll.u32 s4, $0x4;
	s9 =	sadd.s32 s7, s16;
	v1 =	vmul.f32 v5, v22;
	v3 =	vld [tilespmem:s11+$0x0]  }
0x13d: {  	s7 =	sadd.s32 s26, s17;
	s14 =	sadd.s32 s31, s9;
	v4 =	vld [tilespmem:s12+$0x0];
	[tilespmem:$0x1FD80] =	vst v0  }
0x13e: {  	s5 =	sadd.s32 s4, s7;
	v0 =	vld [tilespmem:s14+$0x0];
	[tilespmem:$0x1FD90] =	vst v1  }
0x13f: {  	v22 =	vld [tilespmem:s5+$0x0]  }
0x140: {  	s6 =	sshll.u32 s1, $0x4;
	v34 =	vmul.f32 v25, v43;
	v25 =	vld [tilespmem:s5+$0x80]  }
0x141: {  	s10 =	sor.u32 $0x110, s6;
	v24 =	vld [tilespmem:s5+$0x100]  }
0x142: {  	s8 =	sor.u32 $0x130, s6;
	v15 =	vmul.f32 v62, v23;
	s16 =	sadd.s32 s10, s9;
	v23 =	vld [tilespmem:s5+$0x180]  }
0x143: {  	v30 =	vmul.f32 v2, v37;
	s2 =	sadd.s32 $0x800, s9;
	s12 =	sadd.s32 s8, s9;
	v43 =	vld [tilespmem:s16+$0x0]  }
0x144: {  	v33 =	vbroadcast v20, $0xA;
	v38 =	vbroadcast v17, $0xB;
	s19 =	sadd.s32 s31, s2;
	s5 =	sadd.s32 $0x1000, s9;
	v45 =	vld [tilespmem:s12+$0x0]  }
0x145: {  	v39 =	vbroadcast v21, $0x8;
	v36 =	vmul.f32 v28, v44;
	s13 =	sadd.s32 $0x1800, s9;
	v48 =	vld [tilespmem:s19+$0x0];
	s20 =	sadd.s32 s31, s5  }
0x146: {  	v16 =	vmul.f32 v29, v46;
	s11 =	sor.u32 $0x120, s6;
	s3 =	sadd.s32 s31, s13;
	s31 =	sadd.s32 s10, s5;
	v51 =	vld [tilespmem:s20+$0x0];
	v46 =	vbroadcast v22, $0x0  }
0x147: {  	v47 =	vmul.f32 v61, v50;
	v35 =	vmul.f32 v7, v63;
	s14 =	sadd.s32 s11, s2;
	v37 =	vld [tilespmem:s31+$0x0]  }
0x148: {  	v49 =	vbroadcast v25, $0x0;
	v46 =	vmul.f32 v0, v46;
	v0 =	vld [tilespmem:s14+$0x0]  }
0x149: {  	s26 =	sadd.s32 s10, s2;
	v54 =	vld [tilespmem:s3+$0x0];
	s20 =	simm.s32 $0x20;
	v50 =	vbroadcast v24, $0x0;
	v52 =	vbroadcast v23, $0x0  }
0x14a: {  	v57 =	vld [tilespmem:s26+$0x0];
	s16 =	sadd.s32 s11, s5;
	s3 =	sand.u32 $0xFFFFFF80, s20;
	v53 =	vbroadcast v22, $0x1;
	v56 =	vbroadcast v24, $0x1  }
0x14b: {  	s12 =	sadd.s32 s10, s13;
	s4 =	sor.u32 s3, s4;
	v61 =	vbroadcast v25, $0x2;
	v50 =	vmul.f32 v51, v50;
	v51 =	vld [tilespmem:s16+$0x0]  }
0x14c: {  	v63 =	vld [tilespmem:s12+$0x0];
	v55 =	vbroadcast v25, $0x1;
	v56 =	vmul.f32 v37, v56;
	v37 =	vmov s4  }
0x14d: {  	v10 =	vmovc v58;
	v58 =	vbroadcast v23, $0x1;
	v61 =	vmul.f32 v0, v61;
	v0 =	vshrl.u32 v37, $0x3;
	v37 =	vld [tilespmem:$0x1FF80]  }
0x14e: {  	s17 =	sadd.s32 s11, s9;
	v1 =	vld [tilespmem:$0x1FF70];
	v59 =	vbroadcast v22, $0x2;
	v62 =	vbroadcast v24, $0x2  }
0x14f: {  	v44 =	vld [tilespmem:s17+$0x0];
	v48 =	vmul.f32 v48, v49;
	v49 =	vbroadcast v23, $0x2;
	s14 =	sadd.s32 s8, s5  }
0x150: {  	s17 =	sadd.s32 s11, s13;
	s10 =	sor.u32 $0x90, s22;
	v52 =	vmul.f32 v54, v52;
	v51 =	vmul.f32 v51, v62;
	v62 =	vld [tilespmem:s14+$0x0]  }
0x151: {  	s19 =	sadd.s32 s10, s21;
	v54 =	vld [tilespmem:s17+$0x0];
	v43 =	vmul.f32 v43, v53;
	v55 =	vmul.f32 v57, v55  }
0x152: {  	s26 =	sadd.s32 s8, s2;
	v53 =	vld [tilespmem:s19+$0x0];
	v58 =	vmul.f32 v63, v58;
	v63 =	vbroadcast v22, $0x3;
	v0 =	vshll.u32 v0, v37  }
0x153: {  	s31 =	sadd.s32 s10, s23;
	v57 =	vld [tilespmem:s26+$0x0];
	v48 =	vadd.f32 v52, v48;
	v52 =	vbroadcast v24, $0x3;
	v0 =	vbroadcast v0, $0x0  }
0x154: {  	v44 =	vmul.f32 v44, v59;
	v59 =	vld [tilespmem:s31+$0x0];
	v45 =	vmul.f32 v45, v63  }
0x155: {  	s8 =	sadd.s32 s8, s13;
	v55 =	vadd.f32 v58, v55;
	v52 =	vmul.f32 v62, v52;
	v58 =	vadd.s32 v1, v0;
	v1 =	vld [tilespmem:$0x1FF90]  }
0x156: {  	v42 =	vbroadcast v18, $0xB;
	v49 =	vmul.f32 v54, v49;
	v54 =	vld [tilespmem:s8+$0x0]  }
0x157: {  	v8 =	vbroadcast v17, $0xA;
	v60 =	vbroadcast v25, $0x3;
	s16 =	sadd.s32 s10, s24;
	v52 =	vadd.f32 v52, v45;
	v45 =	vld [tilespmem:$0x1FFB0]  }
0x158: {  	v40 =	vbroadcast v18, $0x8;
	v41 =	vbroadcast v17, $0x8;
	s17 =	sor.u32 $0xA0, s22;
	s10 =	sadd.s32 s10, s25;
	v63 =	vld [tilespmem:s16+$0x0]  }
0x159: {  	s19 =	sadd.s32 s17, s21;
	v46 =	vadd.f32 v50, v46;
	v50 =	vld [tilespmem:s10+$0x0];
	v57 =	vmul.f32 v57, v60;
	v60 =	vbroadcast v23, $0x3  }
0x15a: {  	v43 =	vadd.f32 v56, v43;
	v56 =	vld [tilespmem:s19+$0x0];
	s8 =	sadd.s32 s17, s25;
	v44 =	vadd.f32 v51, v44;
	v51 =	vadd.s32 v1, v0  }
0x15b: {  	v9 =	vmul.f32 v12, v41;
	s26 =	sadd.s32 s17, s24;
	v2 =	vld [tilespmem:s8+$0x0];
	v54 =	vmul.f32 v54, v60;
	v60 =	vadd.s32 v13, v0  }
0x15c: {  	s31 =	sor.u32 $0xB0, s22;
	s20 =	sadd.s32 s17, s23;
	v48 =	vadd.f32 v48, v46;
	v49 =	vadd.f32 v49, v61;
	v61 =	vld [tilespmem:s26+$0x0];
	v1 =	vadd.s32 v45, v0  }
0x15d: {  	v11 =	vmul.f32 v11, v26;
	s12 =	sadd.s32 s31, s21;
	v41 =	vadd.f32 v55, v43;
	v62 =	vld [tilespmem:s20+$0x0];
	[tilespmem:$0x1FE60] =	vst v9;
	v43 =	vadd.f32 v54, v57  }
0x15e: {  	v26 =	vbroadcast v20, $0x8;
	v46 =	vmul.f32 v14, v40;
	s14 =	sadd.s32 s31, s23;
	v40 =	vadd.f32 v49, v44;
	v12 =	vld [tilespmem:s12+$0x0];
	[tilespmem:v58+s18+$0x0] =	vst.idx.msk $0xffff, v48  }
0x15f: {  	v28 =	vbroadcast v18, $0xA;
	v6 =	vbroadcast v21, $0x9;
	s16 =	sadd.s32 s31, s24;
	v14 =	vld [tilespmem:s14+$0x0];
	v44 =	vadd.f32 v43, v52;
	[tilespmem:v51+s18+$0x0] =	vst.idx.msk $0xffff, v41  }
0x160: {  	v5 =	vbroadcast v18, $0x9;
	s17 =	sadd.s32 s31, s25;
	v54 =	vmul.f32 v3, v39;
	v3 =	vld [tilespmem:s16+$0x0];
	[tilespmem:v60+s18+$0x0] =	vst.idx.msk $0xffff, v40  }
0x161: {  	s7 =	sadd.s32 s1, s7;
	v41 =	vmul.f32 v4, v26;
	v4 =	vld [tilespmem:s17+$0x0];
	[tilespmem:v1+s18+$0x0] =	vst.idx.msk $0xffff, v44;
	v1 =	vmul.f32 v56, v8  }
0x162: {  	s19 =	sor.u32 $0x140, s6;
	v48 =	vmul.f32 v59, v5;
	v5 =	vmul.f32 v62, v28;
	v26 =	vld [tilespmem:s7+$0x80]  }
0x163: {  	s20 =	sadd.s32 s19, s9;
	v43 =	vmul.f32 v2, v33;
	v2 =	vmul.f32 v12, v38;
	v13 =	vld [tilespmem:$0x1FFD0];
	[tilespmem:$0x1FE70] =	vst v1  }
0x164: {  	v55 =	vmul.f32 v63, v6;
	s26 =	sadd.s32 s19, s2;
	v6 =	vmul.f32 v14, v42;
	v1 =	vld [tilespmem:s20+$0x0];
	[tilespmem:$0x1FE80] =	vst v5  }
0x165: {  	s31 =	sadd.s32 s19, s5;
	v57 =	vbroadcast v21, $0xB;
	v5 =	vld [tilespmem:s26+$0x0];
	[tilespmem:$0x1FE90] =	vst v2  }
0x166: {  	s11 =	sor.u32 $0x150, s6;
	s8 =	sadd.s32 s19, s13;
	v2 =	vld [tilespmem:s31+$0x0];
	[tilespmem:$0x1FEA0] =	vst v6  }
0x167: {  	s12 =	sadd.s32 s11, s9;
	v44 =	vmul.f32 v3, v57;
	v3 =	vld [tilespmem:s8+$0x0]  }
0x168: {  	v32 =	vbroadcast v17, $0x9;
	v29 =	vbroadcast v21, $0xA;
	s14 =	sadd.s32 s11, s2;
	v6 =	vld [tilespmem:s12+$0x0]  }
0x169: {  	v7 =	vbroadcast v20, $0x9;
	v49 =	vbroadcast v23, $0x5;
	s16 =	sadd.s32 s11, s5;
	v12 =	vld [tilespmem:s14+$0x0]  }
0x16a: {  	s19 =	sor.u32 $0x160, s6;
	v58 =	vbroadcast v20, $0xB;
	s17 =	sadd.s32 s11, s13;
	v40 =	vmul.f32 v61, v29;
	v29 =	vld [tilespmem:s16+$0x0]  }
0x16b: {  	v51 =	vmul.f32 v53, v32;
	v53 =	vmul.f32 v50, v7;
	s20 =	sadd.s32 s19, s9;
	v50 =	vld [tilespmem:s17+$0x0]  }
0x16c: {  	v42 =	vmul.f32 v4, v58;
	v4 =	vbroadcast v22, $0x4;
	s26 =	sadd.s32 s19, s2;
	v39 =	vld [tilespmem:s20+$0x0]  }
0x16d: {  	v33 =	vbroadcast v24, $0x5;
	v14 =	vbroadcast v23, $0x4;
	s31 =	sadd.s32 s19, s5;
	v52 =	vld [tilespmem:s26+$0x0];
	s12 =	sor.u32 $0x170, s6  }
0x16e: {  	s11 =	sadd.s32 s19, s13;
	v8 =	vbroadcast v24, $0x4;
	s19 =	sadd.s32 s12, s13;
	v1 =	vmul.f32 v1, v4;
	v4 =	vld [tilespmem:s31+$0x0]  }
0x16f: {  	v38 =	vbroadcast v22, $0x6;
	v28 =	vbroadcast v22, $0x5;
	v62 =	vadd.f32 v30, v27;
	v27 =	vld [tilespmem:s19+$0x0]  }
0x170: {  	v59 =	vbroadcast v25, $0x6;
	s14 =	sadd.s32 s12, s9;
	v2 =	vmul.f32 v2, v8;
	v8 =	vld [tilespmem:s11+$0x0]  }
0x171: {  	v32 =	vbroadcast v25, $0x5;
	v3 =	vmul.f32 v3, v14;
	v14 =	vld [tilespmem:s14+$0x0]  }
0x172: {  	v7 =	vbroadcast v25, $0x4;
	s16 =	sadd.s32 s12, s2;
	v6 =	vmul.f32 v6, v28;
	v28 =	vld [tilespmem:s7+$0x100]  }
0x173: {  	v12 =	vmul.f32 v12, v32;
	v32 =	vmul.f32 v29, v33;
	v33 =	vld [tilespmem:s16+$0x0]  }
0x174: {  	s0 =	sor.u32 $0x8, s0;
	v60 =	vbroadcast v24, $0x6;
	s17 =	sadd.s32 s12, s5;
	s31 =	sor.u32 $0x10, s6;
	v5 =	vmul.f32 v5, v7;
	v29 =	vld [tilespmem:s7+$0x180]  }
0x175: {  	v56 =	vmul.f32 v39, v38;
	v38 =	vmov s0;
	v59 =	vmul.f32 v52, v59;
	v52 =	vld [tilespmem:s17+$0x0];
	s17 =	sadd.s32 s31, s13  }
0x176: {  	s26 =	sadd.s32 s6, s5;
	v7 =	vbroadcast v23, $0x6;
	v50 =	vmul.f32 v50, v49;
	v57 =	vshrl.u32 v38, $0x3;
	v61 =	vld [tilespmem:s17+$0x0]  }
0x177: {  	s11 =	sadd.s32 s6, s13;
	v1 =	vadd.f32 v2, v1;
	v38 =	vbroadcast v23, $0x7;
	v2 =	vadd.f32 v3, v5;
	v3 =	vld [tilespmem:s26+$0x0]  }
0x178: {  	s12 =	sadd.s32 s31, s2;
	v39 =	vbroadcast v22, $0x7;
	v49 =	vbroadcast v25, $0x7;
	v6 =	vadd.f32 v32, v6;
	v32 =	vld [tilespmem:s11+$0x0]  }
0x179: {  	v4 =	vmul.f32 v4, v60;
	v12 =	vadd.f32 v50, v12;
	v60 =	vld [tilespmem:s12+$0x0];
	v50 =	vmul.f32 v27, v38  }
0x17a: {  	v27 =	vld [tilespmem:s7+$0x0];
	v7 =	vmul.f32 v8, v7;
	v8 =	vmul.f32 v14, v39  }
0x17b: {  	s20 =	sadd.s32 s6, s2;
	v33 =	vmul.f32 v33, v49;
	v39 =	vbroadcast v29, $0x0;
	v49 =	vld [tilespmem:$0x1FFC0]  }
0x17c: {  	v5 =	vbroadcast v24, $0x7;
	v14 =	vld [tilespmem:s20+$0x0]  }
0x17d: {  	s14 =	sadd.s32 s31, s5;
	v9 =	vadd.f32 v4, v56;
	v56 =	vmul.f32 v32, v39;
	v32 =	vld [tilespmem:$0x1FFE0]  }
0x17e: {  	v30 =	vbroadcast v26, $0x0;
	s16 =	sor.u32 $0x20, s6;
	v5 =	vmul.f32 v52, v5;
	v52 =	vld [tilespmem:s14+$0x0];
	s20 =	sadd.s32 s6, s9  }
0x17f: {  	s26 =	sadd.s32 s16, s5;
	v4 =	vadd.f32 v2, v1;
	v1 =	vbroadcast v17, $0xC;
	v58 =	vbroadcast v28, $0x0;
	v38 =	vld [tilespmem:s20+$0x0]  }
0x180: {  	s19 =	sadd.s32 s16, s2;
	v6 =	vadd.f32 v12, v6;
	v7 =	vadd.f32 v7, v59;
	v59 =	vld [tilespmem:s26+$0x0];
	v12 =	vadd.s32 v49, v0  }
0x181: {  	v63 =	vadd.s32 v13, v0;
	v3 =	vmul.f32 v3, v58;
	v58 =	vld [tilespmem:s19+$0x0];
	[tilespmem:$0x1FEE0] =	vst v1;
	v1 =	vbroadcast v18, $0xC  }
0x182: {  	v14 =	vmul.f32 v14, v30;
	v30 =	vshll.u32 v57, v37;
	v57 =	vadd.s32 v32, v0  }
0x183: {  	v0 =	vadd.s32 v10, v0  }
0x184: {  	v5 =	vadd.f32 v5, v8;
	v50 =	vadd.f32 v50, v33;
	[tilespmem:$0x1FEF0] =	vst v1  }
0x185: {  	[tilespmem:v12+s18+$0x0] =	vst.idx.msk $0xffff, v4;
	v4 =	vadd.f32 v7, v9  }
0x186: {  	v5 =	vadd.f32 v50, v5;
	[tilespmem:v63+s18+$0x0] =	vst.idx.msk $0xffff, v6  }
0x187: {  	v2 =	vbroadcast v26, $0x1;
	[tilespmem:v57+s18+$0x0] =	vst.idx.msk $0xffff, v4  }
0x188: {  	[tilespmem:v0+s18+$0x0] =	vst.idx.msk $0xffff, v5  }
0x189: {  	v39 =	vmov v37;
	v37 =	vmul.f32 v60, v2;
	v2 =	vld [tilespmem:$0x1FD40]  }
0x18a: {  	s8 =	sadd.s32 s31, s9  }
0x18b: {  	s0 =	sadd.s32 s16, s9;
	v8 =	vbroadcast v28, $0x1;
	v1 =	vld [tilespmem:s8+$0x0]  }
0x18c: {  	s31 =	sadd.s32 s16, s13;
	s7 =	sor.u32 $0x30, s6;
	v63 =	vld [tilespmem:s0+$0x0]  }
0x18d: {  	s11 =	sadd.s32 s7, s9;
	v12 =	vld [tilespmem:s31+$0x0]  }
0x18e: {  	v50 =	vbroadcast v27, $0x2;
	v4 =	vadd.f32 v31, v19;
	v31 =	vld [tilespmem:s11+$0x0];
	v0 =	vadd.s32 v49, v2  }
0x18f: {  	v52 =	vmul.f32 v52, v8;
	v8 =	vmov v10;
	v10 =	vld [tilespmem:$0x1FD60];
	[tilespmem:$0x1FF00] =	vst v0;
	v0 =	vbroadcast v28, $0x2  }
0x190: {  	v6 =	vbroadcast v29, $0x1  }
0x191: {  	v16 =	vadd.f32 v47, v16;
	v47 =	vmul.f32 v63, v50;
	v50 =	vmul.f32 v59, v0;
	v0 =	vld [tilespmem:$0x1FD70]  }
0x192: {  	v5 =	vmul.f32 v61, v6;
	v6 =	vld [tilespmem:$0x1FD50]  }
0x193: {  	s12 =	sor.u32 $0x180, s6;
	v9 =	vbroadcast v27, $0x1  }
0x194: {  	s14 =	sadd.s32 s12, s9;
	v7 =	vbroadcast v27, $0x0;
	v19 =	vbroadcast v26, $0x2;
	v36 =	vadd.f32 v36, v10;
	v10 =	vld [tilespmem:$0x1FD90]  }
0x195: {  	s16 =	sadd.s32 s12, s2;
	v1 =	vmul.f32 v1, v9;
	v61 =	vbroadcast v27, $0x3;
	v9 =	vld [tilespmem:s14+$0x0]  }
0x196: {  	s0 =	sadd.s32 s12, s13;
	v19 =	vmul.f32 v58, v19;
	v58 =	vld [tilespmem:s16+$0x0];
	v15 =	vadd.f32 v15, v0;
	v0 =	vadd.f32 v4, v62  }
0x197: {  	s17 =	sadd.s32 s12, s5;
	s19 =	sor.u32 $0x190, s6;
	v7 =	vmul.f32 v38, v7;
	v38 =	vmul.f32 v31, v61;
	v6 =	vadd.f32 v34, v6;
	v31 =	vld [tilespmem:s0+$0x0]  }
0x198: {  	s20 =	sadd.s32 s19, s9;
	v59 =	vld [tilespmem:s17+$0x0];
	[tilespmem:$0x1FF10] =	vst v0  }
0x199: {  	s26 =	sadd.s32 s19, s2;
	v0 =	vadd.f32 v36, v6;
	v57 =	vld [tilespmem:s20+$0x0]  }
0x19a: {  	v61 =	vld [tilespmem:s26+$0x0]  }
0x19b: {  	[tilespmem:$0x1FF20] =	vst v0;
	v0 =	vld [tilespmem:$0x1FD80];
	_ =	sdelay $0x3  }
0x19c: {  	v11 =	vadd.f32 v35, v11;
	v60 =	vbroadcast v29, $0x2;
	v4 =	vbroadcast v22, $0x8  }
0x19d: {  	s31 =	sadd.s32 s19, s5;
	v34 =	vbroadcast v25, $0x8;
	v10 =	vadd.f32 v10, v0;
	v0 =	vadd.f32 v15, v16  }
0x19e: {  	v35 =	vbroadcast v24, $0x8;
	s8 =	sadd.s32 s19, s13;
	v4 =	vmul.f32 v9, v4;
	v9 =	vld [tilespmem:s31+$0x0]  }
0x19f: {  	s10 =	sor.u32 $0x1A0, s6;
	v12 =	vmul.f32 v12, v60;
	v34 =	vmul.f32 v58, v34;
	v58 =	vld [tilespmem:s8+$0x0];
	[tilespmem:$0x1FF40] =	vst v0;
	v0 =	vadd.f32 v10, v11  }
0x1a0: {  	s11 =	sadd.s32 s10, s9;
	v60 =	vbroadcast v23, $0x8;
	v63 =	vbroadcast v25, $0x9  }
0x1a1: {  	v33 =	vadd.f32 v3, v7;
	s16 =	sadd.s32 s10, s13;
	v6 =	vbroadcast v22, $0x9;
	v16 =	vmul.f32 v59, v35;
	v35 =	vld [tilespmem:s11+$0x0];
	[tilespmem:$0x1FF60] =	vst v0  }
0x1a2: {  	s12 =	sadd.s32 s10, s2;
	v7 =	vadd.f32 v56, v14;
	v14 =	vadd.f32 v52, v1;
	v15 =	vbroadcast v24, $0x9;
	v59 =	vld [tilespmem:s16+$0x0]  }
0x1a3: {  	v1 =	vmovc v2;
	v2 =	vadd.s32 v13, v2;
	s14 =	sadd.s32 s10, s5;
	s17 =	sor.u32 $0x1B0, s6;
	v6 =	vmul.f32 v57, v6;
	v11 =	vmul.f32 v31, v60;
	v31 =	vld [tilespmem:s12+$0x0]  }
0x1a4: {  	s19 =	sadd.s32 s17, s9;
	v36 =	vmul.f32 v61, v63;
	v9 =	vmul.f32 v9, v15;
	v0 =	vadd.f32 v5, v37;
	v57 =	vld [tilespmem:s14+$0x0]  }
0x1a5: {  	s20 =	sadd.s32 s17, s2;
	v63 =	vmovc v13;
	v13 =	vmovc v1;
	v5 =	vbroadcast v23, $0xA;
	v15 =	vld [tilespmem:s19+$0x0];
	[tilespmem:$0x1FF30] =	vst v2;
	v2 =	vadd.s32 v32, v1;
	v1 =	vbroadcast v17, $0xD  }
0x1a6: {  	s26 =	sadd.s32 s17, s5;
	v37 =	vld [tilespmem:s20+$0x0];
	[tilespmem:$0x1FF50] =	vst v2  }
0x1a7: {  	v52 =	vbroadcast v24, $0xA;
	s31 =	sadd.s32 s17, s13;
	v5 =	vmul.f32 v59, v5;
	v59 =	vld [tilespmem:s26+$0x0];
	[tilespmem:$0x1FDA0] =	vst v1  }
0x1a8: {  	v12 =	vadd.f32 v12, v19;
	v19 =	vbroadcast v25, $0xB;
	v1 =	vbroadcast v18, $0xD;
	v61 =	vld [tilespmem:s31+$0x0]  }
0x1a9: {  	s4 =	sor.u32 $0x8, s4;
	v4 =	vadd.f32 v16, v4;
	v16 =	vbroadcast v24, $0xB;
	v6 =	vadd.f32 v9, v6  }
0x1aa: {  	s8 =	sadd.s32 s7, s2;
	v9 =	vmov s4;
	v60 =	vmul.f32 v57, v52;
	[tilespmem:$0x1FDB0] =	vst v1;
	v1 =	vbroadcast v21, $0xD  }
0x1ab: {  	v9 =	vshrl.u32 v9, $0x3;
	v19 =	vmul.f32 v37, v19;
	v37 =	vbroadcast v23, $0xB;
	v62 =	vld [tilespmem:s8+$0x0]  }
0x1ac: {  	v9 =	vshll.u32 v9, v39;
	v52 =	vbroadcast v22, $0xB;
	[tilespmem:$0x1FDC0] =	vst v1;
	v1 =	vld [tilespmem:$0x1FF70];
	v16 =	vmul.f32 v59, v16  }
0x1ad: {  	v59 =	vbroadcast v9, $0x0;
	v9 =	vmul.f32 v61, v37;
	v37 =	vld [tilespmem:$0x1FF90]  }
0x1ae: {  	v10 =	vbroadcast v23, $0x9  }
0x1af: {  	v15 =	vmul.f32 v15, v52  }
0x1b0: {  	v10 =	vmul.f32 v58, v10  }
0x1b1: {  	s10 =	sadd.s32 s7, s5;
	v15 =	vadd.f32 v16, v15;
	v16 =	vadd.s32 v1, v59;
	v1 =	vbroadcast v20, $0xD  }
0x1b2: {  	s11 =	sadd.s32 s7, s13;
	v11 =	vadd.f32 v11, v34;
	v34 =	vld [tilespmem:s10+$0x0];
	v9 =	vadd.f32 v9, v19;
	v19 =	vadd.s32 v37, v59  }
0x1b3: {  	v47 =	vadd.f32 v50, v47;
	v10 =	vadd.f32 v10, v36;
	v50 =	vld [tilespmem:s11+$0x0];
	[tilespmem:$0x1FDD0] =	vst v1;
	v1 =	vbroadcast v17, $0xE  }
0x1b4: {  	v4 =	vadd.f32 v11, v4  }
0x1b5: {  	v6 =	vadd.f32 v10, v6;
	[tilespmem:$0x1FDE0] =	vst v1  }
0x1b6: {  	v61 =	vld [tilespmem:$0x1FFA0];
	[tilespmem:v16+s18+$0x0] =	vst.idx.msk $0xffff, v4  }
0x1b7: {  	v3 =	vbroadcast v22, $0xA;
	v56 =	vbroadcast v25, $0xA;
	[tilespmem:v19+s18+$0x0] =	vst.idx.msk $0xffff, v6  }
0x1b8: {  	v1 =	vld [tilespmem:$0x1FF70]  }
0x1b9: {  	v3 =	vmul.f32 v35, v3;
	v31 =	vmul.f32 v31, v56  }
0x1ba: {  	v30 =	vbroadcast v30, $0x0  }
0x1bb: {  	v3 =	vadd.f32 v60, v3;
	v5 =	vadd.f32 v5, v31;
	v10 =	vadd.s32 v61, v59;
	_ =	sdelay $0x1  }
0x1bc: {  	v36 =	vadd.f32 v5, v3;
	v5 =	vadd.s32 v1, v30;
	v1 =	vbroadcast v18, $0xE;
	_ =	sdelay $0x1  }
0x1bd: {  	[tilespmem:$0x1FDF0] =	vst v1;
	v1 =	vbroadcast v21, $0xE  }
0x1be: {  	s0 =	sor.u32 s1, s3;
	[tilespmem:v10+s18+$0x0] =	vst.idx.msk $0xffff, v36  }
0x1bf: {  	v31 =	vmov s0;
	[tilespmem:$0x1FE00] =	vst v1;
	v1 =	vld [tilespmem:$0x1FF70]  }
0x1c0: {  	v31 =	vshrl.u32 v31, $0x3;
	v9 =	vadd.f32 v9, v15;
	v15 =	vadd.s32 v45, v59  }
0x1c1: {  	v3 =	vshll.u32 v31, v39  }
0x1c2: {  	v3 =	vbroadcast v3, $0x0;
	_ =	sdelay $0x1  }
0x1c3: {  	v10 =	vadd.s32 v1, v3;
	v1 =	vbroadcast v20, $0xE  }
0x1c4: {  	s12 =	sor.u32 $0x1C0, s6;
	[tilespmem:v15+s18+$0x0] =	vst.idx.msk $0xffff, v9  }
0x1c5: {  	s14 =	sadd.s32 s12, s9;
	[tilespmem:$0x1FE10] =	vst v1;
	v1 =	vbroadcast v17, $0xF  }
0x1c6: {  	s16 =	sadd.s32 s12, s2;
	v56 =	vadd.s32 v8, v13;
	v13 =	vld [tilespmem:s14+$0x0]  }
0x1c7: {  	v2 =	vadd.f32 v0, v14;
	v4 =	vbroadcast v28, $0x3;
	v14 =	vld [tilespmem:s16+$0x0];
	[tilespmem:$0x1FE20] =	vst v1;
	v1 =	vbroadcast v18, $0xF  }
0x1c8: {  	v7 =	vadd.f32 v7, v33;
	v11 =	vbroadcast v26, $0x3;
	v6 =	vbroadcast v29, $0x3  }
0x1c9: {  	v35 =	vmovc v32;
	v4 =	vmul.f32 v34, v4;
	v9 =	vadd.s32 v37, v3;
	[tilespmem:$0x1FE30] =	vst v1;
	v1 =	vbroadcast v21, $0xF  }
0x1ca: {  	s17 =	sadd.s32 s12, s5;
	v32 =	vmovc v8;
	v11 =	vmul.f32 v62, v11;
	v8 =	vadd.s32 v61, v3;
	v6 =	vmul.f32 v50, v6  }
0x1cb: {  	v0 =	vadd.f32 v4, v38;
	v4 =	vadd.s32 v45, v3;
	v15 =	vld [tilespmem:s17+$0x0];
	[tilespmem:$0x1FE40] =	vst v1;
	v1 =	vbroadcast v20, $0xF  }
0x1cc: {  	s19 =	sadd.s32 s12, s13;
	v6 =	vadd.f32 v6, v11;
	[tilespmem:v10+s18+$0x0] =	vst.idx.msk $0xffff, v7  }
0x1cd: {  	v11 =	vadd.f32 v12, v47;
	v7 =	vld [tilespmem:s19+$0x0];
	[tilespmem:$0x1FE50] =	vst v1  }
0x1ce: {  	v6 =	vadd.f32 v6, v0;
	[tilespmem:v9+s18+$0x0] =	vst.idx.msk $0xffff, v2  }
0x1cf: {  	[tilespmem:v8+s18+$0x0] =	vst.idx.msk $0xffff, v11  }
0x1d0: {  	[tilespmem:v4+s18+$0x0] =	vst.idx.msk $0xffff, v6  }
0x1d1: {  	v1 =	vld [tilespmem:$0x1FE60];
	_ =	sdelay $0x1  }
0x1d2: {  	s1 =	sor.u32 $0x1D0, s6  }
0x1d3: {  	s20 =	sadd.s32 s1, s9  }
0x1d4: {  	v0 =	vbroadcast v22, $0xC;
	v9 =	vld [tilespmem:s20+$0x0]  }
0x1d5: {  	s26 =	sadd.s32 s1, s2;
	v2 =	vbroadcast v25, $0xC;
	v16 =	vadd.f32 v54, v1;
	v1 =	vld [tilespmem:$0x1FE70]  }
0x1d6: {  	s7 =	sadd.s32 s1, s5;
	s31 =	sor.u32 $0x40, s6;
	v0 =	vmul.f32 v13, v0;
	v13 =	vld [tilespmem:s26+$0x0];
	v8 =	vbroadcast v24, $0xC  }
0x1d7: {  	s8 =	sadd.s32 s31, s9;
	v2 =	vmul.f32 v14, v2;
	v14 =	vld [tilespmem:s7+$0x0]  }
0x1d8: {  	s10 =	sadd.s32 s31, s2;
	v6 =	vmul.f32 v15, v8;
	v15 =	vld [tilespmem:s8+$0x0]  }
0x1d9: {  	s12 =	sor.u32 $0x50, s6;
	v19 =	vld [tilespmem:s10+$0x0]  }
0x1da: {  	v17 =	vbroadcast v22, $0xD;
	s16 =	sadd.s32 s12, s2;
	v4 =	vbroadcast v23, $0xC;
	v62 =	vadd.f32 v40, v1;
	v1 =	vld [tilespmem:$0x1FE80]  }
0x1db: {  	v31 =	vbroadcast v24, $0xD;
	s11 =	sadd.s32 s31, s5;
	s19 =	sor.u32 $0x60, s6;
	v8 =	vbroadcast v25, $0xD;
	v34 =	vld [tilespmem:s16+$0x0]  }
0x1dc: {  	v18 =	vadd.f32 v41, v46;
	s20 =	sadd.s32 s19, s9;
	v4 =	vmul.f32 v7, v4;
	v7 =	vmul.f32 v9, v17;
	v17 =	vld [tilespmem:s11+$0x0]  }
0x1dd: {  	v57 =	vbroadcast v21, $0xC;
	s4 =	sadd.s32 s31, s13;
	v21 =	vadd.f32 v55, v51;
	v55 =	vadd.f32 v53, v48;
	v41 =	vld [tilespmem:s20+$0x0]  }
0x1de: {  	v8 =	vmul.f32 v13, v8;
	v13 =	vld [tilespmem:s4+$0x0];
	v9 =	vmul.f32 v14, v31  }
0x1df: {  	s14 =	sadd.s32 s12, s9;
	v31 =	vadd.f32 v55, v21;
	v21 =	vbroadcast v28, $0x4;
	v48 =	vadd.f32 v43, v1;
	v1 =	vld [tilespmem:$0x1FE90]  }
0x1e0: {  	v33 =	vbroadcast v29, $0x4;
	s3 =	sadd.s32 s12, s13;
	v14 =	vld [tilespmem:s14+$0x0];
	v16 =	vadd.f32 v18, v16;
	v18 =	vbroadcast v26, $0x4  }
0x1e1: {  	v50 =	vbroadcast v27, $0x5;
	s17 =	sadd.s32 s12, s5;
	v17 =	vmul.f32 v17, v21;
	v21 =	vld [tilespmem:s3+$0x0]  }
0x1e2: {  	s31 =	sadd.s32 s19, s5;
	v11 =	vadd.s32 v61, v30;
	v61 =	vbroadcast v27, $0x4;
	v18 =	vmul.f32 v19, v18;
	v19 =	vld [tilespmem:s17+$0x0]  }
0x1e3: {  	v53 =	vbroadcast v26, $0x5;
	v55 =	vbroadcast v28, $0x5;
	v36 =	vadd.f32 v48, v62;
	v48 =	vld [tilespmem:s31+$0x0]  }
0x1e4: {  	v15 =	vmul.f32 v15, v61;
	v13 =	vmul.f32 v13, v33;
	v51 =	vadd.f32 v44, v1;
	v1 =	vld [tilespmem:$0x1FEA0]  }
0x1e5: {  	s26 =	sadd.s32 s19, s2;
	s8 =	sor.u32 $0x70, s6;
	v14 =	vmul.f32 v14, v50;
	v50 =	vbroadcast v27, $0x6  }
0x1e6: {  	s10 =	sadd.s32 s8, s9;
	v61 =	vld [tilespmem:s26+$0x0];
	v34 =	vmul.f32 v34, v53;
	v13 =	vadd.f32 v13, v18;
	v18 =	vbroadcast v28, $0x6  }
0x1e7: {  	s12 =	sadd.s32 s8, s5;
	v53 =	vld [tilespmem:s10+$0x0];
	v40 =	vmul.f32 v41, v50;
	v62 =	vbroadcast v29, $0x5  }
0x1e8: {  	s14 =	sor.u32 $0x1E0, s6;
	s3 =	sadd.s32 s8, s13;
	v19 =	vmul.f32 v19, v55;
	v55 =	vld [tilespmem:s12+$0x0];
	v18 =	vmul.f32 v48, v18  }
0x1e9: {  	v10 =	vadd.s32 v37, v30;
	s16 =	sadd.s32 s14, s9;
	v21 =	vmul.f32 v21, v62;
	v62 =	vld [tilespmem:s3+$0x0];
	v54 =	vadd.f32 v42, v1  }
0x1ea: {  	s4 =	sadd.s32 s19, s13;
	v15 =	vadd.f32 v17, v15;
	v17 =	vbroadcast v26, $0x6;
	v18 =	vadd.f32 v18, v40;
	v40 =	vld [tilespmem:s16+$0x0]  }
0x1eb: {  	v12 =	vadd.s32 v45, v30;
	s11 =	sadd.s32 s8, s2;
	v38 =	vadd.f32 v54, v51;
	v51 =	vld [tilespmem:s4+$0x0]  }
0x1ec: {  	s1 =	sadd.s32 s1, s13;
	v17 =	vmul.f32 v61, v17;
	v61 =	vbroadcast v27, $0x7;
	v1 =	vadd.s32 v49, v30;
	v54 =	vld [tilespmem:s11+$0x0]  }
0x1ed: {  	v50 =	vbroadcast v29, $0x7;
	v13 =	vadd.f32 v13, v15;
	v15 =	vbroadcast v26, $0x7;
	v42 =	vld [tilespmem:s1+$0x0];
	[tilespmem:$0x1FEB0] =	vst v1  }
0x1ee: {  	s20 =	sor.u32 $0x1F0, s6;
	v14 =	vadd.f32 v19, v14;
	v19 =	vbroadcast v29, $0x6;
	s3 =	sadd.s32 s14, s13;
	v21 =	vadd.f32 v21, v34;
	[tilespmem:v5+s18+$0x0] =	vst.idx.msk $0xffff, v16  }
0x1ef: {  	s26 =	sadd.s32 s20, s9;
	v34 =	vmul.f32 v53, v61;
	v53 =	vadd.s32 v49, v3;
	v48 =	vbroadcast v28, $0x7;
	v61 =	vld [tilespmem:s3+$0x0];
	[tilespmem:v10+s18+$0x0] =	vst.idx.msk $0xffff, v31  }
0x1f0: {  	v60 =	vmov v39;
	s19 =	sadd.s32 s14, s5;
	v39 =	vmul.f32 v62, v50;
	v33 =	vld [tilespmem:s26+$0x0];
	[tilespmem:v11+s18+$0x0] =	vst.idx.msk $0xffff, v36;
	v19 =	vmul.f32 v51, v19  }
0x1f1: {  	s31 =	sadd.s32 s20, s2;
	v15 =	vmul.f32 v54, v15;
	v51 =	vmul.f32 v55, v48;
	v54 =	vadd.s32 v63, v3;
	v55 =	vld [tilespmem:s19+$0x0]  }
0x1f2: {  	s17 =	sadd.s32 s14, s2;
	v1 =	vadd.s32 v63, v30;
	v5 =	vadd.s32 v35, v3;
	[tilespmem:v12+s18+$0x0] =	vst.idx.msk $0xffff, v38;
	v48 =	vld [tilespmem:s31+$0x0]  }
0x1f3: {  	s7 =	sadd.s32 s20, s5;
	v14 =	vadd.f32 v21, v14;
	s3 =	sor.u32 $0xC0, s22;
	v3 =	vadd.s32 v32, v3;
	v17 =	vadd.f32 v19, v17;
	v19 =	vld [tilespmem:s17+$0x0];
	[tilespmem:$0x1FEC0] =	vst v1  }
0x1f4: {  	s4 =	sadd.s32 s20, s13;
	s8 =	sadd.s32 s3, s21;
	v10 =	vadd.f32 v51, v34;
	v11 =	vadd.f32 v39, v15;
	v50 =	vld [tilespmem:s7+$0x0]  }
0x1f5: {  	s10 =	sadd.s32 s3, s23;
	s11 =	sadd.s32 s3, s24;
	s3 =	sadd.s32 s3, s25;
	v15 =	vbroadcast v24, $0xE;
	[tilespmem:v53+s18+$0x0] =	vst.idx.msk $0xffff, v13;
	v13 =	vbroadcast v24, $0xF;
	v24 =	vld [tilespmem:s4+$0x0];
	v17 =	vadd.f32 v17, v18  }
0x1f6: {  	s0 =	sor.u32 $0x8, s0;
	v46 =	vld [tilespmem:s3+$0x0];
	v10 =	vadd.f32 v11, v10;
	[tilespmem:v54+s18+$0x0] =	vst.idx.msk $0xffff, v14  }
0x1f7: {  	s12 =	sor.u32 $0x80, s6;
	v12 =	vbroadcast v25, $0xF;
	v18 =	vld [tilespmem:s8+$0x0];
	v11 =	vmov s0;
	[tilespmem:v5+s18+$0x0] =	vst.idx.msk $0xffff, v17  }
0x1f8: {  	s14 =	sadd.s32 s12, s9;
	v62 =	vbroadcast v25, $0xE;
	v14 =	vld [tilespmem:s10+$0x0];
	v5 =	vshrl.u32 v11, $0x3;
	[tilespmem:v3+s18+$0x0] =	vst.idx.msk $0xffff, v10  }
0x1f9: {  	v16 =	vbroadcast v23, $0xD;
	s17 =	sadd.s32 s12, s5;
	v3 =	vshll.u32 v5, v60;
	v5 =	vmul.f32 v48, v12;
	v12 =	vld [tilespmem:s14+$0x0]  }
0x1fa: {  	v25 =	vbroadcast v23, $0xE;
	v23 =	vbroadcast v23, $0xF;
	s7 =	sor.u32 $0xD0, s22;
	v51 =	vld [tilespmem:s17+$0x0]  }
0x1fb: {  	s10 =	sadd.s32 s7, s21;
	v17 =	vld [tilespmem:s11+$0x0]  }
0x1fc: {  	v0 =	vadd.f32 v6, v0;
	s16 =	sadd.s32 s12, s2;
	v1 =	vld [tilespmem:s10+$0x0];
	v10 =	vmul.f32 v50, v13;
	v6 =	vmul.f32 v24, v23  }
0x1fd: {  	v2 =	vadd.f32 v4, v2;
	s20 =	sadd.s32 s12, s13;
	s19 =	sor.u32 $0x90, s6;
	v13 =	vbroadcast v27, $0x8;
	v23 =	vld [tilespmem:s16+$0x0];
	v24 =	vbroadcast v28, $0x8  }
0x1fe: {  	s26 =	sadd.s32 s19, s9;
	v53 =	vld [tilespmem:s20+$0x0]  }
0x1ff: {  	v38 =	vadd.f32 v2, v0;
	s31 =	sadd.s32 s19, s2;
	v54 =	vld [tilespmem:s26+$0x0];
	v2 =	vmul.f32 v12, v13;
	v36 =	vmul.f32 v51, v24  }
0x200: {  	v52 =	vbroadcast v20, $0xC;
	v43 =	vld [tilespmem:s31+$0x0]  }
0x201: {  	s8 =	sadd.s32 s19, s5;
	v20 =	vbroadcast v3, $0x0;
	v3 =	vadd.f32 v6, v5;
	v5 =	vadd.f32 v36, v2;
	v2 =	vld [tilespmem:$0x1FF00]  }
0x202: {  	v0 =	vld [tilespmem:s8+$0x0]  }
0x203: {  	v6 =	vld [tilespmem:$0x1FF10]  }
0x204: {  	[tilespmem:$0x1FED0] =	vst v1;
	v1 =	vld [tilespmem:$0x1FEE0]  }
0x205: {  	v31 =	vbroadcast v22, $0xE;
	_ =	sdelay $0x1  }
0x206: {  	v31 =	vmul.f32 v40, v31;
	v15 =	vmul.f32 v55, v15;
	_ =	sdelay $0x1  }
0x207: {  	v15 =	vadd.f32 v15, v31;
	v31 =	vmul.f32 v18, v1;
	v1 =	vld [tilespmem:$0x1FEF0];
	[tilespmem:v2+s18+$0x0] =	vst.idx.msk $0xffff, v6  }
0x208: {  	v6 =	vld [tilespmem:$0x1FF30];
	_ =	sdelay $0x2  }
0x209: {  	v2 =	vld [tilespmem:$0x1FF20];
	_ =	sdelay $0x1  }
0x20a: {  	v4 =	vbroadcast v26, $0x8;
	v7 =	vadd.f32 v9, v7;
	v9 =	vbroadcast v29, $0x8;
	_ =	sdelay $0x1  }
0x20b: {  	v4 =	vmul.f32 v23, v4;
	v9 =	vmul.f32 v53, v9  }
0x20c: {  	[tilespmem:v6+s18+$0x0] =	vst.idx.msk $0xffff, v2  }
0x20d: {  	v4 =	vadd.f32 v9, v4;
	v9 =	vld [tilespmem:$0x1FF50];
	_ =	sdelay $0x2  }
0x20e: {  	v47 =	vbroadcast v22, $0xF;
	v2 =	vld [tilespmem:$0x1FF40]  }
0x20f: {  	v11 =	vmul.f32 v61, v25;
	v19 =	vmul.f32 v19, v62  }
0x210: {  	v25 =	vmul.f32 v33, v47  }
0x211: {  	v19 =	vadd.f32 v11, v19  }
0x212: {  	v50 =	vadd.f32 v10, v25  }
0x213: {  	v37 =	vmov v32;
	v19 =	vadd.f32 v19, v15;
	v12 =	vadd.s32 v49, v59;
	[tilespmem:v9+s18+$0x0] =	vst.idx.msk $0xffff, v2  }
0x214: {  	v15 =	vmovc v37;
	v32 =	vmul.f32 v14, v1;
	v1 =	vadd.s32 v37, v59;
	v37 =	vadd.f32 v3, v50;
	v3 =	vld [tilespmem:$0x1FF60]  }
0x215: {  	v16 =	vmul.f32 v42, v16;
	s11 =	sadd.s32 s7, s23  }
0x216: {  	s3 =	sadd.s32 s7, s25;
	s14 =	sor.u32 $0xE0, s22;
	v42 =	vld [tilespmem:s11+$0x0]  }
0x217: {  	v41 =	vbroadcast v28, $0x9;
	v8 =	vadd.f32 v16, v8;
	v16 =	vbroadcast v26, $0x9;
	s1 =	sadd.s32 s19, s13;
	s19 =	sadd.s32 s14, s23;
	v44 =	vld [tilespmem:s3+$0x0]  }
0x218: {  	v39 =	vbroadcast v27, $0x9;
	v34 =	vbroadcast v27, $0xA;
	s0 =	sadd.s32 s14, s25;
	v40 =	vld [tilespmem:s19+$0x0];
	[tilespmem:v12+s18+$0x0] =	vst.idx.msk $0xffff, v38  }
0x219: {  	v58 =	vmovc v45;
	v8 =	vadd.f32 v8, v7;
	v7 =	vbroadcast v28, $0xA;
	v33 =	vbroadcast v27, $0xE;
	v45 =	vld [tilespmem:s0+$0x0];
	[tilespmem:v56+s18+$0x0] =	vst.idx.msk $0xffff, v3  }
0x21a: {  	v21 =	vmovc v63;
	v60 =	vbroadcast v27, $0xB;
	v25 =	vadd.s32 v15, v30;
	v11 =	vmul.f32 v54, v39;
	v3 =	vld [tilespmem:$0x1FF70]  }
0x21b: {  	s12 =	sadd.s32 s7, s24;
	v13 =	vld [tilespmem:s1+$0x0];
	v51 =	vadd.s32 v21, v59;
	v10 =	vmul.f32 v43, v16;
	v39 =	vbroadcast v27, $0xC  }
0x21c: {  	s16 =	sadd.s32 s14, s21;
	v43 =	vld [tilespmem:s12+$0x0];
	v48 =	vmul.f32 v0, v41;
	v0 =	vbroadcast v27, $0xD;
	v23 =	vadd.s32 v35, v30  }
0x21d: {  	v22 =	vmovc v35;
	s20 =	sadd.s32 s14, s24;
	v41 =	vld [tilespmem:s16+$0x0];
	v30 =	vbroadcast v28, $0xF;
	v18 =	vadd.s32 v35, v59;
	v35 =	vbroadcast v28, $0xE  }
0x21e: {  	s17 =	sor.u32 $0xF0, s22;
	s26 =	sor.u32 $0xA0, s6;
	s31 =	sor.u32 $0xB0, s6;
	v53 =	vld [tilespmem:s20+$0x0];
	v59 =	vbroadcast v27, $0xF;
	v27 =	vbroadcast v28, $0xC;
	v14 =	vadd.f32 v4, v5  }
0x21f: {  	s22 =	sadd.s32 s17, s23;
	s23 =	sadd.s32 s17, s24;
	s3 =	sadd.s32 s17, s21;
	v4 =	vbroadcast v28, $0xD;
	v2 =	vbroadcast v28, $0xB;
	v28 =	vmovc v3;
	v12 =	vadd.s32 v3, v20;
	v3 =	vld [tilespmem:$0x1FF90]  }
0x220: {  	v52 =	vmul.f32 v46, v52;
	s24 =	sadd.s32 s17, s25;
	s14 =	sadd.s32 s26, s13;
	s7 =	sadd.s32 s31, s9;
	v46 =	vld [tilespmem:s3+$0x0]  }
0x221: {  	v63 =	vbroadcast v26, $0xA;
	s25 =	sor.u32 $0xD0, s6;
	s11 =	sadd.s32 s26, s2;
	s21 =	sadd.s32 s31, s2;
	v54 =	vld [tilespmem:s22+$0x0]  }
0x222: {  	v55 =	vbroadcast v29, $0x9;
	v61 =	vbroadcast v26, $0xB;
	s17 =	sadd.s32 s31, s5;
	s19 =	sadd.s32 s26, s9;
	s12 =	sadd.s32 s26, s5;
	v16 =	vld [tilespmem:s11+$0x0]  }
0x223: {  	v62 =	vbroadcast v26, $0xE;
	v47 =	vmul.f32 v17, v57;
	s16 =	sadd.s32 s31, s13;
	s20 =	sor.u32 $0xC0, s6;
	s31 =	sor.u32 $0xE0, s6;
	v17 =	vld [tilespmem:s12+$0x0]  }
0x224: {  	v57 =	vbroadcast v26, $0xF;
	v24 =	vbroadcast v26, $0xC;
	s6 =	sor.u32 $0xF0, s6;
	s22 =	sadd.s32 s25, s5;
	s11 =	sadd.s32 s25, s9;
	v9 =	vadd.s32 v3, v20;
	v3 =	vld [tilespmem:$0x1FFA0]  }
0x225: {  	s28 =	sadd.s32 s20, s2;
	s26 =	sadd.s32 s20, s5;
	s29 =	sadd.s32 s20, s13;
	v36 =	vbroadcast v26, $0xD;
	v13 =	vmul.f32 v13, v55;
	v55 =	vld [tilespmem:s23+$0x0]  }
0x226: {  	v58 =	vadd.s32 v58, v20;
	s4 =	sadd.s32 s31, s5;
	s8 =	sadd.s32 s31, s13;
	s3 =	sadd.s32 s6, s2;
	v26 =	vbroadcast v29, $0xC;
	v5 =	vbroadcast v29, $0xB;
	v38 =	vmovc v15;
	v15 =	vld [tilespmem:s19+$0x0];
	[tilespmem:v51+s18+$0x0] =	vst.idx.msk $0xffff, v8  }
0x227: {  	s30 =	sadd.s32 s20, s9;
	s1 =	sadd.s32 s6, s13;
	s10 =	sadd.s32 s31, s9;
	v50 =	vadd.s32 v21, v20;
	v6 =	vbroadcast v29, $0xA;
	v56 =	vld [tilespmem:s24+$0x0];
	v51 =	vadd.s32 v49, v20;
	[tilespmem:v18+s18+$0x0] =	vst.idx.msk $0xffff, v19  }
0x228: {  	s20 =	simm.s32 $0x2;
	s23 =	sadd.s32 s25, s2;
	s19 =	sadd.s32 s31, s2;
	v8 =	vbroadcast v29, $0xD;
	v49 =	vadd.s32 v22, v20;
	v18 =	vld [tilespmem:s14+$0x0];
	[tilespmem:v1+s18+$0x0] =	vst.idx.msk $0xffff, v37;
	v37 =	vadd.s32 v38, v20  }
0x229: {  	s2 =	sadd.s32 s6, s5;
	s5 =	sadd.s32 s6, s9;
	s24 =	sadd.s32 s25, s13;
	v19 =	vld [tilespmem:s7+$0x0];
	v1 =	vbroadcast v29, $0xE;
	v29 =	vbroadcast v29, $0xF;
	v3 =	vadd.s32 v3, v20  }
.LBB2_8:
0x22a: {  	[smem:$0x7DE] =	sst s10;
	v20 =	vld [tilespmem:$0x1FDA0]  }
0x22b: {  	[smem:$0x7DA] =	sst s11;
	v21 =	vld [tilespmem:$0x1FED0]  }
0x22c: {  	[dreg:$0xf] =	wrdreg s5;
	[tilespmem:$0x1FD10] =	vst v26;
	v26 =	vld [tilespmem:$0x1FF80]  }
0x22d: {  	[tilespmem:$0x1FCA0] =	vst v39;
	[dreg:$0x9] =	wrdreg s3;
	v39 =	vld [tilespmem:s21+$0x0]  }
0x22e: {  	[dreg:$0x7] =	wrdreg s1;
	v22 =	vadd.f32 v48, v11;
	v11 =	vmov v0;
	v0 =	vadd.f32 v13, v10;
	v13 =	vld [tilespmem:s17+$0x0]  }
0x22f: {  	s20 =	sadd.s32 $0x2, s20;
	s0 =	rddreg [dreg:$0x5];
	s15 =	sadd.s32 $0x20, s15;
	v10 =	vmul.f32 v16, v63;
	v16 =	vld [tilespmem:$0x1FDB0]  }
0x230: {  	s10 =	rddreg [dreg:$0x4];
	s5 =	sand.u32 $0x60, s15;
	s11 =	sshll.u32 s20, $0xA;
	v7 =	vmul.f32 v17, v7;
	v17 =	vld [tilespmem:s16+$0x0]  }
0x231: {  	s12 =	sshll.u32 s20, $0x6;
	s1 =	sand.u32 $0x3FFFE000, s11;
	s13 =	sor.u32 $0x10, s5;
	[tilespmem:v12+s18+$0x0] =	vst.idx.msk $0xffff, v14;
	v12 =	vld [tilespmem:$0x1FDC0]  }
0x232: {  	[tilespmem:$0x1FDA0] =	vst v11;
	s6 =	sand.u32 $0x3FFFFE00, s12;
	s3 =	sadd.s32 s1, s0;
	s1 =	sshll.u32 s13, $0x4;
	v11 =	vmovc v8;
	v48 =	vmul.f32 v21, v20;
	v20 =	vmov v4;
	v4 =	vmul.f32 v18, v6;
	v6 =	vld [tilespmem:$0x1FDD0]  }
0x233: {  	[dreg:$0x8] =	wrdreg s2;
	s2 =	sadd.s32 s6, s10;
	s14 =	sadd.s32 s1, s3;
	v14 =	vmov v33;
	[tilespmem:$0x1FDD0] =	vst v11;
	v11 =	vld [tilespmem:$0x1FDE0]  }
0x234: {  	v0 =	vadd.f32 v0, v22;
	s0 =	sadd.s32 s5, s2;
	s2 =	sadd.s32 s13, s2;
	[tilespmem:$0x1FDE0] =	vst v14;
	v14 =	vld [tilespmem:s14+$0x0]  }
0x235: {  	v33 =	vld [tilespmem:s2+$0x0]  }
0x236: {  	v15 =	vmul.f32 v15, v34;
	[tilespmem:v9+s18+$0x0] =	vst.idx.msk $0xffff, v0;
	v9 =	vld [tilespmem:$0x1FDF0]  }
0x237: {  	v34 =	vld [tilespmem:s2+$0x80]  }
0x238: {  	[dreg:$0x6] =	wrdreg s15;
	s15 =	sshll.u32 s20, $0x4;
	v21 =	vmov v36;
	v36 =	vld [tilespmem:s2+$0x180];
	v7 =	vadd.f32 v7, v15;
	v4 =	vadd.f32 v4, v10  }
0x239: {  	s31 =	sshll.u32 s5, $0x4;
	v8 =	vmul.f32 v19, v60;
	s14 =	sand.u32 $0xFFFFFF80, s15;
	v0 =	vmul.f32 v13, v2;
	v13 =	vmov v35;
	v35 =	vld [tilespmem:s2+$0x100]  }
0x23a: {  	[tilespmem:$0x1FDC0] =	vst v20;
	s11 =	sor.u32 s14, s13;
	s13 =	sor.u32 $0x130, s31;
	v20 =	vadd.f32 v4, v7;
	v7 =	vld [tilespmem:$0x1FE00]  }
0x23b: {  	s6 =	sadd.s32 s13, s3;
	v0 =	vadd.f32 v0, v8;
	v8 =	vld [tilespmem:$0x1FE10]  }
0x23c: {  	v2 =	vadd.f32 v47, v31;
	v31 =	vld [tilespmem:s6+$0x0]  }
0x23d: {  	v10 =	vmul.f32 v39, v61;
	v15 =	vmovc v1;
	v1 =	vmov s11;
	v12 =	vmul.f32 v43, v12;
	[tilespmem:$0x1FE00] =	vst v13;
	v13 =	vld [tilespmem:$0x1FE20]  }
0x23e: {  	[smem:$0x7DD] =	sst s24;
	s24 =	sor.u32 $0x110, s31;
	v5 =	vmul.f32 v17, v5;
	[tilespmem:$0x1FE10] =	vst v15;
	v1 =	vshrl.u32 v1, $0x3;
	v15 =	vld [tilespmem:$0x1FE50];
	v11 =	vmul.f32 v41, v11  }
0x23f: {  	v19 =	vmov v62;
	s16 =	sadd.s32 s24, s3;
	s21 =	sadd.s32 $0x800, s3;
	v9 =	vmul.f32 v40, v9;
	v1 =	vshll.u32 v1, v26;
	[tilespmem:v3+s18+$0x0] =	vst.idx.msk $0xffff, v20;
	v3 =	vld [tilespmem:$0x1FE30]  }
0x240: {  	[smem:$0x7D7] =	sst s30;
	[tilespmem:$0x1FDF0] =	vst v19;
	s7 =	sadd.s32 s1, s21;
	v19 =	vadd.f32 v5, v10;
	v10 =	vld [tilespmem:s16+$0x0];
	v7 =	vmul.f32 v53, v7;
	v8 =	vmul.f32 v45, v8  }
0x241: {  	[smem:$0x7DB] =	sst s23;
	v38 =	vbroadcast v1, $0x0;
	v1 =	vadd.f32 v12, v48;
	v12 =	vld [tilespmem:s7+$0x0]  }
0x242: {  	[smem:$0x7DC] =	sst s22;
	v4 =	vmov v59;
	v20 =	vld [tilespmem:$0x1FEC0];
	v7 =	vadd.f32 v7, v11;
	v8 =	vadd.f32 v8, v9  }
0x243: {  	[smem:$0x7DF] =	sst s19;
	s19 =	sor.u32 $0x120, s31;
	v18 =	vmov v57;
	[tilespmem:$0x1FE20] =	vst v4;
	v4 =	vld [tilespmem:$0x1FE40]  }
0x244: {  	[smem:$0x7E0] =	sst s8;
	s23 =	sor.u32 $0x30, s31;
	s17 =	sadd.s32 s19, s3;
	v17 =	vmov v30;
	[tilespmem:$0x1FE30] =	vst v18;
	v18 =	vadd.f32 v52, v32;
	v7 =	vadd.f32 v8, v7;
	v8 =	vld [tilespmem:$0x1FEB0]  }
0x245: {  	s25 =	sadd.s32 s31, s3;
	s30 =	sadd.s32 s19, s21;
	v16 =	vmul.f32 v42, v16;
	v6 =	vmul.f32 v44, v6;
	s16 =	sadd.s32 $0x1000, s3;
	[tilespmem:$0x1FE40] =	vst v17;
	v17 =	vld [tilespmem:s17+$0x0];
	v0 =	vadd.f32 v19, v0  }
0x246: {  	s15 =	sor.u32 $0x10, s31;
	s17 =	sadd.s32 $0x1800, s3;
	s9 =	sadd.s32 s1, s16;
	v2 =	vadd.f32 v18, v2;
	v18 =	vld [tilespmem:s30+$0x0]  }
0x247: {  	[smem:$0x7D6] =	sst s25;
	s25 =	sadd.s32 s24, s21;
	s1 =	sadd.s32 s1, s17;
	[tilespmem:v58+s18+$0x0] =	vst.idx.msk $0xffff, v0;
	v0 =	vadd.f32 v6, v16;
	v6 =	vld [tilespmem:s9+$0x0]  }
0x248: {  	s5 =	sor.u32 s5, s14;
	s7 =	sadd.s32 s15, s21;
	s6 =	sadd.s32 s15, s16;
	v13 =	vmul.f32 v46, v13;
	v11 =	vld [tilespmem:s1+$0x0];
	v4 =	vmul.f32 v55, v4  }
0x249: {  	s14 =	sadd.s32 s13, s16;
	s2 =	sadd.s32 s15, s17;
	v15 =	vmul.f32 v56, v15;
	v3 =	vmul.f32 v54, v3;
	v9 =	vld [tilespmem:s25+$0x0];
	s25 =	sadd.s32 s24, s16  }
0x24a: {  	[tilespmem:$0x1FDB0] =	vst v21;
	v5 =	vmov v29;
	v19 =	vbroadcast v33, $0x0;
	s30 =	sor.u32 $0x60, s31;
	s24 =	sadd.s32 s24, s17;
	v4 =	vadd.f32 v4, v13;
	v13 =	vld [tilespmem:s25+$0x0];
	s25 =	sadd.s32 s23, s17  }
0x24b: {  	[tilespmem:$0x1FE50] =	vst v5;
	v16 =	vbroadcast v36, $0x0;
	s9 =	sadd.s32 s23, s21;
	v5 =	vadd.f32 v15, v3;
	v3 =	vld [tilespmem:s24+$0x0];
	[smem:$0x7D5] =	sst s25;
	s25 =	sadd.s32 s19, s16  }
0x24c: {  	v21 =	vadd.f32 v0, v1;
	v1 =	vmul.f32 v14, v19;
	s24 =	sadd.s32 s15, s3;
	s15 =	sor.u32 $0x40, s31;
	v0 =	vmovc v51;
	v14 =	vld [tilespmem:s25+$0x0];
	s25 =	sadd.s32 s13, s21;
	[tilespmem:v8+s18+$0x0] =	vst.idx.msk $0xffff, v2;
	v2 =	vmov s5  }
0x24d: {  	[smem:$0x7D4] =	sst s9;
	[tilespmem:$0x1FEB0] =	vst v0;
	s13 =	sadd.s32 s13, s17;
	v0 =	vshrl.u32 v2, $0x3;
	v2 =	vmul.f32 v11, v16;
	v11 =	vld [tilespmem:s25+$0x0];
	s25 =	sadd.s32 s15, s21  }
0x24e: {  	v53 =	vbroadcast v34, $0x1;
	v16 =	vld [tilespmem:s13+$0x0];
	s13 =	sadd.s32 s30, s3;
	[smem:$0x7E5] =	sst s25  }
0x24f: {  	s25 =	sadd.s32 s15, s16;
	[smem:$0x7EC] =	sst s13  }
0x250: {  	v29 =	vbroadcast v34, $0x0;
	v42 =	vshll.u32 v0, v26;
	v0 =	vmul.f32 v9, v53;
	v9 =	vld [tilespmem:s14+$0x0];
	s14 =	sadd.s32 s30, s21;
	[smem:$0x7E6] =	sst s25  }
0x251: {  	s9 =	sadd.s32 s19, s17;
	[tilespmem:v20+s18+$0x0] =	vst.idx.msk $0xffff, v21;
	s25 =	sadd.s32 s15, s17;
	[dreg:$0x1e] =	wrdreg s14  }
0x252: {  	v30 =	vbroadcast v35, $0x0;
	v8 =	vmul.f32 v12, v29;
	v12 =	vld [tilespmem:s9+$0x0];
	v20 =	vmov v49;
	[tilespmem:v23+s18+$0x0] =	vst.idx.msk $0xffff, v7;
	s14 =	sadd.s32 s30, s17;
	[smem:$0x7E7] =	sst s25  }
0x253: {  	v57 =	vbroadcast v34, $0x2;
	v60 =	vbroadcast v34, $0x3;
	s19 =	sor.u32 $0x50, s31;
	[tilespmem:$0x1FD00] =	vst v20;
	v20 =	vld [tilespmem:$0x1FF90];
	s15 =	sadd.s32 s15, s3;
	[dreg:$0x1d] =	wrdreg s14  }
0x254: {  	v52 =	vbroadcast v33, $0x1;
	v6 =	vmul.f32 v6, v30;
	s9 =	sor.u32 $0x70, s31;
	v29 =	vld [tilespmem:s0+$0x0];
	s25 =	sadd.s32 s19, s21;
	[smem:$0x7E4] =	sst s15  }
0x255: {  	s8 =	sadd.s32 s31, s21;
	v59 =	vbroadcast v33, $0x3;
	v61 =	vbroadcast v35, $0x3;
	v30 =	vld [tilespmem:s0+$0x80];
	s14 =	sadd.s32 s9, s16;
	[smem:$0x7E9] =	sst s25  }
0x256: {  	s12 =	sadd.s32 s31, s17;
	v56 =	vbroadcast v33, $0x2;
	v6 =	vadd.f32 v6, v1;
	v2 =	vadd.f32 v2, v8;
	v32 =	vld [tilespmem:s0+$0x180];
	s25 =	sadd.s32 s19, s16;
	[dreg:$0x18] =	wrdreg s14  }
0x257: {  	v58 =	vbroadcast v35, $0x2;
	v15 =	vbroadcast v36, $0x2;
	v1 =	vld [tilespmem:s8+$0x0];
	s8 =	sor.u32 $0x90, s31;
	s14 =	sadd.s32 s9, s3;
	[smem:$0x7EA] =	sst s25  }
0x258: {  	v54 =	vbroadcast v35, $0x1;
	v10 =	vmul.f32 v10, v52;
	v6 =	vadd.f32 v2, v6;
	v2 =	vld [tilespmem:s12+$0x0];
	s12 =	sadd.s32 s8, s21;
	[dreg:$0x1f] =	wrdreg s14  }
0x259: {  	v12 =	vmul.f32 v12, v15;
	v15 =	vmul.f32 v31, v59;
	v31 =	vld [tilespmem:s0+$0x100];
	s25 =	sadd.s32 s19, s17;
	[dreg:$0x10] =	wrdreg s12  }
0x25a: {  	v55 =	vbroadcast v36, $0x1;
	v19 =	vbroadcast v36, $0x3;
	s0 =	sor.u32 $0x80, s31;
	s19 =	sadd.s32 s19, s3;
	[smem:$0x7EB] =	sst s25;
	v62 =	vadd.s32 v20, v38;
	v20 =	vld [tilespmem:$0x1FFA0]  }
0x25b: {  	v41 =	vld [tilespmem:$0x1FFB0];
	v18 =	vmul.f32 v18, v57;
	v7 =	vmul.f32 v13, v54;
	s15 =	sadd.s32 s0, s21;
	[smem:$0x7E8] =	sst s19  }
0x25c: {  	v3 =	vmul.f32 v3, v55;
	v14 =	vmul.f32 v14, v58;
	v13 =	vmov v50;
	s13 =	sor.u32 $0xB0, s31;
	s14 =	sadd.s32 s8, s16;
	[dreg:$0x14] =	wrdreg s15  }
0x25d: {  	s22 =	sor.u32 $0x20, s31;
	[tilespmem:$0x1FEC0] =	vst v13;
	v13 =	vmul.f32 v17, v56;
	v17 =	vadd.s32 v28, v38;
	v7 =	vadd.f32 v7, v10;
	s12 =	sadd.s32 s13, s21;
	[dreg:$0xe] =	wrdreg s14  }
0x25e: {  	s10 =	sadd.s32 s31, s16;
	v3 =	vadd.f32 v3, v0;
	v8 =	vmul.f32 v11, v60;
	v11 =	vmul.f32 v16, v19;
	s25 =	sadd.s32 s30, s16;
	[smem:$0x7E1] =	sst s12  }
0x25f: {  	s1 =	sadd.s32 s22, s21;
	v44 =	vld [tilespmem:s10+$0x0];
	v0 =	vmul.f32 v9, v61;
	v9 =	vadd.f32 v14, v13;
	s19 =	sadd.s32 s0, s16;
	[dreg:$0x1c] =	wrdreg s25;
	v63 =	vadd.s32 v20, v38  }
0x260: {  	v47 =	vld [tilespmem:s6+$0x0];
	v10 =	vadd.f32 v12, v18;
	v13 =	vadd.s32 v41, v38;
	s15 =	sadd.s32 s8, s17;
	v14 =	vadd.f32 v3, v7;
	s25 =	sadd.s32 s9, s21;
	[dreg:$0x13] =	wrdreg s19  }
0x261: {  	v50 =	vld [tilespmem:s1+$0x0];
	s14 =	sadd.s32 s13, s16;
	v8 =	vadd.f32 v11, v8;
	[dreg:$0x19] =	wrdreg s25;
	s25 =	sadd.s32 s9, s17;
	v12 =	vadd.f32 v0, v15  }
0x262: {  	v28 =	vld [tilespmem:$0x1FFD0];
	[tilespmem:v17+s18+$0x0] =	vst.idx.msk $0xffff, v6;
	s9 =	sor.u32 $0xA0, s31;
	v9 =	vadd.f32 v10, v9;
	[dreg:$0x1a] =	wrdreg s25;
	s25 =	sadd.s32 s0, s17  }
0x263: {  	v3 =	vld [tilespmem:s7+$0x0];
	v49 =	vbroadcast v32, $0x0;
	s19 =	sadd.s32 s9, s21;
	[dreg:$0x12] =	wrdreg s25;
	s25 =	sadd.s32 s9, s16;
	v8 =	vadd.f32 v8, v12;
	[tilespmem:v62+s18+$0x0] =	vst.idx.msk $0xffff, v14  }
0x264: {  	v6 =	vld [tilespmem:s2+$0x0];
	s10 =	sadd.s32 s9, s17;
	[dreg:$0xb] =	wrdreg s25;
	s25 =	sor.u32 $0x140, s31;
	[tilespmem:v63+s18+$0x0] =	vst.idx.msk $0xffff, v9  }
0x265: {  	v2 =	vmul.f32 v2, v49;
	v49 =	vld [tilespmem:$0x1FF90];
	[dreg:$0xc] =	wrdreg s19;
	s19 =	sadd.s32 s8, s3;
	s8 =	sadd.s32 s25, s3;
	v9 =	vadd.f32 v5, v4;
	[tilespmem:v13+s18+$0x0] =	vst.idx.msk $0xffff, v8  }
0x266: {  	[tilespmem:$0x1FCC0] =	vst v24;
	s7 =	sadd.s32 s13, s3;
	v10 =	vbroadcast v31, $0x3;
	[dreg:$0xa] =	wrdreg s10;
	s10 =	sadd.s32 s25, s21;
	v8 =	vld [tilespmem:s8+$0x0]  }
0x267: {  	[dreg:$0xd] =	wrdreg s15;
	s15 =	sadd.s32 s13, s17;
	v11 =	vbroadcast v32, $0x3;
	s12 =	sadd.s32 s25, s16;
	[tilespmem:v25+s18+$0x0] =	vst.idx.msk $0xffff, v9;
	v9 =	vld [tilespmem:s10+$0x0]  }
0x268: {  	[dreg:$0x11] =	wrdreg s7;
	s7 =	sor.u32 $0x150, s31;
	[tilespmem:$0x1FC60] =	vst v10;
	s13 =	sadd.s32 s25, s17;
	v10 =	vld [tilespmem:s12+$0x0]  }
0x269: {  	v39 =	vbroadcast v33, $0x6;
	v24 =	vbroadcast v35, $0x7;
	[smem:$0x7E2] =	sst s15;
	s15 =	sadd.s32 s7, s3;
	[tilespmem:$0x1FC70] =	vst v11;
	v11 =	vld [tilespmem:s13+$0x0]  }
0x26a: {  	v45 =	vbroadcast v35, $0x5;
	v21 =	vbroadcast v33, $0x7;
	[dreg:$0x17] =	wrdreg s19;
	s19 =	sadd.s32 s7, s21;
	v14 =	vld [tilespmem:s15+$0x0]  }
0x26b: {  	[dreg:$0x16] =	wrdreg s4;
	v23 =	vbroadcast v34, $0x7;
	v16 =	vbroadcast v33, $0x5;
	s30 =	sor.u32 $0xF0, s31;
	s25 =	sadd.s32 s7, s16;
	v17 =	vld [tilespmem:s19+$0x0]  }
0x26c: {  	v18 =	vbroadcast v34, $0x5;
	v61 =	vbroadcast v34, $0x6;
	s2 =	sadd.s32 s9, s3;
	s9 =	sor.u32 $0x8, s5;
	s5 =	sadd.s32 s7, s17;
	v4 =	vmov v37;
	v19 =	vld [tilespmem:s25+$0x0]  }
0x26d: {  	s4 =	sadd.s32 s22, s16;
	v7 =	vbroadcast v30, $0x0;
	v43 =	vbroadcast v29, $0x1;
	[tilespmem:$0x1FD30] =	vst v4;
	v4 =	vmov s9;
	s19 =	sor.u32 $0x160, s31;
	v46 =	vld [tilespmem:s5+$0x0];
	s5 =	sadd.s32 s30, s21  }
0x26e: {  	v55 =	vbroadcast v30, $0x1;
	v57 =	vbroadcast v32, $0x1;
	v4 =	vshrl.u32 v4, $0x3;
	s9 =	sadd.s32 s19, s3;
	[smem:$0x7ED] =	sst s5;
	s5 =	sadd.s32 s30, s16;
	v60 =	vld [tilespmem:s4+$0x0]  }
0x26f: {  	v58 =	vbroadcast v30, $0x2;
	v15 =	vbroadcast v36, $0x4;
	v4 =	vshll.u32 v4, v26;
	[smem:$0x7EE] =	sst s5;
	v40 =	vld [tilespmem:s9+$0x0];
	s9 =	sadd.s32 s19, s21;
	s5 =	sadd.s32 s30, s17  }
0x270: {  	v1 =	vmul.f32 v1, v7;
	[tilespmem:$0x1FC90] =	vst v4;
	v4 =	vbroadcast v33, $0x4;
	[smem:$0x7EF] =	sst s5;
	v63 =	vld [tilespmem:s9+$0x0];
	s5 =	smov.u32 s26;
	s26 =	sadd.s32 s19, s16  }
0x271: {  	v12 =	vbroadcast v34, $0x4;
	v62 =	vbroadcast v35, $0x6;
	s19 =	sadd.s32 s19, s17;
	v22 =	vld [tilespmem:s26+$0x0];
	s26 =	sor.u32 $0x170, s31  }
0x272: {  	v13 =	vbroadcast v35, $0x4;
	v4 =	vmul.f32 v8, v4;
	v8 =	vld [tilespmem:s19+$0x0];
	s19 =	sadd.s32 s26, s3  }
0x273: {  	v20 =	vbroadcast v36, $0x6;
	v9 =	vmul.f32 v9, v12;
	v12 =	vld [tilespmem:s19+$0x0];
	s19 =	sadd.s32 s26, s21  }
0x274: {  	v10 =	vmul.f32 v10, v13;
	v13 =	vmul.f32 v14, v16;
	v14 =	vld [tilespmem:s19+$0x0]  }
0x275: {  	v16 =	vmul.f32 v19, v45;
	v19 =	vmul.f32 v40, v39;
	v39 =	vld [tilespmem:$0x1FFC0]  }
0x276: {  	v37 =	vbroadcast v36, $0x5;
	v11 =	vmul.f32 v11, v15;
	s19 =	sadd.s32 s26, s16;
	v40 =	vld [tilespmem:$0x1FFE0]  }
0x277: {  	v25 =	vbroadcast v36, $0x7;
	v15 =	vmul.f32 v17, v18;
	v17 =	vld [tilespmem:s19+$0x0]  }
0x278: {  	v7 =	vld [tilespmem:s24+$0x0];
	v18 =	vmul.f32 v46, v37;
	s26 =	sadd.s32 s26, s17;
	v10 =	vadd.f32 v10, v4;
	v9 =	vadd.f32 v11, v9  }
0x279: {  	[smem:$0x7D8] =	sst s28;
	v13 =	vadd.f32 v16, v13;
	v51 =	vld [tilespmem:s26+$0x0];
	v61 =	vmul.f32 v63, v61;
	v22 =	vmul.f32 v22, v62  }
0x27a: {  	s28 =	sadd.s32 s23, s16;
	v37 =	vld [tilespmem:$0x1FFF0];
	s19 =	sld [smem:$0x7D4];
	v62 =	vadd.s32 v28, v38;
	v9 =	vadd.f32 v9, v10;
	v59 =	vadd.s32 v39, v38  }
0x27b: {  	[smem:$0x7D9] =	sst s29;
	s29 =	sadd.s32 s22, s17;
	v45 =	vld [tilespmem:s28+$0x0];
	v8 =	vmul.f32 v8, v20;
	v12 =	vmul.f32 v12, v21;
	v20 =	vadd.s32 v40, v38  }
0x27c: {  	v63 =	vld [tilespmem:s29+$0x0];
	s26 =	sld [smem:$0x7D5];
	v11 =	vmul.f32 v14, v23;
	v14 =	vadd.f32 v18, v15;
	v15 =	vmul.f32 v17, v24  }
0x27d: {  	s22 =	sadd.s32 s22, s3;
	v53 =	vbroadcast v32, $0x2;
	v46 =	vld [tilespmem:s19+$0x0];
	v16 =	vadd.f32 v22, v19;
	s19 =	sld [smem:$0x7D6];
	v8 =	vadd.f32 v8, v61  }
0x27e: {  	[tilespmem:$0x1FCE0] =	vst v27;
	v17 =	vmul.f32 v51, v25;
	v13 =	vadd.f32 v14, v13;
	v10 =	vadd.f32 v15, v12;
	v15 =	vld [tilespmem:s22+$0x0];
	s22 =	sld [smem:$0x7D7]  }
0x27f: {  	v54 =	vbroadcast v29, $0x3;
	v4 =	vld [tilespmem:s26+$0x0];
	v8 =	vadd.f32 v8, v16;
	v12 =	vadd.s32 v37, v38;
	[tilespmem:v59+s18+$0x0] =	vst.idx.msk $0xffff, v9  }
0x280: {  	v27 =	vbroadcast v30, $0x3;
	v48 =	vbroadcast v31, $0x0;
	v18 =	vld [tilespmem:s19+$0x0];
	v11 =	vadd.f32 v17, v11;
	[tilespmem:v62+s18+$0x0] =	vst.idx.msk $0xffff, v13  }
0x281: {  	v0 =	vbroadcast v29, $0x0;
	v56 =	vbroadcast v31, $0x1;
	[tilespmem:v20+s18+$0x0] =	vst.idx.msk $0xffff, v8;
	v8 =	vld [tilespmem:s22+$0x0]  }
0x282: {  	s23 =	sadd.s32 s23, s3;
	v52 =	vbroadcast v31, $0x2;
	v14 =	vmul.f32 v44, v48;
	v48 =	vld [tilespmem:$0x1FFA0];
	v10 =	vadd.f32 v11, v10  }
0x283: {  	v3 =	vmul.f32 v3, v55;
	v6 =	vmul.f32 v6, v57;
	s4 =	sor.u32 $0x180, s31;
	s24 =	sld [smem:$0x7D8];
	v9 =	vld [tilespmem:s23+$0x0]  }
0x284: {  	v1 =	vadd.f32 v2, v1;
	v2 =	vbroadcast v34, $0x8;
	s23 =	sadd.s32 s4, s3;
	v13 =	vmul.f32 v60, v52;
	v52 =	vld [tilespmem:$0x1FF70];
	[tilespmem:v12+s18+$0x0] =	vst.idx.msk $0xffff, v10  }
0x285: {  	v3 =	vadd.f32 v6, v3;
	v6 =	vbroadcast v34, $0x9;
	v5 =	vbroadcast v29, $0x2;
	v12 =	vld [tilespmem:s23+$0x0]  }
0x286: {  	v7 =	vmul.f32 v7, v43;
	s26 =	sadd.s32 s4, s21;
	s22 =	sor.u32 $0x190, s31;
	[tilespmem:$0x1FCB0] =	vst v8;
	v8 =	vmul.f32 v18, v0;
	v0 =	vld [tilespmem:s24+$0x0]  }
0x287: {  	v23 =	vbroadcast v35, $0x9;
	v5 =	vmul.f32 v15, v5;
	v15 =	vld [tilespmem:s26+$0x0];
	s23 =	sadd.s32 s22, s3  }
0x288: {  	s11 =	sor.u32 $0x8, s11;
	s0 =	sadd.s32 s0, s3;
	v51 =	vbroadcast v42, $0x0;
	v24 =	vbroadcast v36, $0x9;
	s26 =	sadd.s32 s22, s16;
	v19 =	vld [tilespmem:s23+$0x0]  }
0x289: {  	[dreg:$0x1b] =	wrdreg s0;
	s0 =	sor.u32 $0xC0, s31;
	v25 =	vbroadcast v33, $0xA;
	v42 =	vbroadcast v35, $0xA;
	s19 =	sadd.s32 s4, s17;
	v22 =	vld [tilespmem:s26+$0x0]  }
0x28a: {  	[smem:$0x7E3] =	sst s14;
	s14 =	sadd.s32 s0, s21;
	v16 =	vbroadcast v29, $0x4;
	v17 =	vmul.f32 v63, v53;
	v18 =	vld [tilespmem:s19+$0x0];
	s24 =	sadd.s32 s22, s21  }
0x28b: {  	s28 =	smov.u32 s14;
	s14 =	sadd.s32 s4, s16;
	v38 =	vbroadcast v34, $0xA;
	v63 =	vbroadcast v33, $0xB;
	v21 =	vld [tilespmem:s24+$0x0];
	[tilespmem:$0x1FCD0] =	vst v0;
	v0 =	vmov s11  }
0x28c: {  	[tilespmem:$0x1FC80] =	vst v16;
	v11 =	vmul.f32 v47, v56;
	s26 =	sor.u32 $0x1B0, s31;
	s11 =	sadd.s32 s22, s17;
	v16 =	vshrl.u32 v0, $0x3;
	v0 =	vmul.f32 v9, v54;
	v9 =	vld [tilespmem:s14+$0x0]  }
0x28d: {  	v47 =	vbroadcast v34, $0xB;
	v62 =	vbroadcast v36, $0xA;
	v5 =	vadd.f32 v13, v5;
	v13 =	vld [tilespmem:s11+$0x0];
	s11 =	sadd.s32 s26, s3  }
0x28e: {  	v10 =	vmul.f32 v50, v58;
	v2 =	vmul.f32 v15, v2;
	s14 =	sor.u32 $0x1A0, s31;
	v15 =	vld [tilespmem:s11+$0x0]  }
0x28f: {  	v60 =	vbroadcast v35, $0xB;
	v8 =	vadd.f32 v14, v8;
	v16 =	vshll.u32 v16, v26;
	s19 =	sadd.s32 s14, s3;
	v26 =	vld [tilespmem:s5+$0x0]  }
0x290: {  	v7 =	vadd.f32 v11, v7;
	v10 =	vadd.f32 v17, v10;
	v14 =	vbroadcast v33, $0x8;
	s22 =	sadd.s32 s14, s21;
	v17 =	vld [tilespmem:s19+$0x0]  }
0x291: {  	v11 =	vbroadcast v36, $0x8;
	v20 =	vbroadcast v33, $0x9;
	v1 =	vadd.f32 v1, v8;
	s23 =	sadd.s32 s14, s16;
	v8 =	vld [tilespmem:s22+$0x0]  }
0x292: {  	v3 =	vadd.f32 v3, v7;
	v10 =	vadd.f32 v10, v5;
	v5 =	vmul.f32 v12, v14;
	s24 =	sadd.s32 s14, s17;
	v7 =	vld [tilespmem:s23+$0x0]  }
0x293: {  	[dreg:$0x15] =	wrdreg s2;
	v11 =	vmul.f32 v18, v11;
	v18 =	vmul.f32 v19, v20;
	s14 =	sadd.s32 s26, s21;
	v12 =	vld [tilespmem:s24+$0x0]  }
0x294: {  	s2 =	sor.u32 $0xD0, s31;
	v50 =	vbroadcast v16, $0x0;
	v16 =	vbroadcast v35, $0x8;
	v19 =	vld [tilespmem:s14+$0x0];
	s19 =	sadd.s32 s26, s16;
	s24 =	sld [smem:$0x7DA]  }
0x295: {  	s9 =	sadd.s32 s2, s3;
	v6 =	vmul.f32 v21, v6;
	v21 =	vmul.f32 v22, v23;
	s5 =	sld [smem:$0x7DC];
	s22 =	sadd.s32 s26, s17;
	v22 =	vld [tilespmem:s19+$0x0]  }
0x296: {  	v61 =	vadd.s32 v52, v51;
	v14 =	vbroadcast v36, $0xB;
	s11 =	smov.u32 s9;
	s9 =	sld [smem:$0x7DD];
	v23 =	vld [tilespmem:s22+$0x0];
	v9 =	vmul.f32 v9, v16  }
0x297: {  	v2 =	vadd.f32 v11, v2;
	s23 =	sld [smem:$0x7D9];
	v13 =	vmul.f32 v13, v24;
	v11 =	vld [tilespmem:s24+$0x0];
	v15 =	vmul.f32 v15, v63  }
0x298: {  	s10 =	sadd.s32 s0, s16;
	s4 =	sld [smem:$0x7DB];
	v43 =	vld [tilespmem:s5+$0x0];
	v24 =	vadd.s32 v52, v50;
	v17 =	vmul.f32 v17, v25;
	v8 =	vmul.f32 v8, v38  }
0x299: {  	s26 =	smov.u32 s10;
	s10 =	sld [smem:$0x7DE];
	v44 =	vld [tilespmem:s9+$0x0];
	v7 =	vmul.f32 v7, v42;
	v25 =	vadd.s32 v49, v50;
	v12 =	vmul.f32 v12, v62  }
0x29a: {  	s12 =	sadd.s32 s0, s17;
	[tilespmem:$0x1FCF0] =	vst v26;
	v26 =	vld [tilespmem:s23+$0x0];
	v62 =	vadd.s32 v48, v50;
	v5 =	vadd.f32 v9, v5;
	v9 =	vmul.f32 v19, v47  }
0x29b: {  	s29 =	smov.u32 s12;
	s12 =	sld [smem:$0x7DF];
	v6 =	vadd.f32 v13, v6;
	v42 =	vld [tilespmem:s4+$0x0];
	v13 =	vmul.f32 v22, v60;
	v7 =	vadd.f32 v7, v17  }
0x29c: {  	v38 =	vld [tilespmem:s10+$0x0];
	v8 =	vadd.f32 v12, v8;
	v12 =	vmul.f32 v23, v14;
	[tilespmem:$0x1FED0] =	vst v11;
	v11 =	vadd.f32 v21, v18  }
0x29d: {  	s13 =	sadd.s32 s2, s21;
	s9 =	rddreg [dreg:$0xf];
	v2 =	vadd.f32 v2, v5;
	v14 =	vadd.s32 v41, v50;
	v5 =	vld [tilespmem:$0x1FC60];
	v13 =	vadd.f32 v13, v15  }
0x29e: {  	s6 =	sadd.s32 s2, s17;
	v20 =	vadd.s32 v48, v51;
	s23 =	smov.u32 s13;
	s13 =	rddreg [dreg:$0x16];
	v47 =	vld [tilespmem:s12+$0x0];
	v9 =	vadd.f32 v12, v9;
	v6 =	vadd.f32 v6, v11  }
0x29f: {  	v16 =	vadd.s32 v49, v51;
	s24 =	smov.u32 s6;
	s6 =	sld [smem:$0x7E0];
	v53 =	vld [tilespmem:s13+$0x0];
	v7 =	vadd.f32 v8, v7;
	[tilespmem:v24+s18+$0x0] =	vst.idx.msk $0xffff, v2  }
0x2a0: {  	s1 =	sor.u32 $0xE0, s31;
	v15 =	vmul.f32 v46, v27;
	v46 =	vld [tilespmem:s9+$0x0];
	v8 =	vadd.f32 v9, v13;
	[tilespmem:v25+s18+$0x0] =	vst.idx.msk $0xffff, v6  }
0x2a1: {  	s7 =	sadd.s32 s1, s16;
	s14 =	sor.u32 $0x1C0, s31;
	v2 =	vld [tilespmem:$0x1FC70];
	[tilespmem:v62+s18+$0x0] =	vst.idx.msk $0xffff, v7  }
0x2a2: {  	s15 =	sadd.s32 s2, s16;
	s4 =	smov.u32 s7;
	s7 =	sadd.s32 s14, s3;
	v11 =	vmul.f32 v45, v5;
	v45 =	vld [tilespmem:s6+$0x0];
	[tilespmem:v14+s18+$0x0] =	vst.idx.msk $0xffff, v8  }
0x2a3: {  	s8 =	sadd.s32 s1, s21;
	s25 =	sadd.s32 s1, s17;
	s12 =	sadd.s32 s14, s21;
	[tilespmem:v61+s18+$0x0] =	vst.idx.msk $0xffff, v1;
	v12 =	vld [tilespmem:s7+$0x0]  }
0x2a4: {  	v55 =	vbroadcast v31, $0x6;
	s0 =	sadd.s32 s0, s3;
	s2 =	sadd.s32 s30, s3;
	s13 =	sadd.s32 s14, s16;
	[tilespmem:v16+s18+$0x0] =	vst.idx.msk $0xffff, v3;
	v13 =	vld [tilespmem:s12+$0x0]  }
0x2a5: {  	v57 =	vbroadcast v29, $0x5;
	s30 =	smov.u32 s0;
	v59 =	vbroadcast v31, $0x5;
	s0 =	sadd.s32 s14, s17;
	s14 =	sor.u32 $0x1D0, s31;
	[tilespmem:v20+s18+$0x0] =	vst.idx.msk $0xffff, v10;
	v10 =	vld [tilespmem:s13+$0x0]  }
0x2a6: {  	v56 =	vbroadcast v32, $0x5;
	v58 =	vbroadcast v29, $0x6;
	s19 =	smov.u32 s8;
	s8 =	smov.u32 s25;
	s25 =	sadd.s32 s14, s3;
	v14 =	vld [tilespmem:s0+$0x0]  }
0x2a7: {  	s5 =	smov.u32 s2;
	v19 =	vbroadcast v33, $0xD;
	s2 =	sadd.s32 s14, s21;
	v23 =	vbroadcast v35, $0xD;
	v17 =	vld [tilespmem:s25+$0x0]  }
0x2a8: {  	v18 =	vbroadcast v36, $0xC;
	v21 =	vbroadcast v34, $0xD;
	s6 =	sadd.s32 s14, s16;
	v20 =	vld [tilespmem:s2+$0x0]  }
0x2a9: {  	s9 =	sor.u32 $0x1E0, s31;
	[tilespmem:$0x1FD20] =	vst v26;
	v26 =	vbroadcast v36, $0xE;
	v25 =	vbroadcast v36, $0xD;
	v22 =	vld [tilespmem:s6+$0x0];
	s7 =	sadd.s32 s14, s17  }
0x2aa: {  	v61 =	vbroadcast v34, $0xE;
	v2 =	vmul.f32 v4, v2;
	s12 =	sadd.s32 s9, s3;
	v24 =	vld [tilespmem:s7+$0x0]  }
0x2ab: {  	v36 =	vbroadcast v36, $0xF;
	v16 =	vbroadcast v35, $0xC;
	v0 =	vadd.f32 v11, v0;
	s13 =	sadd.s32 s9, s21;
	v60 =	vld [tilespmem:s12+$0x0]  }
0x2ac: {  	s31 =	sor.u32 $0x1F0, s31;
	v11 =	vadd.s32 v41, v51;
	s14 =	sadd.s32 s9, s16;
	v7 =	vadd.f32 v2, v15;
	v15 =	vbroadcast v34, $0xC;
	v63 =	vld [tilespmem:s13+$0x0]  }
0x2ad: {  	v62 =	vbroadcast v35, $0xE;
	v35 =	vbroadcast v35, $0xF;
	s2 =	sadd.s32 s31, s3;
	v27 =	vld [tilespmem:s14+$0x0]  }
0x2ae: {  	s1 =	sadd.s32 s1, s3;
	v1 =	vadd.s32 v40, v51;
	s3 =	sadd.s32 s31, s21;
	v34 =	vbroadcast v34, $0xF;
	v13 =	vmul.f32 v13, v15;
	v15 =	vld [tilespmem:s2+$0x0]  }
0x2af: {  	s25 =	sadd.s32 s9, s17;
	s6 =	sadd.s32 s31, s16;
	s9 =	sld [smem:$0x7E4];
	v0 =	vadd.f32 v7, v0;
	v10 =	vmul.f32 v10, v16;
	v16 =	vmul.f32 v17, v19;
	v17 =	vld [tilespmem:s3+$0x0]  }
0x2b0: {  	v3 =	vadd.s32 v28, v51;
	s7 =	sadd.s32 s31, s17;
	v14 =	vmul.f32 v14, v18;
	v18 =	vmul.f32 v20, v21;
	v20 =	vld [tilespmem:s6+$0x0]  }
0x2b1: {  	v2 =	vadd.s32 v39, v51;
	s12 =	sld [smem:$0x7E5];
	[tilespmem:v11+s18+$0x0] =	vst.idx.msk $0xffff, v0;
	v11 =	vbroadcast v33, $0xC;
	v19 =	vmul.f32 v22, v23;
	v23 =	vld [tilespmem:s7+$0x0]  }
0x2b2: {  	s13 =	sld [smem:$0x7E6];
	v0 =	vadd.s32 v37, v51;
	v51 =	vbroadcast v33, $0xE;
	v21 =	vmul.f32 v24, v25;
	v25 =	vld [tilespmem:s9+$0x0]  }
0x2b3: {  	s14 =	sld [smem:$0x7E7];
	v33 =	vbroadcast v33, $0xF;
	v11 =	vmul.f32 v12, v11;
	v12 =	vld [tilespmem:s25+$0x0]  }
0x2b4: {  	v24 =	vadd.s32 v39, v50;
	v22 =	vmul.f32 v60, v51;
	v51 =	vmul.f32 v63, v61;
	v61 =	vld [tilespmem:s12+$0x0];
	s25 =	sld [smem:$0x7E8]  }
0x2b5: {  	s31 =	sld [smem:$0x7E9];
	v27 =	vmul.f32 v27, v62;
	v63 =	vld [tilespmem:s13+$0x0];
	v10 =	vadd.f32 v10, v11;
	v11 =	vadd.f32 v14, v13  }
0x2b6: {  	v16 =	vadd.f32 v19, v16;
	v14 =	vld [tilespmem:s14+$0x0];
	v15 =	vmul.f32 v15, v33;
	v13 =	vmul.f32 v17, v34  }
0x2b7: {  	s2 =	sld [smem:$0x7EB];
	v17 =	vadd.f32 v21, v18;
	v18 =	vmul.f32 v20, v35;
	v19 =	vld [tilespmem:s25+$0x0];
	v10 =	vadd.f32 v11, v10  }
0x2b8: {  	s10 =	smov.u32 s1;
	s1 =	sld [smem:$0x7EA];
	v60 =	vadd.s32 v28, v50;
	v20 =	vadd.f32 v27, v22;
	v21 =	vmul.f32 v23, v36;
	v22 =	vld [tilespmem:s31+$0x0]  }
0x2b9: {  	v5 =	vbroadcast v30, $0x4;
	v12 =	vmul.f32 v12, v26;
	v11 =	vadd.f32 v18, v15;
	[tilespmem:v24+s18+$0x0] =	vst.idx.msk $0xffff, v10;
	v10 =	vld [tilespmem:$0x1FC80]  }
0x2ba: {  	s3 =	sld [smem:$0x7EC];
	v26 =	vadd.s32 v40, v50;
	v16 =	vadd.f32 v17, v16;
	v13 =	vadd.f32 v21, v13;
	v17 =	vld [tilespmem:s2+$0x0]  }
0x2bb: {  	v6 =	vbroadcast v32, $0x4;
	s6 =	rddreg [dreg:$0x1e];
	v15 =	vadd.s32 v37, v50;
	v18 =	vld [tilespmem:s1+$0x0];
	v12 =	vadd.f32 v12, v51  }
0x2bc: {  	v9 =	vbroadcast v30, $0x5;
	v4 =	vbroadcast v31, $0x4;
	s7 =	rddreg [dreg:$0x1c];
	v11 =	vadd.f32 v13, v11;
	v13 =	vld [tilespmem:s6+$0x0]  }
0x2bd: {  	v5 =	vmul.f32 v61, v5;
	v6 =	vmul.f32 v14, v6;
	v14 =	vld [tilespmem:s7+$0x0];
	v12 =	vadd.f32 v12, v20  }
0x2be: {  	s13 =	rddreg [dreg:$0x19];
	v4 =	vmul.f32 v63, v4;
	[tilespmem:v60+s18+$0x0] =	vst.idx.msk $0xffff, v16;
	v20 =	vld [tilespmem:s3+$0x0];
	v10 =	vmul.f32 v25, v10  }
0x2bf: {  	v54 =	vbroadcast v30, $0x6;
	s9 =	rddreg [dreg:$0x1d];
	v5 =	vadd.f32 v6, v5;
	v6 =	vmul.f32 v17, v56;
	v17 =	vld [tilespmem:s13+$0x0];
	[tilespmem:v26+s18+$0x0] =	vst.idx.msk $0xffff, v12  }
0x2c0: {  	v8 =	vbroadcast v29, $0x7;
	s12 =	rddreg [dreg:$0x1f];
	v9 =	vmul.f32 v22, v9;
	[tilespmem:v15+s18+$0x0] =	vst.idx.msk $0xffff, v11;
	v11 =	vld [tilespmem:s9+$0x0];
	v4 =	vadd.f32 v4, v10  }
0x2c1: {  	v7 =	vbroadcast v32, $0x6;
	s14 =	rddreg [dreg:$0x18];
	v12 =	vmul.f32 v19, v57;
	v15 =	vld [tilespmem:s12+$0x0]  }
0x2c2: {  	s25 =	rddreg [dreg:$0x1a];
	v10 =	vmul.f32 v18, v59;
	v4 =	vadd.f32 v5, v4;
	v5 =	vadd.f32 v6, v9;
	v9 =	vld [tilespmem:s14+$0x0]  }
0x2c3: {  	v6 =	vmul.f32 v13, v54;
	v13 =	vmul.f32 v14, v55;
	v14 =	vld [tilespmem:s25+$0x0]  }
0x2c4: {  	v23 =	vbroadcast v30, $0x7;
	v10 =	vadd.f32 v10, v12;
	v12 =	vmul.f32 v20, v58  }
0x2c5: {  	v27 =	vbroadcast v32, $0x7;
	v7 =	vmul.f32 v11, v7  }
0x2c6: {  	s31 =	rddreg [dreg:$0x9];
	v21 =	vbroadcast v31, $0x7;
	v5 =	vadd.f32 v5, v10;
	[tilespmem:v2+s18+$0x0] =	vst.idx.msk $0xffff, v4;
	v2 =	vadd.f32 v13, v12  }
0x2c7: {  	s2 =	rddreg [dreg:$0x8];
	v4 =	vmul.f32 v15, v8;
	v8 =	vmul.f32 v17, v23;
	v54 =	vld [tilespmem:s31+$0x0];
	v6 =	vadd.f32 v7, v6  }
0x2c8: {  	v55 =	vld [tilespmem:s2+$0x0];
	[tilespmem:v3+s18+$0x0] =	vst.idx.msk $0xffff, v5;
	v3 =	vmul.f32 v9, v21;
	v5 =	vmul.f32 v14, v27  }
0x2c9: {  	v2 =	vadd.f32 v6, v2  }
0x2ca: {  	s7 =	rddreg [dreg:$0x7];
	v3 =	vadd.f32 v3, v4;
	v4 =	vadd.f32 v5, v8  }
0x2cb: {  	v62 =	vbroadcast v30, $0xE;
	v56 =	vld [tilespmem:s7+$0x0]  }
0x2cc: {  	v34 =	vbroadcast v29, $0xA;
	v36 =	vbroadcast v30, $0xD;
	[tilespmem:v1+s18+$0x0] =	vst.idx.msk $0xffff, v2;
	v1 =	vadd.f32 v4, v3;
	v3 =	vld [tilespmem:$0x1FC90]  }
0x2cd: {  	v33 =	vbroadcast v29, $0xE;
	v35 =	vbroadcast v31, $0xE;
	s6 =	sld [smem:$0x7EE]  }
0x2ce: {  	v63 =	vbroadcast v30, $0xA;
	v61 =	vbroadcast v30, $0xB;
	s12 =	rddreg [dreg:$0x1b];
	[tilespmem:v0+s18+$0x0] =	vst.idx.msk $0xffff, v1  }
0x2cf: {  	v24 =	vbroadcast v29, $0x8;
	v16 =	vbroadcast v30, $0x8;
	s13 =	rddreg [dreg:$0x14];
	v15 =	vld [tilespmem:s12+$0x0]  }
0x2d0: {  	v60 =	vbroadcast v29, $0xB;
	v22 =	vbroadcast v30, $0xC;
	s14 =	rddreg [dreg:$0x13];
	v17 =	vld [tilespmem:s13+$0x0]  }
0x2d1: {  	v19 =	vbroadcast v32, $0x8;
	s25 =	rddreg [dreg:$0x12];
	v26 =	vld [tilespmem:s14+$0x0];
	v11 =	vbroadcast v3, $0x0  }
0x2d2: {  	v18 =	vbroadcast v31, $0x8;
	v10 =	vbroadcast v29, $0x9;
	s31 =	rddreg [dreg:$0x17];
	v27 =	vld [tilespmem:s25+$0x0]  }
0x2d3: {  	v12 =	vadd.s32 v52, v11;
	v9 =	vadd.s32 v49, v11;
	v50 =	vadd.s32 v28, v11;
	v28 =	vld [tilespmem:s31+$0x0]  }
0x2d4: {  	v3 =	vadd.s32 v48, v11;
	v58 =	vadd.s32 v41, v11;
	v51 =	vadd.s32 v39, v11  }
0x2d5: {  	s2 =	smov.u32 s6;
	s6 =	rddreg [dreg:$0x10];
	v49 =	vadd.s32 v40, v11;
	v37 =	vadd.s32 v37, v11;
	v11 =	vmul.f32 v15, v24  }
0x2d6: {  	v24 =	vld [tilespmem:s6+$0x0];
	v17 =	vmul.f32 v17, v16;
	v16 =	vmul.f32 v26, v18  }
0x2d7: {  	v25 =	vbroadcast v32, $0xC;
	v18 =	vmul.f32 v27, v19;
	v27 =	vld [tilespmem:$0x1FCB0]  }
0x2d8: {  	v57 =	vbroadcast v30, $0xF;
	v19 =	vadd.f32 v16, v11;
	v11 =	vmul.f32 v28, v10;
	v10 =	vld [tilespmem:$0x1FCA0]  }
0x2d9: {  	v20 =	vbroadcast v31, $0x9;
	v13 =	vbroadcast v30, $0x9  }
0x2da: {  	v23 =	vbroadcast v31, $0xC;
	v14 =	vbroadcast v29, $0xC;
	s7 =	rddreg [dreg:$0xe]  }
0x2db: {  	v30 =	vbroadcast v31, $0xF;
	v7 =	vbroadcast v31, $0xA;
	v52 =	vld [tilespmem:s7+$0x0]  }
0x2dc: {  	v2 =	vbroadcast v31, $0xB;
	v4 =	vbroadcast v31, $0xD;
	v39 =	vmovc v14;
	v14 =	vadd.f32 v18, v17;
	v18 =	vld [tilespmem:$0x1FCD0]  }
0x2dd: {  	v31 =	vmul.f32 v27, v10;
	v10 =	vmul.f32 v24, v13;
	v13 =	vld [tilespmem:$0x1FCC0]  }
0x2de: {  	s1 =	sld [smem:$0x7ED];
	v59 =	vbroadcast v29, $0xF;
	v21 =	vbroadcast v32, $0x9  }
0x2df: {  	s9 =	sld [smem:$0x7EF];
	v6 =	vbroadcast v32, $0xA;
	v5 =	vbroadcast v32, $0xB  }
0x2e0: {  	v8 =	vbroadcast v32, $0xD;
	v0 =	vbroadcast v29, $0xD  }
0x2e1: {  	v1 =	vbroadcast v32, $0xE;
	v48 =	vmul.f32 v52, v20;
	v20 =	vld [tilespmem:$0x1FCF0]  }
0x2e2: {  	s3 =	smov.u32 s1;
	s1 =	smov.u32 s9;
	s9 =	rddreg [dreg:$0xd];
	v29 =	vbroadcast v32, $0xF;
	v32 =	vmul.f32 v18, v13;
	v13 =	vld [tilespmem:$0x1FCE0]  }
0x2e3: {  	s12 =	rddreg [dreg:$0x15];
	v26 =	vld [tilespmem:s9+$0x0]  }
0x2e4: {  	s13 =	rddreg [dreg:$0xc];
	v15 =	vld [tilespmem:s12+$0x0]  }
0x2e5: {  	s14 =	rddreg [dreg:$0xb];
	v16 =	vld [tilespmem:s13+$0x0]  }
0x2e6: {  	v17 =	vld [tilespmem:s14+$0x0]  }
0x2e7: {  	v40 =	vmov v47;
	v47 =	vmul.f32 v20, v13;
	v20 =	vld [tilespmem:$0x1FD10]  }
0x2e8: {  	p0 =	slt.u32 s20, $0x1E;
	s22 =	smov.u32 s15;
	s15 =	rddreg [dreg:$0x6];
	v13 =	vmul.f32 v26, v21;
	v21 =	vld [tilespmem:$0x1FD20]  }
.Ltmp8:
0x2e9: {  	s31 =	rddreg [dreg:$0x11];
	v28 =	vld [tilespmem:$0x1FF70];
	(pc) =	sbr.rel @p0 .LBB2_8-.Ltmp8, $4  }
0x2ea: {  	s21 =	sld [smem:$0x7E1];
	v14 =	vadd.f32 v14, v19;
	v19 =	vld [tilespmem:s31+$0x0]  }
0x2eb: {  	s25 =	rddreg [dreg:$0xa];
	v27 =	vmov v23;
	v23 =	vld [tilespmem:$0x1FD00]  }
0x2ec: {  	s16 =	sld [smem:$0x7E2];
	v18 =	vld [tilespmem:s25+$0x0]  }
0x2ed: {  	s17 =	sld [smem:$0x7E3];
	v41 =	vmovc v38;
	v24 =	vmov v22;
	v26 =	vmov v25;
	v25 =	vld [tilespmem:$0x1FD30];
	v52 =	vmul.f32 v21, v20  }
0x2ee: {  	v20 =	vld [tilespmem:s21+$0x0]  }
0x2ef: {  	v22 =	vld [tilespmem:s16+$0x0]  }
0x2f0: {  	v21 =	vld [tilespmem:s17+$0x0];
	_ =	sdelay $0x1  }
0x2f1: {  	v11 =	vadd.f32 v48, v11;
	v15 =	vmul.f32 v15, v34;
	v16 =	vmul.f32 v16, v63  }
0x2f2: {  	v10 =	vadd.f32 v13, v10;
	v7 =	vmul.f32 v17, v7;
	v60 =	vmul.f32 v19, v60  }
0x2f3: {  	v6 =	vmul.f32 v18, v6;
	v63 =	vmul.f32 v20, v61  }
0x2f4: {  	v10 =	vadd.f32 v10, v11;
	v5 =	vmul.f32 v22, v5;
	v2 =	vmul.f32 v21, v2  }
0x2f5: {  	v7 =	vadd.f32 v7, v15;
	v6 =	vadd.f32 v6, v16  }
0x2f6: {  	v5 =	vadd.f32 v5, v63;
	v2 =	vadd.f32 v2, v60  }
0x2f7: {  	[tilespmem:v12+s18+$0x0] =	vst.idx.msk $0xffff, v14;
	v6 =	vadd.f32 v6, v7  }
0x2f8: {  	[tilespmem:v9+s18+$0x0] =	vst.idx.msk $0xffff, v10;
	v2 =	vadd.f32 v5, v2  }
0x2f9: {  	[tilespmem:v3+s18+$0x0] =	vst.idx.msk $0xffff, v6  }
0x2fa: {  	[tilespmem:v58+s18+$0x0] =	vst.idx.msk $0xffff, v2  }
0x2fb: {  	v6 =	vld [tilespmem:$0x1FDA0]  }
0x2fc: {  	v7 =	vld [tilespmem:$0x1FED0];
	_ =	sdelay $0x4  }
0x2fd: {  	v6 =	vmul.f32 v7, v6;
	v7 =	vld [tilespmem:$0x1FDB0];
	_ =	sdelay $0x4  }
0x2fe: {  	v7 =	vmul.f32 v42, v7;
	v42 =	vld [tilespmem:$0x1FEB0];
	_ =	sdelay $0x1  }
0x2ff: {  	v2 =	vld [tilespmem:s30+$0x0]  }
0x300: {  	v38 =	vld [tilespmem:$0x1FDE0]  }
0x301: {  	v22 =	vadd.f32 v52, v32;
	v21 =	vadd.f32 v47, v31;
	v20 =	vld [tilespmem:$0x1FDD0]  }
0x302: {  	v3 =	vld [tilespmem:s28+$0x0]  }
0x303: {  	v32 =	vadd.f32 v22, v21;
	v10 =	vld [tilespmem:$0x1FDC0]  }
0x304: {  	v5 =	vld [tilespmem:s26+$0x0]  }
0x305: {  	v14 =	vmul.f32 v41, v38;
	v41 =	vld [tilespmem:$0x1FDF0];
	[tilespmem:v42+s18+$0x0] =	vst.idx.msk $0xffff, v32  }
0x306: {  	v11 =	vmul.f32 v44, v20;
	v44 =	vld [tilespmem:$0x1FEC0]  }
0x307: {  	v9 =	vld [tilespmem:s29+$0x0]  }
0x308: {  	v12 =	vld [tilespmem:s11+$0x0];
	v10 =	vmul.f32 v43, v10  }
0x309: {  	v28 =	vld [tilespmem:s23+$0x0]  }
0x30a: {  	v31 =	vld [tilespmem:s22+$0x0];
	v6 =	vadd.f32 v10, v6;
	v7 =	vadd.f32 v11, v7  }
0x30b: {  	v34 =	vld [tilespmem:s24+$0x0]  }
0x30c: {  	v48 =	vld [tilespmem:s8+$0x0];
	v6 =	vadd.f32 v7, v6  }
0x30d: {  	v17 =	vld [tilespmem:$0x1FE10]  }
0x30e: {  	v11 =	vld [tilespmem:$0x1FE00];
	[tilespmem:v44+s18+$0x0] =	vst.idx.msk $0xffff, v6  }
0x30f: {  	v6 =	vld [tilespmem:$0x1FE20]  }
0x310: {  	v43 =	vld [tilespmem:s19+$0x0]  }
0x311: {  	v2 =	vmul.f32 v2, v39;
	v3 =	vmul.f32 v3, v24;
	v7 =	vld [tilespmem:s10+$0x0]  }
0x312: {  	v5 =	vmul.f32 v5, v27;
	v17 =	vmul.f32 v45, v17;
	v45 =	vld [tilespmem:s4+$0x0]  }
0x313: {  	v9 =	vmul.f32 v9, v26;
	v0 =	vmul.f32 v12, v0;
	v47 =	vld [tilespmem:$0x1FE50]  }
0x314: {  	v4 =	vmul.f32 v31, v4;
	v6 =	vmul.f32 v46, v6;
	v46 =	vld [tilespmem:$0x1FE40]  }
0x315: {  	v8 =	vmul.f32 v34, v8;
	v1 =	vmul.f32 v48, v1;
	v19 =	vld [tilespmem:$0x1FE30]  }
0x316: {  	v52 =	vld [tilespmem:s5+$0x0];
	v2 =	vadd.f32 v5, v2;
	v3 =	vadd.f32 v9, v3;
	v11 =	vmul.f32 v53, v11  }
0x317: {  	v0 =	vadd.f32 v4, v0;
	v16 =	vmul.f32 v40, v41;
	v58 =	vmul.f32 v43, v62;
	v53 =	vld [tilespmem:s3+$0x0]  }
0x318: {  	v7 =	vmul.f32 v7, v33;
	v11 =	vadd.f32 v11, v14;
	v22 =	vmul.f32 v56, v47;
	v56 =	vld [tilespmem:s1+$0x0]  }
0x319: {  	v16 =	vadd.f32 v17, v16;
	v5 =	vmul.f32 v45, v35;
	v21 =	vmul.f32 v55, v46;
	v55 =	vld [tilespmem:s2+$0x0]  }
0x31a: {  	v2 =	vadd.f32 v3, v2;
	v19 =	vmul.f32 v54, v19;
	v54 =	vmul.f32 v28, v36  }
0x31b: {  	v59 =	vmul.f32 v52, v59;
	v1 =	vadd.f32 v1, v58;
	v11 =	vadd.f32 v16, v11  }
0x31c: {  	v60 =	vmul.f32 v53, v57;
	v5 =	vadd.f32 v5, v7;
	v4 =	vadd.f32 v8, v54  }
0x31d: {  	[tilespmem:v23+s18+$0x0] =	vst.idx.msk $0xffff, v11;
	v19 =	vadd.f32 v22, v19;
	v62 =	vmul.f32 v56, v29  }
0x31e: {  	v0 =	vadd.f32 v4, v0;
	v6 =	vadd.f32 v21, v6;
	v61 =	vmul.f32 v55, v30  }
0x31f: {  	v1 =	vadd.f32 v1, v5;
	[tilespmem:v51+s18+$0x0] =	vst.idx.msk $0xffff, v2;
	v3 =	vadd.f32 v62, v60  }
0x320: {  	[tilespmem:v50+s18+$0x0] =	vst.idx.msk $0xffff, v0;
	v6 =	vadd.f32 v19, v6;
	v7 =	vadd.f32 v61, v59  }
0x321: {  	[tilespmem:v49+s18+$0x0] =	vst.idx.msk $0xffff, v1  }
0x322: {  	[tilespmem:v25+s18+$0x0] =	vst.idx.msk $0xffff, v6;
	v63 =	vadd.f32 v3, v7  }
0x323: {  	s4 =	sld [smem:$0x7F0]  }
0x324: {  	[tilespmem:v37+s18+$0x0] =	vst.idx.msk $0xffff, v63  }
0x325: {  	s3 =	sld [smem:$0x7FB]  }
0x326: {  	p0 =	seq.s32 s4, $0x7EB;
	s5 =	sld [smem:$0x7F2]  }
0x327: {  	s0 =	simm.s32 @p0 $0x0  }
0x328: {  	[hbm4b:s3+s0] =	stream.linear.scatter @p0 [tilespmem:s18], [sflag:$0x4], $0x1A0, $0x38;
	[tilespmem:$0x16800] =	vst v63  }
0x329: {  	s1 =	sadd.s32 @p0 $0x12A00, s5;
	s2 =	sadd.s32 @p0 $0x1FAF4, s3  }
0x32a: {  	[hbm4b:s2+s0] =	stream.linear.scatter @p0 [tilespmem:s1], [sflag:$0x4], $0x1A0, $0x38;
	[tilespmem:$0x16800] =	vst v63  }
0x32b: {  	s1 =	sadd.s32 @p0 $0x12C00, s5;
	s2 =	sadd.s32 @p0 $0x3F5E8, s3  }
0x32c: {  	[hbm4b:s2+s0] =	stream.linear.scatter @p0 [tilespmem:s1], [sflag:$0x4], $0x1A0, $0x38;
	[tilespmem:$0x16800] =	vst v63  }
0x32d: {  	s1 =	sadd.s32 @p0 $0x12E00, s5;
	s2 =	sadd.s32 @p0 $0x5F0DC, s3  }
0x32e: {  	[hbm4b:s2+s0] =	stream.linear.scatter @p0 [tilespmem:s1], [sflag:$0x4], $0x1A0, $0x38;
	[tilespmem:$0x16800] =	vst v63  }
0x32f: {  	s1 =	sadd.s32 @p0 $0x13000, s5;
	s2 =	sadd.s32 @p0 $0x7EBD0, s3  }
0x330: {  	[hbm4b:s2+s0] =	stream.linear.scatter @p0 [tilespmem:s1], [sflag:$0x4], $0x1A0, $0x38;
	[tilespmem:$0x16800] =	vst v63  }
0x331: {  	s1 =	sadd.s32 @p0 $0x13200, s5;
	s2 =	sadd.s32 @p0 $0x9E6C4, s3  }
0x332: {  	[hbm4b:s2+s0] =	stream.linear.scatter @p0 [tilespmem:s1], [sflag:$0x4], $0x1A0, $0x38;
	[tilespmem:$0x16800] =	vst v63  }
0x333: {  	s1 =	sadd.s32 @p0 $0x13400, s5;
	s2 =	sadd.s32 @p0 $0xBE1B8, s3  }
0x334: {  	[hbm4b:s2+s0] =	stream.linear.scatter @p0 [tilespmem:s1], [sflag:$0x4], $0x1A0, $0x38;
	[tilespmem:$0x16800] =	vst v63  }
0x335: {  	s1 =	sadd.s32 @p0 $0x13600, s5;
	s2 =	sadd.s32 @p0 $0xDDCAC, s3  }
0x336: {  	[hbm4b:s2+s0] =	stream.linear.scatter @p0 [tilespmem:s1], [sflag:$0x4], $0x1A0, $0x38;
	[tilespmem:$0x16800] =	vst v63  }
0x337: {  	s1 =	sadd.s32 @p0 $0x13800, s5;
	s2 =	sadd.s32 @p0 $0xFD7A0, s3  }
0x338: {  	[hbm4b:s2+s0] =	stream.linear.scatter @p0 [tilespmem:s1], [sflag:$0x4], $0x1A0, $0x38;
	[tilespmem:$0x16800] =	vst v63  }
0x339: {  	s1 =	sadd.s32 @p0 $0x13A00, s5;
	s2 =	sadd.s32 @p0 $0x11D294, s3  }
0x33a: {  	[hbm4b:s2+s0] =	stream.linear.scatter @p0 [tilespmem:s1], [sflag:$0x4], $0x1A0, $0x38;
	[tilespmem:$0x16800] =	vst v63  }
0x33b: {  	s1 =	sadd.s32 @p0 $0x13C00, s5;
	s2 =	sadd.s32 @p0 $0x13CD88, s3  }
0x33c: {  	[hbm4b:s2+s0] =	stream.linear.scatter @p0 [tilespmem:s1], [sflag:$0x4], $0x1A0, $0x38;
	[tilespmem:$0x16800] =	vst v63  }
0x33d: {  	s1 =	sadd.s32 @p0 $0x13E00, s5;
	s2 =	sadd.s32 @p0 $0x15C87C, s3  }
0x33e: {  	[hbm4b:s2+s0] =	stream.linear.scatter @p0 [tilespmem:s1], [sflag:$0x4], $0x1A0, $0x38;
	[tilespmem:$0x16800] =	vst v63  }
0x33f: {  	s1 =	sor.u32 @p0 $0x14000, s5;
	s2 =	sadd.s32 @p0 $0x17C370, s3  }
0x340: {  	[hbm4b:s2+s0] =	stream.linear.scatter @p0 [tilespmem:s1], [sflag:$0x4], $0x1A0, $0x38;
	[tilespmem:$0x16800] =	vst v63  }
0x341: {  	s1 =	sadd.s32 @p0 $0x14200, s5;
	s2 =	sadd.s32 @p0 $0x19BE64, s3  }
0x342: {  	[hbm4b:s2+s0] =	stream.linear.scatter @p0 [tilespmem:s1], [sflag:$0x4], $0x1A0, $0x38;
	[tilespmem:$0x16800] =	vst v63  }
0x343: {  	s1 =	sadd.s32 @p0 $0x14400, s5;
	s2 =	sadd.s32 @p0 $0x1BB958, s3  }
0x344: {  	v4 =	vld [tilespmem:$0x1FF80];
	[hbm4b:s2+s0] =	stream.linear.scatter @p0 [tilespmem:s1], [sflag:$0x4], $0x1A0, $0x38  }
0x345: {  	v32 =	vld [tilespmem:$0x1FF90];
	s1 =	sadd.s32 @p0 $0x14600, s5;
	s2 =	sadd.s32 @p0 $0x1DB44C, s3  }
0x346: {  	v33 =	vld [tilespmem:$0x1FFA0];
	[hbm4b:s2+s0] =	stream.linear.scatter @p0 [tilespmem:s1], [sflag:$0x4], $0x1A0, $0x38  }
.Ltmp9:
0x347: {  	v34 =	vld [tilespmem:$0x1FFB0];
	s1 =	sld [smem:$0x7F5];
	(pc) =	sbr.rel .LBB2_12-.Ltmp9, $4  }
0x348: {  	s9 =	sld [smem:$0x7FD];
	v55 =	vld [tilespmem:$0x1FFC0]  }
0x349: {  	s12 =	simm.s32 $0x4;
	v56 =	vld [tilespmem:$0x1FFD0];
	s13 =	sld [smem:$0x7F1];
	s0 =	sshll.u32 @!p0 s4, $0x6  }
0x34a: {  	v57 =	vld [tilespmem:$0x1FFE0];
	s2 =	simm.s32 @!p0 $0xFD7A0;
	s0 =	sadd.s32 @!p0 s1, s0;
	s1 =	simm.s32 @!p0 $0x200  }
0x34b: {  	v58 =	vld [tilespmem:$0x1FFF0];
	[hbm4b:s0+s1] =	stream.strided.scatter @!p0 [tilespmem:s18], [sflag:$0x4], $0x2000, s2, s1, $0x38  }
.LBB2_14:
0x34c: {  	_ =	sfence.sel $0x180000  }
0x34d: {  	[bflag:$0x0] =	sbarrier.arrive $0xFFFF  }
0x34e: {  	_ =	strace $0x90000047  }
0x34f: {  	s0 =	stileid.u32;
	[bflag:$0x2] =	sbarrier.arrive $0xFFFF  }
0x350: {  	p0 =	sne.s32 s0, $0x0;
	s0 =	rddreg [dreg:$0x3]  }
0x351: {  	s0 =	sadd.s32 @!p0 $0x100000, s0  }
0x352: {  	[sflag:s0] =	ssyncadd.tile.s32 @!p0 $0x1;
	_ =	shalt  }
.Lfunc_end2:
_tile_overlayer_lowered:
.L_overlay_start_2:
0x353: {  	(tag) =	ssettag $0x2  }
0x354: {  	s0 =	rddreg [dreg:$0x0];
	s2 =	stileid.u32  }
0x355: {  	s1 =	rddreg [dreg:$0x1];
	p0 =	sne.s32 s2, $0x0  }
0x356: {  	s3 =	rddreg [dreg:$0x2];
	[bflag:$0x3] =	sbarrier.arrive $0xFFFF;
	s2 =	simm.s32 @!p0 $0x1C05  }
0x357: {  	[timem:s3], [sflag:s2] =	dma.local @!p0 [hbm:s0], s1  }
0x358: {  	s0 =	simm.s32 @!p0 $0x5  }
0x359: {  	_ =	swait.ge @!p0 [sflag:s0], s1  }
0x35a: {  	s1 =	ssub.s32 @!p0 $0x0, s1;
	[sflag:s0] =	ssyncset.done @!p0 $0x0  }
0x35b: {  	[sflag:s0] =	ssyncadd.s32 @!p0 s1  }
0x35c: {  	[bflag:$0x3] =	sbarrier.arrive $0xFFFF  }
0x35d: {  	_ =	shalt  }

</sc_bundles>
